<compile_context>
chip_gen: v7x
topology: tpu7x:2x2x1
jax: 0.10.2.dev20260603
libtpu: 0.0.44.dev20260713+nightly
codegen_flags: <defaults>
</compile_context>

<pallas_src>
import jax
import jax.numpy as jnp
from jax import lax
from jax.experimental import pallas as pl
from jax.experimental.pallas import tpu as pltpu
from jax.experimental.pallas import tpu_sc as plsc

N = 10000
D = 128
F = 16
NP = 10240
NC = 2
NS = 16
NW = NC * NS
CH = 128
RPS = NP // NS
ZR = 80
ROWBLK = 1280



def _sc_degree_body(dst_hbm, out_hbm, dst_v, ones_v, zbuf, deg_sh, dsem):
  c = lax.axis_index("c")
  s = lax.axis_index("s")
  wid = s * NC + c
  nch = dst_v.shape[0]
  pltpu.sync_copy(dst_hbm.at[wid], dst_v)
  ov = jnp.ones((16,), jnp.float32)
  for k in range(CH // 16):
    ones_v[pl.ds(k * 16, 16)] = ov
  zv = jnp.zeros((16,), jnp.float32)
  for k in range(RPS // 16):
    zbuf[pl.ds(k * 16, 16)] = zv
  pltpu.sync_copy(zbuf, deg_sh.at[pl.ds(s * RPS, RPS)])
  plsc.subcore_barrier()

  def body(j, _):
    pltpu.async_copy(ones_v, deg_sh.at[dst_v.at[j]], dsem, add=True)
    return _

  lax.fori_loop(0, nch, body, None)

  def drain(j, _):
    pltpu.make_async_copy(ones_v, deg_sh.at[dst_v.at[0]], dsem).wait()
    return _

  lax.fori_loop(0, nch, drain, None)
  plsc.subcore_barrier()

  @pl.when(s == 0)
  def _():
    pltpu.sync_copy(deg_sh, out_hbm.at[c])


def _sc_scatter_body(table_hbm, src_hbm, dst_hbm, out_hbm,
                     src_v, dst_v, rows, zbuf, acc_sh, gsems, ssems):
  c = lax.axis_index("c")
  s = lax.axis_index("s")
  wid = s * NC + c
  nch = src_v.shape[0]
  pltpu.sync_copy(src_hbm.at[wid], src_v)
  pltpu.sync_copy(dst_hbm.at[wid], dst_v)
  zv = jnp.zeros((16,), jnp.float32)
  for k in range(ZR):
    zbuf[k] = zv
  for k in range(RPS // ZR):
    pltpu.sync_copy(zbuf, acc_sh.at[pl.ds(s * RPS + k * ZR, ZR)])
  plsc.subcore_barrier()

  nbuf = 4
  for b in range(nbuf):
    pltpu.async_copy(table_hbm.at[src_v.at[b]], rows.at[b], gsems[b])

  def body(j, carry):
    for b in range(nbuf):
      jj = nbuf * j + b
      pltpu.make_async_copy(table_hbm.at[src_v.at[jj]], rows.at[b],
                            gsems[b]).wait()
      @pl.when(jj >= nbuf)
      def _():
        pltpu.make_async_copy(rows.at[b], acc_sh.at[dst_v.at[jj - nbuf]],
                              ssems[b]).wait()
      pltpu.async_copy(rows.at[b], acc_sh.at[dst_v.at[jj]], ssems[b],
                       add=True)
      @pl.when(jj + nbuf < nch)
      def _():
        pltpu.async_copy(table_hbm.at[src_v.at[jj + nbuf]], rows.at[b],
                         gsems[b])
    return carry

  lax.fori_loop(0, nch // nbuf, body, None)
  for b in range(nbuf):
    pltpu.make_async_copy(rows.at[b], acc_sh.at[dst_v.at[0]],
                          ssems[b]).wait()
  plsc.subcore_barrier()

  @pl.when(s == 0)
  def _():
    pltpu.sync_copy(acc_sh, out_hbm.at[c])


def _sc_degree(dst3, nch):
  mesh = plsc.VectorSubcoreMesh(core_axis_name="c", subcore_axis_name="s",
                                num_cores=NC, num_subcores=NS)
  fn = pl.kernel(
      _sc_degree_body,
      out_type=jax.ShapeDtypeStruct((NC, NP), jnp.float32),
      mesh=mesh,
      scratch_types=[
          pltpu.VMEM((nch, CH), jnp.int32),
          pltpu.VMEM((CH,), jnp.float32),
          pltpu.VMEM((RPS,), jnp.float32),
          pltpu.VMEM_SHARED((NP,), jnp.float32),
          pltpu.SemaphoreType.DMA,
      ],
  )
  return fn(dst3)


def _sc_scatter(table, src3, dst3, nch):
  mesh = plsc.VectorSubcoreMesh(core_axis_name="c", subcore_axis_name="s",
                                num_cores=NC, num_subcores=NS)
  fn = pl.kernel(
      _sc_scatter_body,
      out_type=jax.ShapeDtypeStruct((NC, NP, F), jnp.float32),
      mesh=mesh,
      compiler_params=pltpu.CompilerParams(use_tc_tiling_on_sc=False),
      scratch_types=[
          pltpu.VMEM((nch, CH), jnp.int32),
          pltpu.VMEM((nch, CH), jnp.int32),
          pltpu.VMEM((4, CH, F), jnp.float32),
          pltpu.VMEM((ZR, F), jnp.float32),
          pltpu.VMEM_SHARED((NP, F), jnp.float32),
          [pltpu.SemaphoreType.DMA] * 4,
          [pltpu.SemaphoreType.DMA] * 4,
      ],
  )
  return fn(table, src3, dst3)



def _tc1_body(x_ref, w_ref, degp_ref, g_ref, dinv_ref):
  deg = degp_ref[0] + degp_ref[1] + 1.0
  dinv = lax.rsqrt(deg)
  h = jnp.dot(x_ref[...], w_ref[...], preferred_element_type=jnp.float32)
  dinv_ref[...] = dinv
  g_ref[...] = dinv * h


def _merge_partials(acc_ref):
  return acc_ref[0] + acc_ref[1]


def _tc2_body(acc_ref, g_ref, dinv_ref, b_ref, w_ref, g2_ref):
  dinv = dinv_ref[...]
  z = dinv * (_merge_partials(acc_ref) + g_ref[...]) + b_ref[...]
  o = jnp.maximum(z, 0.0)
  h2 = jnp.dot(o, w_ref[...], preferred_element_type=jnp.float32)
  g2_ref[...] = dinv * h2


def _tc3_body(acc_ref, g_ref, dinv_ref, b_ref, out_ref):
  z = dinv_ref[...] * (_merge_partials(acc_ref) + g_ref[...]) + b_ref[...]
  m = jnp.max(z, axis=1, keepdims=True)
  e = jnp.exp(z - m)
  lse = jnp.log(jnp.sum(e, axis=1, keepdims=True))
  out_ref[...] = z - m - lse


def _tc1(xp, W1, degp):
  grid = (NP // ROWBLK,)
  return pl.pallas_call(
      _tc1_body,
      grid=grid,
      in_specs=[
          pl.BlockSpec((ROWBLK, D), lambda i: (i, 0)),
          pl.BlockSpec((D, F), lambda i: (0, 0)),
          pl.BlockSpec((2, ROWBLK, 1), lambda i: (0, i, 0)),
      ],
      out_specs=[
          pl.BlockSpec((ROWBLK, F), lambda i: (i, 0)),
          pl.BlockSpec((ROWBLK, 1), lambda i: (i, 0)),
      ],
      out_shape=[
          jax.ShapeDtypeStruct((NP, F), jnp.float32),
          jax.ShapeDtypeStruct((NP, 1), jnp.float32),
      ],
  )(xp, W1, degp)


def _tc2(acc1, g1, dinv, b1, W2):
  grid = (NP // ROWBLK,)
  return pl.pallas_call(
      _tc2_body,
      grid=grid,
      in_specs=[
          pl.BlockSpec((NC, ROWBLK, F), lambda i: (0, i, 0)),
          pl.BlockSpec((ROWBLK, F), lambda i: (i, 0)),
          pl.BlockSpec((ROWBLK, 1), lambda i: (i, 0)),
          pl.BlockSpec((F,), lambda i: (0,)),
          pl.BlockSpec((F, F), lambda i: (0, 0)),
      ],
      out_specs=pl.BlockSpec((ROWBLK, F), lambda i: (i, 0)),
      out_shape=jax.ShapeDtypeStruct((NP, F), jnp.float32),
  )(acc1, g1, dinv, b1, W2)


def _tc3(acc2, g2, dinv, b2):
  grid = (NP // ROWBLK,)
  return pl.pallas_call(
      _tc3_body,
      grid=grid,
      in_specs=[
          pl.BlockSpec((NC, ROWBLK, F), lambda i: (0, i, 0)),
          pl.BlockSpec((ROWBLK, F), lambda i: (i, 0)),
          pl.BlockSpec((ROWBLK, 1), lambda i: (i, 0)),
          pl.BlockSpec((F,), lambda i: (0,)),
      ],
      out_specs=pl.BlockSpec((ROWBLK, F), lambda i: (i, 0)),
      out_shape=jax.ShapeDtypeStruct((NP, F), jnp.float32),
  )(acc2, g2, dinv, b2)



def kernel(x, edge_index, W1, b1, W2, b2):
  src = edge_index[0].astype(jnp.int32)
  dst = edge_index[1].astype(jnp.int32)
  e = src.shape[0]
  per = NW * CH
  nch = 4 * (-(-e // (4 * per)))
  ep = nch * per
  src_p = jnp.concatenate([src, jnp.zeros((ep - e,), jnp.int32)])
  dst_p = jnp.concatenate([dst, jnp.full((ep - e,), N, jnp.int32)])
  src3 = src_p.reshape(NW, nch, CH)
  dst3 = dst_p.reshape(NW, nch, CH)

  xp = jnp.pad(x.astype(jnp.float32), ((0, NP - N), (0, 0)))
  degp = _sc_degree(dst3, nch)
  g1, dinv = _tc1(xp, W1, degp.reshape(NC, NP, 1))
  acc1 = _sc_scatter(g1, src3, dst3, nch)
  g2 = _tc2(acc1, g1, dinv, b1, W2)
  acc2 = _sc_scatter(g2, src3, dst3, nch)
  out = _tc3(acc2, g2, dinv, b2)
  return out[:N]

# --- scband reference (transcript-rebuilt; emitter-appended) ---
"""Pipeline reference for scband-gcn-63677185130713 (READ-ONLY COPY).

The authoritative reference and input builder live on the scoring server;
editing this copy changes nothing except your own understanding.
"""

import jax, jax.numpy as jnp
import numpy as np

N = 10000
E = 320000
D = 128
H = 16
C = 16


def gcn_conv(x, src, dst, W, b):
    n = x.shape[0]
    loop = jnp.arange(n, dtype=src.dtype)
    s = jnp.concatenate([src, loop])
    d = jnp.concatenate([dst, loop])
    deg = jnp.zeros((n,), dtype=x.dtype).at[d].add(1.0)
    dinv = jax.lax.rsqrt(jnp.maximum(deg, 1.0))
    norm = dinv[s] * dinv[d]
    h = x @ W
    msg = h[s] * norm[:, None]
    out = jax.ops.segment_sum(msg, d, num_segments=n)
    return out + b


def setup_inputs(seed: int = 0):
    key = jax.random.key(seed)
    k1, k2, k3, k4, k5, k6 = jax.random.split(key, 6)
    x = jax.random.normal(k1, (N, D), dtype=jnp.float32)
    edge_index = jax.random.randint(k2, (2, E), 0, N)
    W1 = jax.random.normal(k3, (D, H), dtype=jnp.float32) * (1.0 / np.sqrt(D))
    b1 = jnp.zeros((H,), dtype=jnp.float32)
    W2 = jax.random.normal(k4, (H, C), dtype=jnp.float32) * (1.0 / np.sqrt(H))
    b2 = jnp.zeros((C,), dtype=jnp.float32)
    return {"x": x, "edge_index": edge_index, "W1": W1, "b1": b1, "W2": W2, "b2": b2}


def reference(x, edge_index, W1, b1, W2, b2):
    src = edge_index[0]
    dst = edge_index[1]
    h = gcn_conv(x, src, dst, W1, b1)
    h = jax.nn.relu(h)
    # dropout p=0.5 is a no-op in eval mode (training=False)
    h = gcn_conv(h, src, dst, W2, b2)
    return jax.nn.log_softmax(h, axis=1)

if __name__ == "__main__":
    import jax
    _d = setup_inputs()
    print(jax.jit(kernel)(*tuple(_d.values())))

</pallas_src>

<mosaic_0001>
#map = affine_map<(d0, d1) -> (0, 0, 0)>
#map1 = affine_map<(d0, d1) -> (0, 0)>
module attributes {stable_mosaic.version = 14 : i64} {
  func.func @_sc_degree_body(%arg0: i32, %arg1: i32, %arg2: memref<32x80x128xi32, #tpu.memory_space<hbm>>, %arg3: memref<2x10240xf32, #tpu.memory_space<hbm>>, %arg4: memref<80x128xi32, #tpu.memory_space<vmem>>, %arg5: memref<128xf32, #tpu.memory_space<vmem>>, %arg6: memref<640xf32, #tpu.memory_space<vmem>>, %arg7: memref<10240xf32, #tpu.memory_space<vmem_shared>>, %arg8: memref<!tpu.dma_semaphore, #tpu.memory_space<semaphore_mem>>) attributes {dimension_semantics = [#tpu.dimension_semantics<core_parallel>, #tpu.dimension_semantics<subcore_parallel>], iteration_bounds = array<i64: 2, 16>, scalar_prefetch = 0 : i64, scratch_operands = 5 : i64, tpu.core_type = #tpu.core_type<sc_vector_subcore>, window_params = [{transform_indices = #map}, {transform_indices = #map1}]} {
    %mul3A = arith.constant 2 : i32
    %mul3A_0 = arith.muli %arg1, %mul3A : i32
    %add3A = arith.addi %mul3A_0, %arg0 : i32
    "tpu.region"() ({
      %run_scoped3A = tpu.sem_alloc : memref<!tpu.dma_semaphore, #tpu.memory_space<semaphore_mem>>
      %dma_start3A = arith.constant 0 : i32
      %dma_start3A_209 = arith.constant 0 : i32
      %dma_start3A_210 = tpu.memref_slice %arg2[%add3A, %dma_start3A, %dma_start3A_209] : memref<32x80x128xi32, #tpu.memory_space<hbm>> -> memref<1x80x128xi32, #tpu.memory_space<hbm>>
      %dma_start3A_211 = tpu.memref_squeeze %dma_start3A_210 : memref<1x80x128xi32, #tpu.memory_space<hbm>> -> memref<80x128xi32, #tpu.memory_space<hbm>>
      %dma_start3A_212 = arith.constant 0 : i32
      %dma_start3A_213 = arith.constant 0 : i32
      %dma_start3A_214 = tpu.memref_slice %arg2[%add3A, %dma_start3A_212, %dma_start3A_213] : memref<32x80x128xi32, #tpu.memory_space<hbm>> -> memref<1x80x128xi32, #tpu.memory_space<hbm>>
      %dma_start3A_215 = tpu.memref_squeeze %dma_start3A_214 : memref<1x80x128xi32, #tpu.memory_space<hbm>> -> memref<80x128xi32, #tpu.memory_space<hbm>>
      tpu.enqueue_dma source(%dma_start3A_215 : memref<80x128xi32, #tpu.memory_space<hbm>>) target(%arg4 : memref<80x128xi32, #tpu.memory_space<vmem>>) target_semaphore(%run_scoped3A : memref<!tpu.dma_semaphore, #tpu.memory_space<semaphore_mem>>)
      %dma_wait3A = arith.constant 0 : i32
      %dma_wait3A_216 = arith.constant 0 : i32
      %dma_wait3A_217 = tpu.memref_slice %arg2[%add3A, %dma_wait3A, %dma_wait3A_216] : memref<32x80x128xi32, #tpu.memory_space<hbm>> -> memref<1x80x128xi32, #tpu.memory_space<hbm>>
      %dma_wait3A_218 = tpu.memref_squeeze %dma_wait3A_217 : memref<1x80x128xi32, #tpu.memory_space<hbm>> -> memref<80x128xi32, #tpu.memory_space<hbm>>
      %dma_wait3A_219 = arith.constant 0 : i32
      %dma_wait3A_220 = arith.constant 0 : i32
      %dma_wait3A_221 = tpu.memref_slice %arg2[%add3A, %dma_wait3A_219, %dma_wait3A_220] : memref<32x80x128xi32, #tpu.memory_space<hbm>> -> memref<1x80x128xi32, #tpu.memory_space<hbm>>
      %dma_wait3A_222 = tpu.memref_squeeze %dma_wait3A_221 : memref<1x80x128xi32, #tpu.memory_space<hbm>> -> memref<80x128xi32, #tpu.memory_space<hbm>>
      tpu.wait_dma2 semaphore(%run_scoped3A : memref<!tpu.dma_semaphore, #tpu.memory_space<semaphore_mem>>) src(%dma_wait3A_222 : memref<80x128xi32, #tpu.memory_space<hbm>>) dst(%arg4 : memref<80x128xi32, #tpu.memory_space<vmem>>)
      tpu.yield
    }) : () -> ()
    %broadcast_in_dim3A = arith.constant 1.000000e+00 : f32
    %broadcast_in_dim3A_1 = vector.broadcast %broadcast_in_dim3A : f32 to vector<16xf32>
    %swap3A = arith.constant 0 : index
    %swap3A_2 = tpu.vector_load %arg5[%swap3A] {strides = array<i32>} : memref<128xf32, #tpu.memory_space<vmem>>, vector<16xf32>,
    %swap3A_3 = vector.shape_cast %swap3A_2 : vector<16xf32> to vector<16xf32>
    %swap3A_4 = vector.shape_cast %broadcast_in_dim3A_1 : vector<16xf32> to vector<16xf32>
    tpu.vector_store %arg5[%swap3A], %swap3A_4 {strides = array<i32>} : memref<128xf32, #tpu.memory_space<vmem>>, vector<16xf32>,
    %swap3A_5 = arith.constant 16 : index
    %swap3A_6 = tpu.vector_load %arg5[%swap3A_5] {strides = array<i32>} : memref<128xf32, #tpu.memory_space<vmem>>, vector<16xf32>,
    %swap3A_7 = vector.shape_cast %swap3A_6 : vector<16xf32> to vector<16xf32>
    %swap3A_8 = vector.shape_cast %broadcast_in_dim3A_1 : vector<16xf32> to vector<16xf32>
    tpu.vector_store %arg5[%swap3A_5], %swap3A_8 {strides = array<i32>} : memref<128xf32, #tpu.memory_space<vmem>>, vector<16xf32>,
    %swap3A_9 = arith.constant 32 : index
    %swap3A_10 = tpu.vector_load %arg5[%swap3A_9] {strides = array<i32>} : memref<128xf32, #tpu.memory_space<vmem>>, vector<16xf32>,
    %swap3A_11 = vector.shape_cast %swap3A_10 : vector<16xf32> to vector<16xf32>
    %swap3A_12 = vector.shape_cast %broadcast_in_dim3A_1 : vector<16xf32> to vector<16xf32>
    tpu.vector_store %arg5[%swap3A_9], %swap3A_12 {strides = array<i32>} : memref<128xf32, #tpu.memory_space<vmem>>, vector<16xf32>,
    %swap3A_13 = arith.constant 48 : index
    %swap3A_14 = tpu.vector_load %arg5[%swap3A_13] {strides = array<i32>} : memref<128xf32, #tpu.memory_space<vmem>>, vector<16xf32>,
    %swap3A_15 = vector.shape_cast %swap3A_14 : vector<16xf32> to vector<16xf32>
    %swap3A_16 = vector.shape_cast %broadcast_in_dim3A_1 : vector<16xf32> to vector<16xf32>
    tpu.vector_store %arg5[%swap3A_13], %swap3A_16 {strides = array<i32>} : memref<128xf32, #tpu.memory_space<vmem>>, vector<16xf32>,
    %swap3A_17 = arith.constant 64 : index
    %swap3A_18 = tpu.vector_load %arg5[%swap3A_17] {strides = array<i32>} : memref<128xf32, #tpu.memory_space<vmem>>, vector<16xf32>,
    %swap3A_19 = vector.shape_cast %swap3A_18 : vector<16xf32> to vector<16xf32>
    %swap3A_20 = vector.shape_cast %broadcast_in_dim3A_1 : vector<16xf32> to vector<16xf32>
    tpu.vector_store %arg5[%swap3A_17], %swap3A_20 {strides = array<i32>} : memref<128xf32, #tpu.memory_space<vmem>>, vector<16xf32>,
    %swap3A_21 = arith.constant 80 : index
    %swap3A_22 = tpu.vector_load %arg5[%swap3A_21] {strides = array<i32>} : memref<128xf32, #tpu.memory_space<vmem>>, vector<16xf32>,
    %swap3A_23 = vector.shape_cast %swap3A_22 : vector<16xf32> to vector<16xf32>
    %swap3A_24 = vector.shape_cast %broadcast_in_dim3A_1 : vector<16xf32> to vector<16xf32>
    tpu.vector_store %arg5[%swap3A_21], %swap3A_24 {strides = array<i32>} : memref<128xf32, #tpu.memory_space<vmem>>, vector<16xf32>,
    %swap3A_25 = arith.constant 96 : index
    %swap3A_26 = tpu.vector_load %arg5[%swap3A_25] {strides = array<i32>} : memref<128xf32, #tpu.memory_space<vmem>>, vector<16xf32>,
    %swap3A_27 = vector.shape_cast %swap3A_26 : vector<16xf32> to vector<16xf32>
    %swap3A_28 = vector.shape_cast %broadcast_in_dim3A_1 : vector<16xf32> to vector<16xf32>
    tpu.vector_store %arg5[%swap3A_25], %swap3A_28 {strides = array<i32>} : memref<128xf32, #tpu.memory_space<vmem>>, vector<16xf32>,
    %swap3A_29 = arith.constant 112 : index
    %swap3A_30 = tpu.vector_load %arg5[%swap3A_29] {strides = array<i32>} : memref<128xf32, #tpu.memory_space<vmem>>, vector<16xf32>,
    %swap3A_31 = vector.shape_cast %swap3A_30 : vector<16xf32> to vector<16xf32>
    %swap3A_32 = vector.shape_cast %broadcast_in_dim3A_1 : vector<16xf32> to vector<16xf32>
    tpu.vector_store %arg5[%swap3A_29], %swap3A_32 {strides = array<i32>} : memref<128xf32, #tpu.memory_space<vmem>>, vector<16xf32>,
    %broadcast_in_dim3A_33 = arith.constant 0.000000e+00 : f32
    %broadcast_in_dim3A_34 = vector.broadcast %broadcast_in_dim3A_33 : f32 to vector<16xf32>
    %swap3A_35 = arith.constant 0 : index
    %swap3A_36 = tpu.vector_load %arg6[%swap3A_35] {strides = array<i32>} : memref<640xf32, #tpu.memory_space<vmem>>, vector<16xf32>,
    %swap3A_37 = vector.shape_cast %swap3A_36 : vector<16xf32> to vector<16xf32>
    %swap3A_38 = vector.shape_cast %broadcast_in_dim3A_34 : vector<16xf32> to vector<16xf32>
    tpu.vector_store %arg6[%swap3A_35], %swap3A_38 {strides = array<i32>} : memref<640xf32, #tpu.memory_space<vmem>>, vector<16xf32>,
    %swap3A_39 = arith.constant 16 : index
    %swap3A_40 = tpu.vector_load %arg6[%swap3A_39] {strides = array<i32>} : memref<640xf32, #tpu.memory_space<vmem>>, vector<16xf32>,
    %swap3A_41 = vector.shape_cast %swap3A_40 : vector<16xf32> to vector<16xf32>
    %swap3A_42 = vector.shape_cast %broadcast_in_dim3A_34 : vector<16xf32> to vector<16xf32>
    tpu.vector_store %arg6[%swap3A_39], %swap3A_42 {strides = array<i32>} : memref<640xf32, #tpu.memory_space<vmem>>, vector<16xf32>,
    %swap3A_43 = arith.constant 32 : index
    %swap3A_44 = tpu.vector_load %arg6[%swap3A_43] {strides = array<i32>} : memref<640xf32, #tpu.memory_space<vmem>>, vector<16xf32>,
    %swap3A_45 = vector.shape_cast %swap3A_44 : vector<16xf32> to vector<16xf32>
    %swap3A_46 = vector.shape_cast %broadcast_in_dim3A_34 : vector<16xf32> to vector<16xf32>
    tpu.vector_store %arg6[%swap3A_43], %swap3A_46 {strides = array<i32>} : memref<640xf32, #tpu.memory_space<vmem>>, vector<16xf32>,
    %swap3A_47 = arith.constant 48 : index
    %swap3A_48 = tpu.vector_load %arg6[%swap3A_47] {strides = array<i32>} : memref<640xf32, #tpu.memory_space<vmem>>, vector<16xf32>,
    %swap3A_49 = vector.shape_cast %swap3A_48 : vector<16xf32> to vector<16xf32>
    %swap3A_50 = vector.shape_cast %broadcast_in_dim3A_34 : vector<16xf32> to vector<16xf32>
    tpu.vector_store %arg6[%swap3A_47], %swap3A_50 {strides = array<i32>} : memref<640xf32, #tpu.memory_space<vmem>>, vector<16xf32>,
    %swap3A_51 = arith.constant 64 : index
    %swap3A_52 = tpu.vector_load %arg6[%swap3A_51] {strides = array<i32>} : memref<640xf32, #tpu.memory_space<vmem>>, vector<16xf32>,
    %swap3A_53 = vector.shape_cast %swap3A_52 : vector<16xf32> to vector<16xf32>
    %swap3A_54 = vector.shape_cast %broadcast_in_dim3A_34 : vector<16xf32> to vector<16xf32>
    tpu.vector_store %arg6[%swap3A_51], %swap3A_54 {strides = array<i32>} : memref<640xf32, #tpu.memory_space<vmem>>, vector<16xf32>,
    %swap3A_55 = arith.constant 80 : index
    %swap3A_56 = tpu.vector_load %arg6[%swap3A_55] {strides = array<i32>} : memref<640xf32, #tpu.memory_space<vmem>>, vector<16xf32>,
    %swap3A_57 = vector.shape_cast %swap3A_56 : vector<16xf32> to vector<16xf32>
    %swap3A_58 = vector.shape_cast %broadcast_in_dim3A_34 : vector<16xf32> to vector<16xf32>
    tpu.vector_store %arg6[%swap3A_55], %swap3A_58 {strides = array<i32>} : memref<640xf32, #tpu.memory_space<vmem>>, vector<16xf32>,
    %swap3A_59 = arith.constant 96 : index
    %swap3A_60 = tpu.vector_load %arg6[%swap3A_59] {strides = array<i32>} : memref<640xf32, #tpu.memory_space<vmem>>, vector<16xf32>,
    %swap3A_61 = vector.shape_cast %swap3A_60 : vector<16xf32> to vector<16xf32>
    %swap3A_62 = vector.shape_cast %broadcast_in_dim3A_34 : vector<16xf32> to vector<16xf32>
    tpu.vector_store %arg6[%swap3A_59], %swap3A_62 {strides = array<i32>} : memref<640xf32, #tpu.memory_space<vmem>>, vector<16xf32>,
    %swap3A_63 = arith.constant 112 : index
    %swap3A_64 = tpu.vector_load %arg6[%swap3A_63] {strides = array<i32>} : memref<640xf32, #tpu.memory_space<vmem>>, vector<16xf32>,
    %swap3A_65 = vector.shape_cast %swap3A_64 : vector<16xf32> to vector<16xf32>
    %swap3A_66 = vector.shape_cast %broadcast_in_dim3A_34 : vector<16xf32> to vector<16xf32>
    tpu.vector_store %arg6[%swap3A_63], %swap3A_66 {strides = array<i32>} : memref<640xf32, #tpu.memory_space<vmem>>, vector<16xf32>,
    %swap3A_67 = arith.constant 128 : index
    %swap3A_68 = tpu.vector_load %arg6[%swap3A_67] {strides = array<i32>} : memref<640xf32, #tpu.memory_space<vmem>>, vector<16xf32>,
    %swap3A_69 = vector.shape_cast %swap3A_68 : vector<16xf32> to vector<16xf32>
    %swap3A_70 = vector.shape_cast %broadcast_in_dim3A_34 : vector<16xf32> to vector<16xf32>
    tpu.vector_store %arg6[%swap3A_67], %swap3A_70 {strides = array<i32>} : memref<640xf32, #tpu.memory_space<vmem>>, vector<16xf32>,
    %swap3A_71 = arith.constant 144 : index
    %swap3A_72 = tpu.vector_load %arg6[%swap3A_71] {strides = array<i32>} : memref<640xf32, #tpu.memory_space<vmem>>, vector<16xf32>,
    %swap3A_73 = vector.shape_cast %swap3A_72 : vector<16xf32> to vector<16xf32>
    %swap3A_74 = vector.shape_cast %broadcast_in_dim3A_34 : vector<16xf32> to vector<16xf32>
    tpu.vector_store %arg6[%swap3A_71], %swap3A_74 {strides = array<i32>} : memref<640xf32, #tpu.memory_space<vmem>>, vector<16xf32>,
    %swap3A_75 = arith.constant 160 : index
    %swap3A_76 = tpu.vector_load %arg6[%swap3A_75] {strides = array<i32>} : memref<640xf32, #tpu.memory_space<vmem>>, vector<16xf32>,
    %swap3A_77 = vector.shape_cast %swap3A_76 : vector<16xf32> to vector<16xf32>
    %swap3A_78 = vector.shape_cast %broadcast_in_dim3A_34 : vector<16xf32> to vector<16xf32>
    tpu.vector_store %arg6[%swap3A_75], %swap3A_78 {strides = array<i32>} : memref<640xf32, #tpu.memory_space<vmem>>, vector<16xf32>,
    %swap3A_79 = arith.constant 176 : index
    %swap3A_80 = tpu.vector_load %arg6[%swap3A_79] {strides = array<i32>} : memref<640xf32, #tpu.memory_space<vmem>>, vector<16xf32>,
    %swap3A_81 = vector.shape_cast %swap3A_80 : vector<16xf32> to vector<16xf32>
    %swap3A_82 = vector.shape_cast %broadcast_in_dim3A_34 : vector<16xf32> to vector<16xf32>
    tpu.vector_store %arg6[%swap3A_79], %swap3A_82 {strides = array<i32>} : memref<640xf32, #tpu.memory_space<vmem>>, vector<16xf32>,
    %swap3A_83 = arith.constant 192 : index
    %swap3A_84 = tpu.vector_load %arg6[%swap3A_83] {strides = array<i32>} : memref<640xf32, #tpu.memory_space<vmem>>, vector<16xf32>,
    %swap3A_85 = vector.shape_cast %swap3A_84 : vector<16xf32> to vector<16xf32>
    %swap3A_86 = vector.shape_cast %broadcast_in_dim3A_34 : vector<16xf32> to vector<16xf32>
    tpu.vector_store %arg6[%swap3A_83], %swap3A_86 {strides = array<i32>} : memref<640xf32, #tpu.memory_space<vmem>>, vector<16xf32>,
    %swap3A_87 = arith.constant 208 : index
    %swap3A_88 = tpu.vector_load %arg6[%swap3A_87] {strides = array<i32>} : memref<640xf32, #tpu.memory_space<vmem>>, vector<16xf32>,
    %swap3A_89 = vector.shape_cast %swap3A_88 : vector<16xf32> to vector<16xf32>
    %swap3A_90 = vector.shape_cast %broadcast_in_dim3A_34 : vector<16xf32> to vector<16xf32>
    tpu.vector_store %arg6[%swap3A_87], %swap3A_90 {strides = array<i32>} : memref<640xf32, #tpu.memory_space<vmem>>, vector<16xf32>,
    %swap3A_91 = arith.constant 224 : index
    %swap3A_92 = tpu.vector_load %arg6[%swap3A_91] {strides = array<i32>} : memref<640xf32, #tpu.memory_space<vmem>>, vector<16xf32>,
    %swap3A_93 = vector.shape_cast %swap3A_92 : vector<16xf32> to vector<16xf32>
    %swap3A_94 = vector.shape_cast %broadcast_in_dim3A_34 : vector<16xf32> to vector<16xf32>
    tpu.vector_store %arg6[%swap3A_91], %swap3A_94 {strides = array<i32>} : memref<640xf32, #tpu.memory_space<vmem>>, vector<16xf32>,
    %swap3A_95 = arith.constant 240 : index
    %swap3A_96 = tpu.vector_load %arg6[%swap3A_95] {strides = array<i32>} : memref<640xf32, #tpu.memory_space<vmem>>, vector<16xf32>,
    %swap3A_97 = vector.shape_cast %swap3A_96 : vector<16xf32> to vector<16xf32>
    %swap3A_98 = vector.shape_cast %broadcast_in_dim3A_34 : vector<16xf32> to vector<16xf32>
    tpu.vector_store %arg6[%swap3A_95], %swap3A_98 {strides = array<i32>} : memref<640xf32, #tpu.memory_space<vmem>>, vector<16xf32>,
    %swap3A_99 = arith.constant 256 : index
    %swap3A_100 = tpu.vector_load %arg6[%swap3A_99] {strides = array<i32>} : memref<640xf32, #tpu.memory_space<vmem>>, vector<16xf32>,
    %swap3A_101 = vector.shape_cast %swap3A_100 : vector<16xf32> to vector<16xf32>
    %swap3A_102 = vector.shape_cast %broadcast_in_dim3A_34 : vector<16xf32> to vector<16xf32>
    tpu.vector_store %arg6[%swap3A_99], %swap3A_102 {strides = array<i32>} : memref<640xf32, #tpu.memory_space<vmem>>, vector<16xf32>,
    %swap3A_103 = arith.constant 272 : index
    %swap3A_104 = tpu.vector_load %arg6[%swap3A_103] {strides = array<i32>} : memref<640xf32, #tpu.memory_space<vmem>>, vector<16xf32>,
    %swap3A_105 = vector.shape_cast %swap3A_104 : vector<16xf32> to vector<16xf32>
    %swap3A_106 = vector.shape_cast %broadcast_in_dim3A_34 : vector<16xf32> to vector<16xf32>
    tpu.vector_store %arg6[%swap3A_103], %swap3A_106 {strides = array<i32>} : memref<640xf32, #tpu.memory_space<vmem>>, vector<16xf32>,
    %swap3A_107 = arith.constant 288 : index
    %swap3A_108 = tpu.vector_load %arg6[%swap3A_107] {strides = array<i32>} : memref<640xf32, #tpu.memory_space<vmem>>, vector<16xf32>,
    %swap3A_109 = vector.shape_cast %swap3A_108 : vector<16xf32> to vector<16xf32>
    %swap3A_110 = vector.shape_cast %broadcast_in_dim3A_34 : vector<16xf32> to vector<16xf32>
    tpu.vector_store %arg6[%swap3A_107], %swap3A_110 {strides = array<i32>} : memref<640xf32, #tpu.memory_space<vmem>>, vector<16xf32>,
    %swap3A_111 = arith.constant 304 : index
    %swap3A_112 = tpu.vector_load %arg6[%swap3A_111] {strides = array<i32>} : memref<640xf32, #tpu.memory_space<vmem>>, vector<16xf32>,
    %swap3A_113 = vector.shape_cast %swap3A_112 : vector<16xf32> to vector<16xf32>
    %swap3A_114 = vector.shape_cast %broadcast_in_dim3A_34 : vector<16xf32> to vector<16xf32>
    tpu.vector_store %arg6[%swap3A_111], %swap3A_114 {strides = array<i32>} : memref<640xf32, #tpu.memory_space<vmem>>, vector<16xf32>,
    %swap3A_115 = arith.constant 320 : index
    %swap3A_116 = tpu.vector_load %arg6[%swap3A_115] {strides = array<i32>} : memref<640xf32, #tpu.memory_space<vmem>>, vector<16xf32>,
    %swap3A_117 = vector.shape_cast %swap3A_116 : vector<16xf32> to vector<16xf32>
    %swap3A_118 = vector.shape_cast %broadcast_in_dim3A_34 : vector<16xf32> to vector<16xf32>
    tpu.vector_store %arg6[%swap3A_115], %swap3A_118 {strides = array<i32>} : memref<640xf32, #tpu.memory_space<vmem>>, vector<16xf32>,
    %swap3A_119 = arith.constant 336 : index
    %swap3A_120 = tpu.vector_load %arg6[%swap3A_119] {strides = array<i32>} : memref<640xf32, #tpu.memory_space<vmem>>, vector<16xf32>,
    %swap3A_121 = vector.shape_cast %swap3A_120 : vector<16xf32> to vector<16xf32>
    %swap3A_122 = vector.shape_cast %broadcast_in_dim3A_34 : vector<16xf32> to vector<16xf32>
    tpu.vector_store %arg6[%swap3A_119], %swap3A_122 {strides = array<i32>} : memref<640xf32, #tpu.memory_space<vmem>>, vector<16xf32>,
    %swap3A_123 = arith.constant 352 : index
    %swap3A_124 = tpu.vector_load %arg6[%swap3A_123] {strides = array<i32>} : memref<640xf32, #tpu.memory_space<vmem>>, vector<16xf32>,
    %swap3A_125 = vector.shape_cast %swap3A_124 : vector<16xf32> to vector<16xf32>
    %swap3A_126 = vector.shape_cast %broadcast_in_dim3A_34 : vector<16xf32> to vector<16xf32>
    tpu.vector_store %arg6[%swap3A_123], %swap3A_126 {strides = array<i32>} : memref<640xf32, #tpu.memory_space<vmem>>, vector<16xf32>,
    %swap3A_127 = arith.constant 368 : index
    %swap3A_128 = tpu.vector_load %arg6[%swap3A_127] {strides = array<i32>} : memref<640xf32, #tpu.memory_space<vmem>>, vector<16xf32>,
    %swap3A_129 = vector.shape_cast %swap3A_128 : vector<16xf32> to vector<16xf32>
    %swap3A_130 = vector.shape_cast %broadcast_in_dim3A_34 : vector<16xf32> to vector<16xf32>
    tpu.vector_store %arg6[%swap3A_127], %swap3A_130 {strides = array<i32>} : memref<640xf32, #tpu.memory_space<vmem>>, vector<16xf32>,
    %swap3A_131 = arith.constant 384 : index
    %swap3A_132 = tpu.vector_load %arg6[%swap3A_131] {strides = array<i32>} : memref<640xf32, #tpu.memory_space<vmem>>, vector<16xf32>,
    %swap3A_133 = vector.shape_cast %swap3A_132 : vector<16xf32> to vector<16xf32>
    %swap3A_134 = vector.shape_cast %broadcast_in_dim3A_34 : vector<16xf32> to vector<16xf32>
    tpu.vector_store %arg6[%swap3A_131], %swap3A_134 {strides = array<i32>} : memref<640xf32, #tpu.memory_space<vmem>>, vector<16xf32>,
    %swap3A_135 = arith.constant 400 : index
    %swap3A_136 = tpu.vector_load %arg6[%swap3A_135] {strides = array<i32>} : memref<640xf32, #tpu.memory_space<vmem>>, vector<16xf32>,
    %swap3A_137 = vector.shape_cast %swap3A_136 : vector<16xf32> to vector<16xf32>
    %swap3A_138 = vector.shape_cast %broadcast_in_dim3A_34 : vector<16xf32> to vector<16xf32>
    tpu.vector_store %arg6[%swap3A_135], %swap3A_138 {strides = array<i32>} : memref<640xf32, #tpu.memory_space<vmem>>, vector<16xf32>,
    %swap3A_139 = arith.constant 416 : index
    %swap3A_140 = tpu.vector_load %arg6[%swap3A_139] {strides = array<i32>} : memref<640xf32, #tpu.memory_space<vmem>>, vector<16xf32>,
    %swap3A_141 = vector.shape_cast %swap3A_140 : vector<16xf32> to vector<16xf32>
    %swap3A_142 = vector.shape_cast %broadcast_in_dim3A_34 : vector<16xf32> to vector<16xf32>
    tpu.vector_store %arg6[%swap3A_139], %swap3A_142 {strides = array<i32>} : memref<640xf32, #tpu.memory_space<vmem>>, vector<16xf32>,
    %swap3A_143 = arith.constant 432 : index
    %swap3A_144 = tpu.vector_load %arg6[%swap3A_143] {strides = array<i32>} : memref<640xf32, #tpu.memory_space<vmem>>, vector<16xf32>,
    %swap3A_145 = vector.shape_cast %swap3A_144 : vector<16xf32> to vector<16xf32>
    %swap3A_146 = vector.shape_cast %broadcast_in_dim3A_34 : vector<16xf32> to vector<16xf32>
    tpu.vector_store %arg6[%swap3A_143], %swap3A_146 {strides = array<i32>} : memref<640xf32, #tpu.memory_space<vmem>>, vector<16xf32>,
    %swap3A_147 = arith.constant 448 : index
    %swap3A_148 = tpu.vector_load %arg6[%swap3A_147] {strides = array<i32>} : memref<640xf32, #tpu.memory_space<vmem>>, vector<16xf32>,
    %swap3A_149 = vector.shape_cast %swap3A_148 : vector<16xf32> to vector<16xf32>
    %swap3A_150 = vector.shape_cast %broadcast_in_dim3A_34 : vector<16xf32> to vector<16xf32>
    tpu.vector_store %arg6[%swap3A_147], %swap3A_150 {strides = array<i32>} : memref<640xf32, #tpu.memory_space<vmem>>, vector<16xf32>,
    %swap3A_151 = arith.constant 464 : index
    %swap3A_152 = tpu.vector_load %arg6[%swap3A_151] {strides = array<i32>} : memref<640xf32, #tpu.memory_space<vmem>>, vector<16xf32>,
    %swap3A_153 = vector.shape_cast %swap3A_152 : vector<16xf32> to vector<16xf32>
    %swap3A_154 = vector.shape_cast %broadcast_in_dim3A_34 : vector<16xf32> to vector<16xf32>
    tpu.vector_store %arg6[%swap3A_151], %swap3A_154 {strides = array<i32>} : memref<640xf32, #tpu.memory_space<vmem>>, vector<16xf32>,
    %swap3A_155 = arith.constant 480 : index
    %swap3A_156 = tpu.vector_load %arg6[%swap3A_155] {strides = array<i32>} : memref<640xf32, #tpu.memory_space<vmem>>, vector<16xf32>,
    %swap3A_157 = vector.shape_cast %swap3A_156 : vector<16xf32> to vector<16xf32>
    %swap3A_158 = vector.shape_cast %broadcast_in_dim3A_34 : vector<16xf32> to vector<16xf32>
    tpu.vector_store %arg6[%swap3A_155], %swap3A_158 {strides = array<i32>} : memref<640xf32, #tpu.memory_space<vmem>>, vector<16xf32>,
    %swap3A_159 = arith.constant 496 : index
    %swap3A_160 = tpu.vector_load %arg6[%swap3A_159] {strides = array<i32>} : memref<640xf32, #tpu.memory_space<vmem>>, vector<16xf32>,
    %swap3A_161 = vector.shape_cast %swap3A_160 : vector<16xf32> to vector<16xf32>
    %swap3A_162 = vector.shape_cast %broadcast_in_dim3A_34 : vector<16xf32> to vector<16xf32>
    tpu.vector_store %arg6[%swap3A_159], %swap3A_162 {strides = array<i32>} : memref<640xf32, #tpu.memory_space<vmem>>, vector<16xf32>,
    %swap3A_163 = arith.constant 512 : index
    %swap3A_164 = tpu.vector_load %arg6[%swap3A_163] {strides = array<i32>} : memref<640xf32, #tpu.memory_space<vmem>>, vector<16xf32>,
    %swap3A_165 = vector.shape_cast %swap3A_164 : vector<16xf32> to vector<16xf32>
    %swap3A_166 = vector.shape_cast %broadcast_in_dim3A_34 : vector<16xf32> to vector<16xf32>
    tpu.vector_store %arg6[%swap3A_163], %swap3A_166 {strides = array<i32>} : memref<640xf32, #tpu.memory_space<vmem>>, vector<16xf32>,
    %swap3A_167 = arith.constant 528 : index
    %swap3A_168 = tpu.vector_load %arg6[%swap3A_167] {strides = array<i32>} : memref<640xf32, #tpu.memory_space<vmem>>, vector<16xf32>,
    %swap3A_169 = vector.shape_cast %swap3A_168 : vector<16xf32> to vector<16xf32>
    %swap3A_170 = vector.shape_cast %broadcast_in_dim3A_34 : vector<16xf32> to vector<16xf32>
    tpu.vector_store %arg6[%swap3A_167], %swap3A_170 {strides = array<i32>} : memref<640xf32, #tpu.memory_space<vmem>>, vector<16xf32>,
    %swap3A_171 = arith.constant 544 : index
    %swap3A_172 = tpu.vector_load %arg6[%swap3A_171] {strides = array<i32>} : memref<640xf32, #tpu.memory_space<vmem>>, vector<16xf32>,
    %swap3A_173 = vector.shape_cast %swap3A_172 : vector<16xf32> to vector<16xf32>
    %swap3A_174 = vector.shape_cast %broadcast_in_dim3A_34 : vector<16xf32> to vector<16xf32>
    tpu.vector_store %arg6[%swap3A_171], %swap3A_174 {strides = array<i32>} : memref<640xf32, #tpu.memory_space<vmem>>, vector<16xf32>,
    %swap3A_175 = arith.constant 560 : index
    %swap3A_176 = tpu.vector_load %arg6[%swap3A_175] {strides = array<i32>} : memref<640xf32, #tpu.memory_space<vmem>>, vector<16xf32>,
    %swap3A_177 = vector.shape_cast %swap3A_176 : vector<16xf32> to vector<16xf32>
    %swap3A_178 = vector.shape_cast %broadcast_in_dim3A_34 : vector<16xf32> to vector<16xf32>
    tpu.vector_store %arg6[%swap3A_175], %swap3A_178 {strides = array<i32>} : memref<640xf32, #tpu.memory_space<vmem>>, vector<16xf32>,
    %swap3A_179 = arith.constant 576 : index
    %swap3A_180 = tpu.vector_load %arg6[%swap3A_179] {strides = array<i32>} : memref<640xf32, #tpu.memory_space<vmem>>, vector<16xf32>,
    %swap3A_181 = vector.shape_cast %swap3A_180 : vector<16xf32> to vector<16xf32>
    %swap3A_182 = vector.shape_cast %broadcast_in_dim3A_34 : vector<16xf32> to vector<16xf32>
    tpu.vector_store %arg6[%swap3A_179], %swap3A_182 {strides = array<i32>} : memref<640xf32, #tpu.memory_space<vmem>>, vector<16xf32>,
    %swap3A_183 = arith.constant 592 : index
    %swap3A_184 = tpu.vector_load %arg6[%swap3A_183] {strides = array<i32>} : memref<640xf32, #tpu.memory_space<vmem>>, vector<16xf32>,
    %swap3A_185 = vector.shape_cast %swap3A_184 : vector<16xf32> to vector<16xf32>
    %swap3A_186 = vector.shape_cast %broadcast_in_dim3A_34 : vector<16xf32> to vector<16xf32>
    tpu.vector_store %arg6[%swap3A_183], %swap3A_186 {strides = array<i32>} : memref<640xf32, #tpu.memory_space<vmem>>, vector<16xf32>,
    %swap3A_187 = arith.constant 608 : index
    %swap3A_188 = tpu.vector_load %arg6[%swap3A_187] {strides = array<i32>} : memref<640xf32, #tpu.memory_space<vmem>>, vector<16xf32>,
    %swap3A_189 = vector.shape_cast %swap3A_188 : vector<16xf32> to vector<16xf32>
    %swap3A_190 = vector.shape_cast %broadcast_in_dim3A_34 : vector<16xf32> to vector<16xf32>
    tpu.vector_store %arg6[%swap3A_187], %swap3A_190 {strides = array<i32>} : memref<640xf32, #tpu.memory_space<vmem>>, vector<16xf32>,
    %swap3A_191 = arith.constant 624 : index
    %swap3A_192 = tpu.vector_load %arg6[%swap3A_191] {strides = array<i32>} : memref<640xf32, #tpu.memory_space<vmem>>, vector<16xf32>,
    %swap3A_193 = vector.shape_cast %swap3A_192 : vector<16xf32> to vector<16xf32>
    %swap3A_194 = vector.shape_cast %broadcast_in_dim3A_34 : vector<16xf32> to vector<16xf32>
    tpu.vector_store %arg6[%swap3A_191], %swap3A_194 {strides = array<i32>} : memref<640xf32, #tpu.memory_space<vmem>>, vector<16xf32>,
    %mul3A_195 = arith.constant 640 : i32
    %mul3A_196 = arith.muli %arg1, %mul3A_195 : i32
    "tpu.region"() ({
      %run_scoped3A = tpu.sem_alloc : memref<!tpu.dma_semaphore, #tpu.memory_space<semaphore_mem>>
      %dma_start3A = tpu.memref_slice %arg7[%mul3A_196] : memref<10240xf32, #tpu.memory_space<vmem_shared>> -> memref<640xf32, #tpu.memory_space<vmem_shared>>
      %dma_start3A_209 = tpu.memref_slice %arg7[%mul3A_196] : memref<10240xf32, #tpu.memory_space<vmem_shared>> -> memref<640xf32, #tpu.memory_space<vmem_shared>>
      tpu.enqueue_dma source(%arg6 : memref<640xf32, #tpu.memory_space<vmem>>) target(%dma_start3A_209 : memref<640xf32, #tpu.memory_space<vmem_shared>>) target_semaphore(%run_scoped3A : memref<!tpu.dma_semaphore, #tpu.memory_space<semaphore_mem>>)
      %dma_wait3A = tpu.memref_slice %arg7[%mul3A_196] : memref<10240xf32, #tpu.memory_space<vmem_shared>> -> memref<640xf32, #tpu.memory_space<vmem_shared>>
      %dma_wait3A_210 = tpu.memref_slice %arg7[%mul3A_196] : memref<10240xf32, #tpu.memory_space<vmem_shared>> -> memref<640xf32, #tpu.memory_space<vmem_shared>>
      tpu.wait_dma2 semaphore(%run_scoped3A : memref<!tpu.dma_semaphore, #tpu.memory_space<semaphore_mem>>) src(%arg6 : memref<640xf32, #tpu.memory_space<vmem>>) dst(%dma_wait3A_210 : memref<640xf32, #tpu.memory_space<vmem_shared>>)
      tpu.yield
    }) : () -> ()
    %barrier3A = arith.constant 0 : index
    tpu.barrier barrier_id(%barrier3A)
    %scan3A = arith.constant 0 : i32
    %scan3A_197 = arith.constant 80 : i32
    %scan3A_198 = arith.addi %scan3A, %scan3A_197 : i32
    %scan3A_199 = arith.constant 1 : i32
    scf.for %scan3A_209 = %scan3A to %scan3A_198 step %scan3A_199  : i32 {
      %dma_start3A = arith.constant 0 : i32
      %dma_start3A_210 = tpu.memref_slice %arg4[%scan3A_209, %dma_start3A] : memref<80x128xi32, #tpu.memory_space<vmem>> -> memref<1x128xi32, #tpu.memory_space<vmem>>
      %dma_start3A_211 = tpu.memref_squeeze %dma_start3A_210 : memref<1x128xi32, #tpu.memory_space<vmem>> -> memref<128xi32, #tpu.memory_space<vmem>>
      %dma_start3A_212 = arith.constant 0 : i32
      %dma_start3A_213 = tpu.memref_slice %arg7[%dma_start3A_212] : memref<10240xf32, #tpu.memory_space<vmem_shared>> -> memref<10240xf32, #tpu.memory_space<vmem_shared>>
      tpu.enqueue_indirect_dma source(%arg5 : memref<128xf32, #tpu.memory_space<vmem>>) target(%dma_start3A_213 : memref<10240xf32, #tpu.memory_space<vmem_shared>>) offsets(%dma_start3A_211 : memref<128xi32, #tpu.memory_space<vmem>>) semaphore(%arg8 : memref<!tpu.dma_semaphore, #tpu.memory_space<semaphore_mem>>) {add = true}
    }
    %scan3A_200 = arith.constant 80 : i32
    %scan3A_201 = arith.constant 0 : i32
    %scan3A_202 = arith.constant 80 : i32
    %scan3A_203 = arith.addi %scan3A_201, %scan3A_202 : i32
    %scan3A_204 = arith.constant 1 : i32
    scf.for %scan3A_209 = %scan3A_201 to %scan3A_203 step %scan3A_204  : i32 {
      %dma_wait3A = arith.constant 0 : i32
      %dma_wait3A_210 = arith.constant 0 : i32
      %dma_wait3A_211 = tpu.memref_slice %arg4[%dma_wait3A, %dma_wait3A_210] : memref<80x128xi32, #tpu.memory_space<vmem>> -> memref<1x128xi32, #tpu.memory_space<vmem>>
      %dma_wait3A_212 = tpu.memref_squeeze %dma_wait3A_211 : memref<1x128xi32, #tpu.memory_space<vmem>> -> memref<128xi32, #tpu.memory_space<vmem>>
      %dma_wait3A_213 = arith.constant 0 : i32
      %dma_wait3A_214 = tpu.memref_slice %arg7[%dma_wait3A_213] : memref<10240xf32, #tpu.memory_space<vmem_shared>> -> memref<10240xf32, #tpu.memory_space<vmem_shared>>
      tpu.wait_indirect_dma semaphore(%arg8 : memref<!tpu.dma_semaphore, #tpu.memory_space<semaphore_mem>>) src(%arg5 : memref<128xf32, #tpu.memory_space<vmem>>) dst(%dma_wait3A_214 : memref<10240xf32, #tpu.memory_space<vmem_shared>>)
    }
    %scan3A_205 = arith.constant 80 : i32
    %barrier3A_206 = arith.constant 0 : index
    tpu.barrier barrier_id(%barrier3A_206)
    %eq3A = arith.constant 0 : i32
    %eq3A_207 = arith.cmpi eq, %arg1, %eq3A : i32
    %convert_element_type3A = arith.extui %eq3A_207 : i1 to i32
    %cond3A = arith.constant 0 : i32
    %cond3A_208 = arith.cmpi ne, %convert_element_type3A, %cond3A : i32
    scf.if %cond3A_208 {
      "tpu.region"() ({
        %run_scoped3A = tpu.sem_alloc : memref<!tpu.dma_semaphore, #tpu.memory_space<semaphore_mem>>
        %dma_start3A = arith.constant 0 : i32
        %dma_start3A_209 = tpu.memref_slice %arg3[%arg0, %dma_start3A] : memref<2x10240xf32, #tpu.memory_space<hbm>> -> memref<1x10240xf32, #tpu.memory_space<hbm>>
        %dma_start3A_210 = tpu.memref_squeeze %dma_start3A_209 : memref<1x10240xf32, #tpu.memory_space<hbm>> -> memref<10240xf32, #tpu.memory_space<hbm>>
        tpu.enqueue_dma source(%arg7 : memref<10240xf32, #tpu.memory_space<vmem_shared>>) target(%dma_start3A_210 : memref<10240xf32, #tpu.memory_space<hbm>>) target_semaphore(%run_scoped3A : memref<!tpu.dma_semaphore, #tpu.memory_space<semaphore_mem>>)
        %dma_wait3A = arith.constant 0 : i32
        %dma_wait3A_211 = tpu.memref_slice %arg3[%arg0, %dma_wait3A] : memref<2x10240xf32, #tpu.memory_space<hbm>> -> memref<1x10240xf32, #tpu.memory_space<hbm>>
        %dma_wait3A_212 = tpu.memref_squeeze %dma_wait3A_211 : memref<1x10240xf32, #tpu.memory_space<hbm>> -> memref<10240xf32, #tpu.memory_space<hbm>>
        tpu.wait_dma2 semaphore(%run_scoped3A : memref<!tpu.dma_semaphore, #tpu.memory_space<semaphore_mem>>) src(%arg7 : memref<10240xf32, #tpu.memory_space<vmem_shared>>) dst(%dma_wait3A_212 : memref<10240xf32, #tpu.memory_space<hbm>>)
        tpu.yield
      }) : () -> ()
    } else {
    }
    return
  }
}

#map = affine_map<(d0, d1) -> (0, 0)>
#map1 = affine_map<(d0, d1) -> (0, 0, 0)>
module attributes {stable_mosaic.version = 14 : i64} {
  func.func @_sc_scatter_body(%arg0: i32, %arg1: i32, %arg2: memref<10240x16xf32, #tpu.memory_space<hbm>>, %arg3: memref<32x80x128xi32, #tpu.memory_space<hbm>>, %arg4: memref<32x80x128xi32, #tpu.memory_space<hbm>>, %arg5: memref<2x10240x16xf32, #tpu.memory_space<hbm>>, %arg6: memref<80x128xi32, #tpu.memory_space<vmem>>, %arg7: memref<80x128xi32, #tpu.memory_space<vmem>>, %arg8: memref<4x128x16xf32, #tpu.memory_space<vmem>>, %arg9: memref<80x16xf32, #tpu.memory_space<vmem>>, %arg10: memref<10240x16xf32, #tpu.memory_space<vmem_shared>>, %arg11: memref<!tpu.dma_semaphore, #tpu.memory_space<semaphore_mem>>, %arg12: memref<!tpu.dma_semaphore, #tpu.memory_space<semaphore_mem>>, %arg13: memref<!tpu.dma_semaphore, #tpu.memory_space<semaphore_mem>>, %arg14: memref<!tpu.dma_semaphore, #tpu.memory_space<semaphore_mem>>, %arg15: memref<!tpu.dma_semaphore, #tpu.memory_space<semaphore_mem>>, %arg16: memref<!tpu.dma_semaphore, #tpu.memory_space<semaphore_mem>>, %arg17: memref<!tpu.dma_semaphore, #tpu.memory_space<semaphore_mem>>, %arg18: memref<!tpu.dma_semaphore, #tpu.memory_space<semaphore_mem>>) attributes {dimension_semantics = [#tpu.dimension_semantics<core_parallel>, #tpu.dimension_semantics<subcore_parallel>], iteration_bounds = array<i64: 2, 16>, scalar_prefetch = 0 : i64, scratch_operands = 13 : i64, tpu.core_type = #tpu.core_type<sc_vector_subcore>, window_params = [{transform_indices = #map}, {transform_indices = #map1}, {transform_indices = #map1}, {transform_indices = #map1}]} {
    %mul3A = arith.constant 2 : i32
    %mul3A_0 = arith.muli %arg1, %mul3A : i32
    %add3A = arith.addi %mul3A_0, %arg0 : i32
    "tpu.region"() ({
      %run_scoped3A = tpu.sem_alloc : memref<!tpu.dma_semaphore, #tpu.memory_space<semaphore_mem>>
      %dma_start3A_614 = arith.constant 0 : i32
      %dma_start3A_615 = arith.constant 0 : i32
      %dma_start3A_616 = tpu.memref_slice %arg3[%add3A, %dma_start3A_614, %dma_start3A_615] : memref<32x80x128xi32, #tpu.memory_space<hbm>> -> memref<1x80x128xi32, #tpu.memory_space<hbm>>
      %dma_start3A_617 = tpu.memref_squeeze %dma_start3A_616 : memref<1x80x128xi32, #tpu.memory_space<hbm>> -> memref<80x128xi32, #tpu.memory_space<hbm>>
      %dma_start3A_618 = arith.constant 0 : i32
      %dma_start3A_619 = arith.constant 0 : i32
      %dma_start3A_620 = tpu.memref_slice %arg3[%add3A, %dma_start3A_618, %dma_start3A_619] : memref<32x80x128xi32, #tpu.memory_space<hbm>> -> memref<1x80x128xi32, #tpu.memory_space<hbm>>
      %dma_start3A_621 = tpu.memref_squeeze %dma_start3A_620 : memref<1x80x128xi32, #tpu.memory_space<hbm>> -> memref<80x128xi32, #tpu.memory_space<hbm>>
      tpu.enqueue_dma source(%dma_start3A_621 : memref<80x128xi32, #tpu.memory_space<hbm>>) target(%arg6 : memref<80x128xi32, #tpu.memory_space<vmem>>) target_semaphore(%run_scoped3A : memref<!tpu.dma_semaphore, #tpu.memory_space<semaphore_mem>>)
      %dma_wait3A_622 = arith.constant 0 : i32
      %dma_wait3A_623 = arith.constant 0 : i32
      %dma_wait3A_624 = tpu.memref_slice %arg3[%add3A, %dma_wait3A_622, %dma_wait3A_623] : memref<32x80x128xi32, #tpu.memory_space<hbm>> -> memref<1x80x128xi32, #tpu.memory_space<hbm>>
      %dma_wait3A_625 = tpu.memref_squeeze %dma_wait3A_624 : memref<1x80x128xi32, #tpu.memory_space<hbm>> -> memref<80x128xi32, #tpu.memory_space<hbm>>
      %dma_wait3A_626 = arith.constant 0 : i32
      %dma_wait3A_627 = arith.constant 0 : i32
      %dma_wait3A_628 = tpu.memref_slice %arg3[%add3A, %dma_wait3A_626, %dma_wait3A_627] : memref<32x80x128xi32, #tpu.memory_space<hbm>> -> memref<1x80x128xi32, #tpu.memory_space<hbm>>
      %dma_wait3A_629 = tpu.memref_squeeze %dma_wait3A_628 : memref<1x80x128xi32, #tpu.memory_space<hbm>> -> memref<80x128xi32, #tpu.memory_space<hbm>>
      tpu.wait_dma2 semaphore(%run_scoped3A : memref<!tpu.dma_semaphore, #tpu.memory_space<semaphore_mem>>) src(%dma_wait3A_629 : memref<80x128xi32, #tpu.memory_space<hbm>>) dst(%arg6 : memref<80x128xi32, #tpu.memory_space<vmem>>)
      tpu.yield
    }) : () -> ()
    "tpu.region"() ({
      %run_scoped3A = tpu.sem_alloc : memref<!tpu.dma_semaphore, #tpu.memory_space<semaphore_mem>>
      %dma_start3A_614 = arith.constant 0 : i32
      %dma_start3A_615 = arith.constant 0 : i32
      %dma_start3A_616 = tpu.memref_slice %arg4[%add3A, %dma_start3A_614, %dma_start3A_615] : memref<32x80x128xi32, #tpu.memory_space<hbm>> -> memref<1x80x128xi32, #tpu.memory_space<hbm>>
      %dma_start3A_617 = tpu.memref_squeeze %dma_start3A_616 : memref<1x80x128xi32, #tpu.memory_space<hbm>> -> memref<80x128xi32, #tpu.memory_space<hbm>>
      %dma_start3A_618 = arith.constant 0 : i32
      %dma_start3A_619 = arith.constant 0 : i32
      %dma_start3A_620 = tpu.memref_slice %arg4[%add3A, %dma_start3A_618, %dma_start3A_619] : memref<32x80x128xi32, #tpu.memory_space<hbm>> -> memref<1x80x128xi32, #tpu.memory_space<hbm>>
      %dma_start3A_621 = tpu.memref_squeeze %dma_start3A_620 : memref<1x80x128xi32, #tpu.memory_space<hbm>> -> memref<80x128xi32, #tpu.memory_space<hbm>>
      tpu.enqueue_dma source(%dma_start3A_621 : memref<80x128xi32, #tpu.memory_space<hbm>>) target(%arg7 : memref<80x128xi32, #tpu.memory_space<vmem>>) target_semaphore(%run_scoped3A : memref<!tpu.dma_semaphore, #tpu.memory_space<semaphore_mem>>)
      %dma_wait3A_622 = arith.constant 0 : i32
      %dma_wait3A_623 = arith.constant 0 : i32
      %dma_wait3A_624 = tpu.memref_slice %arg4[%add3A, %dma_wait3A_622, %dma_wait3A_623] : memref<32x80x128xi32, #tpu.memory_space<hbm>> -> memref<1x80x128xi32, #tpu.memory_space<hbm>>
      %dma_wait3A_625 = tpu.memref_squeeze %dma_wait3A_624 : memref<1x80x128xi32, #tpu.memory_space<hbm>> -> memref<80x128xi32, #tpu.memory_space<hbm>>
      %dma_wait3A_626 = arith.constant 0 : i32
      %dma_wait3A_627 = arith.constant 0 : i32
      %dma_wait3A_628 = tpu.memref_slice %arg4[%add3A, %dma_wait3A_626, %dma_wait3A_627] : memref<32x80x128xi32, #tpu.memory_space<hbm>> -> memref<1x80x128xi32, #tpu.memory_space<hbm>>
      %dma_wait3A_629 = tpu.memref_squeeze %dma_wait3A_628 : memref<1x80x128xi32, #tpu.memory_space<hbm>> -> memref<80x128xi32, #tpu.memory_space<hbm>>
      tpu.wait_dma2 semaphore(%run_scoped3A : memref<!tpu.dma_semaphore, #tpu.memory_space<semaphore_mem>>) src(%dma_wait3A_629 : memref<80x128xi32, #tpu.memory_space<hbm>>) dst(%arg7 : memref<80x128xi32, #tpu.memory_space<vmem>>)
      tpu.yield
    }) : () -> ()
    %broadcast_in_dim3A = arith.constant 0.000000e+00 : f32
    %broadcast_in_dim3A_1 = vector.broadcast %broadcast_in_dim3A : f32 to vector<16xf32>
    %swap3A = arith.constant 0 : i32
    %swap3A_2 = arith.index_cast %swap3A : i32 to index
    %swap3A_3 = arith.constant 0 : index
    %swap3A_4 = tpu.vector_load %arg9[%swap3A_2, %swap3A_3] {strides = array<i32>} : memref<80x16xf32, #tpu.memory_space<vmem>>, vector<1x16xf32>,
    %swap3A_5 = vector.shape_cast %swap3A_4 : vector<1x16xf32> to vector<16xf32>
    %swap3A_6 = vector.shape_cast %broadcast_in_dim3A_1 : vector<16xf32> to vector<1x16xf32>
    tpu.vector_store %arg9[%swap3A_2, %swap3A_3], %swap3A_6 {strides = array<i32>} : memref<80x16xf32, #tpu.memory_space<vmem>>, vector<1x16xf32>,
    %swap3A_7 = arith.constant 1 : i32
    %swap3A_8 = arith.index_cast %swap3A_7 : i32 to index
    %swap3A_9 = arith.constant 0 : index
    %swap3A_10 = tpu.vector_load %arg9[%swap3A_8, %swap3A_9] {strides = array<i32>} : memref<80x16xf32, #tpu.memory_space<vmem>>, vector<1x16xf32>,
    %swap3A_11 = vector.shape_cast %swap3A_10 : vector<1x16xf32> to vector<16xf32>
    %swap3A_12 = vector.shape_cast %broadcast_in_dim3A_1 : vector<16xf32> to vector<1x16xf32>
    tpu.vector_store %arg9[%swap3A_8, %swap3A_9], %swap3A_12 {strides = array<i32>} : memref<80x16xf32, #tpu.memory_space<vmem>>, vector<1x16xf32>,
    %swap3A_13 = arith.constant 2 : i32
    %swap3A_14 = arith.index_cast %swap3A_13 : i32 to index
    %swap3A_15 = arith.constant 0 : index
    %swap3A_16 = tpu.vector_load %arg9[%swap3A_14, %swap3A_15] {strides = array<i32>} : memref<80x16xf32, #tpu.memory_space<vmem>>, vector<1x16xf32>,
    %swap3A_17 = vector.shape_cast %swap3A_16 : vector<1x16xf32> to vector<16xf32>
    %swap3A_18 = vector.shape_cast %broadcast_in_dim3A_1 : vector<16xf32> to vector<1x16xf32>
    tpu.vector_store %arg9[%swap3A_14, %swap3A_15], %swap3A_18 {strides = array<i32>} : memref<80x16xf32, #tpu.memory_space<vmem>>, vector<1x16xf32>,
    %swap3A_19 = arith.constant 3 : i32
    %swap3A_20 = arith.index_cast %swap3A_19 : i32 to index
    %swap3A_21 = arith.constant 0 : index
    %swap3A_22 = tpu.vector_load %arg9[%swap3A_20, %swap3A_21] {strides = array<i32>} : memref<80x16xf32, #tpu.memory_space<vmem>>, vector<1x16xf32>,
    %swap3A_23 = vector.shape_cast %swap3A_22 : vector<1x16xf32> to vector<16xf32>
    %swap3A_24 = vector.shape_cast %broadcast_in_dim3A_1 : vector<16xf32> to vector<1x16xf32>
    tpu.vector_store %arg9[%swap3A_20, %swap3A_21], %swap3A_24 {strides = array<i32>} : memref<80x16xf32, #tpu.memory_space<vmem>>, vector<1x16xf32>,
    %swap3A_25 = arith.constant 4 : i32
    %swap3A_26 = arith.index_cast %swap3A_25 : i32 to index
    %swap3A_27 = arith.constant 0 : index
    %swap3A_28 = tpu.vector_load %arg9[%swap3A_26, %swap3A_27] {strides = array<i32>} : memref<80x16xf32, #tpu.memory_space<vmem>>, vector<1x16xf32>,
    %swap3A_29 = vector.shape_cast %swap3A_28 : vector<1x16xf32> to vector<16xf32>
    %swap3A_30 = vector.shape_cast %broadcast_in_dim3A_1 : vector<16xf32> to vector<1x16xf32>
    tpu.vector_store %arg9[%swap3A_26, %swap3A_27], %swap3A_30 {strides = array<i32>} : memref<80x16xf32, #tpu.memory_space<vmem>>, vector<1x16xf32>,
    %swap3A_31 = arith.constant 5 : i32
    %swap3A_32 = arith.index_cast %swap3A_31 : i32 to index
    %swap3A_33 = arith.constant 0 : index
    %swap3A_34 = tpu.vector_load %arg9[%swap3A_32, %swap3A_33] {strides = array<i32>} : memref<80x16xf32, #tpu.memory_space<vmem>>, vector<1x16xf32>,
    %swap3A_35 = vector.shape_cast %swap3A_34 : vector<1x16xf32> to vector<16xf32>
    %swap3A_36 = vector.shape_cast %broadcast_in_dim3A_1 : vector<16xf32> to vector<1x16xf32>
    tpu.vector_store %arg9[%swap3A_32, %swap3A_33], %swap3A_36 {strides = array<i32>} : memref<80x16xf32, #tpu.memory_space<vmem>>, vector<1x16xf32>,
    %swap3A_37 = arith.constant 6 : i32
    %swap3A_38 = arith.index_cast %swap3A_37 : i32 to index
    %swap3A_39 = arith.constant 0 : index
    %swap3A_40 = tpu.vector_load %arg9[%swap3A_38, %swap3A_39] {strides = array<i32>} : memref<80x16xf32, #tpu.memory_space<vmem>>, vector<1x16xf32>,
    %swap3A_41 = vector.shape_cast %swap3A_40 : vector<1x16xf32> to vector<16xf32>
    %swap3A_42 = vector.shape_cast %broadcast_in_dim3A_1 : vector<16xf32> to vector<1x16xf32>
    tpu.vector_store %arg9[%swap3A_38, %swap3A_39], %swap3A_42 {strides = array<i32>} : memref<80x16xf32, #tpu.memory_space<vmem>>, vector<1x16xf32>,
    %swap3A_43 = arith.constant 7 : i32
    %swap3A_44 = arith.index_cast %swap3A_43 : i32 to index
    %swap3A_45 = arith.constant 0 : index
    %swap3A_46 = tpu.vector_load %arg9[%swap3A_44, %swap3A_45] {strides = array<i32>} : memref<80x16xf32, #tpu.memory_space<vmem>>, vector<1x16xf32>,
    %swap3A_47 = vector.shape_cast %swap3A_46 : vector<1x16xf32> to vector<16xf32>
    %swap3A_48 = vector.shape_cast %broadcast_in_dim3A_1 : vector<16xf32> to vector<1x16xf32>
    tpu.vector_store %arg9[%swap3A_44, %swap3A_45], %swap3A_48 {strides = array<i32>} : memref<80x16xf32, #tpu.memory_space<vmem>>, vector<1x16xf32>,
    %swap3A_49 = arith.constant 8 : i32
    %swap3A_50 = arith.index_cast %swap3A_49 : i32 to index
    %swap3A_51 = arith.constant 0 : index
    %swap3A_52 = tpu.vector_load %arg9[%swap3A_50, %swap3A_51] {strides = array<i32>} : memref<80x16xf32, #tpu.memory_space<vmem>>, vector<1x16xf32>,
    %swap3A_53 = vector.shape_cast %swap3A_52 : vector<1x16xf32> to vector<16xf32>
    %swap3A_54 = vector.shape_cast %broadcast_in_dim3A_1 : vector<16xf32> to vector<1x16xf32>
    tpu.vector_store %arg9[%swap3A_50, %swap3A_51], %swap3A_54 {strides = array<i32>} : memref<80x16xf32, #tpu.memory_space<vmem>>, vector<1x16xf32>,
    %swap3A_55 = arith.constant 9 : i32
    %swap3A_56 = arith.index_cast %swap3A_55 : i32 to index
    %swap3A_57 = arith.constant 0 : index
    %swap3A_58 = tpu.vector_load %arg9[%swap3A_56, %swap3A_57] {strides = array<i32>} : memref<80x16xf32, #tpu.memory_space<vmem>>, vector<1x16xf32>,
    %swap3A_59 = vector.shape_cast %swap3A_58 : vector<1x16xf32> to vector<16xf32>
    %swap3A_60 = vector.shape_cast %broadcast_in_dim3A_1 : vector<16xf32> to vector<1x16xf32>
    tpu.vector_store %arg9[%swap3A_56, %swap3A_57], %swap3A_60 {strides = array<i32>} : memref<80x16xf32, #tpu.memory_space<vmem>>, vector<1x16xf32>,
    %swap3A_61 = arith.constant 10 : i32
    %swap3A_62 = arith.index_cast %swap3A_61 : i32 to index
    %swap3A_63 = arith.constant 0 : index
    %swap3A_64 = tpu.vector_load %arg9[%swap3A_62, %swap3A_63] {strides = array<i32>} : memref<80x16xf32, #tpu.memory_space<vmem>>, vector<1x16xf32>,
    %swap3A_65 = vector.shape_cast %swap3A_64 : vector<1x16xf32> to vector<16xf32>
    %swap3A_66 = vector.shape_cast %broadcast_in_dim3A_1 : vector<16xf32> to vector<1x16xf32>
    tpu.vector_store %arg9[%swap3A_62, %swap3A_63], %swap3A_66 {strides = array<i32>} : memref<80x16xf32, #tpu.memory_space<vmem>>, vector<1x16xf32>,
    %swap3A_67 = arith.constant 11 : i32
    %swap3A_68 = arith.index_cast %swap3A_67 : i32 to index
    %swap3A_69 = arith.constant 0 : index
    %swap3A_70 = tpu.vector_load %arg9[%swap3A_68, %swap3A_69] {strides = array<i32>} : memref<80x16xf32, #tpu.memory_space<vmem>>, vector<1x16xf32>,
    %swap3A_71 = vector.shape_cast %swap3A_70 : vector<1x16xf32> to vector<16xf32>
    %swap3A_72 = vector.shape_cast %broadcast_in_dim3A_1 : vector<16xf32> to vector<1x16xf32>
    tpu.vector_store %arg9[%swap3A_68, %swap3A_69], %swap3A_72 {strides = array<i32>} : memref<80x16xf32, #tpu.memory_space<vmem>>, vector<1x16xf32>,
    %swap3A_73 = arith.constant 12 : i32
    %swap3A_74 = arith.index_cast %swap3A_73 : i32 to index
    %swap3A_75 = arith.constant 0 : index
    %swap3A_76 = tpu.vector_load %arg9[%swap3A_74, %swap3A_75] {strides = array<i32>} : memref<80x16xf32, #tpu.memory_space<vmem>>, vector<1x16xf32>,
    %swap3A_77 = vector.shape_cast %swap3A_76 : vector<1x16xf32> to vector<16xf32>
    %swap3A_78 = vector.shape_cast %broadcast_in_dim3A_1 : vector<16xf32> to vector<1x16xf32>
    tpu.vector_store %arg9[%swap3A_74, %swap3A_75], %swap3A_78 {strides = array<i32>} : memref<80x16xf32, #tpu.memory_space<vmem>>, vector<1x16xf32>,
    %swap3A_79 = arith.constant 13 : i32
    %swap3A_80 = arith.index_cast %swap3A_79 : i32 to index
    %swap3A_81 = arith.constant 0 : index
    %swap3A_82 = tpu.vector_load %arg9[%swap3A_80, %swap3A_81] {strides = array<i32>} : memref<80x16xf32, #tpu.memory_space<vmem>>, vector<1x16xf32>,
    %swap3A_83 = vector.shape_cast %swap3A_82 : vector<1x16xf32> to vector<16xf32>
    %swap3A_84 = vector.shape_cast %broadcast_in_dim3A_1 : vector<16xf32> to vector<1x16xf32>
    tpu.vector_store %arg9[%swap3A_80, %swap3A_81], %swap3A_84 {strides = array<i32>} : memref<80x16xf32, #tpu.memory_space<vmem>>, vector<1x16xf32>,
    %swap3A_85 = arith.constant 14 : i32
    %swap3A_86 = arith.index_cast %swap3A_85 : i32 to index
    %swap3A_87 = arith.constant 0 : index
    %swap3A_88 = tpu.vector_load %arg9[%swap3A_86, %swap3A_87] {strides = array<i32>} : memref<80x16xf32, #tpu.memory_space<vmem>>, vector<1x16xf32>,
    %swap3A_89 = vector.shape_cast %swap3A_88 : vector<1x16xf32> to vector<16xf32>
    %swap3A_90 = vector.shape_cast %broadcast_in_dim3A_1 : vector<16xf32> to vector<1x16xf32>
    tpu.vector_store %arg9[%swap3A_86, %swap3A_87], %swap3A_90 {strides = array<i32>} : memref<80x16xf32, #tpu.memory_space<vmem>>, vector<1x16xf32>,
    %swap3A_91 = arith.constant 15 : i32
    %swap3A_92 = arith.index_cast %swap3A_91 : i32 to index
    %swap3A_93 = arith.constant 0 : index
    %swap3A_94 = tpu.vector_load %arg9[%swap3A_92, %swap3A_93] {strides = array<i32>} : memref<80x16xf32, #tpu.memory_space<vmem>>, vector<1x16xf32>,
    %swap3A_95 = vector.shape_cast %swap3A_94 : vector<1x16xf32> to vector<16xf32>
    %swap3A_96 = vector.shape_cast %broadcast_in_dim3A_1 : vector<16xf32> to vector<1x16xf32>
    tpu.vector_store %arg9[%swap3A_92, %swap3A_93], %swap3A_96 {strides = array<i32>} : memref<80x16xf32, #tpu.memory_space<vmem>>, vector<1x16xf32>,
    %swap3A_97 = arith.constant 16 : i32
    %swap3A_98 = arith.index_cast %swap3A_97 : i32 to index
    %swap3A_99 = arith.constant 0 : index
    %swap3A_100 = tpu.vector_load %arg9[%swap3A_98, %swap3A_99] {strides = array<i32>} : memref<80x16xf32, #tpu.memory_space<vmem>>, vector<1x16xf32>,
    %swap3A_101 = vector.shape_cast %swap3A_100 : vector<1x16xf32> to vector<16xf32>
    %swap3A_102 = vector.shape_cast %broadcast_in_dim3A_1 : vector<16xf32> to vector<1x16xf32>
    tpu.vector_store %arg9[%swap3A_98, %swap3A_99], %swap3A_102 {strides = array<i32>} : memref<80x16xf32, #tpu.memory_space<vmem>>, vector<1x16xf32>,
    %swap3A_103 = arith.constant 17 : i32
    %swap3A_104 = arith.index_cast %swap3A_103 : i32 to index
    %swap3A_105 = arith.constant 0 : index
    %swap3A_106 = tpu.vector_load %arg9[%swap3A_104, %swap3A_105] {strides = array<i32>} : memref<80x16xf32, #tpu.memory_space<vmem>>, vector<1x16xf32>,
    %swap3A_107 = vector.shape_cast %swap3A_106 : vector<1x16xf32> to vector<16xf32>
    %swap3A_108 = vector.shape_cast %broadcast_in_dim3A_1 : vector<16xf32> to vector<1x16xf32>
    tpu.vector_store %arg9[%swap3A_104, %swap3A_105], %swap3A_108 {strides = array<i32>} : memref<80x16xf32, #tpu.memory_space<vmem>>, vector<1x16xf32>,
    %swap3A_109 = arith.constant 18 : i32
    %swap3A_110 = arith.index_cast %swap3A_109 : i32 to index
    %swap3A_111 = arith.constant 0 : index
    %swap3A_112 = tpu.vector_load %arg9[%swap3A_110, %swap3A_111] {strides = array<i32>} : memref<80x16xf32, #tpu.memory_space<vmem>>, vector<1x16xf32>,
    %swap3A_113 = vector.shape_cast %swap3A_112 : vector<1x16xf32> to vector<16xf32>
    %swap3A_114 = vector.shape_cast %broadcast_in_dim3A_1 : vector<16xf32> to vector<1x16xf32>
    tpu.vector_store %arg9[%swap3A_110, %swap3A_111], %swap3A_114 {strides = array<i32>} : memref<80x16xf32, #tpu.memory_space<vmem>>, vector<1x16xf32>,
    %swap3A_115 = arith.constant 19 : i32
    %swap3A_116 = arith.index_cast %swap3A_115 : i32 to index
    %swap3A_117 = arith.constant 0 : index
    %swap3A_118 = tpu.vector_load %arg9[%swap3A_116, %swap3A_117] {strides = array<i32>} : memref<80x16xf32, #tpu.memory_space<vmem>>, vector<1x16xf32>,
    %swap3A_119 = vector.shape_cast %swap3A_118 : vector<1x16xf32> to vector<16xf32>
    %swap3A_120 = vector.shape_cast %broadcast_in_dim3A_1 : vector<16xf32> to vector<1x16xf32>
    tpu.vector_store %arg9[%swap3A_116, %swap3A_117], %swap3A_120 {strides = array<i32>} : memref<80x16xf32, #tpu.memory_space<vmem>>, vector<1x16xf32>,
    %swap3A_121 = arith.constant 20 : i32
    %swap3A_122 = arith.index_cast %swap3A_121 : i32 to index
    %swap3A_123 = arith.constant 0 : index
    %swap3A_124 = tpu.vector_load %arg9[%swap3A_122, %swap3A_123] {strides = array<i32>} : memref<80x16xf32, #tpu.memory_space<vmem>>, vector<1x16xf32>,
    %swap3A_125 = vector.shape_cast %swap3A_124 : vector<1x16xf32> to vector<16xf32>
    %swap3A_126 = vector.shape_cast %broadcast_in_dim3A_1 : vector<16xf32> to vector<1x16xf32>
    tpu.vector_store %arg9[%swap3A_122, %swap3A_123], %swap3A_126 {strides = array<i32>} : memref<80x16xf32, #tpu.memory_space<vmem>>, vector<1x16xf32>,
    %swap3A_127 = arith.constant 21 : i32
    %swap3A_128 = arith.index_cast %swap3A_127 : i32 to index
    %swap3A_129 = arith.constant 0 : index
    %swap3A_130 = tpu.vector_load %arg9[%swap3A_128, %swap3A_129] {strides = array<i32>} : memref<80x16xf32, #tpu.memory_space<vmem>>, vector<1x16xf32>,
    %swap3A_131 = vector.shape_cast %swap3A_130 : vector<1x16xf32> to vector<16xf32>
    %swap3A_132 = vector.shape_cast %broadcast_in_dim3A_1 : vector<16xf32> to vector<1x16xf32>
    tpu.vector_store %arg9[%swap3A_128, %swap3A_129], %swap3A_132 {strides = array<i32>} : memref<80x16xf32, #tpu.memory_space<vmem>>, vector<1x16xf32>,
    %swap3A_133 = arith.constant 22 : i32
    %swap3A_134 = arith.index_cast %swap3A_133 : i32 to index
    %swap3A_135 = arith.constant 0 : index
    %swap3A_136 = tpu.vector_load %arg9[%swap3A_134, %swap3A_135] {strides = array<i32>} : memref<80x16xf32, #tpu.memory_space<vmem>>, vector<1x16xf32>,
    %swap3A_137 = vector.shape_cast %swap3A_136 : vector<1x16xf32> to vector<16xf32>
    %swap3A_138 = vector.shape_cast %broadcast_in_dim3A_1 : vector<16xf32> to vector<1x16xf32>
    tpu.vector_store %arg9[%swap3A_134, %swap3A_135], %swap3A_138 {strides = array<i32>} : memref<80x16xf32, #tpu.memory_space<vmem>>, vector<1x16xf32>,
    %swap3A_139 = arith.constant 23 : i32
    %swap3A_140 = arith.index_cast %swap3A_139 : i32 to index
    %swap3A_141 = arith.constant 0 : index
    %swap3A_142 = tpu.vector_load %arg9[%swap3A_140, %swap3A_141] {strides = array<i32>} : memref<80x16xf32, #tpu.memory_space<vmem>>, vector<1x16xf32>,
    %swap3A_143 = vector.shape_cast %swap3A_142 : vector<1x16xf32> to vector<16xf32>
    %swap3A_144 = vector.shape_cast %broadcast_in_dim3A_1 : vector<16xf32> to vector<1x16xf32>
    tpu.vector_store %arg9[%swap3A_140, %swap3A_141], %swap3A_144 {strides = array<i32>} : memref<80x16xf32, #tpu.memory_space<vmem>>, vector<1x16xf32>,
    %swap3A_145 = arith.constant 24 : i32
    %swap3A_146 = arith.index_cast %swap3A_145 : i32 to index
    %swap3A_147 = arith.constant 0 : index
    %swap3A_148 = tpu.vector_load %arg9[%swap3A_146, %swap3A_147] {strides = array<i32>} : memref<80x16xf32, #tpu.memory_space<vmem>>, vector<1x16xf32>,
    %swap3A_149 = vector.shape_cast %swap3A_148 : vector<1x16xf32> to vector<16xf32>
    %swap3A_150 = vector.shape_cast %broadcast_in_dim3A_1 : vector<16xf32> to vector<1x16xf32>
    tpu.vector_store %arg9[%swap3A_146, %swap3A_147], %swap3A_150 {strides = array<i32>} : memref<80x16xf32, #tpu.memory_space<vmem>>, vector<1x16xf32>,
    %swap3A_151 = arith.constant 25 : i32
    %swap3A_152 = arith.index_cast %swap3A_151 : i32 to index
    %swap3A_153 = arith.constant 0 : index
    %swap3A_154 = tpu.vector_load %arg9[%swap3A_152, %swap3A_153] {strides = array<i32>} : memref<80x16xf32, #tpu.memory_space<vmem>>, vector<1x16xf32>,
    %swap3A_155 = vector.shape_cast %swap3A_154 : vector<1x16xf32> to vector<16xf32>
    %swap3A_156 = vector.shape_cast %broadcast_in_dim3A_1 : vector<16xf32> to vector<1x16xf32>
    tpu.vector_store %arg9[%swap3A_152, %swap3A_153], %swap3A_156 {strides = array<i32>} : memref<80x16xf32, #tpu.memory_space<vmem>>, vector<1x16xf32>,
    %swap3A_157 = arith.constant 26 : i32
    %swap3A_158 = arith.index_cast %swap3A_157 : i32 to index
    %swap3A_159 = arith.constant 0 : index
    %swap3A_160 = tpu.vector_load %arg9[%swap3A_158, %swap3A_159] {strides = array<i32>} : memref<80x16xf32, #tpu.memory_space<vmem>>, vector<1x16xf32>,
    %swap3A_161 = vector.shape_cast %swap3A_160 : vector<1x16xf32> to vector<16xf32>
    %swap3A_162 = vector.shape_cast %broadcast_in_dim3A_1 : vector<16xf32> to vector<1x16xf32>
    tpu.vector_store %arg9[%swap3A_158, %swap3A_159], %swap3A_162 {strides = array<i32>} : memref<80x16xf32, #tpu.memory_space<vmem>>, vector<1x16xf32>,
    %swap3A_163 = arith.constant 27 : i32
    %swap3A_164 = arith.index_cast %swap3A_163 : i32 to index
    %swap3A_165 = arith.constant 0 : index
    %swap3A_166 = tpu.vector_load %arg9[%swap3A_164, %swap3A_165] {strides = array<i32>} : memref<80x16xf32, #tpu.memory_space<vmem>>, vector<1x16xf32>,
    %swap3A_167 = vector.shape_cast %swap3A_166 : vector<1x16xf32> to vector<16xf32>
    %swap3A_168 = vector.shape_cast %broadcast_in_dim3A_1 : vector<16xf32> to vector<1x16xf32>
    tpu.vector_store %arg9[%swap3A_164, %swap3A_165], %swap3A_168 {strides = array<i32>} : memref<80x16xf32, #tpu.memory_space<vmem>>, vector<1x16xf32>,
    %swap3A_169 = arith.constant 28 : i32
    %swap3A_170 = arith.index_cast %swap3A_169 : i32 to index
    %swap3A_171 = arith.constant 0 : index
    %swap3A_172 = tpu.vector_load %arg9[%swap3A_170, %swap3A_171] {strides = array<i32>} : memref<80x16xf32, #tpu.memory_space<vmem>>, vector<1x16xf32>,
    %swap3A_173 = vector.shape_cast %swap3A_172 : vector<1x16xf32> to vector<16xf32>
    %swap3A_174 = vector.shape_cast %broadcast_in_dim3A_1 : vector<16xf32> to vector<1x16xf32>
    tpu.vector_store %arg9[%swap3A_170, %swap3A_171], %swap3A_174 {strides = array<i32>} : memref<80x16xf32, #tpu.memory_space<vmem>>, vector<1x16xf32>,
    %swap3A_175 = arith.constant 29 : i32
    %swap3A_176 = arith.index_cast %swap3A_175 : i32 to index
    %swap3A_177 = arith.constant 0 : index
    %swap3A_178 = tpu.vector_load %arg9[%swap3A_176, %swap3A_177] {strides = array<i32>} : memref<80x16xf32, #tpu.memory_space<vmem>>, vector<1x16xf32>,
    %swap3A_179 = vector.shape_cast %swap3A_178 : vector<1x16xf32> to vector<16xf32>
    %swap3A_180 = vector.shape_cast %broadcast_in_dim3A_1 : vector<16xf32> to vector<1x16xf32>
    tpu.vector_store %arg9[%swap3A_176, %swap3A_177], %swap3A_180 {strides = array<i32>} : memref<80x16xf32, #tpu.memory_space<vmem>>, vector<1x16xf32>,
    %swap3A_181 = arith.constant 30 : i32
    %swap3A_182 = arith.index_cast %swap3A_181 : i32 to index
    %swap3A_183 = arith.constant 0 : index
    %swap3A_184 = tpu.vector_load %arg9[%swap3A_182, %swap3A_183] {strides = array<i32>} : memref<80x16xf32, #tpu.memory_space<vmem>>, vector<1x16xf32>,
    %swap3A_185 = vector.shape_cast %swap3A_184 : vector<1x16xf32> to vector<16xf32>
    %swap3A_186 = vector.shape_cast %broadcast_in_dim3A_1 : vector<16xf32> to vector<1x16xf32>
    tpu.vector_store %arg9[%swap3A_182, %swap3A_183], %swap3A_186 {strides = array<i32>} : memref<80x16xf32, #tpu.memory_space<vmem>>, vector<1x16xf32>,
    %swap3A_187 = arith.constant 31 : i32
    %swap3A_188 = arith.index_cast %swap3A_187 : i32 to index
    %swap3A_189 = arith.constant 0 : index
    %swap3A_190 = tpu.vector_load %arg9[%swap3A_188, %swap3A_189] {strides = array<i32>} : memref<80x16xf32, #tpu.memory_space<vmem>>, vector<1x16xf32>,
    %swap3A_191 = vector.shape_cast %swap3A_190 : vector<1x16xf32> to vector<16xf32>
    %swap3A_192 = vector.shape_cast %broadcast_in_dim3A_1 : vector<16xf32> to vector<1x16xf32>
    tpu.vector_store %arg9[%swap3A_188, %swap3A_189], %swap3A_192 {strides = array<i32>} : memref<80x16xf32, #tpu.memory_space<vmem>>, vector<1x16xf32>,
    %swap3A_193 = arith.constant 32 : i32
    %swap3A_194 = arith.index_cast %swap3A_193 : i32 to index
    %swap3A_195 = arith.constant 0 : index
    %swap3A_196 = tpu.vector_load %arg9[%swap3A_194, %swap3A_195] {strides = array<i32>} : memref<80x16xf32, #tpu.memory_space<vmem>>, vector<1x16xf32>,
    %swap3A_197 = vector.shape_cast %swap3A_196 : vector<1x16xf32> to vector<16xf32>
    %swap3A_198 = vector.shape_cast %broadcast_in_dim3A_1 : vector<16xf32> to vector<1x16xf32>
    tpu.vector_store %arg9[%swap3A_194, %swap3A_195], %swap3A_198 {strides = array<i32>} : memref<80x16xf32, #tpu.memory_space<vmem>>, vector<1x16xf32>,
    %swap3A_199 = arith.constant 33 : i32
    %swap3A_200 = arith.index_cast %swap3A_199 : i32 to index
    %swap3A_201 = arith.constant 0 : index
    %swap3A_202 = tpu.vector_load %arg9[%swap3A_200, %swap3A_201] {strides = array<i32>} : memref<80x16xf32, #tpu.memory_space<vmem>>, vector<1x16xf32>,
    %swap3A_203 = vector.shape_cast %swap3A_202 : vector<1x16xf32> to vector<16xf32>
    %swap3A_204 = vector.shape_cast %broadcast_in_dim3A_1 : vector<16xf32> to vector<1x16xf32>
    tpu.vector_store %arg9[%swap3A_200, %swap3A_201], %swap3A_204 {strides = array<i32>} : memref<80x16xf32, #tpu.memory_space<vmem>>, vector<1x16xf32>,
    %swap3A_205 = arith.constant 34 : i32
    %swap3A_206 = arith.index_cast %swap3A_205 : i32 to index
    %swap3A_207 = arith.constant 0 : index
    %swap3A_208 = tpu.vector_load %arg9[%swap3A_206, %swap3A_207] {strides = array<i32>} : memref<80x16xf32, #tpu.memory_space<vmem>>, vector<1x16xf32>,
    %swap3A_209 = vector.shape_cast %swap3A_208 : vector<1x16xf32> to vector<16xf32>
    %swap3A_210 = vector.shape_cast %broadcast_in_dim3A_1 : vector<16xf32> to vector<1x16xf32>
    tpu.vector_store %arg9[%swap3A_206, %swap3A_207], %swap3A_210 {strides = array<i32>} : memref<80x16xf32, #tpu.memory_space<vmem>>, vector<1x16xf32>,
    %swap3A_211 = arith.constant 35 : i32
    %swap3A_212 = arith.index_cast %swap3A_211 : i32 to index
    %swap3A_213 = arith.constant 0 : index
    %swap3A_214 = tpu.vector_load %arg9[%swap3A_212, %swap3A_213] {strides = array<i32>} : memref<80x16xf32, #tpu.memory_space<vmem>>, vector<1x16xf32>,
    %swap3A_215 = vector.shape_cast %swap3A_214 : vector<1x16xf32> to vector<16xf32>
    %swap3A_216 = vector.shape_cast %broadcast_in_dim3A_1 : vector<16xf32> to vector<1x16xf32>
    tpu.vector_store %arg9[%swap3A_212, %swap3A_213], %swap3A_216 {strides = array<i32>} : memref<80x16xf32, #tpu.memory_space<vmem>>, vector<1x16xf32>,
    %swap3A_217 = arith.constant 36 : i32
    %swap3A_218 = arith.index_cast %swap3A_217 : i32 to index
    %swap3A_219 = arith.constant 0 : index
    %swap3A_220 = tpu.vector_load %arg9[%swap3A_218, %swap3A_219] {strides = array<i32>} : memref<80x16xf32, #tpu.memory_space<vmem>>, vector<1x16xf32>,
    %swap3A_221 = vector.shape_cast %swap3A_220 : vector<1x16xf32> to vector<16xf32>
    %swap3A_222 = vector.shape_cast %broadcast_in_dim3A_1 : vector<16xf32> to vector<1x16xf32>
    tpu.vector_store %arg9[%swap3A_218, %swap3A_219], %swap3A_222 {strides = array<i32>} : memref<80x16xf32, #tpu.memory_space<vmem>>, vector<1x16xf32>,
    %swap3A_223 = arith.constant 37 : i32
    %swap3A_224 = arith.index_cast %swap3A_223 : i32 to index
    %swap3A_225 = arith.constant 0 : index
    %swap3A_226 = tpu.vector_load %arg9[%swap3A_224, %swap3A_225] {strides = array<i32>} : memref<80x16xf32, #tpu.memory_space<vmem>>, vector<1x16xf32>,
    %swap3A_227 = vector.shape_cast %swap3A_226 : vector<1x16xf32> to vector<16xf32>
    %swap3A_228 = vector.shape_cast %broadcast_in_dim3A_1 : vector<16xf32> to vector<1x16xf32>
    tpu.vector_store %arg9[%swap3A_224, %swap3A_225], %swap3A_228 {strides = array<i32>} : memref<80x16xf32, #tpu.memory_space<vmem>>, vector<1x16xf32>,
    %swap3A_229 = arith.constant 38 : i32
    %swap3A_230 = arith.index_cast %swap3A_229 : i32 to index
    %swap3A_231 = arith.constant 0 : index
    %swap3A_232 = tpu.vector_load %arg9[%swap3A_230, %swap3A_231] {strides = array<i32>} : memref<80x16xf32, #tpu.memory_space<vmem>>, vector<1x16xf32>,
    %swap3A_233 = vector.shape_cast %swap3A_232 : vector<1x16xf32> to vector<16xf32>
    %swap3A_234 = vector.shape_cast %broadcast_in_dim3A_1 : vector<16xf32> to vector<1x16xf32>
    tpu.vector_store %arg9[%swap3A_230, %swap3A_231], %swap3A_234 {strides = array<i32>} : memref<80x16xf32, #tpu.memory_space<vmem>>, vector<1x16xf32>,
    %swap3A_235 = arith.constant 39 : i32
    %swap3A_236 = arith.index_cast %swap3A_235 : i32 to index
    %swap3A_237 = arith.constant 0 : index
    %swap3A_238 = tpu.vector_load %arg9[%swap3A_236, %swap3A_237] {strides = array<i32>} : memref<80x16xf32, #tpu.memory_space<vmem>>, vector<1x16xf32>,
    %swap3A_239 = vector.shape_cast %swap3A_238 : vector<1x16xf32> to vector<16xf32>
    %swap3A_240 = vector.shape_cast %broadcast_in_dim3A_1 : vector<16xf32> to vector<1x16xf32>
    tpu.vector_store %arg9[%swap3A_236, %swap3A_237], %swap3A_240 {strides = array<i32>} : memref<80x16xf32, #tpu.memory_space<vmem>>, vector<1x16xf32>,
    %swap3A_241 = arith.constant 40 : i32
    %swap3A_242 = arith.index_cast %swap3A_241 : i32 to index
    %swap3A_243 = arith.constant 0 : index
    %swap3A_244 = tpu.vector_load %arg9[%swap3A_242, %swap3A_243] {strides = array<i32>} : memref<80x16xf32, #tpu.memory_space<vmem>>, vector<1x16xf32>,
    %swap3A_245 = vector.shape_cast %swap3A_244 : vector<1x16xf32> to vector<16xf32>
    %swap3A_246 = vector.shape_cast %broadcast_in_dim3A_1 : vector<16xf32> to vector<1x16xf32>
    tpu.vector_store %arg9[%swap3A_242, %swap3A_243], %swap3A_246 {strides = array<i32>} : memref<80x16xf32, #tpu.memory_space<vmem>>, vector<1x16xf32>,
    %swap3A_247 = arith.constant 41 : i32
    %swap3A_248 = arith.index_cast %swap3A_247 : i32 to index
    %swap3A_249 = arith.constant 0 : index
    %swap3A_250 = tpu.vector_load %arg9[%swap3A_248, %swap3A_249] {strides = array<i32>} : memref<80x16xf32, #tpu.memory_space<vmem>>, vector<1x16xf32>,
    %swap3A_251 = vector.shape_cast %swap3A_250 : vector<1x16xf32> to vector<16xf32>
    %swap3A_252 = vector.shape_cast %broadcast_in_dim3A_1 : vector<16xf32> to vector<1x16xf32>
    tpu.vector_store %arg9[%swap3A_248, %swap3A_249], %swap3A_252 {strides = array<i32>} : memref<80x16xf32, #tpu.memory_space<vmem>>, vector<1x16xf32>,
    %swap3A_253 = arith.constant 42 : i32
    %swap3A_254 = arith.index_cast %swap3A_253 : i32 to index
    %swap3A_255 = arith.constant 0 : index
    %swap3A_256 = tpu.vector_load %arg9[%swap3A_254, %swap3A_255] {strides = array<i32>} : memref<80x16xf32, #tpu.memory_space<vmem>>, vector<1x16xf32>,
    %swap3A_257 = vector.shape_cast %swap3A_256 : vector<1x16xf32> to vector<16xf32>
    %swap3A_258 = vector.shape_cast %broadcast_in_dim3A_1 : vector<16xf32> to vector<1x16xf32>
    tpu.vector_store %arg9[%swap3A_254, %swap3A_255], %swap3A_258 {strides = array<i32>} : memref<80x16xf32, #tpu.memory_space<vmem>>, vector<1x16xf32>,
    %swap3A_259 = arith.constant 43 : i32
    %swap3A_260 = arith.index_cast %swap3A_259 : i32 to index
    %swap3A_261 = arith.constant 0 : index
    %swap3A_262 = tpu.vector_load %arg9[%swap3A_260, %swap3A_261] {strides = array<i32>} : memref<80x16xf32, #tpu.memory_space<vmem>>, vector<1x16xf32>,
    %swap3A_263 = vector.shape_cast %swap3A_262 : vector<1x16xf32> to vector<16xf32>
    %swap3A_264 = vector.shape_cast %broadcast_in_dim3A_1 : vector<16xf32> to vector<1x16xf32>
    tpu.vector_store %arg9[%swap3A_260, %swap3A_261], %swap3A_264 {strides = array<i32>} : memref<80x16xf32, #tpu.memory_space<vmem>>, vector<1x16xf32>,
    %swap3A_265 = arith.constant 44 : i32
    %swap3A_266 = arith.index_cast %swap3A_265 : i32 to index
    %swap3A_267 = arith.constant 0 : index
    %swap3A_268 = tpu.vector_load %arg9[%swap3A_266, %swap3A_267] {strides = array<i32>} : memref<80x16xf32, #tpu.memory_space<vmem>>, vector<1x16xf32>,
    %swap3A_269 = vector.shape_cast %swap3A_268 : vector<1x16xf32> to vector<16xf32>
    %swap3A_270 = vector.shape_cast %broadcast_in_dim3A_1 : vector<16xf32> to vector<1x16xf32>
    tpu.vector_store %arg9[%swap3A_266, %swap3A_267], %swap3A_270 {strides = array<i32>} : memref<80x16xf32, #tpu.memory_space<vmem>>, vector<1x16xf32>,
    %swap3A_271 = arith.constant 45 : i32
    %swap3A_272 = arith.index_cast %swap3A_271 : i32 to index
    %swap3A_273 = arith.constant 0 : index
    %swap3A_274 = tpu.vector_load %arg9[%swap3A_272, %swap3A_273] {strides = array<i32>} : memref<80x16xf32, #tpu.memory_space<vmem>>, vector<1x16xf32>,
    %swap3A_275 = vector.shape_cast %swap3A_274 : vector<1x16xf32> to vector<16xf32>
    %swap3A_276 = vector.shape_cast %broadcast_in_dim3A_1 : vector<16xf32> to vector<1x16xf32>
    tpu.vector_store %arg9[%swap3A_272, %swap3A_273], %swap3A_276 {strides = array<i32>} : memref<80x16xf32, #tpu.memory_space<vmem>>, vector<1x16xf32>,
    %swap3A_277 = arith.constant 46 : i32
    %swap3A_278 = arith.index_cast %swap3A_277 : i32 to index
    %swap3A_279 = arith.constant 0 : index
    %swap3A_280 = tpu.vector_load %arg9[%swap3A_278, %swap3A_279] {strides = array<i32>} : memref<80x16xf32, #tpu.memory_space<vmem>>, vector<1x16xf32>,
    %swap3A_281 = vector.shape_cast %swap3A_280 : vector<1x16xf32> to vector<16xf32>
    %swap3A_282 = vector.shape_cast %broadcast_in_dim3A_1 : vector<16xf32> to vector<1x16xf32>
    tpu.vector_store %arg9[%swap3A_278, %swap3A_279], %swap3A_282 {strides = array<i32>} : memref<80x16xf32, #tpu.memory_space<vmem>>, vector<1x16xf32>,
    %swap3A_283 = arith.constant 47 : i32
    %swap3A_284 = arith.index_cast %swap3A_283 : i32 to index
    %swap3A_285 = arith.constant 0 : index
    %swap3A_286 = tpu.vector_load %arg9[%swap3A_284, %swap3A_285] {strides = array<i32>} : memref<80x16xf32, #tpu.memory_space<vmem>>, vector<1x16xf32>,
    %swap3A_287 = vector.shape_cast %swap3A_286 : vector<1x16xf32> to vector<16xf32>
    %swap3A_288 = vector.shape_cast %broadcast_in_dim3A_1 : vector<16xf32> to vector<1x16xf32>
    tpu.vector_store %arg9[%swap3A_284, %swap3A_285], %swap3A_288 {strides = array<i32>} : memref<80x16xf32, #tpu.memory_space<vmem>>, vector<1x16xf32>,
    %swap3A_289 = arith.constant 48 : i32
    %swap3A_290 = arith.index_cast %swap3A_289 : i32 to index
    %swap3A_291 = arith.constant 0 : index
    %swap3A_292 = tpu.vector_load %arg9[%swap3A_290, %swap3A_291] {strides = array<i32>} : memref<80x16xf32, #tpu.memory_space<vmem>>, vector<1x16xf32>,
    %swap3A_293 = vector.shape_cast %swap3A_292 : vector<1x16xf32> to vector<16xf32>
    %swap3A_294 = vector.shape_cast %broadcast_in_dim3A_1 : vector<16xf32> to vector<1x16xf32>
    tpu.vector_store %arg9[%swap3A_290, %swap3A_291], %swap3A_294 {strides = array<i32>} : memref<80x16xf32, #tpu.memory_space<vmem>>, vector<1x16xf32>,
    %swap3A_295 = arith.constant 49 : i32
    %swap3A_296 = arith.index_cast %swap3A_295 : i32 to index
    %swap3A_297 = arith.constant 0 : index
    %swap3A_298 = tpu.vector_load %arg9[%swap3A_296, %swap3A_297] {strides = array<i32>} : memref<80x16xf32, #tpu.memory_space<vmem>>, vector<1x16xf32>,
    %swap3A_299 = vector.shape_cast %swap3A_298 : vector<1x16xf32> to vector<16xf32>
    %swap3A_300 = vector.shape_cast %broadcast_in_dim3A_1 : vector<16xf32> to vector<1x16xf32>
    tpu.vector_store %arg9[%swap3A_296, %swap3A_297], %swap3A_300 {strides = array<i32>} : memref<80x16xf32, #tpu.memory_space<vmem>>, vector<1x16xf32>,
    %swap3A_301 = arith.constant 50 : i32
    %swap3A_302 = arith.index_cast %swap3A_301 : i32 to index
    %swap3A_303 = arith.constant 0 : index
    %swap3A_304 = tpu.vector_load %arg9[%swap3A_302, %swap3A_303] {strides = array<i32>} : memref<80x16xf32, #tpu.memory_space<vmem>>, vector<1x16xf32>,
    %swap3A_305 = vector.shape_cast %swap3A_304 : vector<1x16xf32> to vector<16xf32>
    %swap3A_306 = vector.shape_cast %broadcast_in_dim3A_1 : vector<16xf32> to vector<1x16xf32>
    tpu.vector_store %arg9[%swap3A_302, %swap3A_303], %swap3A_306 {strides = array<i32>} : memref<80x16xf32, #tpu.memory_space<vmem>>, vector<1x16xf32>,
    %swap3A_307 = arith.constant 51 : i32
    %swap3A_308 = arith.index_cast %swap3A_307 : i32 to index
    %swap3A_309 = arith.constant 0 : index
    %swap3A_310 = tpu.vector_load %arg9[%swap3A_308, %swap3A_309] {strides = array<i32>} : memref<80x16xf32, #tpu.memory_space<vmem>>, vector<1x16xf32>,
    %swap3A_311 = vector.shape_cast %swap3A_310 : vector<1x16xf32> to vector<16xf32>
    %swap3A_312 = vector.shape_cast %broadcast_in_dim3A_1 : vector<16xf32> to vector<1x16xf32>
    tpu.vector_store %arg9[%swap3A_308, %swap3A_309], %swap3A_312 {strides = array<i32>} : memref<80x16xf32, #tpu.memory_space<vmem>>, vector<1x16xf32>,
    %swap3A_313 = arith.constant 52 : i32
    %swap3A_314 = arith.index_cast %swap3A_313 : i32 to index
    %swap3A_315 = arith.constant 0 : index
    %swap3A_316 = tpu.vector_load %arg9[%swap3A_314, %swap3A_315] {strides = array<i32>} : memref<80x16xf32, #tpu.memory_space<vmem>>, vector<1x16xf32>,
    %swap3A_317 = vector.shape_cast %swap3A_316 : vector<1x16xf32> to vector<16xf32>
    %swap3A_318 = vector.shape_cast %broadcast_in_dim3A_1 : vector<16xf32> to vector<1x16xf32>
    tpu.vector_store %arg9[%swap3A_314, %swap3A_315], %swap3A_318 {strides = array<i32>} : memref<80x16xf32, #tpu.memory_space<vmem>>, vector<1x16xf32>,
    %swap3A_319 = arith.constant 53 : i32
    %swap3A_320 = arith.index_cast %swap3A_319 : i32 to index
    %swap3A_321 = arith.constant 0 : index
    %swap3A_322 = tpu.vector_load %arg9[%swap3A_320, %swap3A_321] {strides = array<i32>} : memref<80x16xf32, #tpu.memory_space<vmem>>, vector<1x16xf32>,
    %swap3A_323 = vector.shape_cast %swap3A_322 : vector<1x16xf32> to vector<16xf32>
    %swap3A_324 = vector.shape_cast %broadcast_in_dim3A_1 : vector<16xf32> to vector<1x16xf32>
    tpu.vector_store %arg9[%swap3A_320, %swap3A_321], %swap3A_324 {strides = array<i32>} : memref<80x16xf32, #tpu.memory_space<vmem>>, vector<1x16xf32>,
    %swap3A_325 = arith.constant 54 : i32
    %swap3A_326 = arith.index_cast %swap3A_325 : i32 to index
    %swap3A_327 = arith.constant 0 : index
    %swap3A_328 = tpu.vector_load %arg9[%swap3A_326, %swap3A_327] {strides = array<i32>} : memref<80x16xf32, #tpu.memory_space<vmem>>, vector<1x16xf32>,
    %swap3A_329 = vector.shape_cast %swap3A_328 : vector<1x16xf32> to vector<16xf32>
    %swap3A_330 = vector.shape_cast %broadcast_in_dim3A_1 : vector<16xf32> to vector<1x16xf32>
    tpu.vector_store %arg9[%swap3A_326, %swap3A_327], %swap3A_330 {strides = array<i32>} : memref<80x16xf32, #tpu.memory_space<vmem>>, vector<1x16xf32>,
    %swap3A_331 = arith.constant 55 : i32
    %swap3A_332 = arith.index_cast %swap3A_331 : i32 to index
    %swap3A_333 = arith.constant 0 : index
    %swap3A_334 = tpu.vector_load %arg9[%swap3A_332, %swap3A_333] {strides = array<i32>} : memref<80x16xf32, #tpu.memory_space<vmem>>, vector<1x16xf32>,
    %swap3A_335 = vector.shape_cast %swap3A_334 : vector<1x16xf32> to vector<16xf32>
    %swap3A_336 = vector.shape_cast %broadcast_in_dim3A_1 : vector<16xf32> to vector<1x16xf32>
    tpu.vector_store %arg9[%swap3A_332, %swap3A_333], %swap3A_336 {strides = array<i32>} : memref<80x16xf32, #tpu.memory_space<vmem>>, vector<1x16xf32>,
    %swap3A_337 = arith.constant 56 : i32
    %swap3A_338 = arith.index_cast %swap3A_337 : i32 to index
    %swap3A_339 = arith.constant 0 : index
    %swap3A_340 = tpu.vector_load %arg9[%swap3A_338, %swap3A_339] {strides = array<i32>} : memref<80x16xf32, #tpu.memory_space<vmem>>, vector<1x16xf32>,
    %swap3A_341 = vector.shape_cast %swap3A_340 : vector<1x16xf32> to vector<16xf32>
    %swap3A_342 = vector.shape_cast %broadcast_in_dim3A_1 : vector<16xf32> to vector<1x16xf32>
    tpu.vector_store %arg9[%swap3A_338, %swap3A_339], %swap3A_342 {strides = array<i32>} : memref<80x16xf32, #tpu.memory_space<vmem>>, vector<1x16xf32>,
    %swap3A_343 = arith.constant 57 : i32
    %swap3A_344 = arith.index_cast %swap3A_343 : i32 to index
    %swap3A_345 = arith.constant 0 : index
    %swap3A_346 = tpu.vector_load %arg9[%swap3A_344, %swap3A_345] {strides = array<i32>} : memref<80x16xf32, #tpu.memory_space<vmem>>, vector<1x16xf32>,
    %swap3A_347 = vector.shape_cast %swap3A_346 : vector<1x16xf32> to vector<16xf32>
    %swap3A_348 = vector.shape_cast %broadcast_in_dim3A_1 : vector<16xf32> to vector<1x16xf32>
    tpu.vector_store %arg9[%swap3A_344, %swap3A_345], %swap3A_348 {strides = array<i32>} : memref<80x16xf32, #tpu.memory_space<vmem>>, vector<1x16xf32>,
    %swap3A_349 = arith.constant 58 : i32
    %swap3A_350 = arith.index_cast %swap3A_349 : i32 to index
    %swap3A_351 = arith.constant 0 : index
    %swap3A_352 = tpu.vector_load %arg9[%swap3A_350, %swap3A_351] {strides = array<i32>} : memref<80x16xf32, #tpu.memory_space<vmem>>, vector<1x16xf32>,
    %swap3A_353 = vector.shape_cast %swap3A_352 : vector<1x16xf32> to vector<16xf32>
    %swap3A_354 = vector.shape_cast %broadcast_in_dim3A_1 : vector<16xf32> to vector<1x16xf32>
    tpu.vector_store %arg9[%swap3A_350, %swap3A_351], %swap3A_354 {strides = array<i32>} : memref<80x16xf32, #tpu.memory_space<vmem>>, vector<1x16xf32>,
    %swap3A_355 = arith.constant 59 : i32
    %swap3A_356 = arith.index_cast %swap3A_355 : i32 to index
    %swap3A_357 = arith.constant 0 : index
    %swap3A_358 = tpu.vector_load %arg9[%swap3A_356, %swap3A_357] {strides = array<i32>} : memref<80x16xf32, #tpu.memory_space<vmem>>, vector<1x16xf32>,
    %swap3A_359 = vector.shape_cast %swap3A_358 : vector<1x16xf32> to vector<16xf32>
    %swap3A_360 = vector.shape_cast %broadcast_in_dim3A_1 : vector<16xf32> to vector<1x16xf32>
    tpu.vector_store %arg9[%swap3A_356, %swap3A_357], %swap3A_360 {strides = array<i32>} : memref<80x16xf32, #tpu.memory_space<vmem>>, vector<1x16xf32>,
    %swap3A_361 = arith.constant 60 : i32
    %swap3A_362 = arith.index_cast %swap3A_361 : i32 to index
    %swap3A_363 = arith.constant 0 : index
    %swap3A_364 = tpu.vector_load %arg9[%swap3A_362, %swap3A_363] {strides = array<i32>} : memref<80x16xf32, #tpu.memory_space<vmem>>, vector<1x16xf32>,
    %swap3A_365 = vector.shape_cast %swap3A_364 : vector<1x16xf32> to vector<16xf32>
    %swap3A_366 = vector.shape_cast %broadcast_in_dim3A_1 : vector<16xf32> to vector<1x16xf32>
    tpu.vector_store %arg9[%swap3A_362, %swap3A_363], %swap3A_366 {strides = array<i32>} : memref<80x16xf32, #tpu.memory_space<vmem>>, vector<1x16xf32>,
    %swap3A_367 = arith.constant 61 : i32
    %swap3A_368 = arith.index_cast %swap3A_367 : i32 to index
    %swap3A_369 = arith.constant 0 : index
    %swap3A_370 = tpu.vector_load %arg9[%swap3A_368, %swap3A_369] {strides = array<i32>} : memref<80x16xf32, #tpu.memory_space<vmem>>, vector<1x16xf32>,
    %swap3A_371 = vector.shape_cast %swap3A_370 : vector<1x16xf32> to vector<16xf32>
    %swap3A_372 = vector.shape_cast %broadcast_in_dim3A_1 : vector<16xf32> to vector<1x16xf32>
    tpu.vector_store %arg9[%swap3A_368, %swap3A_369], %swap3A_372 {strides = array<i32>} : memref<80x16xf32, #tpu.memory_space<vmem>>, vector<1x16xf32>,
    %swap3A_373 = arith.constant 62 : i32
    %swap3A_374 = arith.index_cast %swap3A_373 : i32 to index
    %swap3A_375 = arith.constant 0 : index
    %swap3A_376 = tpu.vector_load %arg9[%swap3A_374, %swap3A_375] {strides = array<i32>} : memref<80x16xf32, #tpu.memory_space<vmem>>, vector<1x16xf32>,
    %swap3A_377 = vector.shape_cast %swap3A_376 : vector<1x16xf32> to vector<16xf32>
    %swap3A_378 = vector.shape_cast %broadcast_in_dim3A_1 : vector<16xf32> to vector<1x16xf32>
    tpu.vector_store %arg9[%swap3A_374, %swap3A_375], %swap3A_378 {strides = array<i32>} : memref<80x16xf32, #tpu.memory_space<vmem>>, vector<1x16xf32>,
    %swap3A_379 = arith.constant 63 : i32
    %swap3A_380 = arith.index_cast %swap3A_379 : i32 to index
    %swap3A_381 = arith.constant 0 : index
    %swap3A_382 = tpu.vector_load %arg9[%swap3A_380, %swap3A_381] {strides = array<i32>} : memref<80x16xf32, #tpu.memory_space<vmem>>, vector<1x16xf32>,
    %swap3A_383 = vector.shape_cast %swap3A_382 : vector<1x16xf32> to vector<16xf32>
    %swap3A_384 = vector.shape_cast %broadcast_in_dim3A_1 : vector<16xf32> to vector<1x16xf32>
    tpu.vector_store %arg9[%swap3A_380, %swap3A_381], %swap3A_384 {strides = array<i32>} : memref<80x16xf32, #tpu.memory_space<vmem>>, vector<1x16xf32>,
    %swap3A_385 = arith.constant 64 : i32
    %swap3A_386 = arith.index_cast %swap3A_385 : i32 to index
    %swap3A_387 = arith.constant 0 : index
    %swap3A_388 = tpu.vector_load %arg9[%swap3A_386, %swap3A_387] {strides = array<i32>} : memref<80x16xf32, #tpu.memory_space<vmem>>, vector<1x16xf32>,
    %swap3A_389 = vector.shape_cast %swap3A_388 : vector<1x16xf32> to vector<16xf32>
    %swap3A_390 = vector.shape_cast %broadcast_in_dim3A_1 : vector<16xf32> to vector<1x16xf32>
    tpu.vector_store %arg9[%swap3A_386, %swap3A_387], %swap3A_390 {strides = array<i32>} : memref<80x16xf32, #tpu.memory_space<vmem>>, vector<1x16xf32>,
    %swap3A_391 = arith.constant 65 : i32
    %swap3A_392 = arith.index_cast %swap3A_391 : i32 to index
    %swap3A_393 = arith.constant 0 : index
    %swap3A_394 = tpu.vector_load %arg9[%swap3A_392, %swap3A_393] {strides = array<i32>} : memref<80x16xf32, #tpu.memory_space<vmem>>, vector<1x16xf32>,
    %swap3A_395 = vector.shape_cast %swap3A_394 : vector<1x16xf32> to vector<16xf32>
    %swap3A_396 = vector.shape_cast %broadcast_in_dim3A_1 : vector<16xf32> to vector<1x16xf32>
    tpu.vector_store %arg9[%swap3A_392, %swap3A_393], %swap3A_396 {strides = array<i32>} : memref<80x16xf32, #tpu.memory_space<vmem>>, vector<1x16xf32>,
    %swap3A_397 = arith.constant 66 : i32
    %swap3A_398 = arith.index_cast %swap3A_397 : i32 to index
    %swap3A_399 = arith.constant 0 : index
    %swap3A_400 = tpu.vector_load %arg9[%swap3A_398, %swap3A_399] {strides = array<i32>} : memref<80x16xf32, #tpu.memory_space<vmem>>, vector<1x16xf32>,
    %swap3A_401 = vector.shape_cast %swap3A_400 : vector<1x16xf32> to vector<16xf32>
    %swap3A_402 = vector.shape_cast %broadcast_in_dim3A_1 : vector<16xf32> to vector<1x16xf32>
    tpu.vector_store %arg9[%swap3A_398, %swap3A_399], %swap3A_402 {strides = array<i32>} : memref<80x16xf32, #tpu.memory_space<vmem>>, vector<1x16xf32>,
    %swap3A_403 = arith.constant 67 : i32
    %swap3A_404 = arith.index_cast %swap3A_403 : i32 to index
    %swap3A_405 = arith.constant 0 : index
    %swap3A_406 = tpu.vector_load %arg9[%swap3A_404, %swap3A_405] {strides = array<i32>} : memref<80x16xf32, #tpu.memory_space<vmem>>, vector<1x16xf32>,
    %swap3A_407 = vector.shape_cast %swap3A_406 : vector<1x16xf32> to vector<16xf32>
    %swap3A_408 = vector.shape_cast %broadcast_in_dim3A_1 : vector<16xf32> to vector<1x16xf32>
    tpu.vector_store %arg9[%swap3A_404, %swap3A_405], %swap3A_408 {strides = array<i32>} : memref<80x16xf32, #tpu.memory_space<vmem>>, vector<1x16xf32>,
    %swap3A_409 = arith.constant 68 : i32
    %swap3A_410 = arith.index_cast %swap3A_409 : i32 to index
    %swap3A_411 = arith.constant 0 : index
    %swap3A_412 = tpu.vector_load %arg9[%swap3A_410, %swap3A_411] {strides = array<i32>} : memref<80x16xf32, #tpu.memory_space<vmem>>, vector<1x16xf32>,
    %swap3A_413 = vector.shape_cast %swap3A_412 : vector<1x16xf32> to vector<16xf32>
    %swap3A_414 = vector.shape_cast %broadcast_in_dim3A_1 : vector<16xf32> to vector<1x16xf32>
    tpu.vector_store %arg9[%swap3A_410, %swap3A_411], %swap3A_414 {strides = array<i32>} : memref<80x16xf32, #tpu.memory_space<vmem>>, vector<1x16xf32>,
    %swap3A_415 = arith.constant 69 : i32
    %swap3A_416 = arith.index_cast %swap3A_415 : i32 to index
    %swap3A_417 = arith.constant 0 : index
    %swap3A_418 = tpu.vector_load %arg9[%swap3A_416, %swap3A_417] {strides = array<i32>} : memref<80x16xf32, #tpu.memory_space<vmem>>, vector<1x16xf32>,
    %swap3A_419 = vector.shape_cast %swap3A_418 : vector<1x16xf32> to vector<16xf32>
    %swap3A_420 = vector.shape_cast %broadcast_in_dim3A_1 : vector<16xf32> to vector<1x16xf32>
    tpu.vector_store %arg9[%swap3A_416, %swap3A_417], %swap3A_420 {strides = array<i32>} : memref<80x16xf32, #tpu.memory_space<vmem>>, vector<1x16xf32>,
    %swap3A_421 = arith.constant 70 : i32
    %swap3A_422 = arith.index_cast %swap3A_421 : i32 to index
    %swap3A_423 = arith.constant 0 : index
    %swap3A_424 = tpu.vector_load %arg9[%swap3A_422, %swap3A_423] {strides = array<i32>} : memref<80x16xf32, #tpu.memory_space<vmem>>, vector<1x16xf32>,
    %swap3A_425 = vector.shape_cast %swap3A_424 : vector<1x16xf32> to vector<16xf32>
    %swap3A_426 = vector.shape_cast %broadcast_in_dim3A_1 : vector<16xf32> to vector<1x16xf32>
    tpu.vector_store %arg9[%swap3A_422, %swap3A_423], %swap3A_426 {strides = array<i32>} : memref<80x16xf32, #tpu.memory_space<vmem>>, vector<1x16xf32>,
    %swap3A_427 = arith.constant 71 : i32
    %swap3A_428 = arith.index_cast %swap3A_427 : i32 to index
    %swap3A_429 = arith.constant 0 : index
    %swap3A_430 = tpu.vector_load %arg9[%swap3A_428, %swap3A_429] {strides = array<i32>} : memref<80x16xf32, #tpu.memory_space<vmem>>, vector<1x16xf32>,
    %swap3A_431 = vector.shape_cast %swap3A_430 : vector<1x16xf32> to vector<16xf32>
    %swap3A_432 = vector.shape_cast %broadcast_in_dim3A_1 : vector<16xf32> to vector<1x16xf32>
    tpu.vector_store %arg9[%swap3A_428, %swap3A_429], %swap3A_432 {strides = array<i32>} : memref<80x16xf32, #tpu.memory_space<vmem>>, vector<1x16xf32>,
    %swap3A_433 = arith.constant 72 : i32
    %swap3A_434 = arith.index_cast %swap3A_433 : i32 to index
    %swap3A_435 = arith.constant 0 : index
    %swap3A_436 = tpu.vector_load %arg9[%swap3A_434, %swap3A_435] {strides = array<i32>} : memref<80x16xf32, #tpu.memory_space<vmem>>, vector<1x16xf32>,
    %swap3A_437 = vector.shape_cast %swap3A_436 : vector<1x16xf32> to vector<16xf32>
    %swap3A_438 = vector.shape_cast %broadcast_in_dim3A_1 : vector<16xf32> to vector<1x16xf32>
    tpu.vector_store %arg9[%swap3A_434, %swap3A_435], %swap3A_438 {strides = array<i32>} : memref<80x16xf32, #tpu.memory_space<vmem>>, vector<1x16xf32>,
    %swap3A_439 = arith.constant 73 : i32
    %swap3A_440 = arith.index_cast %swap3A_439 : i32 to index
    %swap3A_441 = arith.constant 0 : index
    %swap3A_442 = tpu.vector_load %arg9[%swap3A_440, %swap3A_441] {strides = array<i32>} : memref<80x16xf32, #tpu.memory_space<vmem>>, vector<1x16xf32>,
    %swap3A_443 = vector.shape_cast %swap3A_442 : vector<1x16xf32> to vector<16xf32>
    %swap3A_444 = vector.shape_cast %broadcast_in_dim3A_1 : vector<16xf32> to vector<1x16xf32>
    tpu.vector_store %arg9[%swap3A_440, %swap3A_441], %swap3A_444 {strides = array<i32>} : memref<80x16xf32, #tpu.memory_space<vmem>>, vector<1x16xf32>,
    %swap3A_445 = arith.constant 74 : i32
    %swap3A_446 = arith.index_cast %swap3A_445 : i32 to index
    %swap3A_447 = arith.constant 0 : index
    %swap3A_448 = tpu.vector_load %arg9[%swap3A_446, %swap3A_447] {strides = array<i32>} : memref<80x16xf32, #tpu.memory_space<vmem>>, vector<1x16xf32>,
    %swap3A_449 = vector.shape_cast %swap3A_448 : vector<1x16xf32> to vector<16xf32>
    %swap3A_450 = vector.shape_cast %broadcast_in_dim3A_1 : vector<16xf32> to vector<1x16xf32>
    tpu.vector_store %arg9[%swap3A_446, %swap3A_447], %swap3A_450 {strides = array<i32>} : memref<80x16xf32, #tpu.memory_space<vmem>>, vector<1x16xf32>,
    %swap3A_451 = arith.constant 75 : i32
    %swap3A_452 = arith.index_cast %swap3A_451 : i32 to index
    %swap3A_453 = arith.constant 0 : index
    %swap3A_454 = tpu.vector_load %arg9[%swap3A_452, %swap3A_453] {strides = array<i32>} : memref<80x16xf32, #tpu.memory_space<vmem>>, vector<1x16xf32>,
    %swap3A_455 = vector.shape_cast %swap3A_454 : vector<1x16xf32> to vector<16xf32>
    %swap3A_456 = vector.shape_cast %broadcast_in_dim3A_1 : vector<16xf32> to vector<1x16xf32>
    tpu.vector_store %arg9[%swap3A_452, %swap3A_453], %swap3A_456 {strides = array<i32>} : memref<80x16xf32, #tpu.memory_space<vmem>>, vector<1x16xf32>,
    %swap3A_457 = arith.constant 76 : i32
    %swap3A_458 = arith.index_cast %swap3A_457 : i32 to index
    %swap3A_459 = arith.constant 0 : index
    %swap3A_460 = tpu.vector_load %arg9[%swap3A_458, %swap3A_459] {strides = array<i32>} : memref<80x16xf32, #tpu.memory_space<vmem>>, vector<1x16xf32>,
    %swap3A_461 = vector.shape_cast %swap3A_460 : vector<1x16xf32> to vector<16xf32>
    %swap3A_462 = vector.shape_cast %broadcast_in_dim3A_1 : vector<16xf32> to vector<1x16xf32>
    tpu.vector_store %arg9[%swap3A_458, %swap3A_459], %swap3A_462 {strides = array<i32>} : memref<80x16xf32, #tpu.memory_space<vmem>>, vector<1x16xf32>,
    %swap3A_463 = arith.constant 77 : i32
    %swap3A_464 = arith.index_cast %swap3A_463 : i32 to index
    %swap3A_465 = arith.constant 0 : index
    %swap3A_466 = tpu.vector_load %arg9[%swap3A_464, %swap3A_465] {strides = array<i32>} : memref<80x16xf32, #tpu.memory_space<vmem>>, vector<1x16xf32>,
    %swap3A_467 = vector.shape_cast %swap3A_466 : vector<1x16xf32> to vector<16xf32>
    %swap3A_468 = vector.shape_cast %broadcast_in_dim3A_1 : vector<16xf32> to vector<1x16xf32>
    tpu.vector_store %arg9[%swap3A_464, %swap3A_465], %swap3A_468 {strides = array<i32>} : memref<80x16xf32, #tpu.memory_space<vmem>>, vector<1x16xf32>,
    %swap3A_469 = arith.constant 78 : i32
    %swap3A_470 = arith.index_cast %swap3A_469 : i32 to index
    %swap3A_471 = arith.constant 0 : index
    %swap3A_472 = tpu.vector_load %arg9[%swap3A_470, %swap3A_471] {strides = array<i32>} : memref<80x16xf32, #tpu.memory_space<vmem>>, vector<1x16xf32>,
    %swap3A_473 = vector.shape_cast %swap3A_472 : vector<1x16xf32> to vector<16xf32>
    %swap3A_474 = vector.shape_cast %broadcast_in_dim3A_1 : vector<16xf32> to vector<1x16xf32>
    tpu.vector_store %arg9[%swap3A_470, %swap3A_471], %swap3A_474 {strides = array<i32>} : memref<80x16xf32, #tpu.memory_space<vmem>>, vector<1x16xf32>,
    %swap3A_475 = arith.constant 79 : i32
    %swap3A_476 = arith.index_cast %swap3A_475 : i32 to index
    %swap3A_477 = arith.constant 0 : index
    %swap3A_478 = tpu.vector_load %arg9[%swap3A_476, %swap3A_477] {strides = array<i32>} : memref<80x16xf32, #tpu.memory_space<vmem>>, vector<1x16xf32>,
    %swap3A_479 = vector.shape_cast %swap3A_478 : vector<1x16xf32> to vector<16xf32>
    %swap3A_480 = vector.shape_cast %broadcast_in_dim3A_1 : vector<16xf32> to vector<1x16xf32>
    tpu.vector_store %arg9[%swap3A_476, %swap3A_477], %swap3A_480 {strides = array<i32>} : memref<80x16xf32, #tpu.memory_space<vmem>>, vector<1x16xf32>,
    %mul3A_481 = arith.constant 640 : i32
    %mul3A_482 = arith.muli %arg1, %mul3A_481 : i32
    %add3A_483 = arith.constant 0 : i32
    %add3A_484 = arith.addi %mul3A_482, %add3A_483 : i32
    "tpu.region"() ({
      %run_scoped3A = tpu.sem_alloc : memref<!tpu.dma_semaphore, #tpu.memory_space<semaphore_mem>>
      %dma_start3A_614 = arith.constant 0 : i32
      %dma_start3A_615 = tpu.memref_slice %arg10[%add3A_484, %dma_start3A_614] : memref<10240x16xf32, #tpu.memory_space<vmem_shared>> -> memref<80x16xf32, #tpu.memory_space<vmem_shared>>
      %dma_start3A_616 = arith.constant 0 : i32
      %dma_start3A_617 = tpu.memref_slice %arg10[%add3A_484, %dma_start3A_616] : memref<10240x16xf32, #tpu.memory_space<vmem_shared>> -> memref<80x16xf32, #tpu.memory_space<vmem_shared>>
      tpu.enqueue_dma source(%arg9 : memref<80x16xf32, #tpu.memory_space<vmem>>) target(%dma_start3A_617 : memref<80x16xf32, #tpu.memory_space<vmem_shared>>) target_semaphore(%run_scoped3A : memref<!tpu.dma_semaphore, #tpu.memory_space<semaphore_mem>>)
      %dma_wait3A_618 = arith.constant 0 : i32
      %dma_wait3A_619 = tpu.memref_slice %arg10[%add3A_484, %dma_wait3A_618] : memref<10240x16xf32, #tpu.memory_space<vmem_shared>> -> memref<80x16xf32, #tpu.memory_space<vmem_shared>>
      %dma_wait3A_620 = arith.constant 0 : i32
      %dma_wait3A_621 = tpu.memref_slice %arg10[%add3A_484, %dma_wait3A_620] : memref<10240x16xf32, #tpu.memory_space<vmem_shared>> -> memref<80x16xf32, #tpu.memory_space<vmem_shared>>
      tpu.wait_dma2 semaphore(%run_scoped3A : memref<!tpu.dma_semaphore, #tpu.memory_space<semaphore_mem>>) src(%arg9 : memref<80x16xf32, #tpu.memory_space<vmem>>) dst(%dma_wait3A_621 : memref<80x16xf32, #tpu.memory_space<vmem_shared>>)
      tpu.yield
    }) : () -> ()
    %mul3A_485 = arith.constant 640 : i32
    %mul3A_486 = arith.muli %arg1, %mul3A_485 : i32
    %add3A_487 = arith.constant 80 : i32
    %add3A_488 = arith.addi %mul3A_486, %add3A_487 : i32
    "tpu.region"() ({
      %run_scoped3A = tpu.sem_alloc : memref<!tpu.dma_semaphore, #tpu.memory_space<semaphore_mem>>
      %dma_start3A_614 = arith.constant 0 : i32
      %dma_start3A_615 = tpu.memref_slice %arg10[%add3A_488, %dma_start3A_614] : memref<10240x16xf32, #tpu.memory_space<vmem_shared>> -> memref<80x16xf32, #tpu.memory_space<vmem_shared>>
      %dma_start3A_616 = arith.constant 0 : i32
      %dma_start3A_617 = tpu.memref_slice %arg10[%add3A_488, %dma_start3A_616] : memref<10240x16xf32, #tpu.memory_space<vmem_shared>> -> memref<80x16xf32, #tpu.memory_space<vmem_shared>>
      tpu.enqueue_dma source(%arg9 : memref<80x16xf32, #tpu.memory_space<vmem>>) target(%dma_start3A_617 : memref<80x16xf32, #tpu.memory_space<vmem_shared>>) target_semaphore(%run_scoped3A : memref<!tpu.dma_semaphore, #tpu.memory_space<semaphore_mem>>)
      %dma_wait3A_618 = arith.constant 0 : i32
      %dma_wait3A_619 = tpu.memref_slice %arg10[%add3A_488, %dma_wait3A_618] : memref<10240x16xf32, #tpu.memory_space<vmem_shared>> -> memref<80x16xf32, #tpu.memory_space<vmem_shared>>
      %dma_wait3A_620 = arith.constant 0 : i32
      %dma_wait3A_621 = tpu.memref_slice %arg10[%add3A_488, %dma_wait3A_620] : memref<10240x16xf32, #tpu.memory_space<vmem_shared>> -> memref<80x16xf32, #tpu.memory_space<vmem_shared>>
      tpu.wait_dma2 semaphore(%run_scoped3A : memref<!tpu.dma_semaphore, #tpu.memory_space<semaphore_mem>>) src(%arg9 : memref<80x16xf32, #tpu.memory_space<vmem>>) dst(%dma_wait3A_621 : memref<80x16xf32, #tpu.memory_space<vmem_shared>>)
      tpu.yield
    }) : () -> ()
    %mul3A_489 = arith.constant 640 : i32
    %mul3A_490 = arith.muli %arg1, %mul3A_489 : i32
    %add3A_491 = arith.constant 160 : i32
    %add3A_492 = arith.addi %mul3A_490, %add3A_491 : i32
    "tpu.region"() ({
      %run_scoped3A = tpu.sem_alloc : memref<!tpu.dma_semaphore, #tpu.memory_space<semaphore_mem>>
      %dma_start3A_614 = arith.constant 0 : i32
      %dma_start3A_615 = tpu.memref_slice %arg10[%add3A_492, %dma_start3A_614] : memref<10240x16xf32, #tpu.memory_space<vmem_shared>> -> memref<80x16xf32, #tpu.memory_space<vmem_shared>>
      %dma_start3A_616 = arith.constant 0 : i32
      %dma_start3A_617 = tpu.memref_slice %arg10[%add3A_492, %dma_start3A_616] : memref<10240x16xf32, #tpu.memory_space<vmem_shared>> -> memref<80x16xf32, #tpu.memory_space<vmem_shared>>
      tpu.enqueue_dma source(%arg9 : memref<80x16xf32, #tpu.memory_space<vmem>>) target(%dma_start3A_617 : memref<80x16xf32, #tpu.memory_space<vmem_shared>>) target_semaphore(%run_scoped3A : memref<!tpu.dma_semaphore, #tpu.memory_space<semaphore_mem>>)
      %dma_wait3A_618 = arith.constant 0 : i32
      %dma_wait3A_619 = tpu.memref_slice %arg10[%add3A_492, %dma_wait3A_618] : memref<10240x16xf32, #tpu.memory_space<vmem_shared>> -> memref<80x16xf32, #tpu.memory_space<vmem_shared>>
      %dma_wait3A_620 = arith.constant 0 : i32
      %dma_wait3A_621 = tpu.memref_slice %arg10[%add3A_492, %dma_wait3A_620] : memref<10240x16xf32, #tpu.memory_space<vmem_shared>> -> memref<80x16xf32, #tpu.memory_space<vmem_shared>>
      tpu.wait_dma2 semaphore(%run_scoped3A : memref<!tpu.dma_semaphore, #tpu.memory_space<semaphore_mem>>) src(%arg9 : memref<80x16xf32, #tpu.memory_space<vmem>>) dst(%dma_wait3A_621 : memref<80x16xf32, #tpu.memory_space<vmem_shared>>)
      tpu.yield
    }) : () -> ()
    %mul3A_493 = arith.constant 640 : i32
    %mul3A_494 = arith.muli %arg1, %mul3A_493 : i32
    %add3A_495 = arith.constant 240 : i32
    %add3A_496 = arith.addi %mul3A_494, %add3A_495 : i32
    "tpu.region"() ({
      %run_scoped3A = tpu.sem_alloc : memref<!tpu.dma_semaphore, #tpu.memory_space<semaphore_mem>>
      %dma_start3A_614 = arith.constant 0 : i32
      %dma_start3A_615 = tpu.memref_slice %arg10[%add3A_496, %dma_start3A_614] : memref<10240x16xf32, #tpu.memory_space<vmem_shared>> -> memref<80x16xf32, #tpu.memory_space<vmem_shared>>
      %dma_start3A_616 = arith.constant 0 : i32
      %dma_start3A_617 = tpu.memref_slice %arg10[%add3A_496, %dma_start3A_616] : memref<10240x16xf32, #tpu.memory_space<vmem_shared>> -> memref<80x16xf32, #tpu.memory_space<vmem_shared>>
      tpu.enqueue_dma source(%arg9 : memref<80x16xf32, #tpu.memory_space<vmem>>) target(%dma_start3A_617 : memref<80x16xf32, #tpu.memory_space<vmem_shared>>) target_semaphore(%run_scoped3A : memref<!tpu.dma_semaphore, #tpu.memory_space<semaphore_mem>>)
      %dma_wait3A_618 = arith.constant 0 : i32
      %dma_wait3A_619 = tpu.memref_slice %arg10[%add3A_496, %dma_wait3A_618] : memref<10240x16xf32, #tpu.memory_space<vmem_shared>> -> memref<80x16xf32, #tpu.memory_space<vmem_shared>>
      %dma_wait3A_620 = arith.constant 0 : i32
      %dma_wait3A_621 = tpu.memref_slice %arg10[%add3A_496, %dma_wait3A_620] : memref<10240x16xf32, #tpu.memory_space<vmem_shared>> -> memref<80x16xf32, #tpu.memory_space<vmem_shared>>
      tpu.wait_dma2 semaphore(%run_scoped3A : memref<!tpu.dma_semaphore, #tpu.memory_space<semaphore_mem>>) src(%arg9 : memref<80x16xf32, #tpu.memory_space<vmem>>) dst(%dma_wait3A_621 : memref<80x16xf32, #tpu.memory_space<vmem_shared>>)
      tpu.yield
    }) : () -> ()
    %mul3A_497 = arith.constant 640 : i32
    %mul3A_498 = arith.muli %arg1, %mul3A_497 : i32
    %add3A_499 = arith.constant 320 : i32
    %add3A_500 = arith.addi %mul3A_498, %add3A_499 : i32
    "tpu.region"() ({
      %run_scoped3A = tpu.sem_alloc : memref<!tpu.dma_semaphore, #tpu.memory_space<semaphore_mem>>
      %dma_start3A_614 = arith.constant 0 : i32
      %dma_start3A_615 = tpu.memref_slice %arg10[%add3A_500, %dma_start3A_614] : memref<10240x16xf32, #tpu.memory_space<vmem_shared>> -> memref<80x16xf32, #tpu.memory_space<vmem_shared>>
      %dma_start3A_616 = arith.constant 0 : i32
      %dma_start3A_617 = tpu.memref_slice %arg10[%add3A_500, %dma_start3A_616] : memref<10240x16xf32, #tpu.memory_space<vmem_shared>> -> memref<80x16xf32, #tpu.memory_space<vmem_shared>>
      tpu.enqueue_dma source(%arg9 : memref<80x16xf32, #tpu.memory_space<vmem>>) target(%dma_start3A_617 : memref<80x16xf32, #tpu.memory_space<vmem_shared>>) target_semaphore(%run_scoped3A : memref<!tpu.dma_semaphore, #tpu.memory_space<semaphore_mem>>)
      %dma_wait3A_618 = arith.constant 0 : i32
      %dma_wait3A_619 = tpu.memref_slice %arg10[%add3A_500, %dma_wait3A_618] : memref<10240x16xf32, #tpu.memory_space<vmem_shared>> -> memref<80x16xf32, #tpu.memory_space<vmem_shared>>
      %dma_wait3A_620 = arith.constant 0 : i32
      %dma_wait3A_621 = tpu.memref_slice %arg10[%add3A_500, %dma_wait3A_620] : memref<10240x16xf32, #tpu.memory_space<vmem_shared>> -> memref<80x16xf32, #tpu.memory_space<vmem_shared>>
      tpu.wait_dma2 semaphore(%run_scoped3A : memref<!tpu.dma_semaphore, #tpu.memory_space<semaphore_mem>>) src(%arg9 : memref<80x16xf32, #tpu.memory_space<vmem>>) dst(%dma_wait3A_621 : memref<80x16xf32, #tpu.memory_space<vmem_shared>>)
      tpu.yield
    }) : () -> ()
    %mul3A_501 = arith.constant 640 : i32
    %mul3A_502 = arith.muli %arg1, %mul3A_501 : i32
    %add3A_503 = arith.constant 400 : i32
    %add3A_504 = arith.addi %mul3A_502, %add3A_503 : i32
    "tpu.region"() ({
      %run_scoped3A = tpu.sem_alloc : memref<!tpu.dma_semaphore, #tpu.memory_space<semaphore_mem>>
      %dma_start3A_614 = arith.constant 0 : i32
      %dma_start3A_615 = tpu.memref_slice %arg10[%add3A_504, %dma_start3A_614] : memref<10240x16xf32, #tpu.memory_space<vmem_shared>> -> memref<80x16xf32, #tpu.memory_space<vmem_shared>>
      %dma_start3A_616 = arith.constant 0 : i32
      %dma_start3A_617 = tpu.memref_slice %arg10[%add3A_504, %dma_start3A_616] : memref<10240x16xf32, #tpu.memory_space<vmem_shared>> -> memref<80x16xf32, #tpu.memory_space<vmem_shared>>
      tpu.enqueue_dma source(%arg9 : memref<80x16xf32, #tpu.memory_space<vmem>>) target(%dma_start3A_617 : memref<80x16xf32, #tpu.memory_space<vmem_shared>>) target_semaphore(%run_scoped3A : memref<!tpu.dma_semaphore, #tpu.memory_space<semaphore_mem>>)
      %dma_wait3A_618 = arith.constant 0 : i32
      %dma_wait3A_619 = tpu.memref_slice %arg10[%add3A_504, %dma_wait3A_618] : memref<10240x16xf32, #tpu.memory_space<vmem_shared>> -> memref<80x16xf32, #tpu.memory_space<vmem_shared>>
      %dma_wait3A_620 = arith.constant 0 : i32
      %dma_wait3A_621 = tpu.memref_slice %arg10[%add3A_504, %dma_wait3A_620] : memref<10240x16xf32, #tpu.memory_space<vmem_shared>> -> memref<80x16xf32, #tpu.memory_space<vmem_shared>>
      tpu.wait_dma2 semaphore(%run_scoped3A : memref<!tpu.dma_semaphore, #tpu.memory_space<semaphore_mem>>) src(%arg9 : memref<80x16xf32, #tpu.memory_space<vmem>>) dst(%dma_wait3A_621 : memref<80x16xf32, #tpu.memory_space<vmem_shared>>)
      tpu.yield
    }) : () -> ()
    %mul3A_505 = arith.constant 640 : i32
    %mul3A_506 = arith.muli %arg1, %mul3A_505 : i32
    %add3A_507 = arith.constant 480 : i32
    %add3A_508 = arith.addi %mul3A_506, %add3A_507 : i32
    "tpu.region"() ({
      %run_scoped3A = tpu.sem_alloc : memref<!tpu.dma_semaphore, #tpu.memory_space<semaphore_mem>>
      %dma_start3A_614 = arith.constant 0 : i32
      %dma_start3A_615 = tpu.memref_slice %arg10[%add3A_508, %dma_start3A_614] : memref<10240x16xf32, #tpu.memory_space<vmem_shared>> -> memref<80x16xf32, #tpu.memory_space<vmem_shared>>
      %dma_start3A_616 = arith.constant 0 : i32
      %dma_start3A_617 = tpu.memref_slice %arg10[%add3A_508, %dma_start3A_616] : memref<10240x16xf32, #tpu.memory_space<vmem_shared>> -> memref<80x16xf32, #tpu.memory_space<vmem_shared>>
      tpu.enqueue_dma source(%arg9 : memref<80x16xf32, #tpu.memory_space<vmem>>) target(%dma_start3A_617 : memref<80x16xf32, #tpu.memory_space<vmem_shared>>) target_semaphore(%run_scoped3A : memref<!tpu.dma_semaphore, #tpu.memory_space<semaphore_mem>>)
      %dma_wait3A_618 = arith.constant 0 : i32
      %dma_wait3A_619 = tpu.memref_slice %arg10[%add3A_508, %dma_wait3A_618] : memref<10240x16xf32, #tpu.memory_space<vmem_shared>> -> memref<80x16xf32, #tpu.memory_space<vmem_shared>>
      %dma_wait3A_620 = arith.constant 0 : i32
      %dma_wait3A_621 = tpu.memref_slice %arg10[%add3A_508, %dma_wait3A_620] : memref<10240x16xf32, #tpu.memory_space<vmem_shared>> -> memref<80x16xf32, #tpu.memory_space<vmem_shared>>
      tpu.wait_dma2 semaphore(%run_scoped3A : memref<!tpu.dma_semaphore, #tpu.memory_space<semaphore_mem>>) src(%arg9 : memref<80x16xf32, #tpu.memory_space<vmem>>) dst(%dma_wait3A_621 : memref<80x16xf32, #tpu.memory_space<vmem_shared>>)
      tpu.yield
    }) : () -> ()
    %mul3A_509 = arith.constant 640 : i32
    %mul3A_510 = arith.muli %arg1, %mul3A_509 : i32
    %add3A_511 = arith.constant 560 : i32
    %add3A_512 = arith.addi %mul3A_510, %add3A_511 : i32
    "tpu.region"() ({
      %run_scoped3A = tpu.sem_alloc : memref<!tpu.dma_semaphore, #tpu.memory_space<semaphore_mem>>
      %dma_start3A_614 = arith.constant 0 : i32
      %dma_start3A_615 = tpu.memref_slice %arg10[%add3A_512, %dma_start3A_614] : memref<10240x16xf32, #tpu.memory_space<vmem_shared>> -> memref<80x16xf32, #tpu.memory_space<vmem_shared>>
      %dma_start3A_616 = arith.constant 0 : i32
      %dma_start3A_617 = tpu.memref_slice %arg10[%add3A_512, %dma_start3A_616] : memref<10240x16xf32, #tpu.memory_space<vmem_shared>> -> memref<80x16xf32, #tpu.memory_space<vmem_shared>>
      tpu.enqueue_dma source(%arg9 : memref<80x16xf32, #tpu.memory_space<vmem>>) target(%dma_start3A_617 : memref<80x16xf32, #tpu.memory_space<vmem_shared>>) target_semaphore(%run_scoped3A : memref<!tpu.dma_semaphore, #tpu.memory_space<semaphore_mem>>)
      %dma_wait3A_618 = arith.constant 0 : i32
      %dma_wait3A_619 = tpu.memref_slice %arg10[%add3A_512, %dma_wait3A_618] : memref<10240x16xf32, #tpu.memory_space<vmem_shared>> -> memref<80x16xf32, #tpu.memory_space<vmem_shared>>
      %dma_wait3A_620 = arith.constant 0 : i32
      %dma_wait3A_621 = tpu.memref_slice %arg10[%add3A_512, %dma_wait3A_620] : memref<10240x16xf32, #tpu.memory_space<vmem_shared>> -> memref<80x16xf32, #tpu.memory_space<vmem_shared>>
      tpu.wait_dma2 semaphore(%run_scoped3A : memref<!tpu.dma_semaphore, #tpu.memory_space<semaphore_mem>>) src(%arg9 : memref<80x16xf32, #tpu.memory_space<vmem>>) dst(%dma_wait3A_621 : memref<80x16xf32, #tpu.memory_space<vmem_shared>>)
      tpu.yield
    }) : () -> ()
    %barrier3A = arith.constant 0 : index
    tpu.barrier barrier_id(%barrier3A)
    %dma_start3A = arith.constant 0 : i32
    %dma_start3A_513 = arith.constant 0 : i32
    %dma_start3A_514 = arith.constant 0 : i32
    %dma_start3A_515 = arith.constant 0 : i32
    %dma_start3A_516 = tpu.memref_slice %arg8[%dma_start3A_513, %dma_start3A_514, %dma_start3A_515] : memref<4x128x16xf32, #tpu.memory_space<vmem>> -> memref<1x128x16xf32, #tpu.memory_space<vmem>>
    %dma_start3A_517 = tpu.memref_squeeze %dma_start3A_516 : memref<1x128x16xf32, #tpu.memory_space<vmem>> -> memref<128x16xf32, #tpu.memory_space<vmem>>
    %dma_start3A_518 = arith.constant 0 : i32
    %dma_start3A_519 = tpu.memref_slice %arg6[%dma_start3A, %dma_start3A_518] : memref<80x128xi32, #tpu.memory_space<vmem>> -> memref<1x128xi32, #tpu.memory_space<vmem>>
    %dma_start3A_520 = tpu.memref_squeeze %dma_start3A_519 : memref<1x128xi32, #tpu.memory_space<vmem>> -> memref<128xi32, #tpu.memory_space<vmem>>
    %dma_start3A_521 = arith.constant 0 : i32
    %dma_start3A_522 = arith.constant 0 : i32
    %dma_start3A_523 = tpu.memref_slice %arg2[%dma_start3A_521, %dma_start3A_522] : memref<10240x16xf32, #tpu.memory_space<hbm>> -> memref<10240x16xf32, #tpu.memory_space<hbm>>
    tpu.enqueue_indirect_dma source(%dma_start3A_523 : memref<10240x16xf32, #tpu.memory_space<hbm>>) target(%dma_start3A_517 : memref<128x16xf32, #tpu.memory_space<vmem>>) offsets(%dma_start3A_520 : memref<128xi32, #tpu.memory_space<vmem>>) semaphore(%arg11 : memref<!tpu.dma_semaphore, #tpu.memory_space<semaphore_mem>>)
    %dma_start3A_524 = arith.constant 1 : i32
    %dma_start3A_525 = arith.constant 1 : i32
    %dma_start3A_526 = arith.constant 0 : i32
    %dma_start3A_527 = arith.constant 0 : i32
    %dma_start3A_528 = tpu.memref_slice %arg8[%dma_start3A_525, %dma_start3A_526, %dma_start3A_527] : memref<4x128x16xf32, #tpu.memory_space<vmem>> -> memref<1x128x16xf32, #tpu.memory_space<vmem>>
    %dma_start3A_529 = tpu.memref_squeeze %dma_start3A_528 : memref<1x128x16xf32, #tpu.memory_space<vmem>> -> memref<128x16xf32, #tpu.memory_space<vmem>>
    %dma_start3A_530 = arith.constant 0 : i32
    %dma_start3A_531 = tpu.memref_slice %arg6[%dma_start3A_524, %dma_start3A_530] : memref<80x128xi32, #tpu.memory_space<vmem>> -> memref<1x128xi32, #tpu.memory_space<vmem>>
    %dma_start3A_532 = tpu.memref_squeeze %dma_start3A_531 : memref<1x128xi32, #tpu.memory_space<vmem>> -> memref<128xi32, #tpu.memory_space<vmem>>
    %dma_start3A_533 = arith.constant 0 : i32
    %dma_start3A_534 = arith.constant 0 : i32
    %dma_start3A_535 = tpu.memref_slice %arg2[%dma_start3A_533, %dma_start3A_534] : memref<10240x16xf32, #tpu.memory_space<hbm>> -> memref<10240x16xf32, #tpu.memory_space<hbm>>
    tpu.enqueue_indirect_dma source(%dma_start3A_535 : memref<10240x16xf32, #tpu.memory_space<hbm>>) target(%dma_start3A_529 : memref<128x16xf32, #tpu.memory_space<vmem>>) offsets(%dma_start3A_532 : memref<128xi32, #tpu.memory_space<vmem>>) semaphore(%arg12 : memref<!tpu.dma_semaphore, #tpu.memory_space<semaphore_mem>>)
    %dma_start3A_536 = arith.constant 2 : i32
    %dma_start3A_537 = arith.constant 2 : i32
    %dma_start3A_538 = arith.constant 0 : i32
    %dma_start3A_539 = arith.constant 0 : i32
    %dma_start3A_540 = tpu.memref_slice %arg8[%dma_start3A_537, %dma_start3A_538, %dma_start3A_539] : memref<4x128x16xf32, #tpu.memory_space<vmem>> -> memref<1x128x16xf32, #tpu.memory_space<vmem>>
    %dma_start3A_541 = tpu.memref_squeeze %dma_start3A_540 : memref<1x128x16xf32, #tpu.memory_space<vmem>> -> memref<128x16xf32, #tpu.memory_space<vmem>>
    %dma_start3A_542 = arith.constant 0 : i32
    %dma_start3A_543 = tpu.memref_slice %arg6[%dma_start3A_536, %dma_start3A_542] : memref<80x128xi32, #tpu.memory_space<vmem>> -> memref<1x128xi32, #tpu.memory_space<vmem>>
    %dma_start3A_544 = tpu.memref_squeeze %dma_start3A_543 : memref<1x128xi32, #tpu.memory_space<vmem>> -> memref<128xi32, #tpu.memory_space<vmem>>
    %dma_start3A_545 = arith.constant 0 : i32
    %dma_start3A_546 = arith.constant 0 : i32
    %dma_start3A_547 = tpu.memref_slice %arg2[%dma_start3A_545, %dma_start3A_546] : memref<10240x16xf32, #tpu.memory_space<hbm>> -> memref<10240x16xf32, #tpu.memory_space<hbm>>
    tpu.enqueue_indirect_dma source(%dma_start3A_547 : memref<10240x16xf32, #tpu.memory_space<hbm>>) target(%dma_start3A_541 : memref<128x16xf32, #tpu.memory_space<vmem>>) offsets(%dma_start3A_544 : memref<128xi32, #tpu.memory_space<vmem>>) semaphore(%arg13 : memref<!tpu.dma_semaphore, #tpu.memory_space<semaphore_mem>>)
    %dma_start3A_548 = arith.constant 3 : i32
    %dma_start3A_549 = arith.constant 3 : i32
    %dma_start3A_550 = arith.constant 0 : i32
    %dma_start3A_551 = arith.constant 0 : i32
    %dma_start3A_552 = tpu.memref_slice %arg8[%dma_start3A_549, %dma_start3A_550, %dma_start3A_551] : memref<4x128x16xf32, #tpu.memory_space<vmem>> -> memref<1x128x16xf32, #tpu.memory_space<vmem>>
    %dma_start3A_553 = tpu.memref_squeeze %dma_start3A_552 : memref<1x128x16xf32, #tpu.memory_space<vmem>> -> memref<128x16xf32, #tpu.memory_space<vmem>>
    %dma_start3A_554 = arith.constant 0 : i32
    %dma_start3A_555 = tpu.memref_slice %arg6[%dma_start3A_548, %dma_start3A_554] : memref<80x128xi32, #tpu.memory_space<vmem>> -> memref<1x128xi32, #tpu.memory_space<vmem>>
    %dma_start3A_556 = tpu.memref_squeeze %dma_start3A_555 : memref<1x128xi32, #tpu.memory_space<vmem>> -> memref<128xi32, #tpu.memory_space<vmem>>
    %dma_start3A_557 = arith.constant 0 : i32
    %dma_start3A_558 = arith.constant 0 : i32
    %dma_start3A_559 = tpu.memref_slice %arg2[%dma_start3A_557, %dma_start3A_558] : memref<10240x16xf32, #tpu.memory_space<hbm>> -> memref<10240x16xf32, #tpu.memory_space<hbm>>
    tpu.enqueue_indirect_dma source(%dma_start3A_559 : memref<10240x16xf32, #tpu.memory_space<hbm>>) target(%dma_start3A_553 : memref<128x16xf32, #tpu.memory_space<vmem>>) offsets(%dma_start3A_556 : memref<128xi32, #tpu.memory_space<vmem>>) semaphore(%arg14 : memref<!tpu.dma_semaphore, #tpu.memory_space<semaphore_mem>>)
    %scan3A = arith.constant 0 : i32
    %scan3A_560 = arith.constant 20 : i32
    %scan3A_561 = arith.addi %scan3A, %scan3A_560 : i32
    %scan3A_562 = arith.constant 1 : i32
    scf.for %scan3A_614 = %scan3A to %scan3A_561 step %scan3A_562  : i32 {
      %mul3A_615 = arith.constant 4 : i32
      %mul3A_616 = arith.muli %mul3A_615, %scan3A_614 : i32
      %add3A_617 = arith.constant 0 : i32
      %add3A_618 = arith.addi %mul3A_616, %add3A_617 : i32
      %dma_wait3A_619 = arith.constant 0 : i32
      %dma_wait3A_620 = arith.constant 0 : i32
      %dma_wait3A_621 = arith.constant 0 : i32
      %dma_wait3A_622 = tpu.memref_slice %arg8[%dma_wait3A_619, %dma_wait3A_620, %dma_wait3A_621] : memref<4x128x16xf32, #tpu.memory_space<vmem>> -> memref<1x128x16xf32, #tpu.memory_space<vmem>>
      %dma_wait3A_623 = tpu.memref_squeeze %dma_wait3A_622 : memref<1x128x16xf32, #tpu.memory_space<vmem>> -> memref<128x16xf32, #tpu.memory_space<vmem>>
      %dma_wait3A_624 = arith.constant 0 : i32
      %dma_wait3A_625 = tpu.memref_slice %arg6[%add3A_618, %dma_wait3A_624] : memref<80x128xi32, #tpu.memory_space<vmem>> -> memref<1x128xi32, #tpu.memory_space<vmem>>
      %dma_wait3A_626 = tpu.memref_squeeze %dma_wait3A_625 : memref<1x128xi32, #tpu.memory_space<vmem>> -> memref<128xi32, #tpu.memory_space<vmem>>
      %dma_wait3A_627 = arith.constant 0 : i32
      %dma_wait3A_628 = arith.constant 0 : i32
      %dma_wait3A_629 = tpu.memref_slice %arg2[%dma_wait3A_627, %dma_wait3A_628] : memref<10240x16xf32, #tpu.memory_space<hbm>> -> memref<10240x16xf32, #tpu.memory_space<hbm>>
      tpu.wait_indirect_dma semaphore(%arg11 : memref<!tpu.dma_semaphore, #tpu.memory_space<semaphore_mem>>) src(%dma_wait3A_629 : memref<10240x16xf32, #tpu.memory_space<hbm>>) dst(%dma_wait3A_623 : memref<128x16xf32, #tpu.memory_space<vmem>>)
      %ge3A = arith.constant 4 : i32
      %ge3A_630 = arith.cmpi sge, %add3A_618, %ge3A : i32
      %convert_element_type3A_631 = arith.extui %ge3A_630 : i1 to i32
      %cond3A_632 = arith.constant 0 : i32
      %cond3A_633 = arith.cmpi ne, %convert_element_type3A_631, %cond3A_632 : i32
      scf.if %cond3A_633 {
        %sub3A = arith.constant 4 : i32
        %sub3A_765 = arith.subi %add3A_618, %sub3A : i32
        %dma_wait3A_766 = arith.constant 0 : i32
        %dma_wait3A_767 = arith.constant 0 : i32
        %dma_wait3A_768 = arith.constant 0 : i32
        %dma_wait3A_769 = tpu.memref_slice %arg8[%dma_wait3A_766, %dma_wait3A_767, %dma_wait3A_768] : memref<4x128x16xf32, #tpu.memory_space<vmem>> -> memref<1x128x16xf32, #tpu.memory_space<vmem>>
        %dma_wait3A_770 = tpu.memref_squeeze %dma_wait3A_769 : memref<1x128x16xf32, #tpu.memory_space<vmem>> -> memref<128x16xf32, #tpu.memory_space<vmem>>
        %dma_wait3A_771 = arith.constant 0 : i32
        %dma_wait3A_772 = tpu.memref_slice %arg7[%sub3A_765, %dma_wait3A_771] : memref<80x128xi32, #tpu.memory_space<vmem>> -> memref<1x128xi32, #tpu.memory_space<vmem>>
        %dma_wait3A_773 = tpu.memref_squeeze %dma_wait3A_772 : memref<1x128xi32, #tpu.memory_space<vmem>> -> memref<128xi32, #tpu.memory_space<vmem>>
        %dma_wait3A_774 = arith.constant 0 : i32
        %dma_wait3A_775 = arith.constant 0 : i32
        %dma_wait3A_776 = tpu.memref_slice %arg10[%dma_wait3A_774, %dma_wait3A_775] : memref<10240x16xf32, #tpu.memory_space<vmem_shared>> -> memref<10240x16xf32, #tpu.memory_space<vmem_shared>>
        tpu.wait_indirect_dma semaphore(%arg15 : memref<!tpu.dma_semaphore, #tpu.memory_space<semaphore_mem>>) src(%dma_wait3A_770 : memref<128x16xf32, #tpu.memory_space<vmem>>) dst(%dma_wait3A_776 : memref<10240x16xf32, #tpu.memory_space<vmem_shared>>)
      } else {
      }
      %dma_start3A_634 = arith.constant 0 : i32
      %dma_start3A_635 = arith.constant 0 : i32
      %dma_start3A_636 = arith.constant 0 : i32
      %dma_start3A_637 = tpu.memref_slice %arg8[%dma_start3A_634, %dma_start3A_635, %dma_start3A_636] : memref<4x128x16xf32, #tpu.memory_space<vmem>> -> memref<1x128x16xf32, #tpu.memory_space<vmem>>
      %dma_start3A_638 = tpu.memref_squeeze %dma_start3A_637 : memref<1x128x16xf32, #tpu.memory_space<vmem>> -> memref<128x16xf32, #tpu.memory_space<vmem>>
      %dma_start3A_639 = arith.constant 0 : i32
      %dma_start3A_640 = tpu.memref_slice %arg7[%add3A_618, %dma_start3A_639] : memref<80x128xi32, #tpu.memory_space<vmem>> -> memref<1x128xi32, #tpu.memory_space<vmem>>
      %dma_start3A_641 = tpu.memref_squeeze %dma_start3A_640 : memref<1x128xi32, #tpu.memory_space<vmem>> -> memref<128xi32, #tpu.memory_space<vmem>>
      %dma_start3A_642 = arith.constant 0 : i32
      %dma_start3A_643 = arith.constant 0 : i32
      %dma_start3A_644 = tpu.memref_slice %arg10[%dma_start3A_642, %dma_start3A_643] : memref<10240x16xf32, #tpu.memory_space<vmem_shared>> -> memref<10240x16xf32, #tpu.memory_space<vmem_shared>>
      tpu.enqueue_indirect_dma source(%dma_start3A_638 : memref<128x16xf32, #tpu.memory_space<vmem>>) target(%dma_start3A_644 : memref<10240x16xf32, #tpu.memory_space<vmem_shared>>) offsets(%dma_start3A_641 : memref<128xi32, #tpu.memory_space<vmem>>) semaphore(%arg15 : memref<!tpu.dma_semaphore, #tpu.memory_space<semaphore_mem>>) {add = true}
      %add3A_645 = arith.constant 4 : i32
      %add3A_646 = arith.addi %add3A_618, %add3A_645 : i32
      %lt3A = arith.constant 80 : i32
      %lt3A_647 = arith.cmpi slt, %add3A_646, %lt3A : i32
      %convert_element_type3A_648 = arith.extui %lt3A_647 : i1 to i32
      %cond3A_649 = arith.constant 0 : i32
      %cond3A_650 = arith.cmpi ne, %convert_element_type3A_648, %cond3A_649 : i32
      scf.if %cond3A_650 {
        %add3A_765 = arith.constant 4 : i32
        %add3A_766 = arith.addi %add3A_618, %add3A_765 : i32
        %dma_start3A_767 = arith.constant 0 : i32
        %dma_start3A_768 = arith.constant 0 : i32
        %dma_start3A_769 = arith.constant 0 : i32
        %dma_start3A_770 = tpu.memref_slice %arg8[%dma_start3A_767, %dma_start3A_768, %dma_start3A_769] : memref<4x128x16xf32, #tpu.memory_space<vmem>> -> memref<1x128x16xf32, #tpu.memory_space<vmem>>
        %dma_start3A_771 = tpu.memref_squeeze %dma_start3A_770 : memref<1x128x16xf32, #tpu.memory_space<vmem>> -> memref<128x16xf32, #tpu.memory_space<vmem>>
        %dma_start3A_772 = arith.constant 0 : i32
        %dma_start3A_773 = tpu.memref_slice %arg6[%add3A_766, %dma_start3A_772] : memref<80x128xi32, #tpu.memory_space<vmem>> -> memref<1x128xi32, #tpu.memory_space<vmem>>
        %dma_start3A_774 = tpu.memref_squeeze %dma_start3A_773 : memref<1x128xi32, #tpu.memory_space<vmem>> -> memref<128xi32, #tpu.memory_space<vmem>>
        %dma_start3A_775 = arith.constant 0 : i32
        %dma_start3A_776 = arith.constant 0 : i32
        %dma_start3A_777 = tpu.memref_slice %arg2[%dma_start3A_775, %dma_start3A_776] : memref<10240x16xf32, #tpu.memory_space<hbm>> -> memref<10240x16xf32, #tpu.memory_space<hbm>>
        tpu.enqueue_indirect_dma source(%dma_start3A_777 : memref<10240x16xf32, #tpu.memory_space<hbm>>) target(%dma_start3A_771 : memref<128x16xf32, #tpu.memory_space<vmem>>) offsets(%dma_start3A_774 : memref<128xi32, #tpu.memory_space<vmem>>) semaphore(%arg11 : memref<!tpu.dma_semaphore, #tpu.memory_space<semaphore_mem>>)
      } else {
      }
      %mul3A_651 = arith.constant 4 : i32
      %mul3A_652 = arith.muli %mul3A_651, %scan3A_614 : i32
      %add3A_653 = arith.constant 1 : i32
      %add3A_654 = arith.addi %mul3A_652, %add3A_653 : i32
      %dma_wait3A_655 = arith.constant 1 : i32
      %dma_wait3A_656 = arith.constant 0 : i32
      %dma_wait3A_657 = arith.constant 0 : i32
      %dma_wait3A_658 = tpu.memref_slice %arg8[%dma_wait3A_655, %dma_wait3A_656, %dma_wait3A_657] : memref<4x128x16xf32, #tpu.memory_space<vmem>> -> memref<1x128x16xf32, #tpu.memory_space<vmem>>
      %dma_wait3A_659 = tpu.memref_squeeze %dma_wait3A_658 : memref<1x128x16xf32, #tpu.memory_space<vmem>> -> memref<128x16xf32, #tpu.memory_space<vmem>>
      %dma_wait3A_660 = arith.constant 0 : i32
      %dma_wait3A_661 = tpu.memref_slice %arg6[%add3A_654, %dma_wait3A_660] : memref<80x128xi32, #tpu.memory_space<vmem>> -> memref<1x128xi32, #tpu.memory_space<vmem>>
      %dma_wait3A_662 = tpu.memref_squeeze %dma_wait3A_661 : memref<1x128xi32, #tpu.memory_space<vmem>> -> memref<128xi32, #tpu.memory_space<vmem>>
      %dma_wait3A_663 = arith.constant 0 : i32
      %dma_wait3A_664 = arith.constant 0 : i32
      %dma_wait3A_665 = tpu.memref_slice %arg2[%dma_wait3A_663, %dma_wait3A_664] : memref<10240x16xf32, #tpu.memory_space<hbm>> -> memref<10240x16xf32, #tpu.memory_space<hbm>>
      tpu.wait_indirect_dma semaphore(%arg12 : memref<!tpu.dma_semaphore, #tpu.memory_space<semaphore_mem>>) src(%dma_wait3A_665 : memref<10240x16xf32, #tpu.memory_space<hbm>>) dst(%dma_wait3A_659 : memref<128x16xf32, #tpu.memory_space<vmem>>)
      %ge3A_666 = arith.constant 4 : i32
      %ge3A_667 = arith.cmpi sge, %add3A_654, %ge3A_666 : i32
      %convert_element_type3A_668 = arith.extui %ge3A_667 : i1 to i32
      %cond3A_669 = arith.constant 0 : i32
      %cond3A_670 = arith.cmpi ne, %convert_element_type3A_668, %cond3A_669 : i32
      scf.if %cond3A_670 {
        %sub3A = arith.constant 4 : i32
        %sub3A_765 = arith.subi %add3A_654, %sub3A : i32
        %dma_wait3A_766 = arith.constant 1 : i32
        %dma_wait3A_767 = arith.constant 0 : i32
        %dma_wait3A_768 = arith.constant 0 : i32
        %dma_wait3A_769 = tpu.memref_slice %arg8[%dma_wait3A_766, %dma_wait3A_767, %dma_wait3A_768] : memref<4x128x16xf32, #tpu.memory_space<vmem>> -> memref<1x128x16xf32, #tpu.memory_space<vmem>>
        %dma_wait3A_770 = tpu.memref_squeeze %dma_wait3A_769 : memref<1x128x16xf32, #tpu.memory_space<vmem>> -> memref<128x16xf32, #tpu.memory_space<vmem>>
        %dma_wait3A_771 = arith.constant 0 : i32
        %dma_wait3A_772 = tpu.memref_slice %arg7[%sub3A_765, %dma_wait3A_771] : memref<80x128xi32, #tpu.memory_space<vmem>> -> memref<1x128xi32, #tpu.memory_space<vmem>>
        %dma_wait3A_773 = tpu.memref_squeeze %dma_wait3A_772 : memref<1x128xi32, #tpu.memory_space<vmem>> -> memref<128xi32, #tpu.memory_space<vmem>>
        %dma_wait3A_774 = arith.constant 0 : i32
        %dma_wait3A_775 = arith.constant 0 : i32
        %dma_wait3A_776 = tpu.memref_slice %arg10[%dma_wait3A_774, %dma_wait3A_775] : memref<10240x16xf32, #tpu.memory_space<vmem_shared>> -> memref<10240x16xf32, #tpu.memory_space<vmem_shared>>
        tpu.wait_indirect_dma semaphore(%arg16 : memref<!tpu.dma_semaphore, #tpu.memory_space<semaphore_mem>>) src(%dma_wait3A_770 : memref<128x16xf32, #tpu.memory_space<vmem>>) dst(%dma_wait3A_776 : memref<10240x16xf32, #tpu.memory_space<vmem_shared>>)
      } else {
      }
      %dma_start3A_671 = arith.constant 1 : i32
      %dma_start3A_672 = arith.constant 0 : i32
      %dma_start3A_673 = arith.constant 0 : i32
      %dma_start3A_674 = tpu.memref_slice %arg8[%dma_start3A_671, %dma_start3A_672, %dma_start3A_673] : memref<4x128x16xf32, #tpu.memory_space<vmem>> -> memref<1x128x16xf32, #tpu.memory_space<vmem>>
      %dma_start3A_675 = tpu.memref_squeeze %dma_start3A_674 : memref<1x128x16xf32, #tpu.memory_space<vmem>> -> memref<128x16xf32, #tpu.memory_space<vmem>>
      %dma_start3A_676 = arith.constant 0 : i32
      %dma_start3A_677 = tpu.memref_slice %arg7[%add3A_654, %dma_start3A_676] : memref<80x128xi32, #tpu.memory_space<vmem>> -> memref<1x128xi32, #tpu.memory_space<vmem>>
      %dma_start3A_678 = tpu.memref_squeeze %dma_start3A_677 : memref<1x128xi32, #tpu.memory_space<vmem>> -> memref<128xi32, #tpu.memory_space<vmem>>
      %dma_start3A_679 = arith.constant 0 : i32
      %dma_start3A_680 = arith.constant 0 : i32
      %dma_start3A_681 = tpu.memref_slice %arg10[%dma_start3A_679, %dma_start3A_680] : memref<10240x16xf32, #tpu.memory_space<vmem_shared>> -> memref<10240x16xf32, #tpu.memory_space<vmem_shared>>
      tpu.enqueue_indirect_dma source(%dma_start3A_675 : memref<128x16xf32, #tpu.memory_space<vmem>>) target(%dma_start3A_681 : memref<10240x16xf32, #tpu.memory_space<vmem_shared>>) offsets(%dma_start3A_678 : memref<128xi32, #tpu.memory_space<vmem>>) semaphore(%arg16 : memref<!tpu.dma_semaphore, #tpu.memory_space<semaphore_mem>>) {add = true}
      %add3A_682 = arith.constant 4 : i32
      %add3A_683 = arith.addi %add3A_654, %add3A_682 : i32
      %lt3A_684 = arith.constant 80 : i32
      %lt3A_685 = arith.cmpi slt, %add3A_683, %lt3A_684 : i32
      %convert_element_type3A_686 = arith.extui %lt3A_685 : i1 to i32
      %cond3A_687 = arith.constant 0 : i32
      %cond3A_688 = arith.cmpi ne, %convert_element_type3A_686, %cond3A_687 : i32
      scf.if %cond3A_688 {
        %add3A_765 = arith.constant 4 : i32
        %add3A_766 = arith.addi %add3A_654, %add3A_765 : i32
        %dma_start3A_767 = arith.constant 1 : i32
        %dma_start3A_768 = arith.constant 0 : i32
        %dma_start3A_769 = arith.constant 0 : i32
        %dma_start3A_770 = tpu.memref_slice %arg8[%dma_start3A_767, %dma_start3A_768, %dma_start3A_769] : memref<4x128x16xf32, #tpu.memory_space<vmem>> -> memref<1x128x16xf32, #tpu.memory_space<vmem>>
        %dma_start3A_771 = tpu.memref_squeeze %dma_start3A_770 : memref<1x128x16xf32, #tpu.memory_space<vmem>> -> memref<128x16xf32, #tpu.memory_space<vmem>>
        %dma_start3A_772 = arith.constant 0 : i32
        %dma_start3A_773 = tpu.memref_slice %arg6[%add3A_766, %dma_start3A_772] : memref<80x128xi32, #tpu.memory_space<vmem>> -> memref<1x128xi32, #tpu.memory_space<vmem>>
        %dma_start3A_774 = tpu.memref_squeeze %dma_start3A_773 : memref<1x128xi32, #tpu.memory_space<vmem>> -> memref<128xi32, #tpu.memory_space<vmem>>
        %dma_start3A_775 = arith.constant 0 : i32
        %dma_start3A_776 = arith.constant 0 : i32
        %dma_start3A_777 = tpu.memref_slice %arg2[%dma_start3A_775, %dma_start3A_776] : memref<10240x16xf32, #tpu.memory_space<hbm>> -> memref<10240x16xf32, #tpu.memory_space<hbm>>
        tpu.enqueue_indirect_dma source(%dma_start3A_777 : memref<10240x16xf32, #tpu.memory_space<hbm>>) target(%dma_start3A_771 : memref<128x16xf32, #tpu.memory_space<vmem>>) offsets(%dma_start3A_774 : memref<128xi32, #tpu.memory_space<vmem>>) semaphore(%arg12 : memref<!tpu.dma_semaphore, #tpu.memory_space<semaphore_mem>>)
      } else {
      }
      %mul3A_689 = arith.constant 4 : i32
      %mul3A_690 = arith.muli %mul3A_689, %scan3A_614 : i32
      %add3A_691 = arith.constant 2 : i32
      %add3A_692 = arith.addi %mul3A_690, %add3A_691 : i32
      %dma_wait3A_693 = arith.constant 2 : i32
      %dma_wait3A_694 = arith.constant 0 : i32
      %dma_wait3A_695 = arith.constant 0 : i32
      %dma_wait3A_696 = tpu.memref_slice %arg8[%dma_wait3A_693, %dma_wait3A_694, %dma_wait3A_695] : memref<4x128x16xf32, #tpu.memory_space<vmem>> -> memref<1x128x16xf32, #tpu.memory_space<vmem>>
      %dma_wait3A_697 = tpu.memref_squeeze %dma_wait3A_696 : memref<1x128x16xf32, #tpu.memory_space<vmem>> -> memref<128x16xf32, #tpu.memory_space<vmem>>
      %dma_wait3A_698 = arith.constant 0 : i32
      %dma_wait3A_699 = tpu.memref_slice %arg6[%add3A_692, %dma_wait3A_698] : memref<80x128xi32, #tpu.memory_space<vmem>> -> memref<1x128xi32, #tpu.memory_space<vmem>>
      %dma_wait3A_700 = tpu.memref_squeeze %dma_wait3A_699 : memref<1x128xi32, #tpu.memory_space<vmem>> -> memref<128xi32, #tpu.memory_space<vmem>>
      %dma_wait3A_701 = arith.constant 0 : i32
      %dma_wait3A_702 = arith.constant 0 : i32
      %dma_wait3A_703 = tpu.memref_slice %arg2[%dma_wait3A_701, %dma_wait3A_702] : memref<10240x16xf32, #tpu.memory_space<hbm>> -> memref<10240x16xf32, #tpu.memory_space<hbm>>
      tpu.wait_indirect_dma semaphore(%arg13 : memref<!tpu.dma_semaphore, #tpu.memory_space<semaphore_mem>>) src(%dma_wait3A_703 : memref<10240x16xf32, #tpu.memory_space<hbm>>) dst(%dma_wait3A_697 : memref<128x16xf32, #tpu.memory_space<vmem>>)
      %ge3A_704 = arith.constant 4 : i32
      %ge3A_705 = arith.cmpi sge, %add3A_692, %ge3A_704 : i32
      %convert_element_type3A_706 = arith.extui %ge3A_705 : i1 to i32
      %cond3A_707 = arith.constant 0 : i32
      %cond3A_708 = arith.cmpi ne, %convert_element_type3A_706, %cond3A_707 : i32
      scf.if %cond3A_708 {
        %sub3A = arith.constant 4 : i32
        %sub3A_765 = arith.subi %add3A_692, %sub3A : i32
        %dma_wait3A_766 = arith.constant 2 : i32
        %dma_wait3A_767 = arith.constant 0 : i32
        %dma_wait3A_768 = arith.constant 0 : i32
        %dma_wait3A_769 = tpu.memref_slice %arg8[%dma_wait3A_766, %dma_wait3A_767, %dma_wait3A_768] : memref<4x128x16xf32, #tpu.memory_space<vmem>> -> memref<1x128x16xf32, #tpu.memory_space<vmem>>
        %dma_wait3A_770 = tpu.memref_squeeze %dma_wait3A_769 : memref<1x128x16xf32, #tpu.memory_space<vmem>> -> memref<128x16xf32, #tpu.memory_space<vmem>>
        %dma_wait3A_771 = arith.constant 0 : i32
        %dma_wait3A_772 = tpu.memref_slice %arg7[%sub3A_765, %dma_wait3A_771] : memref<80x128xi32, #tpu.memory_space<vmem>> -> memref<1x128xi32, #tpu.memory_space<vmem>>
        %dma_wait3A_773 = tpu.memref_squeeze %dma_wait3A_772 : memref<1x128xi32, #tpu.memory_space<vmem>> -> memref<128xi32, #tpu.memory_space<vmem>>
        %dma_wait3A_774 = arith.constant 0 : i32
        %dma_wait3A_775 = arith.constant 0 : i32
        %dma_wait3A_776 = tpu.memref_slice %arg10[%dma_wait3A_774, %dma_wait3A_775] : memref<10240x16xf32, #tpu.memory_space<vmem_shared>> -> memref<10240x16xf32, #tpu.memory_space<vmem_shared>>
        tpu.wait_indirect_dma semaphore(%arg17 : memref<!tpu.dma_semaphore, #tpu.memory_space<semaphore_mem>>) src(%dma_wait3A_770 : memref<128x16xf32, #tpu.memory_space<vmem>>) dst(%dma_wait3A_776 : memref<10240x16xf32, #tpu.memory_space<vmem_shared>>)
      } else {
      }
      %dma_start3A_709 = arith.constant 2 : i32
      %dma_start3A_710 = arith.constant 0 : i32
      %dma_start3A_711 = arith.constant 0 : i32
      %dma_start3A_712 = tpu.memref_slice %arg8[%dma_start3A_709, %dma_start3A_710, %dma_start3A_711] : memref<4x128x16xf32, #tpu.memory_space<vmem>> -> memref<1x128x16xf32, #tpu.memory_space<vmem>>
      %dma_start3A_713 = tpu.memref_squeeze %dma_start3A_712 : memref<1x128x16xf32, #tpu.memory_space<vmem>> -> memref<128x16xf32, #tpu.memory_space<vmem>>
      %dma_start3A_714 = arith.constant 0 : i32
      %dma_start3A_715 = tpu.memref_slice %arg7[%add3A_692, %dma_start3A_714] : memref<80x128xi32, #tpu.memory_space<vmem>> -> memref<1x128xi32, #tpu.memory_space<vmem>>
      %dma_start3A_716 = tpu.memref_squeeze %dma_start3A_715 : memref<1x128xi32, #tpu.memory_space<vmem>> -> memref<128xi32, #tpu.memory_space<vmem>>
      %dma_start3A_717 = arith.constant 0 : i32
      %dma_start3A_718 = arith.constant 0 : i32
      %dma_start3A_719 = tpu.memref_slice %arg10[%dma_start3A_717, %dma_start3A_718] : memref<10240x16xf32, #tpu.memory_space<vmem_shared>> -> memref<10240x16xf32, #tpu.memory_space<vmem_shared>>
      tpu.enqueue_indirect_dma source(%dma_start3A_713 : memref<128x16xf32, #tpu.memory_space<vmem>>) target(%dma_start3A_719 : memref<10240x16xf32, #tpu.memory_space<vmem_shared>>) offsets(%dma_start3A_716 : memref<128xi32, #tpu.memory_space<vmem>>) semaphore(%arg17 : memref<!tpu.dma_semaphore, #tpu.memory_space<semaphore_mem>>) {add = true}
      %add3A_720 = arith.constant 4 : i32
      %add3A_721 = arith.addi %add3A_692, %add3A_720 : i32
      %lt3A_722 = arith.constant 80 : i32
      %lt3A_723 = arith.cmpi slt, %add3A_721, %lt3A_722 : i32
      %convert_element_type3A_724 = arith.extui %lt3A_723 : i1 to i32
      %cond3A_725 = arith.constant 0 : i32
      %cond3A_726 = arith.cmpi ne, %convert_element_type3A_724, %cond3A_725 : i32
      scf.if %cond3A_726 {
        %add3A_765 = arith.constant 4 : i32
        %add3A_766 = arith.addi %add3A_692, %add3A_765 : i32
        %dma_start3A_767 = arith.constant 2 : i32
        %dma_start3A_768 = arith.constant 0 : i32
        %dma_start3A_769 = arith.constant 0 : i32
        %dma_start3A_770 = tpu.memref_slice %arg8[%dma_start3A_767, %dma_start3A_768, %dma_start3A_769] : memref<4x128x16xf32, #tpu.memory_space<vmem>> -> memref<1x128x16xf32, #tpu.memory_space<vmem>>
        %dma_start3A_771 = tpu.memref_squeeze %dma_start3A_770 : memref<1x128x16xf32, #tpu.memory_space<vmem>> -> memref<128x16xf32, #tpu.memory_space<vmem>>
        %dma_start3A_772 = arith.constant 0 : i32
        %dma_start3A_773 = tpu.memref_slice %arg6[%add3A_766, %dma_start3A_772] : memref<80x128xi32, #tpu.memory_space<vmem>> -> memref<1x128xi32, #tpu.memory_space<vmem>>
        %dma_start3A_774 = tpu.memref_squeeze %dma_start3A_773 : memref<1x128xi32, #tpu.memory_space<vmem>> -> memref<128xi32, #tpu.memory_space<vmem>>
        %dma_start3A_775 = arith.constant 0 : i32
        %dma_start3A_776 = arith.constant 0 : i32
        %dma_start3A_777 = tpu.memref_slice %arg2[%dma_start3A_775, %dma_start3A_776] : memref<10240x16xf32, #tpu.memory_space<hbm>> -> memref<10240x16xf32, #tpu.memory_space<hbm>>
        tpu.enqueue_indirect_dma source(%dma_start3A_777 : memref<10240x16xf32, #tpu.memory_space<hbm>>) target(%dma_start3A_771 : memref<128x16xf32, #tpu.memory_space<vmem>>) offsets(%dma_start3A_774 : memref<128xi32, #tpu.memory_space<vmem>>) semaphore(%arg13 : memref<!tpu.dma_semaphore, #tpu.memory_space<semaphore_mem>>)
      } else {
      }
      %mul3A_727 = arith.constant 4 : i32
      %mul3A_728 = arith.muli %mul3A_727, %scan3A_614 : i32
      %add3A_729 = arith.constant 3 : i32
      %add3A_730 = arith.addi %mul3A_728, %add3A_729 : i32
      %dma_wait3A_731 = arith.constant 3 : i32
      %dma_wait3A_732 = arith.constant 0 : i32
      %dma_wait3A_733 = arith.constant 0 : i32
      %dma_wait3A_734 = tpu.memref_slice %arg8[%dma_wait3A_731, %dma_wait3A_732, %dma_wait3A_733] : memref<4x128x16xf32, #tpu.memory_space<vmem>> -> memref<1x128x16xf32, #tpu.memory_space<vmem>>
      %dma_wait3A_735 = tpu.memref_squeeze %dma_wait3A_734 : memref<1x128x16xf32, #tpu.memory_space<vmem>> -> memref<128x16xf32, #tpu.memory_space<vmem>>
      %dma_wait3A_736 = arith.constant 0 : i32
      %dma_wait3A_737 = tpu.memref_slice %arg6[%add3A_730, %dma_wait3A_736] : memref<80x128xi32, #tpu.memory_space<vmem>> -> memref<1x128xi32, #tpu.memory_space<vmem>>
      %dma_wait3A_738 = tpu.memref_squeeze %dma_wait3A_737 : memref<1x128xi32, #tpu.memory_space<vmem>> -> memref<128xi32, #tpu.memory_space<vmem>>
      %dma_wait3A_739 = arith.constant 0 : i32
      %dma_wait3A_740 = arith.constant 0 : i32
      %dma_wait3A_741 = tpu.memref_slice %arg2[%dma_wait3A_739, %dma_wait3A_740] : memref<10240x16xf32, #tpu.memory_space<hbm>> -> memref<10240x16xf32, #tpu.memory_space<hbm>>
      tpu.wait_indirect_dma semaphore(%arg14 : memref<!tpu.dma_semaphore, #tpu.memory_space<semaphore_mem>>) src(%dma_wait3A_741 : memref<10240x16xf32, #tpu.memory_space<hbm>>) dst(%dma_wait3A_735 : memref<128x16xf32, #tpu.memory_space<vmem>>)
      %ge3A_742 = arith.constant 4 : i32
      %ge3A_743 = arith.cmpi sge, %add3A_730, %ge3A_742 : i32
      %convert_element_type3A_744 = arith.extui %ge3A_743 : i1 to i32
      %cond3A_745 = arith.constant 0 : i32
      %cond3A_746 = arith.cmpi ne, %convert_element_type3A_744, %cond3A_745 : i32
      scf.if %cond3A_746 {
        %sub3A = arith.constant 4 : i32
        %sub3A_765 = arith.subi %add3A_730, %sub3A : i32
        %dma_wait3A_766 = arith.constant 3 : i32
        %dma_wait3A_767 = arith.constant 0 : i32
        %dma_wait3A_768 = arith.constant 0 : i32
        %dma_wait3A_769 = tpu.memref_slice %arg8[%dma_wait3A_766, %dma_wait3A_767, %dma_wait3A_768] : memref<4x128x16xf32, #tpu.memory_space<vmem>> -> memref<1x128x16xf32, #tpu.memory_space<vmem>>
        %dma_wait3A_770 = tpu.memref_squeeze %dma_wait3A_769 : memref<1x128x16xf32, #tpu.memory_space<vmem>> -> memref<128x16xf32, #tpu.memory_space<vmem>>
        %dma_wait3A_771 = arith.constant 0 : i32
        %dma_wait3A_772 = tpu.memref_slice %arg7[%sub3A_765, %dma_wait3A_771] : memref<80x128xi32, #tpu.memory_space<vmem>> -> memref<1x128xi32, #tpu.memory_space<vmem>>
        %dma_wait3A_773 = tpu.memref_squeeze %dma_wait3A_772 : memref<1x128xi32, #tpu.memory_space<vmem>> -> memref<128xi32, #tpu.memory_space<vmem>>
        %dma_wait3A_774 = arith.constant 0 : i32
        %dma_wait3A_775 = arith.constant 0 : i32
        %dma_wait3A_776 = tpu.memref_slice %arg10[%dma_wait3A_774, %dma_wait3A_775] : memref<10240x16xf32, #tpu.memory_space<vmem_shared>> -> memref<10240x16xf32, #tpu.memory_space<vmem_shared>>
        tpu.wait_indirect_dma semaphore(%arg18 : memref<!tpu.dma_semaphore, #tpu.memory_space<semaphore_mem>>) src(%dma_wait3A_770 : memref<128x16xf32, #tpu.memory_space<vmem>>) dst(%dma_wait3A_776 : memref<10240x16xf32, #tpu.memory_space<vmem_shared>>)
      } else {
      }
      %dma_start3A_747 = arith.constant 3 : i32
      %dma_start3A_748 = arith.constant 0 : i32
      %dma_start3A_749 = arith.constant 0 : i32
      %dma_start3A_750 = tpu.memref_slice %arg8[%dma_start3A_747, %dma_start3A_748, %dma_start3A_749] : memref<4x128x16xf32, #tpu.memory_space<vmem>> -> memref<1x128x16xf32, #tpu.memory_space<vmem>>
      %dma_start3A_751 = tpu.memref_squeeze %dma_start3A_750 : memref<1x128x16xf32, #tpu.memory_space<vmem>> -> memref<128x16xf32, #tpu.memory_space<vmem>>
      %dma_start3A_752 = arith.constant 0 : i32
      %dma_start3A_753 = tpu.memref_slice %arg7[%add3A_730, %dma_start3A_752] : memref<80x128xi32, #tpu.memory_space<vmem>> -> memref<1x128xi32, #tpu.memory_space<vmem>>
      %dma_start3A_754 = tpu.memref_squeeze %dma_start3A_753 : memref<1x128xi32, #tpu.memory_space<vmem>> -> memref<128xi32, #tpu.memory_space<vmem>>
      %dma_start3A_755 = arith.constant 0 : i32
      %dma_start3A_756 = arith.constant 0 : i32
      %dma_start3A_757 = tpu.memref_slice %arg10[%dma_start3A_755, %dma_start3A_756] : memref<10240x16xf32, #tpu.memory_space<vmem_shared>> -> memref<10240x16xf32, #tpu.memory_space<vmem_shared>>
      tpu.enqueue_indirect_dma source(%dma_start3A_751 : memref<128x16xf32, #tpu.memory_space<vmem>>) target(%dma_start3A_757 : memref<10240x16xf32, #tpu.memory_space<vmem_shared>>) offsets(%dma_start3A_754 : memref<128xi32, #tpu.memory_space<vmem>>) semaphore(%arg18 : memref<!tpu.dma_semaphore, #tpu.memory_space<semaphore_mem>>) {add = true}
      %add3A_758 = arith.constant 4 : i32
      %add3A_759 = arith.addi %add3A_730, %add3A_758 : i32
      %lt3A_760 = arith.constant 80 : i32
      %lt3A_761 = arith.cmpi slt, %add3A_759, %lt3A_760 : i32
      %convert_element_type3A_762 = arith.extui %lt3A_761 : i1 to i32
      %cond3A_763 = arith.constant 0 : i32
      %cond3A_764 = arith.cmpi ne, %convert_element_type3A_762, %cond3A_763 : i32
      scf.if %cond3A_764 {
        %add3A_765 = arith.constant 4 : i32
        %add3A_766 = arith.addi %add3A_730, %add3A_765 : i32
        %dma_start3A_767 = arith.constant 3 : i32
        %dma_start3A_768 = arith.constant 0 : i32
        %dma_start3A_769 = arith.constant 0 : i32
        %dma_start3A_770 = tpu.memref_slice %arg8[%dma_start3A_767, %dma_start3A_768, %dma_start3A_769] : memref<4x128x16xf32, #tpu.memory_space<vmem>> -> memref<1x128x16xf32, #tpu.memory_space<vmem>>
        %dma_start3A_771 = tpu.memref_squeeze %dma_start3A_770 : memref<1x128x16xf32, #tpu.memory_space<vmem>> -> memref<128x16xf32, #tpu.memory_space<vmem>>
        %dma_start3A_772 = arith.constant 0 : i32
        %dma_start3A_773 = tpu.memref_slice %arg6[%add3A_766, %dma_start3A_772] : memref<80x128xi32, #tpu.memory_space<vmem>> -> memref<1x128xi32, #tpu.memory_space<vmem>>
        %dma_start3A_774 = tpu.memref_squeeze %dma_start3A_773 : memref<1x128xi32, #tpu.memory_space<vmem>> -> memref<128xi32, #tpu.memory_space<vmem>>
        %dma_start3A_775 = arith.constant 0 : i32
        %dma_start3A_776 = arith.constant 0 : i32
        %dma_start3A_777 = tpu.memref_slice %arg2[%dma_start3A_775, %dma_start3A_776] : memref<10240x16xf32, #tpu.memory_space<hbm>> -> memref<10240x16xf32, #tpu.memory_space<hbm>>
        tpu.enqueue_indirect_dma source(%dma_start3A_777 : memref<10240x16xf32, #tpu.memory_space<hbm>>) target(%dma_start3A_771 : memref<128x16xf32, #tpu.memory_space<vmem>>) offsets(%dma_start3A_774 : memref<128xi32, #tpu.memory_space<vmem>>) semaphore(%arg14 : memref<!tpu.dma_semaphore, #tpu.memory_space<semaphore_mem>>)
      } else {
      }
    }
    %scan3A_563 = arith.constant 20 : i32
    %dma_wait3A = arith.constant 0 : i32
    %dma_wait3A_564 = arith.constant 0 : i32
    %dma_wait3A_565 = arith.constant 0 : i32
    %dma_wait3A_566 = arith.constant 0 : i32
    %dma_wait3A_567 = tpu.memref_slice %arg8[%dma_wait3A, %dma_wait3A_565, %dma_wait3A_566] : memref<4x128x16xf32, #tpu.memory_space<vmem>> -> memref<1x128x16xf32, #tpu.memory_space<vmem>>
    %dma_wait3A_568 = tpu.memref_squeeze %dma_wait3A_567 : memref<1x128x16xf32, #tpu.memory_space<vmem>> -> memref<128x16xf32, #tpu.memory_space<vmem>>
    %dma_wait3A_569 = arith.constant 0 : i32
    %dma_wait3A_570 = tpu.memref_slice %arg7[%dma_wait3A_564, %dma_wait3A_569] : memref<80x128xi32, #tpu.memory_space<vmem>> -> memref<1x128xi32, #tpu.memory_space<vmem>>
    %dma_wait3A_571 = tpu.memref_squeeze %dma_wait3A_570 : memref<1x128xi32, #tpu.memory_space<vmem>> -> memref<128xi32, #tpu.memory_space<vmem>>
    %dma_wait3A_572 = arith.constant 0 : i32
    %dma_wait3A_573 = arith.constant 0 : i32
    %dma_wait3A_574 = tpu.memref_slice %arg10[%dma_wait3A_572, %dma_wait3A_573] : memref<10240x16xf32, #tpu.memory_space<vmem_shared>> -> memref<10240x16xf32, #tpu.memory_space<vmem_shared>>
    tpu.wait_indirect_dma semaphore(%arg15 : memref<!tpu.dma_semaphore, #tpu.memory_space<semaphore_mem>>) src(%dma_wait3A_568 : memref<128x16xf32, #tpu.memory_space<vmem>>) dst(%dma_wait3A_574 : memref<10240x16xf32, #tpu.memory_space<vmem_shared>>)
    %dma_wait3A_575 = arith.constant 1 : i32
    %dma_wait3A_576 = arith.constant 0 : i32
    %dma_wait3A_577 = arith.constant 0 : i32
    %dma_wait3A_578 = arith.constant 0 : i32
    %dma_wait3A_579 = tpu.memref_slice %arg8[%dma_wait3A_575, %dma_wait3A_577, %dma_wait3A_578] : memref<4x128x16xf32, #tpu.memory_space<vmem>> -> memref<1x128x16xf32, #tpu.memory_space<vmem>>
    %dma_wait3A_580 = tpu.memref_squeeze %dma_wait3A_579 : memref<1x128x16xf32, #tpu.memory_space<vmem>> -> memref<128x16xf32, #tpu.memory_space<vmem>>
    %dma_wait3A_581 = arith.constant 0 : i32
    %dma_wait3A_582 = tpu.memref_slice %arg7[%dma_wait3A_576, %dma_wait3A_581] : memref<80x128xi32, #tpu.memory_space<vmem>> -> memref<1x128xi32, #tpu.memory_space<vmem>>
    %dma_wait3A_583 = tpu.memref_squeeze %dma_wait3A_582 : memref<1x128xi32, #tpu.memory_space<vmem>> -> memref<128xi32, #tpu.memory_space<vmem>>
    %dma_wait3A_584 = arith.constant 0 : i32
    %dma_wait3A_585 = arith.constant 0 : i32
    %dma_wait3A_586 = tpu.memref_slice %arg10[%dma_wait3A_584, %dma_wait3A_585] : memref<10240x16xf32, #tpu.memory_space<vmem_shared>> -> memref<10240x16xf32, #tpu.memory_space<vmem_shared>>
    tpu.wait_indirect_dma semaphore(%arg16 : memref<!tpu.dma_semaphore, #tpu.memory_space<semaphore_mem>>) src(%dma_wait3A_580 : memref<128x16xf32, #tpu.memory_space<vmem>>) dst(%dma_wait3A_586 : memref<10240x16xf32, #tpu.memory_space<vmem_shared>>)
    %dma_wait3A_587 = arith.constant 2 : i32
    %dma_wait3A_588 = arith.constant 0 : i32
    %dma_wait3A_589 = arith.constant 0 : i32
    %dma_wait3A_590 = arith.constant 0 : i32
    %dma_wait3A_591 = tpu.memref_slice %arg8[%dma_wait3A_587, %dma_wait3A_589, %dma_wait3A_590] : memref<4x128x16xf32, #tpu.memory_space<vmem>> -> memref<1x128x16xf32, #tpu.memory_space<vmem>>
    %dma_wait3A_592 = tpu.memref_squeeze %dma_wait3A_591 : memref<1x128x16xf32, #tpu.memory_space<vmem>> -> memref<128x16xf32, #tpu.memory_space<vmem>>
    %dma_wait3A_593 = arith.constant 0 : i32
    %dma_wait3A_594 = tpu.memref_slice %arg7[%dma_wait3A_588, %dma_wait3A_593] : memref<80x128xi32, #tpu.memory_space<vmem>> -> memref<1x128xi32, #tpu.memory_space<vmem>>
    %dma_wait3A_595 = tpu.memref_squeeze %dma_wait3A_594 : memref<1x128xi32, #tpu.memory_space<vmem>> -> memref<128xi32, #tpu.memory_space<vmem>>
    %dma_wait3A_596 = arith.constant 0 : i32
    %dma_wait3A_597 = arith.constant 0 : i32
    %dma_wait3A_598 = tpu.memref_slice %arg10[%dma_wait3A_596, %dma_wait3A_597] : memref<10240x16xf32, #tpu.memory_space<vmem_shared>> -> memref<10240x16xf32, #tpu.memory_space<vmem_shared>>
    tpu.wait_indirect_dma semaphore(%arg17 : memref<!tpu.dma_semaphore, #tpu.memory_space<semaphore_mem>>) src(%dma_wait3A_592 : memref<128x16xf32, #tpu.memory_space<vmem>>) dst(%dma_wait3A_598 : memref<10240x16xf32, #tpu.memory_space<vmem_shared>>)
    %dma_wait3A_599 = arith.constant 3 : i32
    %dma_wait3A_600 = arith.constant 0 : i32
    %dma_wait3A_601 = arith.constant 0 : i32
    %dma_wait3A_602 = arith.constant 0 : i32
    %dma_wait3A_603 = tpu.memref_slice %arg8[%dma_wait3A_599, %dma_wait3A_601, %dma_wait3A_602] : memref<4x128x16xf32, #tpu.memory_space<vmem>> -> memref<1x128x16xf32, #tpu.memory_space<vmem>>
    %dma_wait3A_604 = tpu.memref_squeeze %dma_wait3A_603 : memref<1x128x16xf32, #tpu.memory_space<vmem>> -> memref<128x16xf32, #tpu.memory_space<vmem>>
    %dma_wait3A_605 = arith.constant 0 : i32
    %dma_wait3A_606 = tpu.memref_slice %arg7[%dma_wait3A_600, %dma_wait3A_605] : memref<80x128xi32, #tpu.memory_space<vmem>> -> memref<1x128xi32, #tpu.memory_space<vmem>>
    %dma_wait3A_607 = tpu.memref_squeeze %dma_wait3A_606 : memref<1x128xi32, #tpu.memory_space<vmem>> -> memref<128xi32, #tpu.memory_space<vmem>>
    %dma_wait3A_608 = arith.constant 0 : i32
    %dma_wait3A_609 = arith.constant 0 : i32
    %dma_wait3A_610 = tpu.memref_slice %arg10[%dma_wait3A_608, %dma_wait3A_609] : memref<10240x16xf32, #tpu.memory_space<vmem_shared>> -> memref<10240x16xf32, #tpu.memory_space<vmem_shared>>
    tpu.wait_indirect_dma semaphore(%arg18 : memref<!tpu.dma_semaphore, #tpu.memory_space<semaphore_mem>>) src(%dma_wait3A_604 : memref<128x16xf32, #tpu.memory_space<vmem>>) dst(%dma_wait3A_610 : memref<10240x16xf32, #tpu.memory_space<vmem_shared>>)
    %barrier3A_611 = arith.constant 0 : index
    tpu.barrier barrier_id(%barrier3A_611)
    %eq3A = arith.constant 0 : i32
    %eq3A_612 = arith.cmpi eq, %arg1, %eq3A : i32
    %convert_element_type3A = arith.extui %eq3A_612 : i1 to i32
    %cond3A = arith.constant 0 : i32
    %cond3A_613 = arith.cmpi ne, %convert_element_type3A, %cond3A : i32
    scf.if %cond3A_613 {
      "tpu.region"() ({
        %run_scoped3A = tpu.sem_alloc : memref<!tpu.dma_semaphore, #tpu.memory_space<semaphore_mem>>
        %dma_start3A_614 = arith.constant 0 : i32
        %dma_start3A_615 = arith.constant 0 : i32
        %dma_start3A_616 = tpu.memref_slice %arg5[%arg0, %dma_start3A_614, %dma_start3A_615] : memref<2x10240x16xf32, #tpu.memory_space<hbm>> -> memref<1x10240x16xf32, #tpu.memory_space<hbm>>
        %dma_start3A_617 = tpu.memref_squeeze %dma_start3A_616 : memref<1x10240x16xf32, #tpu.memory_space<hbm>> -> memref<10240x16xf32, #tpu.memory_space<hbm>>
        tpu.enqueue_dma source(%arg10 : memref<10240x16xf32, #tpu.memory_space<vmem_shared>>) target(%dma_start3A_617 : memref<10240x16xf32, #tpu.memory_space<hbm>>) target_semaphore(%run_scoped3A : memref<!tpu.dma_semaphore, #tpu.memory_space<semaphore_mem>>)
        %dma_wait3A_618 = arith.constant 0 : i32
        %dma_wait3A_619 = arith.constant 0 : i32
        %dma_wait3A_620 = tpu.memref_slice %arg5[%arg0, %dma_wait3A_618, %dma_wait3A_619] : memref<2x10240x16xf32, #tpu.memory_space<hbm>> -> memref<1x10240x16xf32, #tpu.memory_space<hbm>>
        %dma_wait3A_621 = tpu.memref_squeeze %dma_wait3A_620 : memref<1x10240x16xf32, #tpu.memory_space<hbm>> -> memref<10240x16xf32, #tpu.memory_space<hbm>>
        tpu.wait_dma2 semaphore(%run_scoped3A : memref<!tpu.dma_semaphore, #tpu.memory_space<semaphore_mem>>) src(%arg10 : memref<10240x16xf32, #tpu.memory_space<vmem_shared>>) dst(%dma_wait3A_621 : memref<10240x16xf32, #tpu.memory_space<hbm>>)
        tpu.yield
      }) : () -> ()
    } else {
    }
    return
  }
}

#map = affine_map<(d0, d1) -> (0, 0)>
#map1 = affine_map<(d0, d1) -> (0, 0, 0)>
module attributes {stable_mosaic.version = 14 : i64} {
  func.func @_sc_scatter_body(%arg0: i32, %arg1: i32, %arg2: memref<10240x16xf32, #tpu.memory_space<hbm>>, %arg3: memref<32x80x128xi32, #tpu.memory_space<hbm>>, %arg4: memref<32x80x128xi32, #tpu.memory_space<hbm>>, %arg5: memref<2x10240x16xf32, #tpu.memory_space<hbm>>, %arg6: memref<80x128xi32, #tpu.memory_space<vmem>>, %arg7: memref<80x128xi32, #tpu.memory_space<vmem>>, %arg8: memref<4x128x16xf32, #tpu.memory_space<vmem>>, %arg9: memref<80x16xf32, #tpu.memory_space<vmem>>, %arg10: memref<10240x16xf32, #tpu.memory_space<vmem_shared>>, %arg11: memref<!tpu.dma_semaphore, #tpu.memory_space<semaphore_mem>>, %arg12: memref<!tpu.dma_semaphore, #tpu.memory_space<semaphore_mem>>, %arg13: memref<!tpu.dma_semaphore, #tpu.memory_space<semaphore_mem>>, %arg14: memref<!tpu.dma_semaphore, #tpu.memory_space<semaphore_mem>>, %arg15: memref<!tpu.dma_semaphore, #tpu.memory_space<semaphore_mem>>, %arg16: memref<!tpu.dma_semaphore, #tpu.memory_space<semaphore_mem>>, %arg17: memref<!tpu.dma_semaphore, #tpu.memory_space<semaphore_mem>>, %arg18: memref<!tpu.dma_semaphore, #tpu.memory_space<semaphore_mem>>) attributes {dimension_semantics = [#tpu.dimension_semantics<core_parallel>, #tpu.dimension_semantics<subcore_parallel>], iteration_bounds = array<i64: 2, 16>, scalar_prefetch = 0 : i64, scratch_operands = 13 : i64, tpu.core_type = #tpu.core_type<sc_vector_subcore>, window_params = [{transform_indices = #map}, {transform_indices = #map1}, {transform_indices = #map1}, {transform_indices = #map1}]} {
    %mul3A = arith.constant 2 : i32
    %mul3A_0 = arith.muli %arg1, %mul3A : i32
    %add3A = arith.addi %mul3A_0, %arg0 : i32
    "tpu.region"() ({
      %run_scoped3A = tpu.sem_alloc : memref<!tpu.dma_semaphore, #tpu.memory_space<semaphore_mem>>
      %dma_start3A_614 = arith.constant 0 : i32
      %dma_start3A_615 = arith.constant 0 : i32
      %dma_start3A_616 = tpu.memref_slice %arg3[%add3A, %dma_start3A_614, %dma_start3A_615] : memref<32x80x128xi32, #tpu.memory_space<hbm>> -> memref<1x80x128xi32, #tpu.memory_space<hbm>>
      %dma_start3A_617 = tpu.memref_squeeze %dma_start3A_616 : memref<1x80x128xi32, #tpu.memory_space<hbm>> -> memref<80x128xi32, #tpu.memory_space<hbm>>
      %dma_start3A_618 = arith.constant 0 : i32
      %dma_start3A_619 = arith.constant 0 : i32
      %dma_start3A_620 = tpu.memref_slice %arg3[%add3A, %dma_start3A_618, %dma_start3A_619] : memref<32x80x128xi32, #tpu.memory_space<hbm>> -> memref<1x80x128xi32, #tpu.memory_space<hbm>>
      %dma_start3A_621 = tpu.memref_squeeze %dma_start3A_620 : memref<1x80x128xi32, #tpu.memory_space<hbm>> -> memref<80x128xi32, #tpu.memory_space<hbm>>
      tpu.enqueue_dma source(%dma_start3A_621 : memref<80x128xi32, #tpu.memory_space<hbm>>) target(%arg6 : memref<80x128xi32, #tpu.memory_space<vmem>>) target_semaphore(%run_scoped3A : memref<!tpu.dma_semaphore, #tpu.memory_space<semaphore_mem>>)
      %dma_wait3A_622 = arith.constant 0 : i32
      %dma_wait3A_623 = arith.constant 0 : i32
      %dma_wait3A_624 = tpu.memref_slice %arg3[%add3A, %dma_wait3A_622, %dma_wait3A_623] : memref<32x80x128xi32, #tpu.memory_space<hbm>> -> memref<1x80x128xi32, #tpu.memory_space<hbm>>
      %dma_wait3A_625 = tpu.memref_squeeze %dma_wait3A_624 : memref<1x80x128xi32, #tpu.memory_space<hbm>> -> memref<80x128xi32, #tpu.memory_space<hbm>>
      %dma_wait3A_626 = arith.constant 0 : i32
      %dma_wait3A_627 = arith.constant 0 : i32
      %dma_wait3A_628 = tpu.memref_slice %arg3[%add3A, %dma_wait3A_626, %dma_wait3A_627] : memref<32x80x128xi32, #tpu.memory_space<hbm>> -> memref<1x80x128xi32, #tpu.memory_space<hbm>>
      %dma_wait3A_629 = tpu.memref_squeeze %dma_wait3A_628 : memref<1x80x128xi32, #tpu.memory_space<hbm>> -> memref<80x128xi32, #tpu.memory_space<hbm>>
      tpu.wait_dma2 semaphore(%run_scoped3A : memref<!tpu.dma_semaphore, #tpu.memory_space<semaphore_mem>>) src(%dma_wait3A_629 : memref<80x128xi32, #tpu.memory_space<hbm>>) dst(%arg6 : memref<80x128xi32, #tpu.memory_space<vmem>>)
      tpu.yield
    }) : () -> ()
    "tpu.region"() ({
      %run_scoped3A = tpu.sem_alloc : memref<!tpu.dma_semaphore, #tpu.memory_space<semaphore_mem>>
      %dma_start3A_614 = arith.constant 0 : i32
      %dma_start3A_615 = arith.constant 0 : i32
      %dma_start3A_616 = tpu.memref_slice %arg4[%add3A, %dma_start3A_614, %dma_start3A_615] : memref<32x80x128xi32, #tpu.memory_space<hbm>> -> memref<1x80x128xi32, #tpu.memory_space<hbm>>
      %dma_start3A_617 = tpu.memref_squeeze %dma_start3A_616 : memref<1x80x128xi32, #tpu.memory_space<hbm>> -> memref<80x128xi32, #tpu.memory_space<hbm>>
      %dma_start3A_618 = arith.constant 0 : i32
      %dma_start3A_619 = arith.constant 0 : i32
      %dma_start3A_620 = tpu.memref_slice %arg4[%add3A, %dma_start3A_618, %dma_start3A_619] : memref<32x80x128xi32, #tpu.memory_space<hbm>> -> memref<1x80x128xi32, #tpu.memory_space<hbm>>
      %dma_start3A_621 = tpu.memref_squeeze %dma_start3A_620 : memref<1x80x128xi32, #tpu.memory_space<hbm>> -> memref<80x128xi32, #tpu.memory_space<hbm>>
      tpu.enqueue_dma source(%dma_start3A_621 : memref<80x128xi32, #tpu.memory_space<hbm>>) target(%arg7 : memref<80x128xi32, #tpu.memory_space<vmem>>) target_semaphore(%run_scoped3A : memref<!tpu.dma_semaphore, #tpu.memory_space<semaphore_mem>>)
      %dma_wait3A_622 = arith.constant 0 : i32
      %dma_wait3A_623 = arith.constant 0 : i32
      %dma_wait3A_624 = tpu.memref_slice %arg4[%add3A, %dma_wait3A_622, %dma_wait3A_623] : memref<32x80x128xi32, #tpu.memory_space<hbm>> -> memref<1x80x128xi32, #tpu.memory_space<hbm>>
      %dma_wait3A_625 = tpu.memref_squeeze %dma_wait3A_624 : memref<1x80x128xi32, #tpu.memory_space<hbm>> -> memref<80x128xi32, #tpu.memory_space<hbm>>
      %dma_wait3A_626 = arith.constant 0 : i32
      %dma_wait3A_627 = arith.constant 0 : i32
      %dma_wait3A_628 = tpu.memref_slice %arg4[%add3A, %dma_wait3A_626, %dma_wait3A_627] : memref<32x80x128xi32, #tpu.memory_space<hbm>> -> memref<1x80x128xi32, #tpu.memory_space<hbm>>
      %dma_wait3A_629 = tpu.memref_squeeze %dma_wait3A_628 : memref<1x80x128xi32, #tpu.memory_space<hbm>> -> memref<80x128xi32, #tpu.memory_space<hbm>>
      tpu.wait_dma2 semaphore(%run_scoped3A : memref<!tpu.dma_semaphore, #tpu.memory_space<semaphore_mem>>) src(%dma_wait3A_629 : memref<80x128xi32, #tpu.memory_space<hbm>>) dst(%arg7 : memref<80x128xi32, #tpu.memory_space<vmem>>)
      tpu.yield
    }) : () -> ()
    %broadcast_in_dim3A = arith.constant 0.000000e+00 : f32
    %broadcast_in_dim3A_1 = vector.broadcast %broadcast_in_dim3A : f32 to vector<16xf32>
    %swap3A = arith.constant 0 : i32
    %swap3A_2 = arith.index_cast %swap3A : i32 to index
    %swap3A_3 = arith.constant 0 : index
    %swap3A_4 = tpu.vector_load %arg9[%swap3A_2, %swap3A_3] {strides = array<i32>} : memref<80x16xf32, #tpu.memory_space<vmem>>, vector<1x16xf32>,
    %swap3A_5 = vector.shape_cast %swap3A_4 : vector<1x16xf32> to vector<16xf32>
    %swap3A_6 = vector.shape_cast %broadcast_in_dim3A_1 : vector<16xf32> to vector<1x16xf32>
    tpu.vector_store %arg9[%swap3A_2, %swap3A_3], %swap3A_6 {strides = array<i32>} : memref<80x16xf32, #tpu.memory_space<vmem>>, vector<1x16xf32>,
    %swap3A_7 = arith.constant 1 : i32
    %swap3A_8 = arith.index_cast %swap3A_7 : i32 to index
    %swap3A_9 = arith.constant 0 : index
    %swap3A_10 = tpu.vector_load %arg9[%swap3A_8, %swap3A_9] {strides = array<i32>} : memref<80x16xf32, #tpu.memory_space<vmem>>, vector<1x16xf32>,
    %swap3A_11 = vector.shape_cast %swap3A_10 : vector<1x16xf32> to vector<16xf32>
    %swap3A_12 = vector.shape_cast %broadcast_in_dim3A_1 : vector<16xf32> to vector<1x16xf32>
    tpu.vector_store %arg9[%swap3A_8, %swap3A_9], %swap3A_12 {strides = array<i32>} : memref<80x16xf32, #tpu.memory_space<vmem>>, vector<1x16xf32>,
    %swap3A_13 = arith.constant 2 : i32
    %swap3A_14 = arith.index_cast %swap3A_13 : i32 to index
    %swap3A_15 = arith.constant 0 : index
    %swap3A_16 = tpu.vector_load %arg9[%swap3A_14, %swap3A_15] {strides = array<i32>} : memref<80x16xf32, #tpu.memory_space<vmem>>, vector<1x16xf32>,
    %swap3A_17 = vector.shape_cast %swap3A_16 : vector<1x16xf32> to vector<16xf32>
    %swap3A_18 = vector.shape_cast %broadcast_in_dim3A_1 : vector<16xf32> to vector<1x16xf32>
    tpu.vector_store %arg9[%swap3A_14, %swap3A_15], %swap3A_18 {strides = array<i32>} : memref<80x16xf32, #tpu.memory_space<vmem>>, vector<1x16xf32>,
    %swap3A_19 = arith.constant 3 : i32
    %swap3A_20 = arith.index_cast %swap3A_19 : i32 to index
    %swap3A_21 = arith.constant 0 : index
    %swap3A_22 = tpu.vector_load %arg9[%swap3A_20, %swap3A_21] {strides = array<i32>} : memref<80x16xf32, #tpu.memory_space<vmem>>, vector<1x16xf32>,
    %swap3A_23 = vector.shape_cast %swap3A_22 : vector<1x16xf32> to vector<16xf32>
    %swap3A_24 = vector.shape_cast %broadcast_in_dim3A_1 : vector<16xf32> to vector<1x16xf32>
    tpu.vector_store %arg9[%swap3A_20, %swap3A_21], %swap3A_24 {strides = array<i32>} : memref<80x16xf32, #tpu.memory_space<vmem>>, vector<1x16xf32>,
    %swap3A_25 = arith.constant 4 : i32
    %swap3A_26 = arith.index_cast %swap3A_25 : i32 to index
    %swap3A_27 = arith.constant 0 : index
    %swap3A_28 = tpu.vector_load %arg9[%swap3A_26, %swap3A_27] {strides = array<i32>} : memref<80x16xf32, #tpu.memory_space<vmem>>, vector<1x16xf32>,
    %swap3A_29 = vector.shape_cast %swap3A_28 : vector<1x16xf32> to vector<16xf32>
    %swap3A_30 = vector.shape_cast %broadcast_in_dim3A_1 : vector<16xf32> to vector<1x16xf32>
    tpu.vector_store %arg9[%swap3A_26, %swap3A_27], %swap3A_30 {strides = array<i32>} : memref<80x16xf32, #tpu.memory_space<vmem>>, vector<1x16xf32>,
    %swap3A_31 = arith.constant 5 : i32
    %swap3A_32 = arith.index_cast %swap3A_31 : i32 to index
    %swap3A_33 = arith.constant 0 : index
    %swap3A_34 = tpu.vector_load %arg9[%swap3A_32, %swap3A_33] {strides = array<i32>} : memref<80x16xf32, #tpu.memory_space<vmem>>, vector<1x16xf32>,
    %swap3A_35 = vector.shape_cast %swap3A_34 : vector<1x16xf32> to vector<16xf32>
    %swap3A_36 = vector.shape_cast %broadcast_in_dim3A_1 : vector<16xf32> to vector<1x16xf32>
    tpu.vector_store %arg9[%swap3A_32, %swap3A_33], %swap3A_36 {strides = array<i32>} : memref<80x16xf32, #tpu.memory_space<vmem>>, vector<1x16xf32>,
    %swap3A_37 = arith.constant 6 : i32
    %swap3A_38 = arith.index_cast %swap3A_37 : i32 to index
    %swap3A_39 = arith.constant 0 : index
    %swap3A_40 = tpu.vector_load %arg9[%swap3A_38, %swap3A_39] {strides = array<i32>} : memref<80x16xf32, #tpu.memory_space<vmem>>, vector<1x16xf32>,
    %swap3A_41 = vector.shape_cast %swap3A_40 : vector<1x16xf32> to vector<16xf32>
    %swap3A_42 = vector.shape_cast %broadcast_in_dim3A_1 : vector<16xf32> to vector<1x16xf32>
    tpu.vector_store %arg9[%swap3A_38, %swap3A_39], %swap3A_42 {strides = array<i32>} : memref<80x16xf32, #tpu.memory_space<vmem>>, vector<1x16xf32>,
    %swap3A_43 = arith.constant 7 : i32
    %swap3A_44 = arith.index_cast %swap3A_43 : i32 to index
    %swap3A_45 = arith.constant 0 : index
    %swap3A_46 = tpu.vector_load %arg9[%swap3A_44, %swap3A_45] {strides = array<i32>} : memref<80x16xf32, #tpu.memory_space<vmem>>, vector<1x16xf32>,
    %swap3A_47 = vector.shape_cast %swap3A_46 : vector<1x16xf32> to vector<16xf32>
    %swap3A_48 = vector.shape_cast %broadcast_in_dim3A_1 : vector<16xf32> to vector<1x16xf32>
    tpu.vector_store %arg9[%swap3A_44, %swap3A_45], %swap3A_48 {strides = array<i32>} : memref<80x16xf32, #tpu.memory_space<vmem>>, vector<1x16xf32>,
    %swap3A_49 = arith.constant 8 : i32
    %swap3A_50 = arith.index_cast %swap3A_49 : i32 to index
    %swap3A_51 = arith.constant 0 : index
    %swap3A_52 = tpu.vector_load %arg9[%swap3A_50, %swap3A_51] {strides = array<i32>} : memref<80x16xf32, #tpu.memory_space<vmem>>, vector<1x16xf32>,
    %swap3A_53 = vector.shape_cast %swap3A_52 : vector<1x16xf32> to vector<16xf32>
    %swap3A_54 = vector.shape_cast %broadcast_in_dim3A_1 : vector<16xf32> to vector<1x16xf32>
    tpu.vector_store %arg9[%swap3A_50, %swap3A_51], %swap3A_54 {strides = array<i32>} : memref<80x16xf32, #tpu.memory_space<vmem>>, vector<1x16xf32>,
    %swap3A_55 = arith.constant 9 : i32
    %swap3A_56 = arith.index_cast %swap3A_55 : i32 to index
    %swap3A_57 = arith.constant 0 : index
    %swap3A_58 = tpu.vector_load %arg9[%swap3A_56, %swap3A_57] {strides = array<i32>} : memref<80x16xf32, #tpu.memory_space<vmem>>, vector<1x16xf32>,
    %swap3A_59 = vector.shape_cast %swap3A_58 : vector<1x16xf32> to vector<16xf32>
    %swap3A_60 = vector.shape_cast %broadcast_in_dim3A_1 : vector<16xf32> to vector<1x16xf32>
    tpu.vector_store %arg9[%swap3A_56, %swap3A_57], %swap3A_60 {strides = array<i32>} : memref<80x16xf32, #tpu.memory_space<vmem>>, vector<1x16xf32>,
    %swap3A_61 = arith.constant 10 : i32
    %swap3A_62 = arith.index_cast %swap3A_61 : i32 to index
    %swap3A_63 = arith.constant 0 : index
    %swap3A_64 = tpu.vector_load %arg9[%swap3A_62, %swap3A_63] {strides = array<i32>} : memref<80x16xf32, #tpu.memory_space<vmem>>, vector<1x16xf32>,
    %swap3A_65 = vector.shape_cast %swap3A_64 : vector<1x16xf32> to vector<16xf32>
    %swap3A_66 = vector.shape_cast %broadcast_in_dim3A_1 : vector<16xf32> to vector<1x16xf32>
    tpu.vector_store %arg9[%swap3A_62, %swap3A_63], %swap3A_66 {strides = array<i32>} : memref<80x16xf32, #tpu.memory_space<vmem>>, vector<1x16xf32>,
    %swap3A_67 = arith.constant 11 : i32
    %swap3A_68 = arith.index_cast %swap3A_67 : i32 to index
    %swap3A_69 = arith.constant 0 : index
    %swap3A_70 = tpu.vector_load %arg9[%swap3A_68, %swap3A_69] {strides = array<i32>} : memref<80x16xf32, #tpu.memory_space<vmem>>, vector<1x16xf32>,
    %swap3A_71 = vector.shape_cast %swap3A_70 : vector<1x16xf32> to vector<16xf32>
    %swap3A_72 = vector.shape_cast %broadcast_in_dim3A_1 : vector<16xf32> to vector<1x16xf32>
    tpu.vector_store %arg9[%swap3A_68, %swap3A_69], %swap3A_72 {strides = array<i32>} : memref<80x16xf32, #tpu.memory_space<vmem>>, vector<1x16xf32>,
    %swap3A_73 = arith.constant 12 : i32
    %swap3A_74 = arith.index_cast %swap3A_73 : i32 to index
    %swap3A_75 = arith.constant 0 : index
    %swap3A_76 = tpu.vector_load %arg9[%swap3A_74, %swap3A_75] {strides = array<i32>} : memref<80x16xf32, #tpu.memory_space<vmem>>, vector<1x16xf32>,
    %swap3A_77 = vector.shape_cast %swap3A_76 : vector<1x16xf32> to vector<16xf32>
    %swap3A_78 = vector.shape_cast %broadcast_in_dim3A_1 : vector<16xf32> to vector<1x16xf32>
    tpu.vector_store %arg9[%swap3A_74, %swap3A_75], %swap3A_78 {strides = array<i32>} : memref<80x16xf32, #tpu.memory_space<vmem>>, vector<1x16xf32>,
    %swap3A_79 = arith.constant 13 : i32
    %swap3A_80 = arith.index_cast %swap3A_79 : i32 to index
    %swap3A_81 = arith.constant 0 : index
    %swap3A_82 = tpu.vector_load %arg9[%swap3A_80, %swap3A_81] {strides = array<i32>} : memref<80x16xf32, #tpu.memory_space<vmem>>, vector<1x16xf32>,
    %swap3A_83 = vector.shape_cast %swap3A_82 : vector<1x16xf32> to vector<16xf32>
    %swap3A_84 = vector.shape_cast %broadcast_in_dim3A_1 : vector<16xf32> to vector<1x16xf32>
    tpu.vector_store %arg9[%swap3A_80, %swap3A_81], %swap3A_84 {strides = array<i32>} : memref<80x16xf32, #tpu.memory_space<vmem>>, vector<1x16xf32>,
    %swap3A_85 = arith.constant 14 : i32
    %swap3A_86 = arith.index_cast %swap3A_85 : i32 to index
    %swap3A_87 = arith.constant 0 : index
    %swap3A_88 = tpu.vector_load %arg9[%swap3A_86, %swap3A_87] {strides = array<i32>} : memref<80x16xf32, #tpu.memory_space<vmem>>, vector<1x16xf32>,
    %swap3A_89 = vector.shape_cast %swap3A_88 : vector<1x16xf32> to vector<16xf32>
    %swap3A_90 = vector.shape_cast %broadcast_in_dim3A_1 : vector<16xf32> to vector<1x16xf32>
    tpu.vector_store %arg9[%swap3A_86, %swap3A_87], %swap3A_90 {strides = array<i32>} : memref<80x16xf32, #tpu.memory_space<vmem>>, vector<1x16xf32>,
    %swap3A_91 = arith.constant 15 : i32
    %swap3A_92 = arith.index_cast %swap3A_91 : i32 to index
    %swap3A_93 = arith.constant 0 : index
    %swap3A_94 = tpu.vector_load %arg9[%swap3A_92, %swap3A_93] {strides = array<i32>} : memref<80x16xf32, #tpu.memory_space<vmem>>, vector<1x16xf32>,
    %swap3A_95 = vector.shape_cast %swap3A_94 : vector<1x16xf32> to vector<16xf32>
    %swap3A_96 = vector.shape_cast %broadcast_in_dim3A_1 : vector<16xf32> to vector<1x16xf32>
    tpu.vector_store %arg9[%swap3A_92, %swap3A_93], %swap3A_96 {strides = array<i32>} : memref<80x16xf32, #tpu.memory_space<vmem>>, vector<1x16xf32>,
    %swap3A_97 = arith.constant 16 : i32
    %swap3A_98 = arith.index_cast %swap3A_97 : i32 to index
    %swap3A_99 = arith.constant 0 : index
    %swap3A_100 = tpu.vector_load %arg9[%swap3A_98, %swap3A_99] {strides = array<i32>} : memref<80x16xf32, #tpu.memory_space<vmem>>, vector<1x16xf32>,
    %swap3A_101 = vector.shape_cast %swap3A_100 : vector<1x16xf32> to vector<16xf32>
    %swap3A_102 = vector.shape_cast %broadcast_in_dim3A_1 : vector<16xf32> to vector<1x16xf32>
    tpu.vector_store %arg9[%swap3A_98, %swap3A_99], %swap3A_102 {strides = array<i32>} : memref<80x16xf32, #tpu.memory_space<vmem>>, vector<1x16xf32>,
    %swap3A_103 = arith.constant 17 : i32
    %swap3A_104 = arith.index_cast %swap3A_103 : i32 to index
    %swap3A_105 = arith.constant 0 : index
    %swap3A_106 = tpu.vector_load %arg9[%swap3A_104, %swap3A_105] {strides = array<i32>} : memref<80x16xf32, #tpu.memory_space<vmem>>, vector<1x16xf32>,
    %swap3A_107 = vector.shape_cast %swap3A_106 : vector<1x16xf32> to vector<16xf32>
    %swap3A_108 = vector.shape_cast %broadcast_in_dim3A_1 : vector<16xf32> to vector<1x16xf32>
    tpu.vector_store %arg9[%swap3A_104, %swap3A_105], %swap3A_108 {strides = array<i32>} : memref<80x16xf32, #tpu.memory_space<vmem>>, vector<1x16xf32>,
    %swap3A_109 = arith.constant 18 : i32
    %swap3A_110 = arith.index_cast %swap3A_109 : i32 to index
    %swap3A_111 = arith.constant 0 : index
    %swap3A_112 = tpu.vector_load %arg9[%swap3A_110, %swap3A_111] {strides = array<i32>} : memref<80x16xf32, #tpu.memory_space<vmem>>, vector<1x16xf32>,
    %swap3A_113 = vector.shape_cast %swap3A_112 : vector<1x16xf32> to vector<16xf32>
    %swap3A_114 = vector.shape_cast %broadcast_in_dim3A_1 : vector<16xf32> to vector<1x16xf32>
    tpu.vector_store %arg9[%swap3A_110, %swap3A_111], %swap3A_114 {strides = array<i32>} : memref<80x16xf32, #tpu.memory_space<vmem>>, vector<1x16xf32>,
    %swap3A_115 = arith.constant 19 : i32
    %swap3A_116 = arith.index_cast %swap3A_115 : i32 to index
    %swap3A_117 = arith.constant 0 : index
    %swap3A_118 = tpu.vector_load %arg9[%swap3A_116, %swap3A_117] {strides = array<i32>} : memref<80x16xf32, #tpu.memory_space<vmem>>, vector<1x16xf32>,
    %swap3A_119 = vector.shape_cast %swap3A_118 : vector<1x16xf32> to vector<16xf32>
    %swap3A_120 = vector.shape_cast %broadcast_in_dim3A_1 : vector<16xf32> to vector<1x16xf32>
    tpu.vector_store %arg9[%swap3A_116, %swap3A_117], %swap3A_120 {strides = array<i32>} : memref<80x16xf32, #tpu.memory_space<vmem>>, vector<1x16xf32>,
    %swap3A_121 = arith.constant 20 : i32
    %swap3A_122 = arith.index_cast %swap3A_121 : i32 to index
    %swap3A_123 = arith.constant 0 : index
    %swap3A_124 = tpu.vector_load %arg9[%swap3A_122, %swap3A_123] {strides = array<i32>} : memref<80x16xf32, #tpu.memory_space<vmem>>, vector<1x16xf32>,
    %swap3A_125 = vector.shape_cast %swap3A_124 : vector<1x16xf32> to vector<16xf32>
    %swap3A_126 = vector.shape_cast %broadcast_in_dim3A_1 : vector<16xf32> to vector<1x16xf32>
    tpu.vector_store %arg9[%swap3A_122, %swap3A_123], %swap3A_126 {strides = array<i32>} : memref<80x16xf32, #tpu.memory_space<vmem>>, vector<1x16xf32>,
    %swap3A_127 = arith.constant 21 : i32
    %swap3A_128 = arith.index_cast %swap3A_127 : i32 to index
    %swap3A_129 = arith.constant 0 : index
    %swap3A_130 = tpu.vector_load %arg9[%swap3A_128, %swap3A_129] {strides = array<i32>} : memref<80x16xf32, #tpu.memory_space<vmem>>, vector<1x16xf32>,
    %swap3A_131 = vector.shape_cast %swap3A_130 : vector<1x16xf32> to vector<16xf32>
    %swap3A_132 = vector.shape_cast %broadcast_in_dim3A_1 : vector<16xf32> to vector<1x16xf32>
    tpu.vector_store %arg9[%swap3A_128, %swap3A_129], %swap3A_132 {strides = array<i32>} : memref<80x16xf32, #tpu.memory_space<vmem>>, vector<1x16xf32>,
    %swap3A_133 = arith.constant 22 : i32
    %swap3A_134 = arith.index_cast %swap3A_133 : i32 to index
    %swap3A_135 = arith.constant 0 : index
    %swap3A_136 = tpu.vector_load %arg9[%swap3A_134, %swap3A_135] {strides = array<i32>} : memref<80x16xf32, #tpu.memory_space<vmem>>, vector<1x16xf32>,
    %swap3A_137 = vector.shape_cast %swap3A_136 : vector<1x16xf32> to vector<16xf32>
    %swap3A_138 = vector.shape_cast %broadcast_in_dim3A_1 : vector<16xf32> to vector<1x16xf32>
    tpu.vector_store %arg9[%swap3A_134, %swap3A_135], %swap3A_138 {strides = array<i32>} : memref<80x16xf32, #tpu.memory_space<vmem>>, vector<1x16xf32>,
    %swap3A_139 = arith.constant 23 : i32
    %swap3A_140 = arith.index_cast %swap3A_139 : i32 to index
    %swap3A_141 = arith.constant 0 : index
    %swap3A_142 = tpu.vector_load %arg9[%swap3A_140, %swap3A_141] {strides = array<i32>} : memref<80x16xf32, #tpu.memory_space<vmem>>, vector<1x16xf32>,
    %swap3A_143 = vector.shape_cast %swap3A_142 : vector<1x16xf32> to vector<16xf32>
    %swap3A_144 = vector.shape_cast %broadcast_in_dim3A_1 : vector<16xf32> to vector<1x16xf32>
    tpu.vector_store %arg9[%swap3A_140, %swap3A_141], %swap3A_144 {strides = array<i32>} : memref<80x16xf32, #tpu.memory_space<vmem>>, vector<1x16xf32>,
    %swap3A_145 = arith.constant 24 : i32
    %swap3A_146 = arith.index_cast %swap3A_145 : i32 to index
    %swap3A_147 = arith.constant 0 : index
    %swap3A_148 = tpu.vector_load %arg9[%swap3A_146, %swap3A_147] {strides = array<i32>} : memref<80x16xf32, #tpu.memory_space<vmem>>, vector<1x16xf32>,
    %swap3A_149 = vector.shape_cast %swap3A_148 : vector<1x16xf32> to vector<16xf32>
    %swap3A_150 = vector.shape_cast %broadcast_in_dim3A_1 : vector<16xf32> to vector<1x16xf32>
    tpu.vector_store %arg9[%swap3A_146, %swap3A_147], %swap3A_150 {strides = array<i32>} : memref<80x16xf32, #tpu.memory_space<vmem>>, vector<1x16xf32>,
    %swap3A_151 = arith.constant 25 : i32
    %swap3A_152 = arith.index_cast %swap3A_151 : i32 to index
    %swap3A_153 = arith.constant 0 : index
    %swap3A_154 = tpu.vector_load %arg9[%swap3A_152, %swap3A_153] {strides = array<i32>} : memref<80x16xf32, #tpu.memory_space<vmem>>, vector<1x16xf32>,
    %swap3A_155 = vector.shape_cast %swap3A_154 : vector<1x16xf32> to vector<16xf32>
    %swap3A_156 = vector.shape_cast %broadcast_in_dim3A_1 : vector<16xf32> to vector<1x16xf32>
    tpu.vector_store %arg9[%swap3A_152, %swap3A_153], %swap3A_156 {strides = array<i32>} : memref<80x16xf32, #tpu.memory_space<vmem>>, vector<1x16xf32>,
    %swap3A_157 = arith.constant 26 : i32
    %swap3A_158 = arith.index_cast %swap3A_157 : i32 to index
    %swap3A_159 = arith.constant 0 : index
    %swap3A_160 = tpu.vector_load %arg9[%swap3A_158, %swap3A_159] {strides = array<i32>} : memref<80x16xf32, #tpu.memory_space<vmem>>, vector<1x16xf32>,
    %swap3A_161 = vector.shape_cast %swap3A_160 : vector<1x16xf32> to vector<16xf32>
    %swap3A_162 = vector.shape_cast %broadcast_in_dim3A_1 : vector<16xf32> to vector<1x16xf32>
    tpu.vector_store %arg9[%swap3A_158, %swap3A_159], %swap3A_162 {strides = array<i32>} : memref<80x16xf32, #tpu.memory_space<vmem>>, vector<1x16xf32>,
    %swap3A_163 = arith.constant 27 : i32
    %swap3A_164 = arith.index_cast %swap3A_163 : i32 to index
    %swap3A_165 = arith.constant 0 : index
    %swap3A_166 = tpu.vector_load %arg9[%swap3A_164, %swap3A_165] {strides = array<i32>} : memref<80x16xf32, #tpu.memory_space<vmem>>, vector<1x16xf32>,
    %swap3A_167 = vector.shape_cast %swap3A_166 : vector<1x16xf32> to vector<16xf32>
    %swap3A_168 = vector.shape_cast %broadcast_in_dim3A_1 : vector<16xf32> to vector<1x16xf32>
    tpu.vector_store %arg9[%swap3A_164, %swap3A_165], %swap3A_168 {strides = array<i32>} : memref<80x16xf32, #tpu.memory_space<vmem>>, vector<1x16xf32>,
    %swap3A_169 = arith.constant 28 : i32
    %swap3A_170 = arith.index_cast %swap3A_169 : i32 to index
    %swap3A_171 = arith.constant 0 : index
    %swap3A_172 = tpu.vector_load %arg9[%swap3A_170, %swap3A_171] {strides = array<i32>} : memref<80x16xf32, #tpu.memory_space<vmem>>, vector<1x16xf32>,
    %swap3A_173 = vector.shape_cast %swap3A_172 : vector<1x16xf32> to vector<16xf32>
    %swap3A_174 = vector.shape_cast %broadcast_in_dim3A_1 : vector<16xf32> to vector<1x16xf32>
    tpu.vector_store %arg9[%swap3A_170, %swap3A_171], %swap3A_174 {strides = array<i32>} : memref<80x16xf32, #tpu.memory_space<vmem>>, vector<1x16xf32>,
    %swap3A_175 = arith.constant 29 : i32
    %swap3A_176 = arith.index_cast %swap3A_175 : i32 to index
    %swap3A_177 = arith.constant 0 : index
    %swap3A_178 = tpu.vector_load %arg9[%swap3A_176, %swap3A_177] {strides = array<i32>} : memref<80x16xf32, #tpu.memory_space<vmem>>, vector<1x16xf32>,
    %swap3A_179 = vector.shape_cast %swap3A_178 : vector<1x16xf32> to vector<16xf32>
    %swap3A_180 = vector.shape_cast %broadcast_in_dim3A_1 : vector<16xf32> to vector<1x16xf32>
    tpu.vector_store %arg9[%swap3A_176, %swap3A_177], %swap3A_180 {strides = array<i32>} : memref<80x16xf32, #tpu.memory_space<vmem>>, vector<1x16xf32>,
    %swap3A_181 = arith.constant 30 : i32
    %swap3A_182 = arith.index_cast %swap3A_181 : i32 to index
    %swap3A_183 = arith.constant 0 : index
    %swap3A_184 = tpu.vector_load %arg9[%swap3A_182, %swap3A_183] {strides = array<i32>} : memref<80x16xf32, #tpu.memory_space<vmem>>, vector<1x16xf32>,
    %swap3A_185 = vector.shape_cast %swap3A_184 : vector<1x16xf32> to vector<16xf32>
    %swap3A_186 = vector.shape_cast %broadcast_in_dim3A_1 : vector<16xf32> to vector<1x16xf32>
    tpu.vector_store %arg9[%swap3A_182, %swap3A_183], %swap3A_186 {strides = array<i32>} : memref<80x16xf32, #tpu.memory_space<vmem>>, vector<1x16xf32>,
    %swap3A_187 = arith.constant 31 : i32
    %swap3A_188 = arith.index_cast %swap3A_187 : i32 to index
    %swap3A_189 = arith.constant 0 : index
    %swap3A_190 = tpu.vector_load %arg9[%swap3A_188, %swap3A_189] {strides = array<i32>} : memref<80x16xf32, #tpu.memory_space<vmem>>, vector<1x16xf32>,
    %swap3A_191 = vector.shape_cast %swap3A_190 : vector<1x16xf32> to vector<16xf32>
    %swap3A_192 = vector.shape_cast %broadcast_in_dim3A_1 : vector<16xf32> to vector<1x16xf32>
    tpu.vector_store %arg9[%swap3A_188, %swap3A_189], %swap3A_192 {strides = array<i32>} : memref<80x16xf32, #tpu.memory_space<vmem>>, vector<1x16xf32>,
    %swap3A_193 = arith.constant 32 : i32
    %swap3A_194 = arith.index_cast %swap3A_193 : i32 to index
    %swap3A_195 = arith.constant 0 : index
    %swap3A_196 = tpu.vector_load %arg9[%swap3A_194, %swap3A_195] {strides = array<i32>} : memref<80x16xf32, #tpu.memory_space<vmem>>, vector<1x16xf32>,
    %swap3A_197 = vector.shape_cast %swap3A_196 : vector<1x16xf32> to vector<16xf32>
    %swap3A_198 = vector.shape_cast %broadcast_in_dim3A_1 : vector<16xf32> to vector<1x16xf32>
    tpu.vector_store %arg9[%swap3A_194, %swap3A_195], %swap3A_198 {strides = array<i32>} : memref<80x16xf32, #tpu.memory_space<vmem>>, vector<1x16xf32>,
    %swap3A_199 = arith.constant 33 : i32
    %swap3A_200 = arith.index_cast %swap3A_199 : i32 to index
    %swap3A_201 = arith.constant 0 : index
    %swap3A_202 = tpu.vector_load %arg9[%swap3A_200, %swap3A_201] {strides = array<i32>} : memref<80x16xf32, #tpu.memory_space<vmem>>, vector<1x16xf32>,
    %swap3A_203 = vector.shape_cast %swap3A_202 : vector<1x16xf32> to vector<16xf32>
    %swap3A_204 = vector.shape_cast %broadcast_in_dim3A_1 : vector<16xf32> to vector<1x16xf32>
    tpu.vector_store %arg9[%swap3A_200, %swap3A_201], %swap3A_204 {strides = array<i32>} : memref<80x16xf32, #tpu.memory_space<vmem>>, vector<1x16xf32>,
    %swap3A_205 = arith.constant 34 : i32
    %swap3A_206 = arith.index_cast %swap3A_205 : i32 to index
    %swap3A_207 = arith.constant 0 : index
    %swap3A_208 = tpu.vector_load %arg9[%swap3A_206, %swap3A_207] {strides = array<i32>} : memref<80x16xf32, #tpu.memory_space<vmem>>, vector<1x16xf32>,
    %swap3A_209 = vector.shape_cast %swap3A_208 : vector<1x16xf32> to vector<16xf32>
    %swap3A_210 = vector.shape_cast %broadcast_in_dim3A_1 : vector<16xf32> to vector<1x16xf32>
    tpu.vector_store %arg9[%swap3A_206, %swap3A_207], %swap3A_210 {strides = array<i32>} : memref<80x16xf32, #tpu.memory_space<vmem>>, vector<1x16xf32>,
    %swap3A_211 = arith.constant 35 : i32
    %swap3A_212 = arith.index_cast %swap3A_211 : i32 to index
    %swap3A_213 = arith.constant 0 : index
    %swap3A_214 = tpu.vector_load %arg9[%swap3A_212, %swap3A_213] {strides = array<i32>} : memref<80x16xf32, #tpu.memory_space<vmem>>, vector<1x16xf32>,
    %swap3A_215 = vector.shape_cast %swap3A_214 : vector<1x16xf32> to vector<16xf32>
    %swap3A_216 = vector.shape_cast %broadcast_in_dim3A_1 : vector<16xf32> to vector<1x16xf32>
    tpu.vector_store %arg9[%swap3A_212, %swap3A_213], %swap3A_216 {strides = array<i32>} : memref<80x16xf32, #tpu.memory_space<vmem>>, vector<1x16xf32>,
    %swap3A_217 = arith.constant 36 : i32
    %swap3A_218 = arith.index_cast %swap3A_217 : i32 to index
    %swap3A_219 = arith.constant 0 : index
    %swap3A_220 = tpu.vector_load %arg9[%swap3A_218, %swap3A_219] {strides = array<i32>} : memref<80x16xf32, #tpu.memory_space<vmem>>, vector<1x16xf32>,
    %swap3A_221 = vector.shape_cast %swap3A_220 : vector<1x16xf32> to vector<16xf32>
    %swap3A_222 = vector.shape_cast %broadcast_in_dim3A_1 : vector<16xf32> to vector<1x16xf32>
    tpu.vector_store %arg9[%swap3A_218, %swap3A_219], %swap3A_222 {strides = array<i32>} : memref<80x16xf32, #tpu.memory_space<vmem>>, vector<1x16xf32>,
    %swap3A_223 = arith.constant 37 : i32
    %swap3A_224 = arith.index_cast %swap3A_223 : i32 to index
    %swap3A_225 = arith.constant 0 : index
    %swap3A_226 = tpu.vector_load %arg9[%swap3A_224, %swap3A_225] {strides = array<i32>} : memref<80x16xf32, #tpu.memory_space<vmem>>, vector<1x16xf32>,
    %swap3A_227 = vector.shape_cast %swap3A_226 : vector<1x16xf32> to vector<16xf32>
    %swap3A_228 = vector.shape_cast %broadcast_in_dim3A_1 : vector<16xf32> to vector<1x16xf32>
    tpu.vector_store %arg9[%swap3A_224, %swap3A_225], %swap3A_228 {strides = array<i32>} : memref<80x16xf32, #tpu.memory_space<vmem>>, vector<1x16xf32>,
    %swap3A_229 = arith.constant 38 : i32
    %swap3A_230 = arith.index_cast %swap3A_229 : i32 to index
    %swap3A_231 = arith.constant 0 : index
    %swap3A_232 = tpu.vector_load %arg9[%swap3A_230, %swap3A_231] {strides = array<i32>} : memref<80x16xf32, #tpu.memory_space<vmem>>, vector<1x16xf32>,
    %swap3A_233 = vector.shape_cast %swap3A_232 : vector<1x16xf32> to vector<16xf32>
    %swap3A_234 = vector.shape_cast %broadcast_in_dim3A_1 : vector<16xf32> to vector<1x16xf32>
    tpu.vector_store %arg9[%swap3A_230, %swap3A_231], %swap3A_234 {strides = array<i32>} : memref<80x16xf32, #tpu.memory_space<vmem>>, vector<1x16xf32>,
    %swap3A_235 = arith.constant 39 : i32
    %swap3A_236 = arith.index_cast %swap3A_235 : i32 to index
    %swap3A_237 = arith.constant 0 : index
    %swap3A_238 = tpu.vector_load %arg9[%swap3A_236, %swap3A_237] {strides = array<i32>} : memref<80x16xf32, #tpu.memory_space<vmem>>, vector<1x16xf32>,
    %swap3A_239 = vector.shape_cast %swap3A_238 : vector<1x16xf32> to vector<16xf32>
    %swap3A_240 = vector.shape_cast %broadcast_in_dim3A_1 : vector<16xf32> to vector<1x16xf32>
    tpu.vector_store %arg9[%swap3A_236, %swap3A_237], %swap3A_240 {strides = array<i32>} : memref<80x16xf32, #tpu.memory_space<vmem>>, vector<1x16xf32>,
    %swap3A_241 = arith.constant 40 : i32
    %swap3A_242 = arith.index_cast %swap3A_241 : i32 to index
    %swap3A_243 = arith.constant 0 : index
    %swap3A_244 = tpu.vector_load %arg9[%swap3A_242, %swap3A_243] {strides = array<i32>} : memref<80x16xf32, #tpu.memory_space<vmem>>, vector<1x16xf32>,
    %swap3A_245 = vector.shape_cast %swap3A_244 : vector<1x16xf32> to vector<16xf32>
    %swap3A_246 = vector.shape_cast %broadcast_in_dim3A_1 : vector<16xf32> to vector<1x16xf32>
    tpu.vector_store %arg9[%swap3A_242, %swap3A_243], %swap3A_246 {strides = array<i32>} : memref<80x16xf32, #tpu.memory_space<vmem>>, vector<1x16xf32>,
    %swap3A_247 = arith.constant 41 : i32
    %swap3A_248 = arith.index_cast %swap3A_247 : i32 to index
    %swap3A_249 = arith.constant 0 : index
    %swap3A_250 = tpu.vector_load %arg9[%swap3A_248, %swap3A_249] {strides = array<i32>} : memref<80x16xf32, #tpu.memory_space<vmem>>, vector<1x16xf32>,
    %swap3A_251 = vector.shape_cast %swap3A_250 : vector<1x16xf32> to vector<16xf32>
    %swap3A_252 = vector.shape_cast %broadcast_in_dim3A_1 : vector<16xf32> to vector<1x16xf32>
    tpu.vector_store %arg9[%swap3A_248, %swap3A_249], %swap3A_252 {strides = array<i32>} : memref<80x16xf32, #tpu.memory_space<vmem>>, vector<1x16xf32>,
    %swap3A_253 = arith.constant 42 : i32
    %swap3A_254 = arith.index_cast %swap3A_253 : i32 to index
    %swap3A_255 = arith.constant 0 : index
    %swap3A_256 = tpu.vector_load %arg9[%swap3A_254, %swap3A_255] {strides = array<i32>} : memref<80x16xf32, #tpu.memory_space<vmem>>, vector<1x16xf32>,
    %swap3A_257 = vector.shape_cast %swap3A_256 : vector<1x16xf32> to vector<16xf32>
    %swap3A_258 = vector.shape_cast %broadcast_in_dim3A_1 : vector<16xf32> to vector<1x16xf32>
    tpu.vector_store %arg9[%swap3A_254, %swap3A_255], %swap3A_258 {strides = array<i32>} : memref<80x16xf32, #tpu.memory_space<vmem>>, vector<1x16xf32>,
    %swap3A_259 = arith.constant 43 : i32
    %swap3A_260 = arith.index_cast %swap3A_259 : i32 to index
    %swap3A_261 = arith.constant 0 : index
    %swap3A_262 = tpu.vector_load %arg9[%swap3A_260, %swap3A_261] {strides = array<i32>} : memref<80x16xf32, #tpu.memory_space<vmem>>, vector<1x16xf32>,
    %swap3A_263 = vector.shape_cast %swap3A_262 : vector<1x16xf32> to vector<16xf32>
    %swap3A_264 = vector.shape_cast %broadcast_in_dim3A_1 : vector<16xf32> to vector<1x16xf32>
    tpu.vector_store %arg9[%swap3A_260, %swap3A_261], %swap3A_264 {strides = array<i32>} : memref<80x16xf32, #tpu.memory_space<vmem>>, vector<1x16xf32>,
    %swap3A_265 = arith.constant 44 : i32
    %swap3A_266 = arith.index_cast %swap3A_265 : i32 to index
    %swap3A_267 = arith.constant 0 : index
    %swap3A_268 = tpu.vector_load %arg9[%swap3A_266, %swap3A_267] {strides = array<i32>} : memref<80x16xf32, #tpu.memory_space<vmem>>, vector<1x16xf32>,
    %swap3A_269 = vector.shape_cast %swap3A_268 : vector<1x16xf32> to vector<16xf32>
    %swap3A_270 = vector.shape_cast %broadcast_in_dim3A_1 : vector<16xf32> to vector<1x16xf32>
    tpu.vector_store %arg9[%swap3A_266, %swap3A_267], %swap3A_270 {strides = array<i32>} : memref<80x16xf32, #tpu.memory_space<vmem>>, vector<1x16xf32>,
    %swap3A_271 = arith.constant 45 : i32
    %swap3A_272 = arith.index_cast %swap3A_271 : i32 to index
    %swap3A_273 = arith.constant 0 : index
    %swap3A_274 = tpu.vector_load %arg9[%swap3A_272, %swap3A_273] {strides = array<i32>} : memref<80x16xf32, #tpu.memory_space<vmem>>, vector<1x16xf32>,
    %swap3A_275 = vector.shape_cast %swap3A_274 : vector<1x16xf32> to vector<16xf32>
    %swap3A_276 = vector.shape_cast %broadcast_in_dim3A_1 : vector<16xf32> to vector<1x16xf32>
    tpu.vector_store %arg9[%swap3A_272, %swap3A_273], %swap3A_276 {strides = array<i32>} : memref<80x16xf32, #tpu.memory_space<vmem>>, vector<1x16xf32>,
    %swap3A_277 = arith.constant 46 : i32
    %swap3A_278 = arith.index_cast %swap3A_277 : i32 to index
    %swap3A_279 = arith.constant 0 : index
    %swap3A_280 = tpu.vector_load %arg9[%swap3A_278, %swap3A_279] {strides = array<i32>} : memref<80x16xf32, #tpu.memory_space<vmem>>, vector<1x16xf32>,
    %swap3A_281 = vector.shape_cast %swap3A_280 : vector<1x16xf32> to vector<16xf32>
    %swap3A_282 = vector.shape_cast %broadcast_in_dim3A_1 : vector<16xf32> to vector<1x16xf32>
    tpu.vector_store %arg9[%swap3A_278, %swap3A_279], %swap3A_282 {strides = array<i32>} : memref<80x16xf32, #tpu.memory_space<vmem>>, vector<1x16xf32>,
    %swap3A_283 = arith.constant 47 : i32
    %swap3A_284 = arith.index_cast %swap3A_283 : i32 to index
    %swap3A_285 = arith.constant 0 : index
    %swap3A_286 = tpu.vector_load %arg9[%swap3A_284, %swap3A_285] {strides = array<i32>} : memref<80x16xf32, #tpu.memory_space<vmem>>, vector<1x16xf32>,
    %swap3A_287 = vector.shape_cast %swap3A_286 : vector<1x16xf32> to vector<16xf32>
    %swap3A_288 = vector.shape_cast %broadcast_in_dim3A_1 : vector<16xf32> to vector<1x16xf32>
    tpu.vector_store %arg9[%swap3A_284, %swap3A_285], %swap3A_288 {strides = array<i32>} : memref<80x16xf32, #tpu.memory_space<vmem>>, vector<1x16xf32>,
    %swap3A_289 = arith.constant 48 : i32
    %swap3A_290 = arith.index_cast %swap3A_289 : i32 to index
    %swap3A_291 = arith.constant 0 : index
    %swap3A_292 = tpu.vector_load %arg9[%swap3A_290, %swap3A_291] {strides = array<i32>} : memref<80x16xf32, #tpu.memory_space<vmem>>, vector<1x16xf32>,
    %swap3A_293 = vector.shape_cast %swap3A_292 : vector<1x16xf32> to vector<16xf32>
    %swap3A_294 = vector.shape_cast %broadcast_in_dim3A_1 : vector<16xf32> to vector<1x16xf32>
    tpu.vector_store %arg9[%swap3A_290, %swap3A_291], %swap3A_294 {strides = array<i32>} : memref<80x16xf32, #tpu.memory_space<vmem>>, vector<1x16xf32>,
    %swap3A_295 = arith.constant 49 : i32
    %swap3A_296 = arith.index_cast %swap3A_295 : i32 to index
    %swap3A_297 = arith.constant 0 : index
    %swap3A_298 = tpu.vector_load %arg9[%swap3A_296, %swap3A_297] {strides = array<i32>} : memref<80x16xf32, #tpu.memory_space<vmem>>, vector<1x16xf32>,
    %swap3A_299 = vector.shape_cast %swap3A_298 : vector<1x16xf32> to vector<16xf32>
    %swap3A_300 = vector.shape_cast %broadcast_in_dim3A_1 : vector<16xf32> to vector<1x16xf32>
    tpu.vector_store %arg9[%swap3A_296, %swap3A_297], %swap3A_300 {strides = array<i32>} : memref<80x16xf32, #tpu.memory_space<vmem>>, vector<1x16xf32>,
    %swap3A_301 = arith.constant 50 : i32
    %swap3A_302 = arith.index_cast %swap3A_301 : i32 to index
    %swap3A_303 = arith.constant 0 : index
    %swap3A_304 = tpu.vector_load %arg9[%swap3A_302, %swap3A_303] {strides = array<i32>} : memref<80x16xf32, #tpu.memory_space<vmem>>, vector<1x16xf32>,
    %swap3A_305 = vector.shape_cast %swap3A_304 : vector<1x16xf32> to vector<16xf32>
    %swap3A_306 = vector.shape_cast %broadcast_in_dim3A_1 : vector<16xf32> to vector<1x16xf32>
    tpu.vector_store %arg9[%swap3A_302, %swap3A_303], %swap3A_306 {strides = array<i32>} : memref<80x16xf32, #tpu.memory_space<vmem>>, vector<1x16xf32>,
    %swap3A_307 = arith.constant 51 : i32
    %swap3A_308 = arith.index_cast %swap3A_307 : i32 to index
    %swap3A_309 = arith.constant 0 : index
    %swap3A_310 = tpu.vector_load %arg9[%swap3A_308, %swap3A_309] {strides = array<i32>} : memref<80x16xf32, #tpu.memory_space<vmem>>, vector<1x16xf32>,
    %swap3A_311 = vector.shape_cast %swap3A_310 : vector<1x16xf32> to vector<16xf32>
    %swap3A_312 = vector.shape_cast %broadcast_in_dim3A_1 : vector<16xf32> to vector<1x16xf32>
    tpu.vector_store %arg9[%swap3A_308, %swap3A_309], %swap3A_312 {strides = array<i32>} : memref<80x16xf32, #tpu.memory_space<vmem>>, vector<1x16xf32>,
    %swap3A_313 = arith.constant 52 : i32
    %swap3A_314 = arith.index_cast %swap3A_313 : i32 to index
    %swap3A_315 = arith.constant 0 : index
    %swap3A_316 = tpu.vector_load %arg9[%swap3A_314, %swap3A_315] {strides = array<i32>} : memref<80x16xf32, #tpu.memory_space<vmem>>, vector<1x16xf32>,
    %swap3A_317 = vector.shape_cast %swap3A_316 : vector<1x16xf32> to vector<16xf32>
    %swap3A_318 = vector.shape_cast %broadcast_in_dim3A_1 : vector<16xf32> to vector<1x16xf32>
    tpu.vector_store %arg9[%swap3A_314, %swap3A_315], %swap3A_318 {strides = array<i32>} : memref<80x16xf32, #tpu.memory_space<vmem>>, vector<1x16xf32>,
    %swap3A_319 = arith.constant 53 : i32
    %swap3A_320 = arith.index_cast %swap3A_319 : i32 to index
    %swap3A_321 = arith.constant 0 : index
    %swap3A_322 = tpu.vector_load %arg9[%swap3A_320, %swap3A_321] {strides = array<i32>} : memref<80x16xf32, #tpu.memory_space<vmem>>, vector<1x16xf32>,
    %swap3A_323 = vector.shape_cast %swap3A_322 : vector<1x16xf32> to vector<16xf32>
    %swap3A_324 = vector.shape_cast %broadcast_in_dim3A_1 : vector<16xf32> to vector<1x16xf32>
    tpu.vector_store %arg9[%swap3A_320, %swap3A_321], %swap3A_324 {strides = array<i32>} : memref<80x16xf32, #tpu.memory_space<vmem>>, vector<1x16xf32>,
    %swap3A_325 = arith.constant 54 : i32
    %swap3A_326 = arith.index_cast %swap3A_325 : i32 to index
    %swap3A_327 = arith.constant 0 : index
    %swap3A_328 = tpu.vector_load %arg9[%swap3A_326, %swap3A_327] {strides = array<i32>} : memref<80x16xf32, #tpu.memory_space<vmem>>, vector<1x16xf32>,
    %swap3A_329 = vector.shape_cast %swap3A_328 : vector<1x16xf32> to vector<16xf32>
    %swap3A_330 = vector.shape_cast %broadcast_in_dim3A_1 : vector<16xf32> to vector<1x16xf32>
    tpu.vector_store %arg9[%swap3A_326, %swap3A_327], %swap3A_330 {strides = array<i32>} : memref<80x16xf32, #tpu.memory_space<vmem>>, vector<1x16xf32>,
    %swap3A_331 = arith.constant 55 : i32
    %swap3A_332 = arith.index_cast %swap3A_331 : i32 to index
    %swap3A_333 = arith.constant 0 : index
    %swap3A_334 = tpu.vector_load %arg9[%swap3A_332, %swap3A_333] {strides = array<i32>} : memref<80x16xf32, #tpu.memory_space<vmem>>, vector<1x16xf32>,
    %swap3A_335 = vector.shape_cast %swap3A_334 : vector<1x16xf32> to vector<16xf32>
    %swap3A_336 = vector.shape_cast %broadcast_in_dim3A_1 : vector<16xf32> to vector<1x16xf32>
    tpu.vector_store %arg9[%swap3A_332, %swap3A_333], %swap3A_336 {strides = array<i32>} : memref<80x16xf32, #tpu.memory_space<vmem>>, vector<1x16xf32>,
    %swap3A_337 = arith.constant 56 : i32
    %swap3A_338 = arith.index_cast %swap3A_337 : i32 to index
    %swap3A_339 = arith.constant 0 : index
    %swap3A_340 = tpu.vector_load %arg9[%swap3A_338, %swap3A_339] {strides = array<i32>} : memref<80x16xf32, #tpu.memory_space<vmem>>, vector<1x16xf32>,
    %swap3A_341 = vector.shape_cast %swap3A_340 : vector<1x16xf32> to vector<16xf32>
    %swap3A_342 = vector.shape_cast %broadcast_in_dim3A_1 : vector<16xf32> to vector<1x16xf32>
    tpu.vector_store %arg9[%swap3A_338, %swap3A_339], %swap3A_342 {strides = array<i32>} : memref<80x16xf32, #tpu.memory_space<vmem>>, vector<1x16xf32>,
    %swap3A_343 = arith.constant 57 : i32
    %swap3A_344 = arith.index_cast %swap3A_343 : i32 to index
    %swap3A_345 = arith.constant 0 : index
    %swap3A_346 = tpu.vector_load %arg9[%swap3A_344, %swap3A_345] {strides = array<i32>} : memref<80x16xf32, #tpu.memory_space<vmem>>, vector<1x16xf32>,
    %swap3A_347 = vector.shape_cast %swap3A_346 : vector<1x16xf32> to vector<16xf32>
    %swap3A_348 = vector.shape_cast %broadcast_in_dim3A_1 : vector<16xf32> to vector<1x16xf32>
    tpu.vector_store %arg9[%swap3A_344, %swap3A_345], %swap3A_348 {strides = array<i32>} : memref<80x16xf32, #tpu.memory_space<vmem>>, vector<1x16xf32>,
    %swap3A_349 = arith.constant 58 : i32
    %swap3A_350 = arith.index_cast %swap3A_349 : i32 to index
    %swap3A_351 = arith.constant 0 : index
    %swap3A_352 = tpu.vector_load %arg9[%swap3A_350, %swap3A_351] {strides = array<i32>} : memref<80x16xf32, #tpu.memory_space<vmem>>, vector<1x16xf32>,
    %swap3A_353 = vector.shape_cast %swap3A_352 : vector<1x16xf32> to vector<16xf32>
    %swap3A_354 = vector.shape_cast %broadcast_in_dim3A_1 : vector<16xf32> to vector<1x16xf32>
    tpu.vector_store %arg9[%swap3A_350, %swap3A_351], %swap3A_354 {strides = array<i32>} : memref<80x16xf32, #tpu.memory_space<vmem>>, vector<1x16xf32>,
    %swap3A_355 = arith.constant 59 : i32
    %swap3A_356 = arith.index_cast %swap3A_355 : i32 to index
    %swap3A_357 = arith.constant 0 : index
    %swap3A_358 = tpu.vector_load %arg9[%swap3A_356, %swap3A_357] {strides = array<i32>} : memref<80x16xf32, #tpu.memory_space<vmem>>, vector<1x16xf32>,
    %swap3A_359 = vector.shape_cast %swap3A_358 : vector<1x16xf32> to vector<16xf32>
    %swap3A_360 = vector.shape_cast %broadcast_in_dim3A_1 : vector<16xf32> to vector<1x16xf32>
    tpu.vector_store %arg9[%swap3A_356, %swap3A_357], %swap3A_360 {strides = array<i32>} : memref<80x16xf32, #tpu.memory_space<vmem>>, vector<1x16xf32>,
    %swap3A_361 = arith.constant 60 : i32
    %swap3A_362 = arith.index_cast %swap3A_361 : i32 to index
    %swap3A_363 = arith.constant 0 : index
    %swap3A_364 = tpu.vector_load %arg9[%swap3A_362, %swap3A_363] {strides = array<i32>} : memref<80x16xf32, #tpu.memory_space<vmem>>, vector<1x16xf32>,
    %swap3A_365 = vector.shape_cast %swap3A_364 : vector<1x16xf32> to vector<16xf32>
    %swap3A_366 = vector.shape_cast %broadcast_in_dim3A_1 : vector<16xf32> to vector<1x16xf32>
    tpu.vector_store %arg9[%swap3A_362, %swap3A_363], %swap3A_366 {strides = array<i32>} : memref<80x16xf32, #tpu.memory_space<vmem>>, vector<1x16xf32>,
    %swap3A_367 = arith.constant 61 : i32
    %swap3A_368 = arith.index_cast %swap3A_367 : i32 to index
    %swap3A_369 = arith.constant 0 : index
    %swap3A_370 = tpu.vector_load %arg9[%swap3A_368, %swap3A_369] {strides = array<i32>} : memref<80x16xf32, #tpu.memory_space<vmem>>, vector<1x16xf32>,
    %swap3A_371 = vector.shape_cast %swap3A_370 : vector<1x16xf32> to vector<16xf32>
    %swap3A_372 = vector.shape_cast %broadcast_in_dim3A_1 : vector<16xf32> to vector<1x16xf32>
    tpu.vector_store %arg9[%swap3A_368, %swap3A_369], %swap3A_372 {strides = array<i32>} : memref<80x16xf32, #tpu.memory_space<vmem>>, vector<1x16xf32>,
    %swap3A_373 = arith.constant 62 : i32
    %swap3A_374 = arith.index_cast %swap3A_373 : i32 to index
    %swap3A_375 = arith.constant 0 : index
    %swap3A_376 = tpu.vector_load %arg9[%swap3A_374, %swap3A_375] {strides = array<i32>} : memref<80x16xf32, #tpu.memory_space<vmem>>, vector<1x16xf32>,
    %swap3A_377 = vector.shape_cast %swap3A_376 : vector<1x16xf32> to vector<16xf32>
    %swap3A_378 = vector.shape_cast %broadcast_in_dim3A_1 : vector<16xf32> to vector<1x16xf32>
    tpu.vector_store %arg9[%swap3A_374, %swap3A_375], %swap3A_378 {strides = array<i32>} : memref<80x16xf32, #tpu.memory_space<vmem>>, vector<1x16xf32>,
    %swap3A_379 = arith.constant 63 : i32
    %swap3A_380 = arith.index_cast %swap3A_379 : i32 to index
    %swap3A_381 = arith.constant 0 : index
    %swap3A_382 = tpu.vector_load %arg9[%swap3A_380, %swap3A_381] {strides = array<i32>} : memref<80x16xf32, #tpu.memory_space<vmem>>, vector<1x16xf32>,
    %swap3A_383 = vector.shape_cast %swap3A_382 : vector<1x16xf32> to vector<16xf32>
    %swap3A_384 = vector.shape_cast %broadcast_in_dim3A_1 : vector<16xf32> to vector<1x16xf32>
    tpu.vector_store %arg9[%swap3A_380, %swap3A_381], %swap3A_384 {strides = array<i32>} : memref<80x16xf32, #tpu.memory_space<vmem>>, vector<1x16xf32>,
    %swap3A_385 = arith.constant 64 : i32
    %swap3A_386 = arith.index_cast %swap3A_385 : i32 to index
    %swap3A_387 = arith.constant 0 : index
    %swap3A_388 = tpu.vector_load %arg9[%swap3A_386, %swap3A_387] {strides = array<i32>} : memref<80x16xf32, #tpu.memory_space<vmem>>, vector<1x16xf32>,
    %swap3A_389 = vector.shape_cast %swap3A_388 : vector<1x16xf32> to vector<16xf32>
    %swap3A_390 = vector.shape_cast %broadcast_in_dim3A_1 : vector<16xf32> to vector<1x16xf32>
    tpu.vector_store %arg9[%swap3A_386, %swap3A_387], %swap3A_390 {strides = array<i32>} : memref<80x16xf32, #tpu.memory_space<vmem>>, vector<1x16xf32>,
    %swap3A_391 = arith.constant 65 : i32
    %swap3A_392 = arith.index_cast %swap3A_391 : i32 to index
    %swap3A_393 = arith.constant 0 : index
    %swap3A_394 = tpu.vector_load %arg9[%swap3A_392, %swap3A_393] {strides = array<i32>} : memref<80x16xf32, #tpu.memory_space<vmem>>, vector<1x16xf32>,
    %swap3A_395 = vector.shape_cast %swap3A_394 : vector<1x16xf32> to vector<16xf32>
    %swap3A_396 = vector.shape_cast %broadcast_in_dim3A_1 : vector<16xf32> to vector<1x16xf32>
    tpu.vector_store %arg9[%swap3A_392, %swap3A_393], %swap3A_396 {strides = array<i32>} : memref<80x16xf32, #tpu.memory_space<vmem>>, vector<1x16xf32>,
    %swap3A_397 = arith.constant 66 : i32
    %swap3A_398 = arith.index_cast %swap3A_397 : i32 to index
    %swap3A_399 = arith.constant 0 : index
    %swap3A_400 = tpu.vector_load %arg9[%swap3A_398, %swap3A_399] {strides = array<i32>} : memref<80x16xf32, #tpu.memory_space<vmem>>, vector<1x16xf32>,
    %swap3A_401 = vector.shape_cast %swap3A_400 : vector<1x16xf32> to vector<16xf32>
    %swap3A_402 = vector.shape_cast %broadcast_in_dim3A_1 : vector<16xf32> to vector<1x16xf32>
    tpu.vector_store %arg9[%swap3A_398, %swap3A_399], %swap3A_402 {strides = array<i32>} : memref<80x16xf32, #tpu.memory_space<vmem>>, vector<1x16xf32>,
    %swap3A_403 = arith.constant 67 : i32
    %swap3A_404 = arith.index_cast %swap3A_403 : i32 to index
    %swap3A_405 = arith.constant 0 : index
    %swap3A_406 = tpu.vector_load %arg9[%swap3A_404, %swap3A_405] {strides = array<i32>} : memref<80x16xf32, #tpu.memory_space<vmem>>, vector<1x16xf32>,
    %swap3A_407 = vector.shape_cast %swap3A_406 : vector<1x16xf32> to vector<16xf32>
    %swap3A_408 = vector.shape_cast %broadcast_in_dim3A_1 : vector<16xf32> to vector<1x16xf32>
    tpu.vector_store %arg9[%swap3A_404, %swap3A_405], %swap3A_408 {strides = array<i32>} : memref<80x16xf32, #tpu.memory_space<vmem>>, vector<1x16xf32>,
    %swap3A_409 = arith.constant 68 : i32
    %swap3A_410 = arith.index_cast %swap3A_409 : i32 to index
    %swap3A_411 = arith.constant 0 : index
    %swap3A_412 = tpu.vector_load %arg9[%swap3A_410, %swap3A_411] {strides = array<i32>} : memref<80x16xf32, #tpu.memory_space<vmem>>, vector<1x16xf32>,
    %swap3A_413 = vector.shape_cast %swap3A_412 : vector<1x16xf32> to vector<16xf32>
    %swap3A_414 = vector.shape_cast %broadcast_in_dim3A_1 : vector<16xf32> to vector<1x16xf32>
    tpu.vector_store %arg9[%swap3A_410, %swap3A_411], %swap3A_414 {strides = array<i32>} : memref<80x16xf32, #tpu.memory_space<vmem>>, vector<1x16xf32>,
    %swap3A_415 = arith.constant 69 : i32
    %swap3A_416 = arith.index_cast %swap3A_415 : i32 to index
    %swap3A_417 = arith.constant 0 : index
    %swap3A_418 = tpu.vector_load %arg9[%swap3A_416, %swap3A_417] {strides = array<i32>} : memref<80x16xf32, #tpu.memory_space<vmem>>, vector<1x16xf32>,
    %swap3A_419 = vector.shape_cast %swap3A_418 : vector<1x16xf32> to vector<16xf32>
    %swap3A_420 = vector.shape_cast %broadcast_in_dim3A_1 : vector<16xf32> to vector<1x16xf32>
    tpu.vector_store %arg9[%swap3A_416, %swap3A_417], %swap3A_420 {strides = array<i32>} : memref<80x16xf32, #tpu.memory_space<vmem>>, vector<1x16xf32>,
    %swap3A_421 = arith.constant 70 : i32
    %swap3A_422 = arith.index_cast %swap3A_421 : i32 to index
    %swap3A_423 = arith.constant 0 : index
    %swap3A_424 = tpu.vector_load %arg9[%swap3A_422, %swap3A_423] {strides = array<i32>} : memref<80x16xf32, #tpu.memory_space<vmem>>, vector<1x16xf32>,
    %swap3A_425 = vector.shape_cast %swap3A_424 : vector<1x16xf32> to vector<16xf32>
    %swap3A_426 = vector.shape_cast %broadcast_in_dim3A_1 : vector<16xf32> to vector<1x16xf32>
    tpu.vector_store %arg9[%swap3A_422, %swap3A_423], %swap3A_426 {strides = array<i32>} : memref<80x16xf32, #tpu.memory_space<vmem>>, vector<1x16xf32>,
    %swap3A_427 = arith.constant 71 : i32
    %swap3A_428 = arith.index_cast %swap3A_427 : i32 to index
    %swap3A_429 = arith.constant 0 : index
    %swap3A_430 = tpu.vector_load %arg9[%swap3A_428, %swap3A_429] {strides = array<i32>} : memref<80x16xf32, #tpu.memory_space<vmem>>, vector<1x16xf32>,
    %swap3A_431 = vector.shape_cast %swap3A_430 : vector<1x16xf32> to vector<16xf32>
    %swap3A_432 = vector.shape_cast %broadcast_in_dim3A_1 : vector<16xf32> to vector<1x16xf32>
    tpu.vector_store %arg9[%swap3A_428, %swap3A_429], %swap3A_432 {strides = array<i32>} : memref<80x16xf32, #tpu.memory_space<vmem>>, vector<1x16xf32>,
    %swap3A_433 = arith.constant 72 : i32
    %swap3A_434 = arith.index_cast %swap3A_433 : i32 to index
    %swap3A_435 = arith.constant 0 : index
    %swap3A_436 = tpu.vector_load %arg9[%swap3A_434, %swap3A_435] {strides = array<i32>} : memref<80x16xf32, #tpu.memory_space<vmem>>, vector<1x16xf32>,
    %swap3A_437 = vector.shape_cast %swap3A_436 : vector<1x16xf32> to vector<16xf32>
    %swap3A_438 = vector.shape_cast %broadcast_in_dim3A_1 : vector<16xf32> to vector<1x16xf32>
    tpu.vector_store %arg9[%swap3A_434, %swap3A_435], %swap3A_438 {strides = array<i32>} : memref<80x16xf32, #tpu.memory_space<vmem>>, vector<1x16xf32>,
    %swap3A_439 = arith.constant 73 : i32
    %swap3A_440 = arith.index_cast %swap3A_439 : i32 to index
    %swap3A_441 = arith.constant 0 : index
    %swap3A_442 = tpu.vector_load %arg9[%swap3A_440, %swap3A_441] {strides = array<i32>} : memref<80x16xf32, #tpu.memory_space<vmem>>, vector<1x16xf32>,
    %swap3A_443 = vector.shape_cast %swap3A_442 : vector<1x16xf32> to vector<16xf32>
    %swap3A_444 = vector.shape_cast %broadcast_in_dim3A_1 : vector<16xf32> to vector<1x16xf32>
    tpu.vector_store %arg9[%swap3A_440, %swap3A_441], %swap3A_444 {strides = array<i32>} : memref<80x16xf32, #tpu.memory_space<vmem>>, vector<1x16xf32>,
    %swap3A_445 = arith.constant 74 : i32
    %swap3A_446 = arith.index_cast %swap3A_445 : i32 to index
    %swap3A_447 = arith.constant 0 : index
    %swap3A_448 = tpu.vector_load %arg9[%swap3A_446, %swap3A_447] {strides = array<i32>} : memref<80x16xf32, #tpu.memory_space<vmem>>, vector<1x16xf32>,
    %swap3A_449 = vector.shape_cast %swap3A_448 : vector<1x16xf32> to vector<16xf32>
    %swap3A_450 = vector.shape_cast %broadcast_in_dim3A_1 : vector<16xf32> to vector<1x16xf32>
    tpu.vector_store %arg9[%swap3A_446, %swap3A_447], %swap3A_450 {strides = array<i32>} : memref<80x16xf32, #tpu.memory_space<vmem>>, vector<1x16xf32>,
    %swap3A_451 = arith.constant 75 : i32
    %swap3A_452 = arith.index_cast %swap3A_451 : i32 to index
    %swap3A_453 = arith.constant 0 : index
    %swap3A_454 = tpu.vector_load %arg9[%swap3A_452, %swap3A_453] {strides = array<i32>} : memref<80x16xf32, #tpu.memory_space<vmem>>, vector<1x16xf32>,
    %swap3A_455 = vector.shape_cast %swap3A_454 : vector<1x16xf32> to vector<16xf32>
    %swap3A_456 = vector.shape_cast %broadcast_in_dim3A_1 : vector<16xf32> to vector<1x16xf32>
    tpu.vector_store %arg9[%swap3A_452, %swap3A_453], %swap3A_456 {strides = array<i32>} : memref<80x16xf32, #tpu.memory_space<vmem>>, vector<1x16xf32>,
    %swap3A_457 = arith.constant 76 : i32
    %swap3A_458 = arith.index_cast %swap3A_457 : i32 to index
    %swap3A_459 = arith.constant 0 : index
    %swap3A_460 = tpu.vector_load %arg9[%swap3A_458, %swap3A_459] {strides = array<i32>} : memref<80x16xf32, #tpu.memory_space<vmem>>, vector<1x16xf32>,
    %swap3A_461 = vector.shape_cast %swap3A_460 : vector<1x16xf32> to vector<16xf32>
    %swap3A_462 = vector.shape_cast %broadcast_in_dim3A_1 : vector<16xf32> to vector<1x16xf32>
    tpu.vector_store %arg9[%swap3A_458, %swap3A_459], %swap3A_462 {strides = array<i32>} : memref<80x16xf32, #tpu.memory_space<vmem>>, vector<1x16xf32>,
    %swap3A_463 = arith.constant 77 : i32
    %swap3A_464 = arith.index_cast %swap3A_463 : i32 to index
    %swap3A_465 = arith.constant 0 : index
    %swap3A_466 = tpu.vector_load %arg9[%swap3A_464, %swap3A_465] {strides = array<i32>} : memref<80x16xf32, #tpu.memory_space<vmem>>, vector<1x16xf32>,
    %swap3A_467 = vector.shape_cast %swap3A_466 : vector<1x16xf32> to vector<16xf32>
    %swap3A_468 = vector.shape_cast %broadcast_in_dim3A_1 : vector<16xf32> to vector<1x16xf32>
    tpu.vector_store %arg9[%swap3A_464, %swap3A_465], %swap3A_468 {strides = array<i32>} : memref<80x16xf32, #tpu.memory_space<vmem>>, vector<1x16xf32>,
    %swap3A_469 = arith.constant 78 : i32
    %swap3A_470 = arith.index_cast %swap3A_469 : i32 to index
    %swap3A_471 = arith.constant 0 : index
    %swap3A_472 = tpu.vector_load %arg9[%swap3A_470, %swap3A_471] {strides = array<i32>} : memref<80x16xf32, #tpu.memory_space<vmem>>, vector<1x16xf32>,
    %swap3A_473 = vector.shape_cast %swap3A_472 : vector<1x16xf32> to vector<16xf32>
    %swap3A_474 = vector.shape_cast %broadcast_in_dim3A_1 : vector<16xf32> to vector<1x16xf32>
    tpu.vector_store %arg9[%swap3A_470, %swap3A_471], %swap3A_474 {strides = array<i32>} : memref<80x16xf32, #tpu.memory_space<vmem>>, vector<1x16xf32>,
    %swap3A_475 = arith.constant 79 : i32
    %swap3A_476 = arith.index_cast %swap3A_475 : i32 to index
    %swap3A_477 = arith.constant 0 : index
    %swap3A_478 = tpu.vector_load %arg9[%swap3A_476, %swap3A_477] {strides = array<i32>} : memref<80x16xf32, #tpu.memory_space<vmem>>, vector<1x16xf32>,
    %swap3A_479 = vector.shape_cast %swap3A_478 : vector<1x16xf32> to vector<16xf32>
    %swap3A_480 = vector.shape_cast %broadcast_in_dim3A_1 : vector<16xf32> to vector<1x16xf32>
    tpu.vector_store %arg9[%swap3A_476, %swap3A_477], %swap3A_480 {strides = array<i32>} : memref<80x16xf32, #tpu.memory_space<vmem>>, vector<1x16xf32>,
    %mul3A_481 = arith.constant 640 : i32
    %mul3A_482 = arith.muli %arg1, %mul3A_481 : i32
    %add3A_483 = arith.constant 0 : i32
    %add3A_484 = arith.addi %mul3A_482, %add3A_483 : i32
    "tpu.region"() ({
      %run_scoped3A = tpu.sem_alloc : memref<!tpu.dma_semaphore, #tpu.memory_space<semaphore_mem>>
      %dma_start3A_614 = arith.constant 0 : i32
      %dma_start3A_615 = tpu.memref_slice %arg10[%add3A_484, %dma_start3A_614] : memref<10240x16xf32, #tpu.memory_space<vmem_shared>> -> memref<80x16xf32, #tpu.memory_space<vmem_shared>>
      %dma_start3A_616 = arith.constant 0 : i32
      %dma_start3A_617 = tpu.memref_slice %arg10[%add3A_484, %dma_start3A_616] : memref<10240x16xf32, #tpu.memory_space<vmem_shared>> -> memref<80x16xf32, #tpu.memory_space<vmem_shared>>
      tpu.enqueue_dma source(%arg9 : memref<80x16xf32, #tpu.memory_space<vmem>>) target(%dma_start3A_617 : memref<80x16xf32, #tpu.memory_space<vmem_shared>>) target_semaphore(%run_scoped3A : memref<!tpu.dma_semaphore, #tpu.memory_space<semaphore_mem>>)
      %dma_wait3A_618 = arith.constant 0 : i32
      %dma_wait3A_619 = tpu.memref_slice %arg10[%add3A_484, %dma_wait3A_618] : memref<10240x16xf32, #tpu.memory_space<vmem_shared>> -> memref<80x16xf32, #tpu.memory_space<vmem_shared>>
      %dma_wait3A_620 = arith.constant 0 : i32
      %dma_wait3A_621 = tpu.memref_slice %arg10[%add3A_484, %dma_wait3A_620] : memref<10240x16xf32, #tpu.memory_space<vmem_shared>> -> memref<80x16xf32, #tpu.memory_space<vmem_shared>>
      tpu.wait_dma2 semaphore(%run_scoped3A : memref<!tpu.dma_semaphore, #tpu.memory_space<semaphore_mem>>) src(%arg9 : memref<80x16xf32, #tpu.memory_space<vmem>>) dst(%dma_wait3A_621 : memref<80x16xf32, #tpu.memory_space<vmem_shared>>)
      tpu.yield
    }) : () -> ()
    %mul3A_485 = arith.constant 640 : i32
    %mul3A_486 = arith.muli %arg1, %mul3A_485 : i32
    %add3A_487 = arith.constant 80 : i32
    %add3A_488 = arith.addi %mul3A_486, %add3A_487 : i32
    "tpu.region"() ({
      %run_scoped3A = tpu.sem_alloc : memref<!tpu.dma_semaphore, #tpu.memory_space<semaphore_mem>>
      %dma_start3A_614 = arith.constant 0 : i32
      %dma_start3A_615 = tpu.memref_slice %arg10[%add3A_488, %dma_start3A_614] : memref<10240x16xf32, #tpu.memory_space<vmem_shared>> -> memref<80x16xf32, #tpu.memory_space<vmem_shared>>
      %dma_start3A_616 = arith.constant 0 : i32
      %dma_start3A_617 = tpu.memref_slice %arg10[%add3A_488, %dma_start3A_616] : memref<10240x16xf32, #tpu.memory_space<vmem_shared>> -> memref<80x16xf32, #tpu.memory_space<vmem_shared>>
      tpu.enqueue_dma source(%arg9 : memref<80x16xf32, #tpu.memory_space<vmem>>) target(%dma_start3A_617 : memref<80x16xf32, #tpu.memory_space<vmem_shared>>) target_semaphore(%run_scoped3A : memref<!tpu.dma_semaphore, #tpu.memory_space<semaphore_mem>>)
      %dma_wait3A_618 = arith.constant 0 : i32
      %dma_wait3A_619 = tpu.memref_slice %arg10[%add3A_488, %dma_wait3A_618] : memref<10240x16xf32, #tpu.memory_space<vmem_shared>> -> memref<80x16xf32, #tpu.memory_space<vmem_shared>>
      %dma_wait3A_620 = arith.constant 0 : i32
      %dma_wait3A_621 = tpu.memref_slice %arg10[%add3A_488, %dma_wait3A_620] : memref<10240x16xf32, #tpu.memory_space<vmem_shared>> -> memref<80x16xf32, #tpu.memory_space<vmem_shared>>
      tpu.wait_dma2 semaphore(%run_scoped3A : memref<!tpu.dma_semaphore, #tpu.memory_space<semaphore_mem>>) src(%arg9 : memref<80x16xf32, #tpu.memory_space<vmem>>) dst(%dma_wait3A_621 : memref<80x16xf32, #tpu.memory_space<vmem_shared>>)
      tpu.yield
    }) : () -> ()
    %mul3A_489 = arith.constant 640 : i32
    %mul3A_490 = arith.muli %arg1, %mul3A_489 : i32
    %add3A_491 = arith.constant 160 : i32
    %add3A_492 = arith.addi %mul3A_490, %add3A_491 : i32
    "tpu.region"() ({
      %run_scoped3A = tpu.sem_alloc : memref<!tpu.dma_semaphore, #tpu.memory_space<semaphore_mem>>
      %dma_start3A_614 = arith.constant 0 : i32
      %dma_start3A_615 = tpu.memref_slice %arg10[%add3A_492, %dma_start3A_614] : memref<10240x16xf32, #tpu.memory_space<vmem_shared>> -> memref<80x16xf32, #tpu.memory_space<vmem_shared>>
      %dma_start3A_616 = arith.constant 0 : i32
      %dma_start3A_617 = tpu.memref_slice %arg10[%add3A_492, %dma_start3A_616] : memref<10240x16xf32, #tpu.memory_space<vmem_shared>> -> memref<80x16xf32, #tpu.memory_space<vmem_shared>>
      tpu.enqueue_dma source(%arg9 : memref<80x16xf32, #tpu.memory_space<vmem>>) target(%dma_start3A_617 : memref<80x16xf32, #tpu.memory_space<vmem_shared>>) target_semaphore(%run_scoped3A : memref<!tpu.dma_semaphore, #tpu.memory_space<semaphore_mem>>)
      %dma_wait3A_618 = arith.constant 0 : i32
      %dma_wait3A_619 = tpu.memref_slice %arg10[%add3A_492, %dma_wait3A_618] : memref<10240x16xf32, #tpu.memory_space<vmem_shared>> -> memref<80x16xf32, #tpu.memory_space<vmem_shared>>
      %dma_wait3A_620 = arith.constant 0 : i32
      %dma_wait3A_621 = tpu.memref_slice %arg10[%add3A_492, %dma_wait3A_620] : memref<10240x16xf32, #tpu.memory_space<vmem_shared>> -> memref<80x16xf32, #tpu.memory_space<vmem_shared>>
      tpu.wait_dma2 semaphore(%run_scoped3A : memref<!tpu.dma_semaphore, #tpu.memory_space<semaphore_mem>>) src(%arg9 : memref<80x16xf32, #tpu.memory_space<vmem>>) dst(%dma_wait3A_621 : memref<80x16xf32, #tpu.memory_space<vmem_shared>>)
      tpu.yield
    }) : () -> ()
    %mul3A_493 = arith.constant 640 : i32
    %mul3A_494 = arith.muli %arg1, %mul3A_493 : i32
    %add3A_495 = arith.constant 240 : i32
    %add3A_496 = arith.addi %mul3A_494, %add3A_495 : i32
    "tpu.region"() ({
      %run_scoped3A = tpu.sem_alloc : memref<!tpu.dma_semaphore, #tpu.memory_space<semaphore_mem>>
      %dma_start3A_614 = arith.constant 0 : i32
      %dma_start3A_615 = tpu.memref_slice %arg10[%add3A_496, %dma_start3A_614] : memref<10240x16xf32, #tpu.memory_space<vmem_shared>> -> memref<80x16xf32, #tpu.memory_space<vmem_shared>>
      %dma_start3A_616 = arith.constant 0 : i32
      %dma_start3A_617 = tpu.memref_slice %arg10[%add3A_496, %dma_start3A_616] : memref<10240x16xf32, #tpu.memory_space<vmem_shared>> -> memref<80x16xf32, #tpu.memory_space<vmem_shared>>
      tpu.enqueue_dma source(%arg9 : memref<80x16xf32, #tpu.memory_space<vmem>>) target(%dma_start3A_617 : memref<80x16xf32, #tpu.memory_space<vmem_shared>>) target_semaphore(%run_scoped3A : memref<!tpu.dma_semaphore, #tpu.memory_space<semaphore_mem>>)
      %dma_wait3A_618 = arith.constant 0 : i32
      %dma_wait3A_619 = tpu.memref_slice %arg10[%add3A_496, %dma_wait3A_618] : memref<10240x16xf32, #tpu.memory_space<vmem_shared>> -> memref<80x16xf32, #tpu.memory_space<vmem_shared>>
      %dma_wait3A_620 = arith.constant 0 : i32
      %dma_wait3A_621 = tpu.memref_slice %arg10[%add3A_496, %dma_wait3A_620] : memref<10240x16xf32, #tpu.memory_space<vmem_shared>> -> memref<80x16xf32, #tpu.memory_space<vmem_shared>>
      tpu.wait_dma2 semaphore(%run_scoped3A : memref<!tpu.dma_semaphore, #tpu.memory_space<semaphore_mem>>) src(%arg9 : memref<80x16xf32, #tpu.memory_space<vmem>>) dst(%dma_wait3A_621 : memref<80x16xf32, #tpu.memory_space<vmem_shared>>)
      tpu.yield
    }) : () -> ()
    %mul3A_497 = arith.constant 640 : i32
    %mul3A_498 = arith.muli %arg1, %mul3A_497 : i32
    %add3A_499 = arith.constant 320 : i32
    %add3A_500 = arith.addi %mul3A_498, %add3A_499 : i32
    "tpu.region"() ({
      %run_scoped3A = tpu.sem_alloc : memref<!tpu.dma_semaphore, #tpu.memory_space<semaphore_mem>>
      %dma_start3A_614 = arith.constant 0 : i32
      %dma_start3A_615 = tpu.memref_slice %arg10[%add3A_500, %dma_start3A_614] : memref<10240x16xf32, #tpu.memory_space<vmem_shared>> -> memref<80x16xf32, #tpu.memory_space<vmem_shared>>
      %dma_start3A_616 = arith.constant 0 : i32
      %dma_start3A_617 = tpu.memref_slice %arg10[%add3A_500, %dma_start3A_616] : memref<10240x16xf32, #tpu.memory_space<vmem_shared>> -> memref<80x16xf32, #tpu.memory_space<vmem_shared>>
      tpu.enqueue_dma source(%arg9 : memref<80x16xf32, #tpu.memory_space<vmem>>) target(%dma_start3A_617 : memref<80x16xf32, #tpu.memory_space<vmem_shared>>) target_semaphore(%run_scoped3A : memref<!tpu.dma_semaphore, #tpu.memory_space<semaphore_mem>>)
      %dma_wait3A_618 = arith.constant 0 : i32
      %dma_wait3A_619 = tpu.memref_slice %arg10[%add3A_500, %dma_wait3A_618] : memref<10240x16xf32, #tpu.memory_space<vmem_shared>> -> memref<80x16xf32, #tpu.memory_space<vmem_shared>>
      %dma_wait3A_620 = arith.constant 0 : i32
      %dma_wait3A_621 = tpu.memref_slice %arg10[%add3A_500, %dma_wait3A_620] : memref<10240x16xf32, #tpu.memory_space<vmem_shared>> -> memref<80x16xf32, #tpu.memory_space<vmem_shared>>
      tpu.wait_dma2 semaphore(%run_scoped3A : memref<!tpu.dma_semaphore, #tpu.memory_space<semaphore_mem>>) src(%arg9 : memref<80x16xf32, #tpu.memory_space<vmem>>) dst(%dma_wait3A_621 : memref<80x16xf32, #tpu.memory_space<vmem_shared>>)
      tpu.yield
    }) : () -> ()
    %mul3A_501 = arith.constant 640 : i32
    %mul3A_502 = arith.muli %arg1, %mul3A_501 : i32
    %add3A_503 = arith.constant 400 : i32
    %add3A_504 = arith.addi %mul3A_502, %add3A_503 : i32
    "tpu.region"() ({
      %run_scoped3A = tpu.sem_alloc : memref<!tpu.dma_semaphore, #tpu.memory_space<semaphore_mem>>
      %dma_start3A_614 = arith.constant 0 : i32
      %dma_start3A_615 = tpu.memref_slice %arg10[%add3A_504, %dma_start3A_614] : memref<10240x16xf32, #tpu.memory_space<vmem_shared>> -> memref<80x16xf32, #tpu.memory_space<vmem_shared>>
      %dma_start3A_616 = arith.constant 0 : i32
      %dma_start3A_617 = tpu.memref_slice %arg10[%add3A_504, %dma_start3A_616] : memref<10240x16xf32, #tpu.memory_space<vmem_shared>> -> memref<80x16xf32, #tpu.memory_space<vmem_shared>>
      tpu.enqueue_dma source(%arg9 : memref<80x16xf32, #tpu.memory_space<vmem>>) target(%dma_start3A_617 : memref<80x16xf32, #tpu.memory_space<vmem_shared>>) target_semaphore(%run_scoped3A : memref<!tpu.dma_semaphore, #tpu.memory_space<semaphore_mem>>)
      %dma_wait3A_618 = arith.constant 0 : i32
      %dma_wait3A_619 = tpu.memref_slice %arg10[%add3A_504, %dma_wait3A_618] : memref<10240x16xf32, #tpu.memory_space<vmem_shared>> -> memref<80x16xf32, #tpu.memory_space<vmem_shared>>
      %dma_wait3A_620 = arith.constant 0 : i32
      %dma_wait3A_621 = tpu.memref_slice %arg10[%add3A_504, %dma_wait3A_620] : memref<10240x16xf32, #tpu.memory_space<vmem_shared>> -> memref<80x16xf32, #tpu.memory_space<vmem_shared>>
      tpu.wait_dma2 semaphore(%run_scoped3A : memref<!tpu.dma_semaphore, #tpu.memory_space<semaphore_mem>>) src(%arg9 : memref<80x16xf32, #tpu.memory_space<vmem>>) dst(%dma_wait3A_621 : memref<80x16xf32, #tpu.memory_space<vmem_shared>>)
      tpu.yield
    }) : () -> ()
    %mul3A_505 = arith.constant 640 : i32
    %mul3A_506 = arith.muli %arg1, %mul3A_505 : i32
    %add3A_507 = arith.constant 480 : i32
    %add3A_508 = arith.addi %mul3A_506, %add3A_507 : i32
    "tpu.region"() ({
      %run_scoped3A = tpu.sem_alloc : memref<!tpu.dma_semaphore, #tpu.memory_space<semaphore_mem>>
      %dma_start3A_614 = arith.constant 0 : i32
      %dma_start3A_615 = tpu.memref_slice %arg10[%add3A_508, %dma_start3A_614] : memref<10240x16xf32, #tpu.memory_space<vmem_shared>> -> memref<80x16xf32, #tpu.memory_space<vmem_shared>>
      %dma_start3A_616 = arith.constant 0 : i32
      %dma_start3A_617 = tpu.memref_slice %arg10[%add3A_508, %dma_start3A_616] : memref<10240x16xf32, #tpu.memory_space<vmem_shared>> -> memref<80x16xf32, #tpu.memory_space<vmem_shared>>
      tpu.enqueue_dma source(%arg9 : memref<80x16xf32, #tpu.memory_space<vmem>>) target(%dma_start3A_617 : memref<80x16xf32, #tpu.memory_space<vmem_shared>>) target_semaphore(%run_scoped3A : memref<!tpu.dma_semaphore, #tpu.memory_space<semaphore_mem>>)
      %dma_wait3A_618 = arith.constant 0 : i32
      %dma_wait3A_619 = tpu.memref_slice %arg10[%add3A_508, %dma_wait3A_618] : memref<10240x16xf32, #tpu.memory_space<vmem_shared>> -> memref<80x16xf32, #tpu.memory_space<vmem_shared>>
      %dma_wait3A_620 = arith.constant 0 : i32
      %dma_wait3A_621 = tpu.memref_slice %arg10[%add3A_508, %dma_wait3A_620] : memref<10240x16xf32, #tpu.memory_space<vmem_shared>> -> memref<80x16xf32, #tpu.memory_space<vmem_shared>>
      tpu.wait_dma2 semaphore(%run_scoped3A : memref<!tpu.dma_semaphore, #tpu.memory_space<semaphore_mem>>) src(%arg9 : memref<80x16xf32, #tpu.memory_space<vmem>>) dst(%dma_wait3A_621 : memref<80x16xf32, #tpu.memory_space<vmem_shared>>)
      tpu.yield
    }) : () -> ()
    %mul3A_509 = arith.constant 640 : i32
    %mul3A_510 = arith.muli %arg1, %mul3A_509 : i32
    %add3A_511 = arith.constant 560 : i32
    %add3A_512 = arith.addi %mul3A_510, %add3A_511 : i32
    "tpu.region"() ({
      %run_scoped3A = tpu.sem_alloc : memref<!tpu.dma_semaphore, #tpu.memory_space<semaphore_mem>>
      %dma_start3A_614 = arith.constant 0 : i32
      %dma_start3A_615 = tpu.memref_slice %arg10[%add3A_512, %dma_start3A_614] : memref<10240x16xf32, #tpu.memory_space<vmem_shared>> -> memref<80x16xf32, #tpu.memory_space<vmem_shared>>
      %dma_start3A_616 = arith.constant 0 : i32
      %dma_start3A_617 = tpu.memref_slice %arg10[%add3A_512, %dma_start3A_616] : memref<10240x16xf32, #tpu.memory_space<vmem_shared>> -> memref<80x16xf32, #tpu.memory_space<vmem_shared>>
      tpu.enqueue_dma source(%arg9 : memref<80x16xf32, #tpu.memory_space<vmem>>) target(%dma_start3A_617 : memref<80x16xf32, #tpu.memory_space<vmem_shared>>) target_semaphore(%run_scoped3A : memref<!tpu.dma_semaphore, #tpu.memory_space<semaphore_mem>>)
      %dma_wait3A_618 = arith.constant 0 : i32
      %dma_wait3A_619 = tpu.memref_slice %arg10[%add3A_512, %dma_wait3A_618] : memref<10240x16xf32, #tpu.memory_space<vmem_shared>> -> memref<80x16xf32, #tpu.memory_space<vmem_shared>>
      %dma_wait3A_620 = arith.constant 0 : i32
      %dma_wait3A_621 = tpu.memref_slice %arg10[%add3A_512, %dma_wait3A_620] : memref<10240x16xf32, #tpu.memory_space<vmem_shared>> -> memref<80x16xf32, #tpu.memory_space<vmem_shared>>
      tpu.wait_dma2 semaphore(%run_scoped3A : memref<!tpu.dma_semaphore, #tpu.memory_space<semaphore_mem>>) src(%arg9 : memref<80x16xf32, #tpu.memory_space<vmem>>) dst(%dma_wait3A_621 : memref<80x16xf32, #tpu.memory_space<vmem_shared>>)
      tpu.yield
    }) : () -> ()
    %barrier3A = arith.constant 0 : index
    tpu.barrier barrier_id(%barrier3A)
    %dma_start3A = arith.constant 0 : i32
    %dma_start3A_513 = arith.constant 0 : i32
    %dma_start3A_514 = arith.constant 0 : i32
    %dma_start3A_515 = arith.constant 0 : i32
    %dma_start3A_516 = tpu.memref_slice %arg8[%dma_start3A_513, %dma_start3A_514, %dma_start3A_515] : memref<4x128x16xf32, #tpu.memory_space<vmem>> -> memref<1x128x16xf32, #tpu.memory_space<vmem>>
    %dma_start3A_517 = tpu.memref_squeeze %dma_start3A_516 : memref<1x128x16xf32, #tpu.memory_space<vmem>> -> memref<128x16xf32, #tpu.memory_space<vmem>>
    %dma_start3A_518 = arith.constant 0 : i32
    %dma_start3A_519 = tpu.memref_slice %arg6[%dma_start3A, %dma_start3A_518] : memref<80x128xi32, #tpu.memory_space<vmem>> -> memref<1x128xi32, #tpu.memory_space<vmem>>
    %dma_start3A_520 = tpu.memref_squeeze %dma_start3A_519 : memref<1x128xi32, #tpu.memory_space<vmem>> -> memref<128xi32, #tpu.memory_space<vmem>>
    %dma_start3A_521 = arith.constant 0 : i32
    %dma_start3A_522 = arith.constant 0 : i32
    %dma_start3A_523 = tpu.memref_slice %arg2[%dma_start3A_521, %dma_start3A_522] : memref<10240x16xf32, #tpu.memory_space<hbm>> -> memref<10240x16xf32, #tpu.memory_space<hbm>>
    tpu.enqueue_indirect_dma source(%dma_start3A_523 : memref<10240x16xf32, #tpu.memory_space<hbm>>) target(%dma_start3A_517 : memref<128x16xf32, #tpu.memory_space<vmem>>) offsets(%dma_start3A_520 : memref<128xi32, #tpu.memory_space<vmem>>) semaphore(%arg11 : memref<!tpu.dma_semaphore, #tpu.memory_space<semaphore_mem>>)
    %dma_start3A_524 = arith.constant 1 : i32
    %dma_start3A_525 = arith.constant 1 : i32
    %dma_start3A_526 = arith.constant 0 : i32
    %dma_start3A_527 = arith.constant 0 : i32
    %dma_start3A_528 = tpu.memref_slice %arg8[%dma_start3A_525, %dma_start3A_526, %dma_start3A_527] : memref<4x128x16xf32, #tpu.memory_space<vmem>> -> memref<1x128x16xf32, #tpu.memory_space<vmem>>
    %dma_start3A_529 = tpu.memref_squeeze %dma_start3A_528 : memref<1x128x16xf32, #tpu.memory_space<vmem>> -> memref<128x16xf32, #tpu.memory_space<vmem>>
    %dma_start3A_530 = arith.constant 0 : i32
    %dma_start3A_531 = tpu.memref_slice %arg6[%dma_start3A_524, %dma_start3A_530] : memref<80x128xi32, #tpu.memory_space<vmem>> -> memref<1x128xi32, #tpu.memory_space<vmem>>
    %dma_start3A_532 = tpu.memref_squeeze %dma_start3A_531 : memref<1x128xi32, #tpu.memory_space<vmem>> -> memref<128xi32, #tpu.memory_space<vmem>>
    %dma_start3A_533 = arith.constant 0 : i32
    %dma_start3A_534 = arith.constant 0 : i32
    %dma_start3A_535 = tpu.memref_slice %arg2[%dma_start3A_533, %dma_start3A_534] : memref<10240x16xf32, #tpu.memory_space<hbm>> -> memref<10240x16xf32, #tpu.memory_space<hbm>>
    tpu.enqueue_indirect_dma source(%dma_start3A_535 : memref<10240x16xf32, #tpu.memory_space<hbm>>) target(%dma_start3A_529 : memref<128x16xf32, #tpu.memory_space<vmem>>) offsets(%dma_start3A_532 : memref<128xi32, #tpu.memory_space<vmem>>) semaphore(%arg12 : memref<!tpu.dma_semaphore, #tpu.memory_space<semaphore_mem>>)
    %dma_start3A_536 = arith.constant 2 : i32
    %dma_start3A_537 = arith.constant 2 : i32
    %dma_start3A_538 = arith.constant 0 : i32
    %dma_start3A_539 = arith.constant 0 : i32
    %dma_start3A_540 = tpu.memref_slice %arg8[%dma_start3A_537, %dma_start3A_538, %dma_start3A_539] : memref<4x128x16xf32, #tpu.memory_space<vmem>> -> memref<1x128x16xf32, #tpu.memory_space<vmem>>
    %dma_start3A_541 = tpu.memref_squeeze %dma_start3A_540 : memref<1x128x16xf32, #tpu.memory_space<vmem>> -> memref<128x16xf32, #tpu.memory_space<vmem>>
    %dma_start3A_542 = arith.constant 0 : i32
    %dma_start3A_543 = tpu.memref_slice %arg6[%dma_start3A_536, %dma_start3A_542] : memref<80x128xi32, #tpu.memory_space<vmem>> -> memref<1x128xi32, #tpu.memory_space<vmem>>
    %dma_start3A_544 = tpu.memref_squeeze %dma_start3A_543 : memref<1x128xi32, #tpu.memory_space<vmem>> -> memref<128xi32, #tpu.memory_space<vmem>>
    %dma_start3A_545 = arith.constant 0 : i32
    %dma_start3A_546 = arith.constant 0 : i32
    %dma_start3A_547 = tpu.memref_slice %arg2[%dma_start3A_545, %dma_start3A_546] : memref<10240x16xf32, #tpu.memory_space<hbm>> -> memref<10240x16xf32, #tpu.memory_space<hbm>>
    tpu.enqueue_indirect_dma source(%dma_start3A_547 : memref<10240x16xf32, #tpu.memory_space<hbm>>) target(%dma_start3A_541 : memref<128x16xf32, #tpu.memory_space<vmem>>) offsets(%dma_start3A_544 : memref<128xi32, #tpu.memory_space<vmem>>) semaphore(%arg13 : memref<!tpu.dma_semaphore, #tpu.memory_space<semaphore_mem>>)
    %dma_start3A_548 = arith.constant 3 : i32
    %dma_start3A_549 = arith.constant 3 : i32
    %dma_start3A_550 = arith.constant 0 : i32
    %dma_start3A_551 = arith.constant 0 : i32
    %dma_start3A_552 = tpu.memref_slice %arg8[%dma_start3A_549, %dma_start3A_550, %dma_start3A_551] : memref<4x128x16xf32, #tpu.memory_space<vmem>> -> memref<1x128x16xf32, #tpu.memory_space<vmem>>
    %dma_start3A_553 = tpu.memref_squeeze %dma_start3A_552 : memref<1x128x16xf32, #tpu.memory_space<vmem>> -> memref<128x16xf32, #tpu.memory_space<vmem>>
    %dma_start3A_554 = arith.constant 0 : i32
    %dma_start3A_555 = tpu.memref_slice %arg6[%dma_start3A_548, %dma_start3A_554] : memref<80x128xi32, #tpu.memory_space<vmem>> -> memref<1x128xi32, #tpu.memory_space<vmem>>
    %dma_start3A_556 = tpu.memref_squeeze %dma_start3A_555 : memref<1x128xi32, #tpu.memory_space<vmem>> -> memref<128xi32, #tpu.memory_space<vmem>>
    %dma_start3A_557 = arith.constant 0 : i32
    %dma_start3A_558 = arith.constant 0 : i32
    %dma_start3A_559 = tpu.memref_slice %arg2[%dma_start3A_557, %dma_start3A_558] : memref<10240x16xf32, #tpu.memory_space<hbm>> -> memref<10240x16xf32, #tpu.memory_space<hbm>>
    tpu.enqueue_indirect_dma source(%dma_start3A_559 : memref<10240x16xf32, #tpu.memory_space<hbm>>) target(%dma_start3A_553 : memref<128x16xf32, #tpu.memory_space<vmem>>) offsets(%dma_start3A_556 : memref<128xi32, #tpu.memory_space<vmem>>) semaphore(%arg14 : memref<!tpu.dma_semaphore, #tpu.memory_space<semaphore_mem>>)
    %scan3A = arith.constant 0 : i32
    %scan3A_560 = arith.constant 20 : i32
    %scan3A_561 = arith.addi %scan3A, %scan3A_560 : i32
    %scan3A_562 = arith.constant 1 : i32
    scf.for %scan3A_614 = %scan3A to %scan3A_561 step %scan3A_562  : i32 {
      %mul3A_615 = arith.constant 4 : i32
      %mul3A_616 = arith.muli %mul3A_615, %scan3A_614 : i32
      %add3A_617 = arith.constant 0 : i32
      %add3A_618 = arith.addi %mul3A_616, %add3A_617 : i32
      %dma_wait3A_619 = arith.constant 0 : i32
      %dma_wait3A_620 = arith.constant 0 : i32
      %dma_wait3A_621 = arith.constant 0 : i32
      %dma_wait3A_622 = tpu.memref_slice %arg8[%dma_wait3A_619, %dma_wait3A_620, %dma_wait3A_621] : memref<4x128x16xf32, #tpu.memory_space<vmem>> -> memref<1x128x16xf32, #tpu.memory_space<vmem>>
      %dma_wait3A_623 = tpu.memref_squeeze %dma_wait3A_622 : memref<1x128x16xf32, #tpu.memory_space<vmem>> -> memref<128x16xf32, #tpu.memory_space<vmem>>
      %dma_wait3A_624 = arith.constant 0 : i32
      %dma_wait3A_625 = tpu.memref_slice %arg6[%add3A_618, %dma_wait3A_624] : memref<80x128xi32, #tpu.memory_space<vmem>> -> memref<1x128xi32, #tpu.memory_space<vmem>>
      %dma_wait3A_626 = tpu.memref_squeeze %dma_wait3A_625 : memref<1x128xi32, #tpu.memory_space<vmem>> -> memref<128xi32, #tpu.memory_space<vmem>>
      %dma_wait3A_627 = arith.constant 0 : i32
      %dma_wait3A_628 = arith.constant 0 : i32
      %dma_wait3A_629 = tpu.memref_slice %arg2[%dma_wait3A_627, %dma_wait3A_628] : memref<10240x16xf32, #tpu.memory_space<hbm>> -> memref<10240x16xf32, #tpu.memory_space<hbm>>
      tpu.wait_indirect_dma semaphore(%arg11 : memref<!tpu.dma_semaphore, #tpu.memory_space<semaphore_mem>>) src(%dma_wait3A_629 : memref<10240x16xf32, #tpu.memory_space<hbm>>) dst(%dma_wait3A_623 : memref<128x16xf32, #tpu.memory_space<vmem>>)
      %ge3A = arith.constant 4 : i32
      %ge3A_630 = arith.cmpi sge, %add3A_618, %ge3A : i32
      %convert_element_type3A_631 = arith.extui %ge3A_630 : i1 to i32
      %cond3A_632 = arith.constant 0 : i32
      %cond3A_633 = arith.cmpi ne, %convert_element_type3A_631, %cond3A_632 : i32
      scf.if %cond3A_633 {
        %sub3A = arith.constant 4 : i32
        %sub3A_765 = arith.subi %add3A_618, %sub3A : i32
        %dma_wait3A_766 = arith.constant 0 : i32
        %dma_wait3A_767 = arith.constant 0 : i32
        %dma_wait3A_768 = arith.constant 0 : i32
        %dma_wait3A_769 = tpu.memref_slice %arg8[%dma_wait3A_766, %dma_wait3A_767, %dma_wait3A_768] : memref<4x128x16xf32, #tpu.memory_space<vmem>> -> memref<1x128x16xf32, #tpu.memory_space<vmem>>
        %dma_wait3A_770 = tpu.memref_squeeze %dma_wait3A_769 : memref<1x128x16xf32, #tpu.memory_space<vmem>> -> memref<128x16xf32, #tpu.memory_space<vmem>>
        %dma_wait3A_771 = arith.constant 0 : i32
        %dma_wait3A_772 = tpu.memref_slice %arg7[%sub3A_765, %dma_wait3A_771] : memref<80x128xi32, #tpu.memory_space<vmem>> -> memref<1x128xi32, #tpu.memory_space<vmem>>
        %dma_wait3A_773 = tpu.memref_squeeze %dma_wait3A_772 : memref<1x128xi32, #tpu.memory_space<vmem>> -> memref<128xi32, #tpu.memory_space<vmem>>
        %dma_wait3A_774 = arith.constant 0 : i32
        %dma_wait3A_775 = arith.constant 0 : i32
        %dma_wait3A_776 = tpu.memref_slice %arg10[%dma_wait3A_774, %dma_wait3A_775] : memref<10240x16xf32, #tpu.memory_space<vmem_shared>> -> memref<10240x16xf32, #tpu.memory_space<vmem_shared>>
        tpu.wait_indirect_dma semaphore(%arg15 : memref<!tpu.dma_semaphore, #tpu.memory_space<semaphore_mem>>) src(%dma_wait3A_770 : memref<128x16xf32, #tpu.memory_space<vmem>>) dst(%dma_wait3A_776 : memref<10240x16xf32, #tpu.memory_space<vmem_shared>>)
      } else {
      }
      %dma_start3A_634 = arith.constant 0 : i32
      %dma_start3A_635 = arith.constant 0 : i32
      %dma_start3A_636 = arith.constant 0 : i32
      %dma_start3A_637 = tpu.memref_slice %arg8[%dma_start3A_634, %dma_start3A_635, %dma_start3A_636] : memref<4x128x16xf32, #tpu.memory_space<vmem>> -> memref<1x128x16xf32, #tpu.memory_space<vmem>>
      %dma_start3A_638 = tpu.memref_squeeze %dma_start3A_637 : memref<1x128x16xf32, #tpu.memory_space<vmem>> -> memref<128x16xf32, #tpu.memory_space<vmem>>
      %dma_start3A_639 = arith.constant 0 : i32
      %dma_start3A_640 = tpu.memref_slice %arg7[%add3A_618, %dma_start3A_639] : memref<80x128xi32, #tpu.memory_space<vmem>> -> memref<1x128xi32, #tpu.memory_space<vmem>>
      %dma_start3A_641 = tpu.memref_squeeze %dma_start3A_640 : memref<1x128xi32, #tpu.memory_space<vmem>> -> memref<128xi32, #tpu.memory_space<vmem>>
      %dma_start3A_642 = arith.constant 0 : i32
      %dma_start3A_643 = arith.constant 0 : i32
      %dma_start3A_644 = tpu.memref_slice %arg10[%dma_start3A_642, %dma_start3A_643] : memref<10240x16xf32, #tpu.memory_space<vmem_shared>> -> memref<10240x16xf32, #tpu.memory_space<vmem_shared>>
      tpu.enqueue_indirect_dma source(%dma_start3A_638 : memref<128x16xf32, #tpu.memory_space<vmem>>) target(%dma_start3A_644 : memref<10240x16xf32, #tpu.memory_space<vmem_shared>>) offsets(%dma_start3A_641 : memref<128xi32, #tpu.memory_space<vmem>>) semaphore(%arg15 : memref<!tpu.dma_semaphore, #tpu.memory_space<semaphore_mem>>) {add = true}
      %add3A_645 = arith.constant 4 : i32
      %add3A_646 = arith.addi %add3A_618, %add3A_645 : i32
      %lt3A = arith.constant 80 : i32
      %lt3A_647 = arith.cmpi slt, %add3A_646, %lt3A : i32
      %convert_element_type3A_648 = arith.extui %lt3A_647 : i1 to i32
      %cond3A_649 = arith.constant 0 : i32
      %cond3A_650 = arith.cmpi ne, %convert_element_type3A_648, %cond3A_649 : i32
      scf.if %cond3A_650 {
        %add3A_765 = arith.constant 4 : i32
        %add3A_766 = arith.addi %add3A_618, %add3A_765 : i32
        %dma_start3A_767 = arith.constant 0 : i32
        %dma_start3A_768 = arith.constant 0 : i32
        %dma_start3A_769 = arith.constant 0 : i32
        %dma_start3A_770 = tpu.memref_slice %arg8[%dma_start3A_767, %dma_start3A_768, %dma_start3A_769] : memref<4x128x16xf32, #tpu.memory_space<vmem>> -> memref<1x128x16xf32, #tpu.memory_space<vmem>>
        %dma_start3A_771 = tpu.memref_squeeze %dma_start3A_770 : memref<1x128x16xf32, #tpu.memory_space<vmem>> -> memref<128x16xf32, #tpu.memory_space<vmem>>
        %dma_start3A_772 = arith.constant 0 : i32
        %dma_start3A_773 = tpu.memref_slice %arg6[%add3A_766, %dma_start3A_772] : memref<80x128xi32, #tpu.memory_space<vmem>> -> memref<1x128xi32, #tpu.memory_space<vmem>>
        %dma_start3A_774 = tpu.memref_squeeze %dma_start3A_773 : memref<1x128xi32, #tpu.memory_space<vmem>> -> memref<128xi32, #tpu.memory_space<vmem>>
        %dma_start3A_775 = arith.constant 0 : i32
        %dma_start3A_776 = arith.constant 0 : i32
        %dma_start3A_777 = tpu.memref_slice %arg2[%dma_start3A_775, %dma_start3A_776] : memref<10240x16xf32, #tpu.memory_space<hbm>> -> memref<10240x16xf32, #tpu.memory_space<hbm>>
        tpu.enqueue_indirect_dma source(%dma_start3A_777 : memref<10240x16xf32, #tpu.memory_space<hbm>>) target(%dma_start3A_771 : memref<128x16xf32, #tpu.memory_space<vmem>>) offsets(%dma_start3A_774 : memref<128xi32, #tpu.memory_space<vmem>>) semaphore(%arg11 : memref<!tpu.dma_semaphore, #tpu.memory_space<semaphore_mem>>)
      } else {
      }
      %mul3A_651 = arith.constant 4 : i32
      %mul3A_652 = arith.muli %mul3A_651, %scan3A_614 : i32
      %add3A_653 = arith.constant 1 : i32
      %add3A_654 = arith.addi %mul3A_652, %add3A_653 : i32
      %dma_wait3A_655 = arith.constant 1 : i32
      %dma_wait3A_656 = arith.constant 0 : i32
      %dma_wait3A_657 = arith.constant 0 : i32
      %dma_wait3A_658 = tpu.memref_slice %arg8[%dma_wait3A_655, %dma_wait3A_656, %dma_wait3A_657] : memref<4x128x16xf32, #tpu.memory_space<vmem>> -> memref<1x128x16xf32, #tpu.memory_space<vmem>>
      %dma_wait3A_659 = tpu.memref_squeeze %dma_wait3A_658 : memref<1x128x16xf32, #tpu.memory_space<vmem>> -> memref<128x16xf32, #tpu.memory_space<vmem>>
      %dma_wait3A_660 = arith.constant 0 : i32
      %dma_wait3A_661 = tpu.memref_slice %arg6[%add3A_654, %dma_wait3A_660] : memref<80x128xi32, #tpu.memory_space<vmem>> -> memref<1x128xi32, #tpu.memory_space<vmem>>
      %dma_wait3A_662 = tpu.memref_squeeze %dma_wait3A_661 : memref<1x128xi32, #tpu.memory_space<vmem>> -> memref<128xi32, #tpu.memory_space<vmem>>
      %dma_wait3A_663 = arith.constant 0 : i32
      %dma_wait3A_664 = arith.constant 0 : i32
      %dma_wait3A_665 = tpu.memref_slice %arg2[%dma_wait3A_663, %dma_wait3A_664] : memref<10240x16xf32, #tpu.memory_space<hbm>> -> memref<10240x16xf32, #tpu.memory_space<hbm>>
      tpu.wait_indirect_dma semaphore(%arg12 : memref<!tpu.dma_semaphore, #tpu.memory_space<semaphore_mem>>) src(%dma_wait3A_665 : memref<10240x16xf32, #tpu.memory_space<hbm>>) dst(%dma_wait3A_659 : memref<128x16xf32, #tpu.memory_space<vmem>>)
      %ge3A_666 = arith.constant 4 : i32
      %ge3A_667 = arith.cmpi sge, %add3A_654, %ge3A_666 : i32
      %convert_element_type3A_668 = arith.extui %ge3A_667 : i1 to i32
      %cond3A_669 = arith.constant 0 : i32
      %cond3A_670 = arith.cmpi ne, %convert_element_type3A_668, %cond3A_669 : i32
      scf.if %cond3A_670 {
        %sub3A = arith.constant 4 : i32
        %sub3A_765 = arith.subi %add3A_654, %sub3A : i32
        %dma_wait3A_766 = arith.constant 1 : i32
        %dma_wait3A_767 = arith.constant 0 : i32
        %dma_wait3A_768 = arith.constant 0 : i32
        %dma_wait3A_769 = tpu.memref_slice %arg8[%dma_wait3A_766, %dma_wait3A_767, %dma_wait3A_768] : memref<4x128x16xf32, #tpu.memory_space<vmem>> -> memref<1x128x16xf32, #tpu.memory_space<vmem>>
        %dma_wait3A_770 = tpu.memref_squeeze %dma_wait3A_769 : memref<1x128x16xf32, #tpu.memory_space<vmem>> -> memref<128x16xf32, #tpu.memory_space<vmem>>
        %dma_wait3A_771 = arith.constant 0 : i32
        %dma_wait3A_772 = tpu.memref_slice %arg7[%sub3A_765, %dma_wait3A_771] : memref<80x128xi32, #tpu.memory_space<vmem>> -> memref<1x128xi32, #tpu.memory_space<vmem>>
        %dma_wait3A_773 = tpu.memref_squeeze %dma_wait3A_772 : memref<1x128xi32, #tpu.memory_space<vmem>> -> memref<128xi32, #tpu.memory_space<vmem>>
        %dma_wait3A_774 = arith.constant 0 : i32
        %dma_wait3A_775 = arith.constant 0 : i32
        %dma_wait3A_776 = tpu.memref_slice %arg10[%dma_wait3A_774, %dma_wait3A_775] : memref<10240x16xf32, #tpu.memory_space<vmem_shared>> -> memref<10240x16xf32, #tpu.memory_space<vmem_shared>>
        tpu.wait_indirect_dma semaphore(%arg16 : memref<!tpu.dma_semaphore, #tpu.memory_space<semaphore_mem>>) src(%dma_wait3A_770 : memref<128x16xf32, #tpu.memory_space<vmem>>) dst(%dma_wait3A_776 : memref<10240x16xf32, #tpu.memory_space<vmem_shared>>)
      } else {
      }
      %dma_start3A_671 = arith.constant 1 : i32
      %dma_start3A_672 = arith.constant 0 : i32
      %dma_start3A_673 = arith.constant 0 : i32
      %dma_start3A_674 = tpu.memref_slice %arg8[%dma_start3A_671, %dma_start3A_672, %dma_start3A_673] : memref<4x128x16xf32, #tpu.memory_space<vmem>> -> memref<1x128x16xf32, #tpu.memory_space<vmem>>
      %dma_start3A_675 = tpu.memref_squeeze %dma_start3A_674 : memref<1x128x16xf32, #tpu.memory_space<vmem>> -> memref<128x16xf32, #tpu.memory_space<vmem>>
      %dma_start3A_676 = arith.constant 0 : i32
      %dma_start3A_677 = tpu.memref_slice %arg7[%add3A_654, %dma_start3A_676] : memref<80x128xi32, #tpu.memory_space<vmem>> -> memref<1x128xi32, #tpu.memory_space<vmem>>
      %dma_start3A_678 = tpu.memref_squeeze %dma_start3A_677 : memref<1x128xi32, #tpu.memory_space<vmem>> -> memref<128xi32, #tpu.memory_space<vmem>>
      %dma_start3A_679 = arith.constant 0 : i32
      %dma_start3A_680 = arith.constant 0 : i32
      %dma_start3A_681 = tpu.memref_slice %arg10[%dma_start3A_679, %dma_start3A_680] : memref<10240x16xf32, #tpu.memory_space<vmem_shared>> -> memref<10240x16xf32, #tpu.memory_space<vmem_shared>>
      tpu.enqueue_indirect_dma source(%dma_start3A_675 : memref<128x16xf32, #tpu.memory_space<vmem>>) target(%dma_start3A_681 : memref<10240x16xf32, #tpu.memory_space<vmem_shared>>) offsets(%dma_start3A_678 : memref<128xi32, #tpu.memory_space<vmem>>) semaphore(%arg16 : memref<!tpu.dma_semaphore, #tpu.memory_space<semaphore_mem>>) {add = true}
      %add3A_682 = arith.constant 4 : i32
      %add3A_683 = arith.addi %add3A_654, %add3A_682 : i32
      %lt3A_684 = arith.constant 80 : i32
      %lt3A_685 = arith.cmpi slt, %add3A_683, %lt3A_684 : i32
      %convert_element_type3A_686 = arith.extui %lt3A_685 : i1 to i32
      %cond3A_687 = arith.constant 0 : i32
      %cond3A_688 = arith.cmpi ne, %convert_element_type3A_686, %cond3A_687 : i32
      scf.if %cond3A_688 {
        %add3A_765 = arith.constant 4 : i32
        %add3A_766 = arith.addi %add3A_654, %add3A_765 : i32
        %dma_start3A_767 = arith.constant 1 : i32
        %dma_start3A_768 = arith.constant 0 : i32
        %dma_start3A_769 = arith.constant 0 : i32
        %dma_start3A_770 = tpu.memref_slice %arg8[%dma_start3A_767, %dma_start3A_768, %dma_start3A_769] : memref<4x128x16xf32, #tpu.memory_space<vmem>> -> memref<1x128x16xf32, #tpu.memory_space<vmem>>
        %dma_start3A_771 = tpu.memref_squeeze %dma_start3A_770 : memref<1x128x16xf32, #tpu.memory_space<vmem>> -> memref<128x16xf32, #tpu.memory_space<vmem>>
        %dma_start3A_772 = arith.constant 0 : i32
        %dma_start3A_773 = tpu.memref_slice %arg6[%add3A_766, %dma_start3A_772] : memref<80x128xi32, #tpu.memory_space<vmem>> -> memref<1x128xi32, #tpu.memory_space<vmem>>
        %dma_start3A_774 = tpu.memref_squeeze %dma_start3A_773 : memref<1x128xi32, #tpu.memory_space<vmem>> -> memref<128xi32, #tpu.memory_space<vmem>>
        %dma_start3A_775 = arith.constant 0 : i32
        %dma_start3A_776 = arith.constant 0 : i32
        %dma_start3A_777 = tpu.memref_slice %arg2[%dma_start3A_775, %dma_start3A_776] : memref<10240x16xf32, #tpu.memory_space<hbm>> -> memref<10240x16xf32, #tpu.memory_space<hbm>>
        tpu.enqueue_indirect_dma source(%dma_start3A_777 : memref<10240x16xf32, #tpu.memory_space<hbm>>) target(%dma_start3A_771 : memref<128x16xf32, #tpu.memory_space<vmem>>) offsets(%dma_start3A_774 : memref<128xi32, #tpu.memory_space<vmem>>) semaphore(%arg12 : memref<!tpu.dma_semaphore, #tpu.memory_space<semaphore_mem>>)
      } else {
      }
      %mul3A_689 = arith.constant 4 : i32
      %mul3A_690 = arith.muli %mul3A_689, %scan3A_614 : i32
      %add3A_691 = arith.constant 2 : i32
      %add3A_692 = arith.addi %mul3A_690, %add3A_691 : i32
      %dma_wait3A_693 = arith.constant 2 : i32
      %dma_wait3A_694 = arith.constant 0 : i32
      %dma_wait3A_695 = arith.constant 0 : i32
      %dma_wait3A_696 = tpu.memref_slice %arg8[%dma_wait3A_693, %dma_wait3A_694, %dma_wait3A_695] : memref<4x128x16xf32, #tpu.memory_space<vmem>> -> memref<1x128x16xf32, #tpu.memory_space<vmem>>
      %dma_wait3A_697 = tpu.memref_squeeze %dma_wait3A_696 : memref<1x128x16xf32, #tpu.memory_space<vmem>> -> memref<128x16xf32, #tpu.memory_space<vmem>>
      %dma_wait3A_698 = arith.constant 0 : i32
      %dma_wait3A_699 = tpu.memref_slice %arg6[%add3A_692, %dma_wait3A_698] : memref<80x128xi32, #tpu.memory_space<vmem>> -> memref<1x128xi32, #tpu.memory_space<vmem>>
      %dma_wait3A_700 = tpu.memref_squeeze %dma_wait3A_699 : memref<1x128xi32, #tpu.memory_space<vmem>> -> memref<128xi32, #tpu.memory_space<vmem>>
      %dma_wait3A_701 = arith.constant 0 : i32
      %dma_wait3A_702 = arith.constant 0 : i32
      %dma_wait3A_703 = tpu.memref_slice %arg2[%dma_wait3A_701, %dma_wait3A_702] : memref<10240x16xf32, #tpu.memory_space<hbm>> -> memref<10240x16xf32, #tpu.memory_space<hbm>>
      tpu.wait_indirect_dma semaphore(%arg13 : memref<!tpu.dma_semaphore, #tpu.memory_space<semaphore_mem>>) src(%dma_wait3A_703 : memref<10240x16xf32, #tpu.memory_space<hbm>>) dst(%dma_wait3A_697 : memref<128x16xf32, #tpu.memory_space<vmem>>)
      %ge3A_704 = arith.constant 4 : i32
      %ge3A_705 = arith.cmpi sge, %add3A_692, %ge3A_704 : i32
      %convert_element_type3A_706 = arith.extui %ge3A_705 : i1 to i32
      %cond3A_707 = arith.constant 0 : i32
      %cond3A_708 = arith.cmpi ne, %convert_element_type3A_706, %cond3A_707 : i32
      scf.if %cond3A_708 {
        %sub3A = arith.constant 4 : i32
        %sub3A_765 = arith.subi %add3A_692, %sub3A : i32
        %dma_wait3A_766 = arith.constant 2 : i32
        %dma_wait3A_767 = arith.constant 0 : i32
        %dma_wait3A_768 = arith.constant 0 : i32
        %dma_wait3A_769 = tpu.memref_slice %arg8[%dma_wait3A_766, %dma_wait3A_767, %dma_wait3A_768] : memref<4x128x16xf32, #tpu.memory_space<vmem>> -> memref<1x128x16xf32, #tpu.memory_space<vmem>>
        %dma_wait3A_770 = tpu.memref_squeeze %dma_wait3A_769 : memref<1x128x16xf32, #tpu.memory_space<vmem>> -> memref<128x16xf32, #tpu.memory_space<vmem>>
        %dma_wait3A_771 = arith.constant 0 : i32
        %dma_wait3A_772 = tpu.memref_slice %arg7[%sub3A_765, %dma_wait3A_771] : memref<80x128xi32, #tpu.memory_space<vmem>> -> memref<1x128xi32, #tpu.memory_space<vmem>>
        %dma_wait3A_773 = tpu.memref_squeeze %dma_wait3A_772 : memref<1x128xi32, #tpu.memory_space<vmem>> -> memref<128xi32, #tpu.memory_space<vmem>>
        %dma_wait3A_774 = arith.constant 0 : i32
        %dma_wait3A_775 = arith.constant 0 : i32
        %dma_wait3A_776 = tpu.memref_slice %arg10[%dma_wait3A_774, %dma_wait3A_775] : memref<10240x16xf32, #tpu.memory_space<vmem_shared>> -> memref<10240x16xf32, #tpu.memory_space<vmem_shared>>
        tpu.wait_indirect_dma semaphore(%arg17 : memref<!tpu.dma_semaphore, #tpu.memory_space<semaphore_mem>>) src(%dma_wait3A_770 : memref<128x16xf32, #tpu.memory_space<vmem>>) dst(%dma_wait3A_776 : memref<10240x16xf32, #tpu.memory_space<vmem_shared>>)
      } else {
      }
      %dma_start3A_709 = arith.constant 2 : i32
      %dma_start3A_710 = arith.constant 0 : i32
      %dma_start3A_711 = arith.constant 0 : i32
      %dma_start3A_712 = tpu.memref_slice %arg8[%dma_start3A_709, %dma_start3A_710, %dma_start3A_711] : memref<4x128x16xf32, #tpu.memory_space<vmem>> -> memref<1x128x16xf32, #tpu.memory_space<vmem>>
      %dma_start3A_713 = tpu.memref_squeeze %dma_start3A_712 : memref<1x128x16xf32, #tpu.memory_space<vmem>> -> memref<128x16xf32, #tpu.memory_space<vmem>>
      %dma_start3A_714 = arith.constant 0 : i32
      %dma_start3A_715 = tpu.memref_slice %arg7[%add3A_692, %dma_start3A_714] : memref<80x128xi32, #tpu.memory_space<vmem>> -> memref<1x128xi32, #tpu.memory_space<vmem>>
      %dma_start3A_716 = tpu.memref_squeeze %dma_start3A_715 : memref<1x128xi32, #tpu.memory_space<vmem>> -> memref<128xi32, #tpu.memory_space<vmem>>
      %dma_start3A_717 = arith.constant 0 : i32
      %dma_start3A_718 = arith.constant 0 : i32
      %dma_start3A_719 = tpu.memref_slice %arg10[%dma_start3A_717, %dma_start3A_718] : memref<10240x16xf32, #tpu.memory_space<vmem_shared>> -> memref<10240x16xf32, #tpu.memory_space<vmem_shared>>
      tpu.enqueue_indirect_dma source(%dma_start3A_713 : memref<128x16xf32, #tpu.memory_space<vmem>>) target(%dma_start3A_719 : memref<10240x16xf32, #tpu.memory_space<vmem_shared>>) offsets(%dma_start3A_716 : memref<128xi32, #tpu.memory_space<vmem>>) semaphore(%arg17 : memref<!tpu.dma_semaphore, #tpu.memory_space<semaphore_mem>>) {add = true}
      %add3A_720 = arith.constant 4 : i32
      %add3A_721 = arith.addi %add3A_692, %add3A_720 : i32
      %lt3A_722 = arith.constant 80 : i32
      %lt3A_723 = arith.cmpi slt, %add3A_721, %lt3A_722 : i32
      %convert_element_type3A_724 = arith.extui %lt3A_723 : i1 to i32
      %cond3A_725 = arith.constant 0 : i32
      %cond3A_726 = arith.cmpi ne, %convert_element_type3A_724, %cond3A_725 : i32
      scf.if %cond3A_726 {
        %add3A_765 = arith.constant 4 : i32
        %add3A_766 = arith.addi %add3A_692, %add3A_765 : i32
        %dma_start3A_767 = arith.constant 2 : i32
        %dma_start3A_768 = arith.constant 0 : i32
        %dma_start3A_769 = arith.constant 0 : i32
        %dma_start3A_770 = tpu.memref_slice %arg8[%dma_start3A_767, %dma_start3A_768, %dma_start3A_769] : memref<4x128x16xf32, #tpu.memory_space<vmem>> -> memref<1x128x16xf32, #tpu.memory_space<vmem>>
        %dma_start3A_771 = tpu.memref_squeeze %dma_start3A_770 : memref<1x128x16xf32, #tpu.memory_space<vmem>> -> memref<128x16xf32, #tpu.memory_space<vmem>>
        %dma_start3A_772 = arith.constant 0 : i32
        %dma_start3A_773 = tpu.memref_slice %arg6[%add3A_766, %dma_start3A_772] : memref<80x128xi32, #tpu.memory_space<vmem>> -> memref<1x128xi32, #tpu.memory_space<vmem>>
        %dma_start3A_774 = tpu.memref_squeeze %dma_start3A_773 : memref<1x128xi32, #tpu.memory_space<vmem>> -> memref<128xi32, #tpu.memory_space<vmem>>
        %dma_start3A_775 = arith.constant 0 : i32
        %dma_start3A_776 = arith.constant 0 : i32
        %dma_start3A_777 = tpu.memref_slice %arg2[%dma_start3A_775, %dma_start3A_776] : memref<10240x16xf32, #tpu.memory_space<hbm>> -> memref<10240x16xf32, #tpu.memory_space<hbm>>
        tpu.enqueue_indirect_dma source(%dma_start3A_777 : memref<10240x16xf32, #tpu.memory_space<hbm>>) target(%dma_start3A_771 : memref<128x16xf32, #tpu.memory_space<vmem>>) offsets(%dma_start3A_774 : memref<128xi32, #tpu.memory_space<vmem>>) semaphore(%arg13 : memref<!tpu.dma_semaphore, #tpu.memory_space<semaphore_mem>>)
      } else {
      }
      %mul3A_727 = arith.constant 4 : i32
      %mul3A_728 = arith.muli %mul3A_727, %scan3A_614 : i32
      %add3A_729 = arith.constant 3 : i32
      %add3A_730 = arith.addi %mul3A_728, %add3A_729 : i32
      %dma_wait3A_731 = arith.constant 3 : i32
      %dma_wait3A_732 = arith.constant 0 : i32
      %dma_wait3A_733 = arith.constant 0 : i32
      %dma_wait3A_734 = tpu.memref_slice %arg8[%dma_wait3A_731, %dma_wait3A_732, %dma_wait3A_733] : memref<4x128x16xf32, #tpu.memory_space<vmem>> -> memref<1x128x16xf32, #tpu.memory_space<vmem>>
      %dma_wait3A_735 = tpu.memref_squeeze %dma_wait3A_734 : memref<1x128x16xf32, #tpu.memory_space<vmem>> -> memref<128x16xf32, #tpu.memory_space<vmem>>
      %dma_wait3A_736 = arith.constant 0 : i32
      %dma_wait3A_737 = tpu.memref_slice %arg6[%add3A_730, %dma_wait3A_736] : memref<80x128xi32, #tpu.memory_space<vmem>> -> memref<1x128xi32, #tpu.memory_space<vmem>>
      %dma_wait3A_738 = tpu.memref_squeeze %dma_wait3A_737 : memref<1x128xi32, #tpu.memory_space<vmem>> -> memref<128xi32, #tpu.memory_space<vmem>>
      %dma_wait3A_739 = arith.constant 0 : i32
      %dma_wait3A_740 = arith.constant 0 : i32
      %dma_wait3A_741 = tpu.memref_slice %arg2[%dma_wait3A_739, %dma_wait3A_740] : memref<10240x16xf32, #tpu.memory_space<hbm>> -> memref<10240x16xf32, #tpu.memory_space<hbm>>
      tpu.wait_indirect_dma semaphore(%arg14 : memref<!tpu.dma_semaphore, #tpu.memory_space<semaphore_mem>>) src(%dma_wait3A_741 : memref<10240x16xf32, #tpu.memory_space<hbm>>) dst(%dma_wait3A_735 : memref<128x16xf32, #tpu.memory_space<vmem>>)
      %ge3A_742 = arith.constant 4 : i32
      %ge3A_743 = arith.cmpi sge, %add3A_730, %ge3A_742 : i32
      %convert_element_type3A_744 = arith.extui %ge3A_743 : i1 to i32
      %cond3A_745 = arith.constant 0 : i32
      %cond3A_746 = arith.cmpi ne, %convert_element_type3A_744, %cond3A_745 : i32
      scf.if %cond3A_746 {
        %sub3A = arith.constant 4 : i32
        %sub3A_765 = arith.subi %add3A_730, %sub3A : i32
        %dma_wait3A_766 = arith.constant 3 : i32
        %dma_wait3A_767 = arith.constant 0 : i32
        %dma_wait3A_768 = arith.constant 0 : i32
        %dma_wait3A_769 = tpu.memref_slice %arg8[%dma_wait3A_766, %dma_wait3A_767, %dma_wait3A_768] : memref<4x128x16xf32, #tpu.memory_space<vmem>> -> memref<1x128x16xf32, #tpu.memory_space<vmem>>
        %dma_wait3A_770 = tpu.memref_squeeze %dma_wait3A_769 : memref<1x128x16xf32, #tpu.memory_space<vmem>> -> memref<128x16xf32, #tpu.memory_space<vmem>>
        %dma_wait3A_771 = arith.constant 0 : i32
        %dma_wait3A_772 = tpu.memref_slice %arg7[%sub3A_765, %dma_wait3A_771] : memref<80x128xi32, #tpu.memory_space<vmem>> -> memref<1x128xi32, #tpu.memory_space<vmem>>
        %dma_wait3A_773 = tpu.memref_squeeze %dma_wait3A_772 : memref<1x128xi32, #tpu.memory_space<vmem>> -> memref<128xi32, #tpu.memory_space<vmem>>
        %dma_wait3A_774 = arith.constant 0 : i32
        %dma_wait3A_775 = arith.constant 0 : i32
        %dma_wait3A_776 = tpu.memref_slice %arg10[%dma_wait3A_774, %dma_wait3A_775] : memref<10240x16xf32, #tpu.memory_space<vmem_shared>> -> memref<10240x16xf32, #tpu.memory_space<vmem_shared>>
        tpu.wait_indirect_dma semaphore(%arg18 : memref<!tpu.dma_semaphore, #tpu.memory_space<semaphore_mem>>) src(%dma_wait3A_770 : memref<128x16xf32, #tpu.memory_space<vmem>>) dst(%dma_wait3A_776 : memref<10240x16xf32, #tpu.memory_space<vmem_shared>>)
      } else {
      }
      %dma_start3A_747 = arith.constant 3 : i32
      %dma_start3A_748 = arith.constant 0 : i32
      %dma_start3A_749 = arith.constant 0 : i32
      %dma_start3A_750 = tpu.memref_slice %arg8[%dma_start3A_747, %dma_start3A_748, %dma_start3A_749] : memref<4x128x16xf32, #tpu.memory_space<vmem>> -> memref<1x128x16xf32, #tpu.memory_space<vmem>>
      %dma_start3A_751 = tpu.memref_squeeze %dma_start3A_750 : memref<1x128x16xf32, #tpu.memory_space<vmem>> -> memref<128x16xf32, #tpu.memory_space<vmem>>
      %dma_start3A_752 = arith.constant 0 : i32
      %dma_start3A_753 = tpu.memref_slice %arg7[%add3A_730, %dma_start3A_752] : memref<80x128xi32, #tpu.memory_space<vmem>> -> memref<1x128xi32, #tpu.memory_space<vmem>>
      %dma_start3A_754 = tpu.memref_squeeze %dma_start3A_753 : memref<1x128xi32, #tpu.memory_space<vmem>> -> memref<128xi32, #tpu.memory_space<vmem>>
      %dma_start3A_755 = arith.constant 0 : i32
      %dma_start3A_756 = arith.constant 0 : i32
      %dma_start3A_757 = tpu.memref_slice %arg10[%dma_start3A_755, %dma_start3A_756] : memref<10240x16xf32, #tpu.memory_space<vmem_shared>> -> memref<10240x16xf32, #tpu.memory_space<vmem_shared>>
      tpu.enqueue_indirect_dma source(%dma_start3A_751 : memref<128x16xf32, #tpu.memory_space<vmem>>) target(%dma_start3A_757 : memref<10240x16xf32, #tpu.memory_space<vmem_shared>>) offsets(%dma_start3A_754 : memref<128xi32, #tpu.memory_space<vmem>>) semaphore(%arg18 : memref<!tpu.dma_semaphore, #tpu.memory_space<semaphore_mem>>) {add = true}
      %add3A_758 = arith.constant 4 : i32
      %add3A_759 = arith.addi %add3A_730, %add3A_758 : i32
      %lt3A_760 = arith.constant 80 : i32
      %lt3A_761 = arith.cmpi slt, %add3A_759, %lt3A_760 : i32
      %convert_element_type3A_762 = arith.extui %lt3A_761 : i1 to i32
      %cond3A_763 = arith.constant 0 : i32
      %cond3A_764 = arith.cmpi ne, %convert_element_type3A_762, %cond3A_763 : i32
      scf.if %cond3A_764 {
        %add3A_765 = arith.constant 4 : i32
        %add3A_766 = arith.addi %add3A_730, %add3A_765 : i32
        %dma_start3A_767 = arith.constant 3 : i32
        %dma_start3A_768 = arith.constant 0 : i32
        %dma_start3A_769 = arith.constant 0 : i32
        %dma_start3A_770 = tpu.memref_slice %arg8[%dma_start3A_767, %dma_start3A_768, %dma_start3A_769] : memref<4x128x16xf32, #tpu.memory_space<vmem>> -> memref<1x128x16xf32, #tpu.memory_space<vmem>>
        %dma_start3A_771 = tpu.memref_squeeze %dma_start3A_770 : memref<1x128x16xf32, #tpu.memory_space<vmem>> -> memref<128x16xf32, #tpu.memory_space<vmem>>
        %dma_start3A_772 = arith.constant 0 : i32
        %dma_start3A_773 = tpu.memref_slice %arg6[%add3A_766, %dma_start3A_772] : memref<80x128xi32, #tpu.memory_space<vmem>> -> memref<1x128xi32, #tpu.memory_space<vmem>>
        %dma_start3A_774 = tpu.memref_squeeze %dma_start3A_773 : memref<1x128xi32, #tpu.memory_space<vmem>> -> memref<128xi32, #tpu.memory_space<vmem>>
        %dma_start3A_775 = arith.constant 0 : i32
        %dma_start3A_776 = arith.constant 0 : i32
        %dma_start3A_777 = tpu.memref_slice %arg2[%dma_start3A_775, %dma_start3A_776] : memref<10240x16xf32, #tpu.memory_space<hbm>> -> memref<10240x16xf32, #tpu.memory_space<hbm>>
        tpu.enqueue_indirect_dma source(%dma_start3A_777 : memref<10240x16xf32, #tpu.memory_space<hbm>>) target(%dma_start3A_771 : memref<128x16xf32, #tpu.memory_space<vmem>>) offsets(%dma_start3A_774 : memref<128xi32, #tpu.memory_space<vmem>>) semaphore(%arg14 : memref<!tpu.dma_semaphore, #tpu.memory_space<semaphore_mem>>)
      } else {
      }
    }
    %scan3A_563 = arith.constant 20 : i32
    %dma_wait3A = arith.constant 0 : i32
    %dma_wait3A_564 = arith.constant 0 : i32
    %dma_wait3A_565 = arith.constant 0 : i32
    %dma_wait3A_566 = arith.constant 0 : i32
    %dma_wait3A_567 = tpu.memref_slice %arg8[%dma_wait3A, %dma_wait3A_565, %dma_wait3A_566] : memref<4x128x16xf32, #tpu.memory_space<vmem>> -> memref<1x128x16xf32, #tpu.memory_space<vmem>>
    %dma_wait3A_568 = tpu.memref_squeeze %dma_wait3A_567 : memref<1x128x16xf32, #tpu.memory_space<vmem>> -> memref<128x16xf32, #tpu.memory_space<vmem>>
    %dma_wait3A_569 = arith.constant 0 : i32
    %dma_wait3A_570 = tpu.memref_slice %arg7[%dma_wait3A_564, %dma_wait3A_569] : memref<80x128xi32, #tpu.memory_space<vmem>> -> memref<1x128xi32, #tpu.memory_space<vmem>>
    %dma_wait3A_571 = tpu.memref_squeeze %dma_wait3A_570 : memref<1x128xi32, #tpu.memory_space<vmem>> -> memref<128xi32, #tpu.memory_space<vmem>>
    %dma_wait3A_572 = arith.constant 0 : i32
    %dma_wait3A_573 = arith.constant 0 : i32
    %dma_wait3A_574 = tpu.memref_slice %arg10[%dma_wait3A_572, %dma_wait3A_573] : memref<10240x16xf32, #tpu.memory_space<vmem_shared>> -> memref<10240x16xf32, #tpu.memory_space<vmem_shared>>
    tpu.wait_indirect_dma semaphore(%arg15 : memref<!tpu.dma_semaphore, #tpu.memory_space<semaphore_mem>>) src(%dma_wait3A_568 : memref<128x16xf32, #tpu.memory_space<vmem>>) dst(%dma_wait3A_574 : memref<10240x16xf32, #tpu.memory_space<vmem_shared>>)
    %dma_wait3A_575 = arith.constant 1 : i32
    %dma_wait3A_576 = arith.constant 0 : i32
    %dma_wait3A_577 = arith.constant 0 : i32
    %dma_wait3A_578 = arith.constant 0 : i32
    %dma_wait3A_579 = tpu.memref_slice %arg8[%dma_wait3A_575, %dma_wait3A_577, %dma_wait3A_578] : memref<4x128x16xf32, #tpu.memory_space<vmem>> -> memref<1x128x16xf32, #tpu.memory_space<vmem>>
    %dma_wait3A_580 = tpu.memref_squeeze %dma_wait3A_579 : memref<1x128x16xf32, #tpu.memory_space<vmem>> -> memref<128x16xf32, #tpu.memory_space<vmem>>
    %dma_wait3A_581 = arith.constant 0 : i32
    %dma_wait3A_582 = tpu.memref_slice %arg7[%dma_wait3A_576, %dma_wait3A_581] : memref<80x128xi32, #tpu.memory_space<vmem>> -> memref<1x128xi32, #tpu.memory_space<vmem>>
    %dma_wait3A_583 = tpu.memref_squeeze %dma_wait3A_582 : memref<1x128xi32, #tpu.memory_space<vmem>> -> memref<128xi32, #tpu.memory_space<vmem>>
    %dma_wait3A_584 = arith.constant 0 : i32
    %dma_wait3A_585 = arith.constant 0 : i32
    %dma_wait3A_586 = tpu.memref_slice %arg10[%dma_wait3A_584, %dma_wait3A_585] : memref<10240x16xf32, #tpu.memory_space<vmem_shared>> -> memref<10240x16xf32, #tpu.memory_space<vmem_shared>>
    tpu.wait_indirect_dma semaphore(%arg16 : memref<!tpu.dma_semaphore, #tpu.memory_space<semaphore_mem>>) src(%dma_wait3A_580 : memref<128x16xf32, #tpu.memory_space<vmem>>) dst(%dma_wait3A_586 : memref<10240x16xf32, #tpu.memory_space<vmem_shared>>)
    %dma_wait3A_587 = arith.constant 2 : i32
    %dma_wait3A_588 = arith.constant 0 : i32
    %dma_wait3A_589 = arith.constant 0 : i32
    %dma_wait3A_590 = arith.constant 0 : i32
    %dma_wait3A_591 = tpu.memref_slice %arg8[%dma_wait3A_587, %dma_wait3A_589, %dma_wait3A_590] : memref<4x128x16xf32, #tpu.memory_space<vmem>> -> memref<1x128x16xf32, #tpu.memory_space<vmem>>
    %dma_wait3A_592 = tpu.memref_squeeze %dma_wait3A_591 : memref<1x128x16xf32, #tpu.memory_space<vmem>> -> memref<128x16xf32, #tpu.memory_space<vmem>>
    %dma_wait3A_593 = arith.constant 0 : i32
    %dma_wait3A_594 = tpu.memref_slice %arg7[%dma_wait3A_588, %dma_wait3A_593] : memref<80x128xi32, #tpu.memory_space<vmem>> -> memref<1x128xi32, #tpu.memory_space<vmem>>
    %dma_wait3A_595 = tpu.memref_squeeze %dma_wait3A_594 : memref<1x128xi32, #tpu.memory_space<vmem>> -> memref<128xi32, #tpu.memory_space<vmem>>
    %dma_wait3A_596 = arith.constant 0 : i32
    %dma_wait3A_597 = arith.constant 0 : i32
    %dma_wait3A_598 = tpu.memref_slice %arg10[%dma_wait3A_596, %dma_wait3A_597] : memref<10240x16xf32, #tpu.memory_space<vmem_shared>> -> memref<10240x16xf32, #tpu.memory_space<vmem_shared>>
    tpu.wait_indirect_dma semaphore(%arg17 : memref<!tpu.dma_semaphore, #tpu.memory_space<semaphore_mem>>) src(%dma_wait3A_592 : memref<128x16xf32, #tpu.memory_space<vmem>>) dst(%dma_wait3A_598 : memref<10240x16xf32, #tpu.memory_space<vmem_shared>>)
    %dma_wait3A_599 = arith.constant 3 : i32
    %dma_wait3A_600 = arith.constant 0 : i32
    %dma_wait3A_601 = arith.constant 0 : i32
    %dma_wait3A_602 = arith.constant 0 : i32
    %dma_wait3A_603 = tpu.memref_slice %arg8[%dma_wait3A_599, %dma_wait3A_601, %dma_wait3A_602] : memref<4x128x16xf32, #tpu.memory_space<vmem>> -> memref<1x128x16xf32, #tpu.memory_space<vmem>>
    %dma_wait3A_604 = tpu.memref_squeeze %dma_wait3A_603 : memref<1x128x16xf32, #tpu.memory_space<vmem>> -> memref<128x16xf32, #tpu.memory_space<vmem>>
    %dma_wait3A_605 = arith.constant 0 : i32
    %dma_wait3A_606 = tpu.memref_slice %arg7[%dma_wait3A_600, %dma_wait3A_605] : memref<80x128xi32, #tpu.memory_space<vmem>> -> memref<1x128xi32, #tpu.memory_space<vmem>>
    %dma_wait3A_607 = tpu.memref_squeeze %dma_wait3A_606 : memref<1x128xi32, #tpu.memory_space<vmem>> -> memref<128xi32, #tpu.memory_space<vmem>>
    %dma_wait3A_608 = arith.constant 0 : i32
    %dma_wait3A_609 = arith.constant 0 : i32
    %dma_wait3A_610 = tpu.memref_slice %arg10[%dma_wait3A_608, %dma_wait3A_609] : memref<10240x16xf32, #tpu.memory_space<vmem_shared>> -> memref<10240x16xf32, #tpu.memory_space<vmem_shared>>
    tpu.wait_indirect_dma semaphore(%arg18 : memref<!tpu.dma_semaphore, #tpu.memory_space<semaphore_mem>>) src(%dma_wait3A_604 : memref<128x16xf32, #tpu.memory_space<vmem>>) dst(%dma_wait3A_610 : memref<10240x16xf32, #tpu.memory_space<vmem_shared>>)
    %barrier3A_611 = arith.constant 0 : index
    tpu.barrier barrier_id(%barrier3A_611)
    %eq3A = arith.constant 0 : i32
    %eq3A_612 = arith.cmpi eq, %arg1, %eq3A : i32
    %convert_element_type3A = arith.extui %eq3A_612 : i1 to i32
    %cond3A = arith.constant 0 : i32
    %cond3A_613 = arith.cmpi ne, %convert_element_type3A, %cond3A : i32
    scf.if %cond3A_613 {
      "tpu.region"() ({
        %run_scoped3A = tpu.sem_alloc : memref<!tpu.dma_semaphore, #tpu.memory_space<semaphore_mem>>
        %dma_start3A_614 = arith.constant 0 : i32
        %dma_start3A_615 = arith.constant 0 : i32
        %dma_start3A_616 = tpu.memref_slice %arg5[%arg0, %dma_start3A_614, %dma_start3A_615] : memref<2x10240x16xf32, #tpu.memory_space<hbm>> -> memref<1x10240x16xf32, #tpu.memory_space<hbm>>
        %dma_start3A_617 = tpu.memref_squeeze %dma_start3A_616 : memref<1x10240x16xf32, #tpu.memory_space<hbm>> -> memref<10240x16xf32, #tpu.memory_space<hbm>>
        tpu.enqueue_dma source(%arg10 : memref<10240x16xf32, #tpu.memory_space<vmem_shared>>) target(%dma_start3A_617 : memref<10240x16xf32, #tpu.memory_space<hbm>>) target_semaphore(%run_scoped3A : memref<!tpu.dma_semaphore, #tpu.memory_space<semaphore_mem>>)
        %dma_wait3A_618 = arith.constant 0 : i32
        %dma_wait3A_619 = arith.constant 0 : i32
        %dma_wait3A_620 = tpu.memref_slice %arg5[%arg0, %dma_wait3A_618, %dma_wait3A_619] : memref<2x10240x16xf32, #tpu.memory_space<hbm>> -> memref<1x10240x16xf32, #tpu.memory_space<hbm>>
        %dma_wait3A_621 = tpu.memref_squeeze %dma_wait3A_620 : memref<1x10240x16xf32, #tpu.memory_space<hbm>> -> memref<10240x16xf32, #tpu.memory_space<hbm>>
        tpu.wait_dma2 semaphore(%run_scoped3A : memref<!tpu.dma_semaphore, #tpu.memory_space<semaphore_mem>>) src(%arg10 : memref<10240x16xf32, #tpu.memory_space<vmem_shared>>) dst(%dma_wait3A_621 : memref<10240x16xf32, #tpu.memory_space<hbm>>)
        tpu.yield
      }) : () -> ()
    } else {
    }
    return
  }
}

module attributes {stable_mosaic.version = 14 : i64} {
  func.func @_tc1_body(%arg0: i32, %arg1: memref<1280x128xf32, #tpu.memory_space<vmem>>, %arg2: memref<128x16xf32, #tpu.memory_space<vmem>>, %arg3: memref<2x1280x1xf32, #tpu.memory_space<vmem>>, %arg4: memref<1280x16xf32, #tpu.memory_space<vmem>>, %arg5: memref<1280x1xf32, #tpu.memory_space<vmem>>) attributes {dimension_semantics = [#tpu.dimension_semantics<arbitrary>], iteration_bounds = array<i64: 8>, scalar_prefetch = 0 : i64, scratch_operands = 0 : i64, tpu.core_type = #tpu.core_type<tc>, window_params = [{transform_indices = @transform_0, window_bounds = array<i64: 1280, 128>}, {pipeline_mode = #tpu.pipeline_mode<synchronous>, transform_indices = @transform_1, window_bounds = array<i64: 128, 16>}, {transform_indices = @transform_2, window_bounds = array<i64: 2, 1280, 1>}, {transform_indices = @transform_3, window_bounds = array<i64: 1280, 16>}, {transform_indices = @transform_4, window_bounds = array<i64: 1280, 1>}]} {
    %get3A = arith.constant 0 : index
    %get3A_0 = arith.constant 0 : index
    %get3A_1 = arith.constant 0 : index
    %get3A_2 = vector.load %arg3[%get3A, %get3A_0, %get3A_1] : memref<2x1280x1xf32, #tpu.memory_space<vmem>>, vector<1x1280x1xf32>
    %get3A_3 = vector.shape_cast %get3A_2 : vector<1x1280x1xf32> to vector<1280x1xf32>
    %get3A_4 = arith.constant 1 : index
    %get3A_5 = arith.constant 0 : index
    %get3A_6 = arith.constant 0 : index
    %get3A_7 = vector.load %arg3[%get3A_4, %get3A_5, %get3A_6] : memref<2x1280x1xf32, #tpu.memory_space<vmem>>, vector<1x1280x1xf32>
    %get3A_8 = vector.shape_cast %get3A_7 : vector<1x1280x1xf32> to vector<1280x1xf32>
    %add3A = arith.addf %get3A_3, %get3A_8 : vector<1280x1xf32>
    %add3A_9 = arith.constant 1.000000e+00 : f32
    %add3A_10 = vector.broadcast %add3A_9 : f32 to vector<1280x1xf32>
    %add3A_11 = arith.addf %add3A, %add3A_10 : vector<1280x1xf32>
    %rsqrt3A = math.rsqrt %add3A_11 : vector<1280x1xf32>
    %get3A_12 = arith.constant 0 : index
    %get3A_13 = arith.constant 0 : index
    %get3A_14 = vector.load %arg1[%get3A_12, %get3A_13] : memref<1280x128xf32, #tpu.memory_space<vmem>>, vector<1280x128xf32>
    %get3A_15 = arith.constant 0 : index
    %get3A_16 = arith.constant 0 : index
    %get3A_17 = vector.load %arg2[%get3A_15, %get3A_16] : memref<128x16xf32, #tpu.memory_space<vmem>>, vector<128x16xf32>
    %dot_general3A = arith.constant dense<0.000000e+00> : vector<1280x16xf32>
    %dot_general3A_18 = tpu.matmul %get3A_14, %get3A_17, %dot_general3A {dimension_numbers = #tpu.dot_dimension_numbers<[1], [0], [0], [1], [0, 0, 1, 1], [], []>, transpose_lhs_hint = false} : vector<1280x128xf32>, vector<128x16xf32>, vector<1280x16xf32> -> vector<1280x16xf32>
    %swap3A = arith.constant 0 : index
    %swap3A_19 = arith.constant 0 : index
    %swap3A_20 = vector.load %arg5[%swap3A, %swap3A_19] : memref<1280x1xf32, #tpu.memory_space<vmem>>, vector<1280x1xf32>
    tpu.vector_store %arg5[%swap3A, %swap3A_19], %rsqrt3A {strides = array<i32>} : memref<1280x1xf32, #tpu.memory_space<vmem>>, vector<1280x1xf32>,
    %mul3A = vector.broadcast %rsqrt3A : vector<1280x1xf32> to vector<1280x16xf32>
    %mul3A_21 = arith.mulf %mul3A, %dot_general3A_18 : vector<1280x16xf32>
    %swap3A_22 = arith.constant 0 : index
    %swap3A_23 = arith.constant 0 : index
    %swap3A_24 = vector.load %arg4[%swap3A_22, %swap3A_23] : memref<1280x16xf32, #tpu.memory_space<vmem>>, vector<1280x16xf32>
    tpu.vector_store %arg4[%swap3A_22, %swap3A_23], %mul3A_21 {strides = array<i32>} : memref<1280x16xf32, #tpu.memory_space<vmem>>, vector<1280x16xf32>,
    return
  }
  func.func @transform_0(%arg0: i32) -> (i32, i32) {
    %c0_i32 = arith.constant 0 : i32
    %c0_i32_0 = arith.constant 0 : i32
    return %arg0, %c0_i32 : i32, i32
  }
  func.func @transform_1(%arg0: i32) -> (i32, i32) {
    %c0_i32 = arith.constant 0 : i32
    %c0_i32_0 = arith.constant 0 : i32
    %c0_i32_1 = arith.constant 0 : i32
    return %c0_i32, %c0_i32_0 : i32, i32
  }
  func.func @transform_2(%arg0: i32) -> (i32, i32, i32) {
    %c0_i32 = arith.constant 0 : i32
    %c0_i32_0 = arith.constant 0 : i32
    %c0_i32_1 = arith.constant 0 : i32
    return %c0_i32, %arg0, %c0_i32_0 : i32, i32, i32
  }
  func.func @transform_3(%arg0: i32) -> (i32, i32) {
    %c0_i32 = arith.constant 0 : i32
    %c0_i32_0 = arith.constant 0 : i32
    return %arg0, %c0_i32 : i32, i32
  }
  func.func @transform_4(%arg0: i32) -> (i32, i32) {
    %c0_i32 = arith.constant 0 : i32
    %c0_i32_0 = arith.constant 0 : i32
    return %arg0, %c0_i32 : i32, i32
  }
}

module attributes {stable_mosaic.version = 14 : i64} {
  func.func @_tc2_body(%arg0: i32, %arg1: memref<2x1280x16xf32, #tpu.memory_space<vmem>>, %arg2: memref<1280x16xf32, #tpu.memory_space<vmem>>, %arg3: memref<1280x1xf32, #tpu.memory_space<vmem>>, %arg4: memref<16xf32, #tpu.memory_space<vmem>>, %arg5: memref<16x16xf32, #tpu.memory_space<vmem>>, %arg6: memref<1280x16xf32, #tpu.memory_space<vmem>>) attributes {dimension_semantics = [#tpu.dimension_semantics<arbitrary>], iteration_bounds = array<i64: 8>, scalar_prefetch = 0 : i64, scratch_operands = 0 : i64, tpu.core_type = #tpu.core_type<tc>, window_params = [{transform_indices = @transform_0, window_bounds = array<i64: 2, 1280, 16>}, {transform_indices = @transform_1, window_bounds = array<i64: 1280, 16>}, {transform_indices = @transform_2, window_bounds = array<i64: 1280, 1>}, {pipeline_mode = #tpu.pipeline_mode<synchronous>, transform_indices = @transform_3, window_bounds = array<i64: 16>}, {pipeline_mode = #tpu.pipeline_mode<synchronous>, transform_indices = @transform_4, window_bounds = array<i64: 16, 16>}, {transform_indices = @transform_5, window_bounds = array<i64: 1280, 16>}]} {
    %get3A = arith.constant 0 : index
    %get3A_0 = arith.constant 0 : index
    %get3A_1 = vector.load %arg3[%get3A, %get3A_0] : memref<1280x1xf32, #tpu.memory_space<vmem>>, vector<1280x1xf32>
    %get3A_2 = arith.constant 0 : index
    %get3A_3 = arith.constant 0 : index
    %get3A_4 = arith.constant 0 : index
    %get3A_5 = vector.load %arg1[%get3A_2, %get3A_3, %get3A_4] : memref<2x1280x16xf32, #tpu.memory_space<vmem>>, vector<1x1280x16xf32>
    %get3A_6 = vector.shape_cast %get3A_5 : vector<1x1280x16xf32> to vector<1280x16xf32>
    %get3A_7 = arith.constant 1 : index
    %get3A_8 = arith.constant 0 : index
    %get3A_9 = arith.constant 0 : index
    %get3A_10 = vector.load %arg1[%get3A_7, %get3A_8, %get3A_9] : memref<2x1280x16xf32, #tpu.memory_space<vmem>>, vector<1x1280x16xf32>
    %get3A_11 = vector.shape_cast %get3A_10 : vector<1x1280x16xf32> to vector<1280x16xf32>
    %add3A = arith.addf %get3A_6, %get3A_11 : vector<1280x16xf32>
    %get3A_12 = arith.constant 0 : index
    %get3A_13 = arith.constant 0 : index
    %get3A_14 = vector.load %arg2[%get3A_12, %get3A_13] : memref<1280x16xf32, #tpu.memory_space<vmem>>, vector<1280x16xf32>
    %add3A_15 = arith.addf %add3A, %get3A_14 : vector<1280x16xf32>
    %mul3A = vector.broadcast %get3A_1 : vector<1280x1xf32> to vector<1280x16xf32>
    %mul3A_16 = arith.mulf %mul3A, %add3A_15 : vector<1280x16xf32>
    %get3A_17 = arith.constant 0 : index
    %get3A_18 = vector.load %arg4[%get3A_17] : memref<16xf32, #tpu.memory_space<vmem>>, vector<16xf32>
    %broadcast_in_dim3A = vector.shape_cast %get3A_18 : vector<16xf32> to vector<1x16xf32>
    %add3A_19 = vector.broadcast %broadcast_in_dim3A : vector<1x16xf32> to vector<1280x16xf32>
    %add3A_20 = arith.addf %mul3A_16, %add3A_19 : vector<1280x16xf32>
    %max3A = arith.constant 0.000000e+00 : f32
    %max3A_21 = vector.broadcast %max3A : f32 to vector<1280x16xf32>
    %max3A_22 = arith.maximumf %add3A_20, %max3A_21 : vector<1280x16xf32>
    %get3A_23 = arith.constant 0 : index
    %get3A_24 = arith.constant 0 : index
    %get3A_25 = vector.load %arg5[%get3A_23, %get3A_24] : memref<16x16xf32, #tpu.memory_space<vmem>>, vector<16x16xf32>
    %dot_general3A = arith.constant dense<0.000000e+00> : vector<1280x16xf32>
    %dot_general3A_26 = tpu.matmul %max3A_22, %get3A_25, %dot_general3A {dimension_numbers = #tpu.dot_dimension_numbers<[1], [0], [0], [1], [0, 0, 1, 1], [], []>, transpose_lhs_hint = false} : vector<1280x16xf32>, vector<16x16xf32>, vector<1280x16xf32> -> vector<1280x16xf32>
    %mul3A_27 = vector.broadcast %get3A_1 : vector<1280x1xf32> to vector<1280x16xf32>
    %mul3A_28 = arith.mulf %mul3A_27, %dot_general3A_26 : vector<1280x16xf32>
    %swap3A = arith.constant 0 : index
    %swap3A_29 = arith.constant 0 : index
    %swap3A_30 = vector.load %arg6[%swap3A, %swap3A_29] : memref<1280x16xf32, #tpu.memory_space<vmem>>, vector<1280x16xf32>
    tpu.vector_store %arg6[%swap3A, %swap3A_29], %mul3A_28 {strides = array<i32>} : memref<1280x16xf32, #tpu.memory_space<vmem>>, vector<1280x16xf32>,
    return
  }
  func.func @transform_0(%arg0: i32) -> (i32, i32, i32) {
    %c0_i32 = arith.constant 0 : i32
    %c0_i32_0 = arith.constant 0 : i32
    %c0_i32_1 = arith.constant 0 : i32
    return %c0_i32, %arg0, %c0_i32_0 : i32, i32, i32
  }
  func.func @transform_1(%arg0: i32) -> (i32, i32) {
    %c0_i32 = arith.constant 0 : i32
    %c0_i32_0 = arith.constant 0 : i32
    return %arg0, %c0_i32 : i32, i32
  }
  func.func @transform_2(%arg0: i32) -> (i32, i32) {
    %c0_i32 = arith.constant 0 : i32
    %c0_i32_0 = arith.constant 0 : i32
    return %arg0, %c0_i32 : i32, i32
  }
  func.func @transform_3(%arg0: i32) -> i32 {
    %c0_i32 = arith.constant 0 : i32
    %c0_i32_0 = arith.constant 0 : i32
    return %c0_i32 : i32
  }
  func.func @transform_4(%arg0: i32) -> (i32, i32) {
    %c0_i32 = arith.constant 0 : i32
    %c0_i32_0 = arith.constant 0 : i32
    %c0_i32_1 = arith.constant 0 : i32
    return %c0_i32, %c0_i32_0 : i32, i32
  }
  func.func @transform_5(%arg0: i32) -> (i32, i32) {
    %c0_i32 = arith.constant 0 : i32
    %c0_i32_0 = arith.constant 0 : i32
    return %arg0, %c0_i32 : i32, i32
  }
}

module attributes {stable_mosaic.version = 14 : i64} {
  func.func @_tc3_body(%arg0: i32, %arg1: memref<2x1280x16xf32, #tpu.memory_space<vmem>>, %arg2: memref<1280x16xf32, #tpu.memory_space<vmem>>, %arg3: memref<1280x1xf32, #tpu.memory_space<vmem>>, %arg4: memref<16xf32, #tpu.memory_space<vmem>>, %arg5: memref<1280x16xf32, #tpu.memory_space<vmem>>) attributes {dimension_semantics = [#tpu.dimension_semantics<arbitrary>], iteration_bounds = array<i64: 8>, scalar_prefetch = 0 : i64, scratch_operands = 0 : i64, tpu.core_type = #tpu.core_type<tc>, window_params = [{transform_indices = @transform_0, window_bounds = array<i64: 2, 1280, 16>}, {transform_indices = @transform_1, window_bounds = array<i64: 1280, 16>}, {transform_indices = @transform_2, window_bounds = array<i64: 1280, 1>}, {pipeline_mode = #tpu.pipeline_mode<synchronous>, transform_indices = @transform_3, window_bounds = array<i64: 16>}, {transform_indices = @transform_4, window_bounds = array<i64: 1280, 16>}]} {
    %get3A = arith.constant 0 : index
    %get3A_0 = arith.constant 0 : index
    %get3A_1 = vector.load %arg3[%get3A, %get3A_0] : memref<1280x1xf32, #tpu.memory_space<vmem>>, vector<1280x1xf32>
    %get3A_2 = arith.constant 0 : index
    %get3A_3 = arith.constant 0 : index
    %get3A_4 = arith.constant 0 : index
    %get3A_5 = vector.load %arg1[%get3A_2, %get3A_3, %get3A_4] : memref<2x1280x16xf32, #tpu.memory_space<vmem>>, vector<1x1280x16xf32>
    %get3A_6 = vector.shape_cast %get3A_5 : vector<1x1280x16xf32> to vector<1280x16xf32>
    %get3A_7 = arith.constant 1 : index
    %get3A_8 = arith.constant 0 : index
    %get3A_9 = arith.constant 0 : index
    %get3A_10 = vector.load %arg1[%get3A_7, %get3A_8, %get3A_9] : memref<2x1280x16xf32, #tpu.memory_space<vmem>>, vector<1x1280x16xf32>
    %get3A_11 = vector.shape_cast %get3A_10 : vector<1x1280x16xf32> to vector<1280x16xf32>
    %add3A = arith.addf %get3A_6, %get3A_11 : vector<1280x16xf32>
    %get3A_12 = arith.constant 0 : index
    %get3A_13 = arith.constant 0 : index
    %get3A_14 = vector.load %arg2[%get3A_12, %get3A_13] : memref<1280x16xf32, #tpu.memory_space<vmem>>, vector<1280x16xf32>
    %add3A_15 = arith.addf %add3A, %get3A_14 : vector<1280x16xf32>
    %mul3A = vector.broadcast %get3A_1 : vector<1280x1xf32> to vector<1280x16xf32>
    %mul3A_16 = arith.mulf %mul3A, %add3A_15 : vector<1280x16xf32>
    %get3A_17 = arith.constant 0 : index
    %get3A_18 = vector.load %arg4[%get3A_17] : memref<16xf32, #tpu.memory_space<vmem>>, vector<16xf32>
    %broadcast_in_dim3A = vector.shape_cast %get3A_18 : vector<16xf32> to vector<1x16xf32>
    %add3A_19 = vector.broadcast %broadcast_in_dim3A : vector<1x16xf32> to vector<1280x16xf32>
    %add3A_20 = arith.addf %mul3A_16, %add3A_19 : vector<1280x16xf32>
    %reduce_max3A = arith.constant dense<0xFF800000> : vector<1280xf32>
    %reduce_max3A_21 = vector.multi_reduction <maximumf>, %add3A_20, %reduce_max3A [1] : vector<1280x16xf32> to vector<1280xf32>
    %broadcast_in_dim3A_22 = vector.shape_cast %reduce_max3A_21 : vector<1280xf32> to vector<1280x1xf32>
    %sub3A = vector.broadcast %broadcast_in_dim3A_22 : vector<1280x1xf32> to vector<1280x16xf32>
    %sub3A_23 = arith.subf %add3A_20, %sub3A : vector<1280x16xf32>
    %exp3A = math.exp %sub3A_23 : vector<1280x16xf32>
    %reduce_sum3A = arith.constant dense<0.000000e+00> : vector<1280xf32>
    %reduce_sum3A_24 = vector.multi_reduction <add>, %exp3A, %reduce_sum3A [1] : vector<1280x16xf32> to vector<1280xf32>
    %broadcast_in_dim3A_25 = vector.shape_cast %reduce_sum3A_24 : vector<1280xf32> to vector<1280x1xf32>
    %log3A = math.log %broadcast_in_dim3A_25 : vector<1280x1xf32>
    %sub3A_26 = vector.broadcast %broadcast_in_dim3A_22 : vector<1280x1xf32> to vector<1280x16xf32>
    %sub3A_27 = arith.subf %add3A_20, %sub3A_26 : vector<1280x16xf32>
    %sub3A_28 = vector.broadcast %log3A : vector<1280x1xf32> to vector<1280x16xf32>
    %sub3A_29 = arith.subf %sub3A_27, %sub3A_28 : vector<1280x16xf32>
    %swap3A = arith.constant 0 : index
    %swap3A_30 = arith.constant 0 : index
    %swap3A_31 = vector.load %arg5[%swap3A, %swap3A_30] : memref<1280x16xf32, #tpu.memory_space<vmem>>, vector<1280x16xf32>
    tpu.vector_store %arg5[%swap3A, %swap3A_30], %sub3A_29 {strides = array<i32>} : memref<1280x16xf32, #tpu.memory_space<vmem>>, vector<1280x16xf32>,
    return
  }
  func.func @transform_0(%arg0: i32) -> (i32, i32, i32) {
    %c0_i32 = arith.constant 0 : i32
    %c0_i32_0 = arith.constant 0 : i32
    %c0_i32_1 = arith.constant 0 : i32
    return %c0_i32, %arg0, %c0_i32_0 : i32, i32, i32
  }
  func.func @transform_1(%arg0: i32) -> (i32, i32) {
    %c0_i32 = arith.constant 0 : i32
    %c0_i32_0 = arith.constant 0 : i32
    return %arg0, %c0_i32 : i32, i32
  }
  func.func @transform_2(%arg0: i32) -> (i32, i32) {
    %c0_i32 = arith.constant 0 : i32
    %c0_i32_0 = arith.constant 0 : i32
    return %arg0, %c0_i32 : i32, i32
  }
  func.func @transform_3(%arg0: i32) -> i32 {
    %c0_i32 = arith.constant 0 : i32
    %c0_i32_0 = arith.constant 0 : i32
    return %c0_i32 : i32
  }
  func.func @transform_4(%arg0: i32) -> (i32, i32) {
    %c0_i32 = arith.constant 0 : i32
    %c0_i32_0 = arith.constant 0 : i32
    return %arg0, %c0_i32 : i32, i32
  }
}

</mosaic_0001>

<sc_bundles>
// kernel: kernel.11.cloned.1.call-start
scs
__scs_entry_jumppad:
0x0: {  	(pc) =	sbr.rel $0x88, $3  }
0x1: {  	(tag) =	ssettag $0x0;
	lr =	simm.s32 $0x1  }
0x2: {  	[smem:$0x3F9B] =	sst lr;
	_ =	strace $0xD0000000  }
0x3: {  	_ = 	snop  }
0x4: {  	_ = 	snop  }
0x5: {  	_ = 	snop  }
0x6: {  	_ = 	snop  }
0x7: {  	_ = 	snop  }
__scs_overlays_trampoline_lowered:
0x8: {  	[smem:$0x3FAA] =	sst s0  }
0x9: {  	[smem:$0x3FAB] =	sst s1  }
0xa: {  	[smem:$0x3FAC] =	sst s2  }
0xb: {  	[smem:$0x3FAD] =	sst s3  }
0xc: {  	[smem:$0x3FAE] =	sst s4  }
0xd: {  	[smem:$0x3FAF] =	sst s5  }
0xe: {  	[smem:$0x3FB0] =	sst s6  }
0xf: {  	[smem:$0x3FB1] =	sst s7  }
0x10: {  	[smem:$0x3FB2] =	sst s8  }
0x11: {  	[smem:$0x3FB3] =	sst s9;
	s0 =	simm.s32 @!p0 $0x0  }
0x12: {  	s1 =	sld [smem:$0x3F99];
	s0 =	simm.s32 @p0 $0x1  }
0x13: {  	[smem:$0x3FB4] =	sst s0;
	s0 =	simm.s32 @!p1 $0x0  }
0x14: {  	s2 =	sld [smem:$0x3F98];
	s0 =	simm.s32 @p1 $0x1  }
0x15: {  	[smem:$0x3FB5] =	sst s0;
	s0 =	simm.s32 @!p2 $0x0  }
0x16: {  	s3 =	sld [smem:$0x3FDB];
	s0 =	simm.s32 @p2 $0x1  }
0x17: {  	s4 =	simm.s32 $0x1BF5;
	[smem:$0x3FB7] =	sst s0  }
0x18: {  	s0 =	sld [smem:$0x3F9A];
	_ =	swait.ge [sflag:s4], $0x0  }
0x19: {  	s7 =	sld [smem:$0x3F9B]  }
0x1a: {  	s8 =	sadd.s32 $0xFFFFE003, lr  }
0x1b: {  	s9 =	sadd.s32 $0xFFFFFEF7, lr;
	s5 =	simm.s32 $0xFFFFFFFF;
	p2 =	slt.u32 s8, $0xFFFFF086  }
0x1c: {  	p1 =	slt.u32 s9, $0xF7A;
	s5 =	simm.s32 @!p2 $0x0  }
0x1d: {  	s5 =	simm.s32 @p1 $0x1;
	p0 =	seq.s32 s7, s2  }
0x1e: {  	s7 =	smul.u32 @!p0 $0xF7A, s2;
	p2 =	seq.s32 @!p0 s5, $0x0  }
0x1f: {  	s9 =	smul.u32 $0xF7A, s1;
	s8 =	simm.s32 @!p0 $0x1BF5;
	p2 =	por !p2, p0  }
0x20: {  	[sflag:s8] =	ssyncset.s32 @!p0 $0xFFFFF086;
	s6 =	sadd.s32 @!p0 s3, s7;
	s7 =	simm.s32 @!p0 $0x108  }
0x21: {  	s3 =	sadd.s32 s3, s9;
	s6 =	sadd.s32 @!p0 $0x88, s6;
	s7 =	simm.s32 @p2 $0x1082  }
0x22: {  	[simem:s7], [sflag:s8] =	dma.local @!p0 [hbm:s6], $0xF7A  }
0x23: {  	s9 =	sor.u32 $0xD0000000, s2;
	s6 =	simm.s32 $0x108;
	_ =	swait.ge @!p0 [sflag:s8], $0x0  }
0x24: {  	s3 =	sadd.s32 $0x88, s3;
	s6 =	simm.s32 @!p1 $0x1082;
	[sflag:s4] =	ssyncset.s32 $0xFFFFF086  }
0x25: {  	[simem:s6], [sflag:s4] =	dma.local [hbm:s3], $0xF7A  }
0x26: {  	[smem:$0x3F9B] =	sst s1;
	(tag) =	ssettag s2;
	_ =	strace s9  }
0x27: {  	s1 =	sld [smem:$0x3FAB]  }
0x28: {  	s2 =	sld [smem:$0x3FAC]  }
0x29: {  	s4 =	sld [smem:$0x3FAE]  }
0x2a: {  	p0 =	seq.s32 s5, $0x0;
	s5 =	sld [smem:$0x3FAF]  }
0x2b: {  	s6 =	sld [smem:$0x3FB0]  }
0x2c: {  	s7 =	sld [smem:$0x3FB1]  }
0x2d: {  	s3 =	simm.s32 $0x108;
	s8 =	sld [smem:$0x3FB2]  }
0x2e: {  	s3 =	simm.s32 @!p0 $0x1082;
	s9 =	sld [smem:$0x3FB3]  }
0x2f: {  	lr =	sadd.s32 s0, s3;
	s0 =	sld [smem:$0x3FAA]  }
0x30: {  	s3 =	sld [smem:$0x3FAD]  }
0x31: {  	[smem:$0x3FB6] =	sst s10  }
0x32: {  	s10 =	sld [smem:$0x3FB4];
	_ =	sdelay $0x3  }
0x33: {  	p0 =	seq.s32 s10, $0x1;
	s10 =	sld [smem:$0x3FB6];
	_ =	sdelay $0x3  }
0x34: {  	[smem:$0x3FB6] =	sst s10  }
0x35: {  	s10 =	sld [smem:$0x3FB5];
	_ =	sdelay $0x3  }
0x36: {  	p1 =	seq.s32 s10, $0x1;
	s10 =	sld [smem:$0x3FB6];
	_ =	sdelay $0x3  }
0x37: {  	[smem:$0x3FB6] =	sst s10  }
0x38: {  	s10 =	sld [smem:$0x3FB7]  }
0x39: {  	_ = 	snop;
	(pc) =	sbr.ind lr, $3  }
0x3a: {  	_ = 	snop  }
0x3b: {  	_ = 	snop  }
0x3c: {  	p2 =	seq.s32 s10, $0x1;
	s10 =	sld [smem:$0x3FB6]  }
0x3d: {  	_ =	shalt  }
0x3e: {  	_ =	shalt  }
0x3f: {  	_ =	shalt  }
0x40: {  	_ =	shalt  }
0x41: {  	_ =	shalt  }
0x42: {  	_ =	shalt  }
0x43: {  	_ =	shalt  }
0x44: {  	_ =	shalt  }
0x45: {  	_ =	shalt  }
0x46: {  	_ =	shalt  }
0x47: {  	_ =	shalt  }
0x48: {  	_ =	shalt  }
0x49: {  	_ =	shalt  }
0x4a: {  	_ =	shalt  }
0x4b: {  	_ =	shalt  }
0x4c: {  	_ =	shalt  }
0x4d: {  	_ =	shalt  }
0x4e: {  	_ =	shalt  }
0x4f: {  	_ =	shalt  }
0x50: {  	_ =	shalt  }
0x51: {  	_ =	shalt  }
0x52: {  	_ =	shalt  }
0x53: {  	_ =	shalt  }
0x54: {  	_ =	shalt  }
0x55: {  	_ =	shalt  }
0x56: {  	_ =	shalt  }
0x57: {  	_ =	shalt  }
0x58: {  	_ =	shalt  }
0x59: {  	_ =	shalt  }
0x5a: {  	_ =	shalt  }
0x5b: {  	_ =	shalt  }
0x5c: {  	_ =	shalt  }
0x5d: {  	_ =	shalt  }
0x5e: {  	_ =	shalt  }
0x5f: {  	_ =	shalt  }
0x60: {  	_ =	shalt  }
0x61: {  	_ =	shalt  }
0x62: {  	_ =	shalt  }
0x63: {  	_ =	shalt  }
0x64: {  	_ =	shalt  }
0x65: {  	_ =	shalt  }
0x66: {  	_ =	shalt  }
0x67: {  	_ =	shalt  }
0x68: {  	_ =	shalt  }
0x69: {  	_ =	shalt  }
0x6a: {  	_ =	shalt  }
0x6b: {  	_ =	shalt  }
0x6c: {  	_ =	shalt  }
0x6d: {  	_ =	shalt  }
0x6e: {  	_ =	shalt  }
0x6f: {  	_ =	shalt  }
0x70: {  	_ =	shalt  }
0x71: {  	_ =	shalt  }
0x72: {  	_ =	shalt  }
0x73: {  	_ =	shalt  }
0x74: {  	_ =	shalt  }
0x75: {  	_ =	shalt  }
0x76: {  	_ =	shalt  }
0x77: {  	_ =	shalt  }
0x78: {  	_ =	shalt  }
0x79: {  	_ =	shalt  }
0x7a: {  	_ =	shalt  }
0x7b: {  	_ =	shalt  }
0x7c: {  	_ =	shalt  }
0x7d: {  	_ =	shalt  }
0x7e: {  	_ =	shalt  }
0x7f: {  	_ =	shalt  }
0x80: {  	_ =	shalt  }
0x81: {  	_ =	shalt  }
0x82: {  	_ =	shalt  }
0x83: {  	_ =	shalt  }
0x84: {  	_ =	shalt  }
0x85: {  	_ =	shalt  }
0x86: {  	_ =	shalt  }
0x87: {  	_ =	shalt  }
.Lfunc_end0:
.L_simem_size_0:
called_computation.1_lowered:
.L_overlay_start_0:
0x88: {  	s2 =	sld [smem:$0x3FD9]  }
0x89: {  	s3 =	sld [smem:$0x3FFE];
	_ =	sdelay $0x1  }
0x8a: {  	s1 =	srdreg.scid  }
0x8b: {  	s0 =	sand.u32 $0x1, s1  }
0x8c: {  	s16 =	sshll.u32 s0, $0xA;
	s2 =	sadd.s32 s3, s2  }
0x8d: {  	s2 =	sadd.s32 s2, s16  }
0x8e: {  	[smem:$0x3FC2] =	sst s2  }
0x8f: {  	_ = 	snop  }
0x90: {  	(tm) =	ssettm $0x1  }
0x91: {  	s17 =	sld [smem:$0x3FFB];
	_ =	sdelay $0x3  }
0x92: {  	_ =	strace s17  }
0x93: {  	s2 =	sld [smem:$0x3FFC];
	_ =	sdelay $0x3  }
0x94: {  	_ =	strace s2  }
0x95: {  	s2 =	sld [smem:$0x3FFD];
	_ =	sdelay $0x3  }
0x96: {  	_ =	strace s2  }
0x97: {  	_ =	strace $0x8FFFFFFF  }
0x98: {  	s18 =	sld [smem:$0x3FDB];
	_ =	sdelay $0x1  }
0x99: {  	s19 =	simm.s32 $_scs_section_size  }
0x9a: {  	s4 =	simm.s32 $_size__tile_overlayer_lowered;
	s5 =	simm.s32 $_tile_overlayer_lowered  }
0x9b: {  	s22 =	simm.s32 $0x1BFF;
	s21 =	sshll.u32 s5, $0x1;
	s2 =	sadd.s32 s19, s18  }
0x9c: {  	s6 =	simm.s32 $0x0;
	s20 =	sshll.u32 s4, $0x1;
	s4 =	sadd.s32 s21, s2  }
0x9d: {  	[timem:s6], [sflag:s22] =	dma.local [hbm:s4], s20  }
0x9e: {  	_ =	swait.ge [sflag:s22], s20  }
0x9f: {  	s3 =	ssub.s32 $0x0, s20;
	[sflag:s22] =	ssyncset.done $0x0  }
0xa0: {  	[sflag:s22] =	ssyncadd.s32 s3;
	_ =	sdelay $0x1  }
0xa1: {  	s23 =	simm.s32 $0x1B8B  }
0xa2: {  	_ =	swait.ge [sflag:s23], $0x1  }
0xa3: {  	[sflag:s23] =	ssyncset.done $0x0  }
0xa4: {  	s25 =	simm.s32 $0x1B8E;
	s24 =	sld [smem:$0x3FFE];
	[sflag:s23] =	ssyncadd.s32 $0xFFFFFFFF  }
0xa5: {  	s26 =	simm.s32 $execute0_lowered;
	[smem:$0x3FD2] =	sst s25  }
0xa6: {  	s4 =	sshll.u32 s26, $0x1;
	_ =	strace $0x80000049;
	[dreg:$0x1] =	wrdreg $0xFFFFFFFF  }
0xa7: {  	s28 =	simm.s32 $_size_execute0_lowered;
	s2 =	sadd.s32 s2, s4;
	[dreg:$0x0] =	wrdreg $0x0  }
0xa8: {  	s4 =	sshll.u32 s28, $0x1;
	[dreg:$0x2] =	wrdreg s2  }
0xa9: {  	[dreg:$0x3] =	wrdreg s4  }
0xaa: {  	[dreg:$0x4] =	wrdreg $0xC0  }
0xab: {  	_ =	task [dreg:s6], $0x5FFFF  }
0xac: {  	[dreg:$0x1] =	wrdreg $0xFFFFFFFF  }
0xad: {  	[dreg:$0x0] =	wrdreg $0x60  }
0xae: {  	[dreg:$0x2] =	wrdreg s24  }
0xaf: {  	[dreg:$0x3] =	wrdreg $0x75000  }
0xb0: {  	[dreg:$0x4] =	wrdreg $0x9  }
0xb1: {  	_ =	task.clear_ibuf [dreg:s6], $0x5FFFF;
	_ =	strace $0x90000049  }
0xb2: {  	s29 =	simm.s32 $0x9;
	_ =	strace $0x8000004B  }
0xb3: {  	_ =	swait.ge [sflag:s29], $0x1  }
0xb4: {  	[sflag:s29] =	ssyncadd.s32 $0xFFFFFFFF  }
0xb5: {  	_ =	strace $0x9000004B  }
0xb6: {  	_ =	sfence  }
0xb7: {  	s30 =	sld [smem:$0x0];
	_ =	sdelay $0x2  }
0xb8: {  	s31 =	sshll.u32 s1, $0xD;
	s1 =	sshrl.u32 s1, $0x2  }
0xb9: {  	s3 =	sand.u32 $0x4000, s31;
	s1 =	sadd.s32 s1, s30  }
0xba: {  	s0 =	sor.u32 s3, s0;
	s1 =	sshll.u32 s1, $0x11  }
0xbb: {  	s0 =	sor.u32 s1, s0  }
0xbc: {  	s0 =	sadd.s32 $0x8F2B, s0  }
0xbd: {  	[sflag:s0] =	ssyncadd.remote.s32 $0x1  }
0xbe: {  	_ =	sfence.sel $0xFFFF  }
0xbf: {  	[dreg:$0x0] =	wrdreg $0xFFFFFFFF;
	(pc) =	sbr.abs _section_cstart, $3  }
0xc0: {  	[dreg:$0x1] =	wrdreg $0xFFFFFFFF  }
0xc1: {  	_ =	task.clear_ibuf [dreg:s6], $0x2FFFF;
	_ =	strace $0x9FFFFFFF  }
0xc2: {  	(tm) =	ssettm $0x7FFFFFFF  }
0xc3: {  	_ =	shalt  }
tec
execute0_lowered:
.L_overlay_start_1:
0x0: {  	(tag) =	ssettag $0x1  }
0x1: {  	s0 =	srdreg.scid;
	s5 =	rddreg [dreg:$0x0]  }
0x2: {  	s4 =	stileid.u32;
	s1 =	rddreg [dreg:$0x1]  }
0x3: {  	s16 =	simm.s32 $0x9;
	s17 =	simm.s32 $0x2800;
	s18 =	simm.s32 $0x7000  }
0x4: {  	s19 =	simm.s32 $0x80;
	s20 =	simm.s32 $0x5000;
	s29 =	simm.s32 $0x2  }
0x5: {  	s28 =	simm.s32 $0x4;
	s30 =	simm.s32 $0x8;
	s31 =	simm.s32 $0x6  }
0x6: {  	s0 =	sand.u32 $0x1, s0;
	s2 =	sshll.u32 s4, $0x1;
	s8 =	smul.u32 $0xA000, s4  }
0x7: {  	p0 =	sne.s32 s4, $0x0;
	s4 =	simm.s32 $0x0;
	s3 =	sor.u32 s0, s2  }
0x8: {  	s2 =	simm.s32 $0x0;
	s7 =	smul.u32 $0x5000, s0;
	s0 =	ssub.s32 $0x2, s0  }
0x9: {  	s6 =	smul.u32 $0x500, s3;
	[smem:$0x7FF] =	sst s2;
	s3 =	sadd.s32 $0x15000, s5  }
0xa: {  	s9 =	sshrl.u32 s0, $0x1;
	s21 =	sshrl.u32 s8, $0x2;
	_ =	strace $0x8000004A  }
0xb: {  	s0 =	ssub.s32 s0, s9;
	s6 =	sadd.s32 s6, s5;
	s5 =	sadd.s32 s7, s5  }
0xc: {  	s15 =	smax.u32 s0, $0x1;
	s22 =	sadd.s32 $0xB000, s6;
	s6 =	sadd.s32 $0x1000, s6  }
0xd: {  	s0 =	simm.s32 $0x3;
	[dreg:$0x4] =	wrdreg s6;
	s6 =	sadd.s32 s21, s1  }
0xe: {  	s14 =	sadd.s32 $0x1A000, s5;
	[dreg:$0x3] =	wrdreg s22;
	s7 =	sadd.s32 $0x500, s6  }
0xf: {  	s21 =	simm.s32 $0x5800;
	s23 =	sadd.s32 $0xA00, s6;
	[dreg:$0x5] =	wrdreg s7  }
.Ltmp0:
0x10: {  	s24 =	sadd.s32 $0xF00, s6;
	[dreg:$0x6] =	wrdreg s23;
	(pc) =	sbr.rel .LBB2_1-.Ltmp0, $4  }
0x11: {  	s22 =	simm.s32 $0x5;
	s25 =	sadd.s32 $0x1400, s6;
	[dreg:$0x7] =	wrdreg s24  }
0x12: {  	s26 =	sadd.s32 $0x1900, s6;
	s12 =	sadd.s32 $0x1E00, s6;
	[dreg:$0x8] =	wrdreg s25  }
0x13: {  	s13 =	sadd.s32 $0x2300, s6;
	[dreg:$0x9] =	wrdreg s26;
	s23 =	simm.s32 $0x6000  }
0x14: {  	v0 =	vimm.f32 $0.0e+00;
	s25 =	simm.s32 $0x6800;
	s26 =	simm.s32 $0x1;
	s24 =	simm.s32 $0x7  }
.LBB2_4:
0x15: {  	_ =	swait.ge [sflag:s28], $0x800  }
0x16: {  	[sflag:s28] =	ssyncset.done $0x0  }
0x17: {  	[sflag:s28] =	ssyncadd.s32 $0xFFFFF800  }
0x18: {  	_ =	swait.ge [sflag:s30], $0x800  }
0x19: {  	[sflag:s30] =	ssyncset.done $0x0  }
0x1a: {  	s5 =	sadd.s32 $0x2B80, s7;
	[sflag:s30] =	ssyncadd.s32 $0xFFFFF800  }
0x1b: {  	[spmem:s1] =	stream.indirect.scatter.add.f32 [tilespmem:s25], [sflag:$0x8], $0x10, s5, s19, $0xb8;
	[tilespmem:$0x9D00] =	vst v63  }
0x1c: {  	_ =	swait.ge [sflag:s22], $0x800  }
0x1d: {  	[sflag:s22] =	ssyncset.done $0x0  }
0x1e: {  	[sflag:s22] =	ssyncadd.s32 $0xFFFFF800  }
0x1f: {  	_ =	swait.ge [sflag:s31], $0x800  }
0x20: {  	[sflag:s31] =	ssyncset.done $0x0  }
0x21: {  	[sflag:s31] =	ssyncadd.s32 $0xFFFFF800  }
0x22: {  	_ =	swait.ge [sflag:s24], $0x800  }
0x23: {  	[sflag:s24] =	ssyncset.done $0x0  }
0x24: {  	[sflag:s24] =	ssyncadd.s32 $0xFFFFF800  }
0x25: {  	_ =	swait.ge [sflag:s30], $0x800  }
0x26: {  	[sflag:s30] =	ssyncset.done $0x0  }
0x27: {  	s7 =	simm.s32 @!p0 $0x1C09;
	s4 =	sadd.s32 $0x1, s4;
	[sflag:s30] =	ssyncadd.s32 $0xFFFFF800  }
0x28: {  	p1 =	sne.s32 s4, s15;
	s5 =	sshrl.u32 @!p0 s1, $0x3;
	[bflag:$0x0] =	sbarrier.arrive $0xFFFF  }
0x29: {  	[hbm:s14], [sflag:s7] =	dma.local @!p0 [spmem:s5], $0x5000  }
.Ltmp1:
0x2a: {  	_ = 	snop;
	(pc) =	sbr.rel @!p1 .LBB2_5-.Ltmp1, $4  }
0x2b: {  	s5 =	simm.s32 @!p0 $0x9  }
0x2c: {  	_ =	swait.ge @!p0 [sflag:s5], $0x5000  }
0x2d: {  	[sflag:s5] =	ssyncset.done @!p0 $0x0  }
0x2e: {  	[sflag:s5] =	ssyncadd.s32 @!p0 $0xFFFFB000  }
.LBB2_1:
0x2f: {  	s5 =	rddreg [dreg:$0x3]  }
0x30: {  	[tilespmem:s2], [sflag:$0x9] =	stream.linear.gather [hbm4b:s5+s2], $0x2800, $0x38;
	[tilespmem:$0x9D00] =	vst v63  }
0x31: {  	_ =	swait.ge [sflag:s16], $0x2800  }
0x32: {  	[sflag:s16] =	ssyncset.done $0x0  }
0x33: {  	s7 =	rddreg [dreg:$0x4];
	[sflag:s16] =	ssyncadd.s32 $0xFFFFD800  }
0x34: {  	[tilespmem:s17], [sflag:$0x9] =	stream.linear.gather [hbm4b:s7+s2], $0x2800, $0x38;
	[tilespmem:$0x9D00] =	vst v63  }
0x35: {  	_ =	swait.ge [sflag:s16], $0x2800  }
0x36: {  	[sflag:s16] =	ssyncset.done $0x0  }
0x37: {  	[sflag:s16] =	ssyncadd.s32 $0xFFFFD800  }
0x38: {  	[tilespmem:$0x7000] =	vst v0  }
0x39: {  	[tilespmem:$0x7010] =	vst v0  }
0x3a: {  	[tilespmem:$0x7020] =	vst v0  }
0x3b: {  	[tilespmem:$0x7030] =	vst v0  }
0x3c: {  	[tilespmem:$0x7040] =	vst v0  }
0x3d: {  	[tilespmem:$0x7050] =	vst v0  }
0x3e: {  	[tilespmem:$0x7060] =	vst v0  }
0x3f: {  	[tilespmem:$0x7070] =	vst v0  }
0x40: {  	[tilespmem:$0x7080] =	vst v0  }
0x41: {  	[tilespmem:$0x7090] =	vst v0  }
0x42: {  	[tilespmem:$0x70A0] =	vst v0  }
0x43: {  	[tilespmem:$0x70B0] =	vst v0  }
0x44: {  	[tilespmem:$0x70C0] =	vst v0  }
0x45: {  	[tilespmem:$0x70D0] =	vst v0  }
0x46: {  	[tilespmem:$0x70E0] =	vst v0  }
0x47: {  	[tilespmem:$0x70F0] =	vst v0  }
0x48: {  	[tilespmem:$0x7100] =	vst v0  }
0x49: {  	[tilespmem:$0x7110] =	vst v0  }
0x4a: {  	[tilespmem:$0x7120] =	vst v0  }
0x4b: {  	[tilespmem:$0x7130] =	vst v0  }
0x4c: {  	[tilespmem:$0x7140] =	vst v0  }
0x4d: {  	[tilespmem:$0x7150] =	vst v0  }
0x4e: {  	[tilespmem:$0x7160] =	vst v0  }
0x4f: {  	[tilespmem:$0x7170] =	vst v0  }
0x50: {  	[tilespmem:$0x7180] =	vst v0  }
0x51: {  	[tilespmem:$0x7190] =	vst v0  }
0x52: {  	[tilespmem:$0x71A0] =	vst v0  }
0x53: {  	[tilespmem:$0x71B0] =	vst v0  }
0x54: {  	[tilespmem:$0x71C0] =	vst v0  }
0x55: {  	[tilespmem:$0x71D0] =	vst v0  }
0x56: {  	[tilespmem:$0x71E0] =	vst v0  }
0x57: {  	[tilespmem:$0x71F0] =	vst v0  }
0x58: {  	[tilespmem:$0x7200] =	vst v0  }
0x59: {  	[tilespmem:$0x7210] =	vst v0  }
0x5a: {  	[tilespmem:$0x7220] =	vst v0  }
0x5b: {  	[tilespmem:$0x7230] =	vst v0  }
0x5c: {  	[tilespmem:$0x7240] =	vst v0  }
0x5d: {  	[tilespmem:$0x7250] =	vst v0  }
0x5e: {  	[tilespmem:$0x7260] =	vst v0  }
0x5f: {  	[tilespmem:$0x7270] =	vst v0  }
0x60: {  	[tilespmem:$0x7280] =	vst v0  }
0x61: {  	[tilespmem:$0x7290] =	vst v0  }
0x62: {  	[tilespmem:$0x72A0] =	vst v0  }
0x63: {  	[tilespmem:$0x72B0] =	vst v0  }
0x64: {  	[tilespmem:$0x72C0] =	vst v0  }
0x65: {  	[tilespmem:$0x72D0] =	vst v0  }
0x66: {  	[tilespmem:$0x72E0] =	vst v0  }
0x67: {  	[tilespmem:$0x72F0] =	vst v0  }
0x68: {  	[tilespmem:$0x7300] =	vst v0  }
0x69: {  	[tilespmem:$0x7310] =	vst v0  }
0x6a: {  	[tilespmem:$0x7320] =	vst v0  }
0x6b: {  	[tilespmem:$0x7330] =	vst v0  }
0x6c: {  	[tilespmem:$0x7340] =	vst v0  }
0x6d: {  	[tilespmem:$0x7350] =	vst v0  }
0x6e: {  	[tilespmem:$0x7360] =	vst v0  }
0x6f: {  	[tilespmem:$0x7370] =	vst v0  }
0x70: {  	[tilespmem:$0x7380] =	vst v0  }
0x71: {  	[tilespmem:$0x7390] =	vst v0  }
0x72: {  	[tilespmem:$0x73A0] =	vst v0  }
0x73: {  	[tilespmem:$0x73B0] =	vst v0  }
0x74: {  	[tilespmem:$0x73C0] =	vst v0  }
0x75: {  	[tilespmem:$0x73D0] =	vst v0  }
0x76: {  	[tilespmem:$0x73E0] =	vst v0  }
0x77: {  	[tilespmem:$0x73F0] =	vst v0  }
0x78: {  	[tilespmem:$0x7400] =	vst v0  }
0x79: {  	[tilespmem:$0x7410] =	vst v0  }
0x7a: {  	[tilespmem:$0x7420] =	vst v0  }
0x7b: {  	[tilespmem:$0x7430] =	vst v0  }
0x7c: {  	[tilespmem:$0x7440] =	vst v0  }
0x7d: {  	[tilespmem:$0x7450] =	vst v0  }
0x7e: {  	[tilespmem:$0x7460] =	vst v0  }
0x7f: {  	[tilespmem:$0x7470] =	vst v0  }
0x80: {  	[tilespmem:$0x7480] =	vst v0  }
0x81: {  	[tilespmem:$0x7490] =	vst v0  }
0x82: {  	[tilespmem:$0x74A0] =	vst v0  }
0x83: {  	[tilespmem:$0x74B0] =	vst v0  }
0x84: {  	[tilespmem:$0x74C0] =	vst v0  }
0x85: {  	[tilespmem:$0x74D0] =	vst v0  }
0x86: {  	[tilespmem:$0x74E0] =	vst v0  }
0x87: {  	[tilespmem:$0x74F0] =	vst v0  }
0x88: {  	[spmem:s6] =	stream.linear.scatter [tilespmem:s18], [sflag:$0x9], $0x500, $0x38;
	[tilespmem:$0x9D00] =	vst v63  }
0x89: {  	_ =	swait.ge [sflag:s16], $0x500  }
0x8a: {  	[sflag:s16] =	ssyncset.done $0x0  }
0x8b: {  	s8 =	rddreg [dreg:$0x5];
	[sflag:s16] =	ssyncadd.s32 $0xFFFFFB00  }
0x8c: {  	[spmem:s8] =	stream.linear.scatter [tilespmem:s18], [sflag:$0x9], $0x500, $0x38;
	[tilespmem:$0x9D00] =	vst v63  }
0x8d: {  	_ =	swait.ge [sflag:s16], $0x500  }
0x8e: {  	[sflag:s16] =	ssyncset.done $0x0  }
0x8f: {  	s9 =	rddreg [dreg:$0x6];
	[sflag:s16] =	ssyncadd.s32 $0xFFFFFB00  }
0x90: {  	[spmem:s9] =	stream.linear.scatter [tilespmem:s18], [sflag:$0x9], $0x500, $0x38;
	[tilespmem:$0x9D00] =	vst v63  }
0x91: {  	_ =	swait.ge [sflag:s16], $0x500  }
0x92: {  	[sflag:s16] =	ssyncset.done $0x0  }
0x93: {  	s10 =	rddreg [dreg:$0x7];
	[sflag:s16] =	ssyncadd.s32 $0xFFFFFB00  }
0x94: {  	[spmem:s10] =	stream.linear.scatter [tilespmem:s18], [sflag:$0x9], $0x500, $0x38;
	[tilespmem:$0x9D00] =	vst v63  }
0x95: {  	_ =	swait.ge [sflag:s16], $0x500  }
0x96: {  	[sflag:s16] =	ssyncset.done $0x0  }
0x97: {  	s11 =	rddreg [dreg:$0x8];
	[sflag:s16] =	ssyncadd.s32 $0xFFFFFB00  }
0x98: {  	[spmem:s11] =	stream.linear.scatter [tilespmem:s18], [sflag:$0x9], $0x500, $0x38;
	[tilespmem:$0x9D00] =	vst v63  }
0x99: {  	_ =	swait.ge [sflag:s16], $0x500  }
0x9a: {  	[sflag:s16] =	ssyncset.done $0x0  }
0x9b: {  	s7 =	rddreg [dreg:$0x9];
	[sflag:s16] =	ssyncadd.s32 $0xFFFFFB00  }
0x9c: {  	[spmem:s7] =	stream.linear.scatter [tilespmem:s18], [sflag:$0x9], $0x500, $0x38;
	[tilespmem:$0x9D00] =	vst v63  }
0x9d: {  	_ =	swait.ge [sflag:s16], $0x500  }
0x9e: {  	[sflag:s16] =	ssyncset.done $0x0  }
0x9f: {  	[sflag:s16] =	ssyncadd.s32 $0xFFFFFB00  }
0xa0: {  	[spmem:s12] =	stream.linear.scatter [tilespmem:s18], [sflag:$0x9], $0x500, $0x38;
	[tilespmem:$0x9D00] =	vst v63  }
0xa1: {  	_ =	swait.ge [sflag:s16], $0x500  }
0xa2: {  	[sflag:s16] =	ssyncset.done $0x0  }
0xa3: {  	[sflag:s16] =	ssyncadd.s32 $0xFFFFFB00  }
0xa4: {  	[spmem:s13] =	stream.linear.scatter [tilespmem:s18], [sflag:$0x9], $0x500, $0x38;
	[tilespmem:$0x9D00] =	vst v63  }
0xa5: {  	_ =	swait.ge [sflag:s16], $0x500  }
0xa6: {  	[sflag:s16] =	ssyncset.done $0x0  }
0xa7: {  	[sflag:s16] =	ssyncadd.s32 $0xFFFFFB00  }
0xa8: {  	[bflag:$0x0] =	sbarrier.arrive $0xFFFF  }
0xa9: {  	[tilespmem:s20], [sflag:$0x1] =	stream.indirect.gather [hbm4b:s3+s19], $0x10, s2, s19, $0xb8;
	[tilespmem:$0x9D00] =	vst v63  }
0xaa: {  	_ = 	snop  }
0xab: {  	[tilespmem:s21], [sflag:$0x2] =	stream.indirect.gather [hbm4b:s3+s19], $0x10, s19, s19, $0xb8;
	[tilespmem:$0x9D00] =	vst v63  }
0xac: {  	s8 =	simm.s32 $0x100  }
0xad: {  	[tilespmem:s23], [sflag:$0x3] =	stream.indirect.gather [hbm4b:s3+s19], $0x10, s8, s19, $0xb8;
	[tilespmem:$0x9D00] =	vst v63  }
0xae: {  	s9 =	simm.s32 $0x180  }
0xaf: {  	[tilespmem:s25], [sflag:$0x4] =	stream.indirect.gather [hbm4b:s3+s19], $0x10, s9, s19, $0xb8;
	[tilespmem:$0x9D00] =	vst v63  }
0xb0: {  	_ =	swait.ge [sflag:s26], $0x800  }
0xb1: {  	[sflag:s26] =	ssyncset.done $0x0  }
0xb2: {  	[sflag:s26] =	ssyncadd.s32 $0xFFFFF800  }
0xb3: {  	[spmem:s1] =	stream.indirect.scatter.add.f32 [tilespmem:s20], [sflag:$0x5], $0x10, s17, s19, $0xb8;
	[tilespmem:$0x9D00] =	vst v63  }
0xb4: {  	s10 =	simm.s32 $0x200  }
0xb5: {  	[tilespmem:s20], [sflag:$0x1] =	stream.indirect.gather [hbm4b:s3+s19], $0x10, s10, s19, $0xb8;
	[tilespmem:$0x9D00] =	vst v63  }
0xb6: {  	_ =	swait.ge [sflag:s29], $0x800  }
0xb7: {  	[sflag:s29] =	ssyncset.done $0x0  }
0xb8: {  	s11 =	simm.s32 $0x2880;
	[sflag:s29] =	ssyncadd.s32 $0xFFFFF800  }
0xb9: {  	[spmem:s1] =	stream.indirect.scatter.add.f32 [tilespmem:s21], [sflag:$0x6], $0x10, s11, s19, $0xb8;
	[tilespmem:$0x9D00] =	vst v63  }
0xba: {  	s7 =	simm.s32 $0x280  }
0xbb: {  	[tilespmem:s21], [sflag:$0x2] =	stream.indirect.gather [hbm4b:s3+s19], $0x10, s7, s19, $0xb8;
	[tilespmem:$0x9D00] =	vst v63  }
0xbc: {  	_ =	swait.ge [sflag:s0], $0x800  }
0xbd: {  	[sflag:s0] =	ssyncset.done $0x0  }
0xbe: {  	s8 =	simm.s32 $0x2900;
	[sflag:s0] =	ssyncadd.s32 $0xFFFFF800  }
0xbf: {  	[spmem:s1] =	stream.indirect.scatter.add.f32 [tilespmem:s23], [sflag:$0x7], $0x10, s8, s19, $0xb8;
	[tilespmem:$0x9D00] =	vst v63  }
0xc0: {  	s9 =	simm.s32 $0x300  }
0xc1: {  	[tilespmem:s23], [sflag:$0x3] =	stream.indirect.gather [hbm4b:s3+s19], $0x10, s9, s19, $0xb8;
	[tilespmem:$0x9D00] =	vst v63  }
0xc2: {  	_ =	swait.ge [sflag:s28], $0x800  }
0xc3: {  	[sflag:s28] =	ssyncset.done $0x0  }
0xc4: {  	s10 =	simm.s32 $0x2980;
	[sflag:s28] =	ssyncadd.s32 $0xFFFFF800  }
0xc5: {  	[spmem:s1] =	stream.indirect.scatter.add.f32 [tilespmem:s25], [sflag:$0x8], $0x10, s10, s19, $0xb8;
	[tilespmem:$0x9D00] =	vst v63  }
0xc6: {  	s5 =	simm.s32 $0x0;
	s11 =	simm.s32 $0x380  }
0xc7: {  	[tilespmem:s25], [sflag:$0x4] =	stream.indirect.gather [hbm4b:s3+s19], $0x10, s11, s19, $0xb8;
	[tilespmem:$0x9D00] =	vst v63  }
.LBB2_2:
0xc8: {  	_ =	swait.ge [sflag:s26], $0x800  }
0xc9: {  	[sflag:s26] =	ssyncset.done $0x0  }
0xca: {  	[sflag:s26] =	ssyncadd.s32 $0xFFFFF800  }
0xcb: {  	_ =	swait.ge [sflag:s22], $0x800  }
0xcc: {  	s7 =	sshra.s32 s5, $0x2;
	[sflag:s22] =	ssyncset.done $0x0  }
0xcd: {  	p1 =	seq.s32 s5, $0x9000;
	s8 =	sadd.s32 $0x2A00, s7;
	[sflag:s22] =	ssyncadd.s32 $0xFFFFF800  }
0xce: {  	[spmem:s1] =	stream.indirect.scatter.add.f32 [tilespmem:s20], [sflag:$0x5], $0x10, s8, s19, $0xb8;
	[tilespmem:$0x9D00] =	vst v63  }
0xcf: {  	s8 =	simm.s32 @p1 $0x2  }
0xd0: {  	_ =	swait.ge @p1 [sflag:s8], $0x800  }
0xd1: {  	[sflag:s8] =	ssyncset.done @p1 $0x0  }
0xd2: {  	[sflag:s8] =	ssyncadd.s32 @p1 $0xFFFFF800;
	s8 =	simm.s32 @p1 $0x6  }
0xd3: {  	_ =	swait.ge @p1 [sflag:s8], $0x800  }
0xd4: {  	[sflag:s8] =	ssyncset.done @p1 $0x0  }
0xd5: {  	[sflag:s8] =	ssyncadd.s32 @p1 $0xFFFFF800;
	s8 =	sshra.s32 @p1 s5, $0x2  }
0xd6: {  	s9 =	simm.s32 @p1 $0x80;
	s10 =	simm.s32 @p1 $0x5800;
	s8 =	sadd.s32 @p1 $0x2A80, s8  }
0xd7: {  	[spmem:s1] =	stream.indirect.scatter.add.f32 @p1 [tilespmem:s10], [sflag:$0x6], $0x10, s8, s9, $0xb8;
	[tilespmem:$0x9D00] =	vst v63  }
0xd8: {  	s8 =	sshra.s32 @!p1 s5, $0x2  }
0xd9: {  	s11 =	simm.s32 @!p1 $0x5000;
	s10 =	simm.s32 @!p1 $0x80;
	s9 =	sadd.s32 @!p1 $0x400, s8  }
0xda: {  	[tilespmem:s11], [sflag:$0x1] =	stream.indirect.gather @!p1 [hbm4b:s3+s10], $0x10, s9, s10, $0xb8;
	[tilespmem:$0x9D00] =	vst v63  }
0xdb: {  	s9 =	simm.s32 @!p1 $0x2  }
0xdc: {  	_ =	swait.ge @!p1 [sflag:s9], $0x800  }
0xdd: {  	[sflag:s9] =	ssyncset.done @!p1 $0x0  }
0xde: {  	[sflag:s9] =	ssyncadd.s32 @!p1 $0xFFFFF800;
	s9 =	simm.s32 @!p1 $0x6  }
0xdf: {  	_ =	swait.ge @!p1 [sflag:s9], $0x800  }
0xe0: {  	[sflag:s9] =	ssyncset.done @!p1 $0x0  }
0xe1: {  	s11 =	simm.s32 @!p1 $0x5800;
	[sflag:s9] =	ssyncadd.s32 @!p1 $0xFFFFF800;
	s9 =	sadd.s32 @!p1 $0x2A80, s8  }
0xe2: {  	[spmem:s1] =	stream.indirect.scatter.add.f32 @!p1 [tilespmem:s11], [sflag:$0x6], $0x10, s9, s10, $0xb8;
	[tilespmem:$0x9D00] =	vst v63  }
0xe3: {  	s8 =	sadd.s32 @!p1 $0x480, s8  }
0xe4: {  	[tilespmem:s11], [sflag:$0x2] =	stream.indirect.gather @!p1 [hbm4b:s3+s10], $0x10, s8, s10, $0xb8;
	[tilespmem:$0x9D00] =	vst v63  }
0xe5: {  	_ =	swait.ge [sflag:s0], $0x800  }
0xe6: {  	[sflag:s0] =	ssyncset.done $0x0  }
.Ltmp2:
0xe7: {  	[sflag:s0] =	ssyncadd.s32 $0xFFFFF800;
	(pc) =	sbr.rel @p1 .LBB2_4-.Ltmp2, $4  }
0xe8: {  	_ =	swait.ge [sflag:s24], $0x800  }
0xe9: {  	[sflag:s24] =	ssyncset.done $0x0  }
0xea: {  	s11 =	sadd.s32 $0x2B00, s7;
	[sflag:s24] =	ssyncadd.s32 $0xFFFFF800  }
0xeb: {  	[spmem:s1] =	stream.indirect.scatter.add.f32 [tilespmem:s23], [sflag:$0x7], $0x10, s11, s19, $0xb8;
	[tilespmem:$0x9D00] =	vst v63  }
0xec: {  	s8 =	sadd.s32 $0x500, s7  }
0xed: {  	[tilespmem:s23], [sflag:$0x3] =	stream.indirect.gather [hbm4b:s3+s19], $0x10, s8, s19, $0xb8;
	[tilespmem:$0x9D00] =	vst v63  }
0xee: {  	_ =	swait.ge [sflag:s28], $0x800  }
0xef: {  	[sflag:s28] =	ssyncset.done $0x0  }
0xf0: {  	[sflag:s28] =	ssyncadd.s32 $0xFFFFF800  }
0xf1: {  	_ =	swait.ge [sflag:s30], $0x800  }
.Ltmp3:
0xf2: {  	[sflag:s30] =	ssyncset.done $0x0;
	(pc) =	sbr.rel .LBB2_2-.Ltmp3, $4  }
0xf3: {  	s10 =	sadd.s32 $0x2B80, s7;
	[sflag:s30] =	ssyncadd.s32 $0xFFFFF800  }
0xf4: {  	[spmem:s1] =	stream.indirect.scatter.add.f32 [tilespmem:s25], [sflag:$0x8], $0x10, s10, s19, $0xb8;
	[tilespmem:$0x9D00] =	vst v63  }
0xf5: {  	s11 =	sadd.s32 $0x580, s7;
	s5 =	sadd.s32 $0x800, s5  }
0xf6: {  	[tilespmem:s25], [sflag:$0x4] =	stream.indirect.gather [hbm4b:s3+s19], $0x10, s11, s19, $0xb8;
	[tilespmem:$0x9D00] =	vst v63  }
.LBB2_5:
0xf7: {  	_ =	sfence.sel $0x180000  }
0xf8: {  	[bflag:$0x0] =	sbarrier.arrive $0xFFFF  }
0xf9: {  	_ =	strace $0x9000004A  }
0xfa: {  	[bflag:$0x2] =	sbarrier.arrive $0xFFFF  }
0xfb: {  	s0 =	rddreg [dreg:$0x2]  }
0xfc: {  	s0 =	sadd.s32 @!p0 $0x100000, s0  }
0xfd: {  	[sflag:s0] =	ssyncadd.tile.s32 @!p0 $0x1;
	_ =	shalt  }
.Lfunc_end2:
_tile_overlayer_lowered:
.L_overlay_start_2:
0xfe: {  	(tag) =	ssettag $0x2  }
0xff: {  	s0 =	rddreg [dreg:$0x0];
	s2 =	stileid.u32  }
0x100: {  	s1 =	rddreg [dreg:$0x1];
	p0 =	sne.s32 s2, $0x0  }
0x101: {  	s3 =	rddreg [dreg:$0x2];
	[bflag:$0x3] =	sbarrier.arrive $0xFFFF;
	s2 =	simm.s32 @!p0 $0x1C09  }
0x102: {  	[timem:s3], [sflag:s2] =	dma.local @!p0 [hbm:s0], s1  }
0x103: {  	s0 =	simm.s32 @!p0 $0x9  }
0x104: {  	_ =	swait.ge @!p0 [sflag:s0], s1  }
0x105: {  	s1 =	ssub.s32 @!p0 $0x0, s1;
	[sflag:s0] =	ssyncset.done @!p0 $0x0  }
0x106: {  	[sflag:s0] =	ssyncadd.s32 @!p0 s1  }
0x107: {  	[bflag:$0x3] =	sbarrier.arrive $0xFFFF  }
0x108: {  	_ =	shalt  }

// kernel: kernel.14.cloned.1.call-start
scs
__scs_entry_jumppad:
0x0: {  	(pc) =	sbr.rel $0x88, $3  }
0x1: {  	(tag) =	ssettag $0x0;
	lr =	simm.s32 $0x1  }
0x2: {  	[smem:$0x3F9B] =	sst lr;
	_ =	strace $0xD0000000  }
0x3: {  	_ = 	snop  }
0x4: {  	_ = 	snop  }
0x5: {  	_ = 	snop  }
0x6: {  	_ = 	snop  }
0x7: {  	_ = 	snop  }
__scs_overlays_trampoline_lowered:
0x8: {  	[smem:$0x3FAA] =	sst s0  }
0x9: {  	[smem:$0x3FAB] =	sst s1  }
0xa: {  	[smem:$0x3FAC] =	sst s2  }
0xb: {  	[smem:$0x3FAD] =	sst s3  }
0xc: {  	[smem:$0x3FAE] =	sst s4  }
0xd: {  	[smem:$0x3FAF] =	sst s5  }
0xe: {  	[smem:$0x3FB0] =	sst s6  }
0xf: {  	[smem:$0x3FB1] =	sst s7  }
0x10: {  	[smem:$0x3FB2] =	sst s8  }
0x11: {  	[smem:$0x3FB3] =	sst s9;
	s0 =	simm.s32 @!p0 $0x0  }
0x12: {  	s1 =	sld [smem:$0x3F99];
	s0 =	simm.s32 @p0 $0x1  }
0x13: {  	[smem:$0x3FB4] =	sst s0;
	s0 =	simm.s32 @!p1 $0x0  }
0x14: {  	s2 =	sld [smem:$0x3F98];
	s0 =	simm.s32 @p1 $0x1  }
0x15: {  	[smem:$0x3FB5] =	sst s0;
	s0 =	simm.s32 @!p2 $0x0  }
0x16: {  	s3 =	sld [smem:$0x3FDB];
	s0 =	simm.s32 @p2 $0x1  }
0x17: {  	s4 =	simm.s32 $0x1BF5;
	[smem:$0x3FB7] =	sst s0  }
0x18: {  	s0 =	sld [smem:$0x3F9A];
	_ =	swait.ge [sflag:s4], $0x0  }
0x19: {  	s7 =	sld [smem:$0x3F9B]  }
0x1a: {  	s8 =	sadd.s32 $0xFFFFE003, lr  }
0x1b: {  	s9 =	sadd.s32 $0xFFFFFEF7, lr;
	s5 =	simm.s32 $0xFFFFFFFF;
	p2 =	slt.u32 s8, $0xFFFFF086  }
0x1c: {  	p1 =	slt.u32 s9, $0xF7A;
	s5 =	simm.s32 @!p2 $0x0  }
0x1d: {  	s5 =	simm.s32 @p1 $0x1;
	p0 =	seq.s32 s7, s2  }
0x1e: {  	s7 =	smul.u32 @!p0 $0xF7A, s2;
	p2 =	seq.s32 @!p0 s5, $0x0  }
0x1f: {  	s9 =	smul.u32 $0xF7A, s1;
	s8 =	simm.s32 @!p0 $0x1BF5;
	p2 =	por !p2, p0  }
0x20: {  	[sflag:s8] =	ssyncset.s32 @!p0 $0xFFFFF086;
	s6 =	sadd.s32 @!p0 s3, s7;
	s7 =	simm.s32 @!p0 $0x108  }
0x21: {  	s3 =	sadd.s32 s3, s9;
	s6 =	sadd.s32 @!p0 $0x88, s6;
	s7 =	simm.s32 @p2 $0x1082  }
0x22: {  	[simem:s7], [sflag:s8] =	dma.local @!p0 [hbm:s6], $0xF7A  }
0x23: {  	s9 =	sor.u32 $0xD0000000, s2;
	s6 =	simm.s32 $0x108;
	_ =	swait.ge @!p0 [sflag:s8], $0x0  }
0x24: {  	s3 =	sadd.s32 $0x88, s3;
	s6 =	simm.s32 @!p1 $0x1082;
	[sflag:s4] =	ssyncset.s32 $0xFFFFF086  }
0x25: {  	[simem:s6], [sflag:s4] =	dma.local [hbm:s3], $0xF7A  }
0x26: {  	[smem:$0x3F9B] =	sst s1;
	(tag) =	ssettag s2;
	_ =	strace s9  }
0x27: {  	s1 =	sld [smem:$0x3FAB]  }
0x28: {  	s2 =	sld [smem:$0x3FAC]  }
0x29: {  	s4 =	sld [smem:$0x3FAE]  }
0x2a: {  	p0 =	seq.s32 s5, $0x0;
	s5 =	sld [smem:$0x3FAF]  }
0x2b: {  	s6 =	sld [smem:$0x3FB0]  }
0x2c: {  	s7 =	sld [smem:$0x3FB1]  }
0x2d: {  	s3 =	simm.s32 $0x108;
	s8 =	sld [smem:$0x3FB2]  }
0x2e: {  	s3 =	simm.s32 @!p0 $0x1082;
	s9 =	sld [smem:$0x3FB3]  }
0x2f: {  	lr =	sadd.s32 s0, s3;
	s0 =	sld [smem:$0x3FAA]  }
0x30: {  	s3 =	sld [smem:$0x3FAD]  }
0x31: {  	[smem:$0x3FB6] =	sst s10  }
0x32: {  	s10 =	sld [smem:$0x3FB4];
	_ =	sdelay $0x3  }
0x33: {  	p0 =	seq.s32 s10, $0x1;
	s10 =	sld [smem:$0x3FB6];
	_ =	sdelay $0x3  }
0x34: {  	[smem:$0x3FB6] =	sst s10  }
0x35: {  	s10 =	sld [smem:$0x3FB5];
	_ =	sdelay $0x3  }
0x36: {  	p1 =	seq.s32 s10, $0x1;
	s10 =	sld [smem:$0x3FB6];
	_ =	sdelay $0x3  }
0x37: {  	[smem:$0x3FB6] =	sst s10  }
0x38: {  	s10 =	sld [smem:$0x3FB7]  }
0x39: {  	_ = 	snop;
	(pc) =	sbr.ind lr, $3  }
0x3a: {  	_ = 	snop  }
0x3b: {  	_ = 	snop  }
0x3c: {  	p2 =	seq.s32 s10, $0x1;
	s10 =	sld [smem:$0x3FB6]  }
0x3d: {  	_ =	shalt  }
0x3e: {  	_ =	shalt  }
0x3f: {  	_ =	shalt  }
0x40: {  	_ =	shalt  }
0x41: {  	_ =	shalt  }
0x42: {  	_ =	shalt  }
0x43: {  	_ =	shalt  }
0x44: {  	_ =	shalt  }
0x45: {  	_ =	shalt  }
0x46: {  	_ =	shalt  }
0x47: {  	_ =	shalt  }
0x48: {  	_ =	shalt  }
0x49: {  	_ =	shalt  }
0x4a: {  	_ =	shalt  }
0x4b: {  	_ =	shalt  }
0x4c: {  	_ =	shalt  }
0x4d: {  	_ =	shalt  }
0x4e: {  	_ =	shalt  }
0x4f: {  	_ =	shalt  }
0x50: {  	_ =	shalt  }
0x51: {  	_ =	shalt  }
0x52: {  	_ =	shalt  }
0x53: {  	_ =	shalt  }
0x54: {  	_ =	shalt  }
0x55: {  	_ =	shalt  }
0x56: {  	_ =	shalt  }
0x57: {  	_ =	shalt  }
0x58: {  	_ =	shalt  }
0x59: {  	_ =	shalt  }
0x5a: {  	_ =	shalt  }
0x5b: {  	_ =	shalt  }
0x5c: {  	_ =	shalt  }
0x5d: {  	_ =	shalt  }
0x5e: {  	_ =	shalt  }
0x5f: {  	_ =	shalt  }
0x60: {  	_ =	shalt  }
0x61: {  	_ =	shalt  }
0x62: {  	_ =	shalt  }
0x63: {  	_ =	shalt  }
0x64: {  	_ =	shalt  }
0x65: {  	_ =	shalt  }
0x66: {  	_ =	shalt  }
0x67: {  	_ =	shalt  }
0x68: {  	_ =	shalt  }
0x69: {  	_ =	shalt  }
0x6a: {  	_ =	shalt  }
0x6b: {  	_ =	shalt  }
0x6c: {  	_ =	shalt  }
0x6d: {  	_ =	shalt  }
0x6e: {  	_ =	shalt  }
0x6f: {  	_ =	shalt  }
0x70: {  	_ =	shalt  }
0x71: {  	_ =	shalt  }
0x72: {  	_ =	shalt  }
0x73: {  	_ =	shalt  }
0x74: {  	_ =	shalt  }
0x75: {  	_ =	shalt  }
0x76: {  	_ =	shalt  }
0x77: {  	_ =	shalt  }
0x78: {  	_ =	shalt  }
0x79: {  	_ =	shalt  }
0x7a: {  	_ =	shalt  }
0x7b: {  	_ =	shalt  }
0x7c: {  	_ =	shalt  }
0x7d: {  	_ =	shalt  }
0x7e: {  	_ =	shalt  }
0x7f: {  	_ =	shalt  }
0x80: {  	_ =	shalt  }
0x81: {  	_ =	shalt  }
0x82: {  	_ =	shalt  }
0x83: {  	_ =	shalt  }
0x84: {  	_ =	shalt  }
0x85: {  	_ =	shalt  }
0x86: {  	_ =	shalt  }
0x87: {  	_ =	shalt  }
.Lfunc_end0:
.L_simem_size_0:
called_computation.2_lowered:
.L_overlay_start_0:
0x88: {  	s2 =	sld [smem:$0x3FD9]  }
0x89: {  	s3 =	sld [smem:$0x3FFE];
	_ =	sdelay $0x1  }
0x8a: {  	s1 =	srdreg.scid  }
0x8b: {  	s0 =	sand.u32 $0x1, s1  }
0x8c: {  	s16 =	sshll.u32 s0, $0xA;
	s2 =	sadd.s32 s3, s2  }
0x8d: {  	s2 =	sadd.s32 s2, s16  }
0x8e: {  	[smem:$0x3FC2] =	sst s2  }
0x8f: {  	_ = 	snop  }
0x90: {  	(tm) =	ssettm $0x1  }
0x91: {  	s17 =	sld [smem:$0x3FFB];
	_ =	sdelay $0x3  }
0x92: {  	_ =	strace s17  }
0x93: {  	s2 =	sld [smem:$0x3FFC];
	_ =	sdelay $0x3  }
0x94: {  	_ =	strace s2  }
0x95: {  	s2 =	sld [smem:$0x3FFD];
	_ =	sdelay $0x3  }
0x96: {  	_ =	strace s2  }
0x97: {  	_ =	strace $0x8FFFFFFF  }
0x98: {  	s18 =	sld [smem:$0x3FDB];
	_ =	sdelay $0x1  }
0x99: {  	s19 =	simm.s32 $_scs_section_size  }
0x9a: {  	s4 =	simm.s32 $_size__tile_overlayer_lowered;
	s5 =	simm.s32 $_tile_overlayer_lowered  }
0x9b: {  	s22 =	simm.s32 $0x1BFF;
	s21 =	sshll.u32 s5, $0x1;
	s2 =	sadd.s32 s19, s18  }
0x9c: {  	s6 =	simm.s32 $0x0;
	s20 =	sshll.u32 s4, $0x1;
	s4 =	sadd.s32 s21, s2  }
0x9d: {  	[timem:s6], [sflag:s22] =	dma.local [hbm:s4], s20  }
0x9e: {  	_ =	swait.ge [sflag:s22], s20  }
0x9f: {  	s3 =	ssub.s32 $0x0, s20;
	[sflag:s22] =	ssyncset.done $0x0  }
0xa0: {  	[sflag:s22] =	ssyncadd.s32 s3;
	_ =	sdelay $0x1  }
0xa1: {  	s23 =	simm.s32 $0x1B8B  }
0xa2: {  	_ =	swait.ge [sflag:s23], $0x1  }
0xa3: {  	[sflag:s23] =	ssyncset.done $0x0  }
0xa4: {  	s25 =	simm.s32 $0x1B8E;
	s24 =	sld [smem:$0x3FFE];
	[sflag:s23] =	ssyncadd.s32 $0xFFFFFFFF  }
0xa5: {  	s26 =	simm.s32 $execute0_lowered;
	[smem:$0x3FD2] =	sst s25  }
0xa6: {  	s4 =	sshll.u32 s26, $0x1;
	_ =	strace $0x8000004C;
	[dreg:$0x1] =	wrdreg $0xFFFFFFFF  }
0xa7: {  	s28 =	simm.s32 $_size_execute0_lowered;
	s2 =	sadd.s32 s2, s4;
	[dreg:$0x0] =	wrdreg $0x0  }
0xa8: {  	s4 =	sshll.u32 s28, $0x1;
	[dreg:$0x2] =	wrdreg s2  }
0xa9: {  	[dreg:$0x3] =	wrdreg s4  }
0xaa: {  	[dreg:$0x4] =	wrdreg $0xC0  }
0xab: {  	_ =	task [dreg:s6], $0x5FFFF  }
0xac: {  	[dreg:$0x1] =	wrdreg $0xFFFFFFFF  }
0xad: {  	[dreg:$0x0] =	wrdreg $0x60  }
0xae: {  	[dreg:$0x2] =	wrdreg s24  }
0xaf: {  	[dreg:$0x3] =	wrdreg $0x75000  }
0xb0: {  	[dreg:$0x4] =	wrdreg $0x9  }
0xb1: {  	_ =	task.clear_ibuf [dreg:s6], $0x5FFFF;
	_ =	strace $0x9000004C  }
0xb2: {  	s29 =	simm.s32 $0x9;
	_ =	strace $0x8000004E  }
0xb3: {  	_ =	swait.ge [sflag:s29], $0x1  }
0xb4: {  	[sflag:s29] =	ssyncadd.s32 $0xFFFFFFFF  }
0xb5: {  	_ =	strace $0x9000004E  }
0xb6: {  	_ =	sfence  }
0xb7: {  	s30 =	sld [smem:$0x0];
	_ =	sdelay $0x2  }
0xb8: {  	s31 =	sshll.u32 s1, $0xD;
	s1 =	sshrl.u32 s1, $0x2  }
0xb9: {  	s3 =	sand.u32 $0x4000, s31;
	s1 =	sadd.s32 s1, s30  }
0xba: {  	s0 =	sor.u32 s3, s0;
	s1 =	sshll.u32 s1, $0x11  }
0xbb: {  	s0 =	sor.u32 s1, s0  }
0xbc: {  	s0 =	sadd.s32 $0x8F2B, s0  }
0xbd: {  	[sflag:s0] =	ssyncadd.remote.s32 $0x1  }
0xbe: {  	_ =	sfence.sel $0xFFFF  }
0xbf: {  	[dreg:$0x0] =	wrdreg $0xFFFFFFFF;
	(pc) =	sbr.abs _section_cstart, $3  }
0xc0: {  	[dreg:$0x1] =	wrdreg $0xFFFFFFFF  }
0xc1: {  	_ =	task.clear_ibuf [dreg:s6], $0x2FFFF;
	_ =	strace $0x9FFFFFFF  }
0xc2: {  	(tm) =	ssettm $0x7FFFFFFF  }
0xc3: {  	_ =	shalt  }
tec
execute0_lowered:
.L_overlay_start_1:
0x0: {  	(tag) =	ssettag $0x1  }
0x1: {  	s0 =	srdreg.scid;
	s5 =	rddreg [dreg:$0x0]  }
0x2: {  	s4 =	stileid.u32;
	s1 =	rddreg [dreg:$0x1]  }
0x3: {  	s16 =	simm.s32 $0x9;
	s17 =	simm.s32 $0x2800;
	s18 =	simm.s32 $0x7000  }
0x4: {  	s19 =	simm.s32 $0x80;
	s20 =	simm.s32 $0x5000;
	s29 =	simm.s32 $0x2  }
0x5: {  	s28 =	simm.s32 $0x4;
	s30 =	simm.s32 $0x8;
	s31 =	simm.s32 $0x6  }
0x6: {  	s0 =	sand.u32 $0x1, s0;
	s2 =	sshll.u32 s4, $0x1;
	s8 =	smul.u32 $0xA000, s4  }
0x7: {  	p0 =	sne.s32 s4, $0x0;
	s4 =	simm.s32 $0x0;
	s3 =	sor.u32 s0, s2  }
0x8: {  	s2 =	simm.s32 $0x0;
	s7 =	smul.u32 $0x5000, s0;
	s0 =	ssub.s32 $0x2, s0  }
0x9: {  	s6 =	smul.u32 $0x500, s3;
	[smem:$0x7FF] =	sst s2;
	s3 =	sadd.s32 $0x15000, s5  }
0xa: {  	s9 =	sshrl.u32 s0, $0x1;
	s21 =	sshrl.u32 s8, $0x2;
	_ =	strace $0x8000004D  }
0xb: {  	s0 =	ssub.s32 s0, s9;
	s6 =	sadd.s32 s6, s5;
	s5 =	sadd.s32 s7, s5  }
0xc: {  	s15 =	smax.u32 s0, $0x1;
	s22 =	sadd.s32 $0xB000, s6;
	s6 =	sadd.s32 $0x1000, s6  }
0xd: {  	s0 =	simm.s32 $0x3;
	[dreg:$0x4] =	wrdreg s6;
	s6 =	sadd.s32 s21, s1  }
0xe: {  	s14 =	sadd.s32 $0x1A000, s5;
	[dreg:$0x3] =	wrdreg s22;
	s7 =	sadd.s32 $0x500, s6  }
0xf: {  	s21 =	simm.s32 $0x5800;
	s23 =	sadd.s32 $0xA00, s6;
	[dreg:$0x5] =	wrdreg s7  }
.Ltmp0:
0x10: {  	s24 =	sadd.s32 $0xF00, s6;
	[dreg:$0x6] =	wrdreg s23;
	(pc) =	sbr.rel .LBB2_1-.Ltmp0, $4  }
0x11: {  	s22 =	simm.s32 $0x5;
	s25 =	sadd.s32 $0x1400, s6;
	[dreg:$0x7] =	wrdreg s24  }
0x12: {  	s26 =	sadd.s32 $0x1900, s6;
	s12 =	sadd.s32 $0x1E00, s6;
	[dreg:$0x8] =	wrdreg s25  }
0x13: {  	s13 =	sadd.s32 $0x2300, s6;
	[dreg:$0x9] =	wrdreg s26;
	s23 =	simm.s32 $0x6000  }
0x14: {  	v0 =	vimm.f32 $0.0e+00;
	s25 =	simm.s32 $0x6800;
	s26 =	simm.s32 $0x1;
	s24 =	simm.s32 $0x7  }
.LBB2_4:
0x15: {  	_ =	swait.ge [sflag:s28], $0x800  }
0x16: {  	[sflag:s28] =	ssyncset.done $0x0  }
0x17: {  	[sflag:s28] =	ssyncadd.s32 $0xFFFFF800  }
0x18: {  	_ =	swait.ge [sflag:s30], $0x800  }
0x19: {  	[sflag:s30] =	ssyncset.done $0x0  }
0x1a: {  	s5 =	sadd.s32 $0x2B80, s7;
	[sflag:s30] =	ssyncadd.s32 $0xFFFFF800  }
0x1b: {  	[spmem:s1] =	stream.indirect.scatter.add.f32 [tilespmem:s25], [sflag:$0x8], $0x10, s5, s19, $0xb8;
	[tilespmem:$0x9D00] =	vst v63  }
0x1c: {  	_ =	swait.ge [sflag:s22], $0x800  }
0x1d: {  	[sflag:s22] =	ssyncset.done $0x0  }
0x1e: {  	[sflag:s22] =	ssyncadd.s32 $0xFFFFF800  }
0x1f: {  	_ =	swait.ge [sflag:s31], $0x800  }
0x20: {  	[sflag:s31] =	ssyncset.done $0x0  }
0x21: {  	[sflag:s31] =	ssyncadd.s32 $0xFFFFF800  }
0x22: {  	_ =	swait.ge [sflag:s24], $0x800  }
0x23: {  	[sflag:s24] =	ssyncset.done $0x0  }
0x24: {  	[sflag:s24] =	ssyncadd.s32 $0xFFFFF800  }
0x25: {  	_ =	swait.ge [sflag:s30], $0x800  }
0x26: {  	[sflag:s30] =	ssyncset.done $0x0  }
0x27: {  	s7 =	simm.s32 @!p0 $0x1C09;
	s4 =	sadd.s32 $0x1, s4;
	[sflag:s30] =	ssyncadd.s32 $0xFFFFF800  }
0x28: {  	p1 =	sne.s32 s4, s15;
	s5 =	sshrl.u32 @!p0 s1, $0x3;
	[bflag:$0x0] =	sbarrier.arrive $0xFFFF  }
0x29: {  	[hbm:s14], [sflag:s7] =	dma.local @!p0 [spmem:s5], $0x5000  }
.Ltmp1:
0x2a: {  	_ = 	snop;
	(pc) =	sbr.rel @!p1 .LBB2_5-.Ltmp1, $4  }
0x2b: {  	s5 =	simm.s32 @!p0 $0x9  }
0x2c: {  	_ =	swait.ge @!p0 [sflag:s5], $0x5000  }
0x2d: {  	[sflag:s5] =	ssyncset.done @!p0 $0x0  }
0x2e: {  	[sflag:s5] =	ssyncadd.s32 @!p0 $0xFFFFB000  }
.LBB2_1:
0x2f: {  	s5 =	rddreg [dreg:$0x3]  }
0x30: {  	[tilespmem:s2], [sflag:$0x9] =	stream.linear.gather [hbm4b:s5+s2], $0x2800, $0x38;
	[tilespmem:$0x9D00] =	vst v63  }
0x31: {  	_ =	swait.ge [sflag:s16], $0x2800  }
0x32: {  	[sflag:s16] =	ssyncset.done $0x0  }
0x33: {  	s7 =	rddreg [dreg:$0x4];
	[sflag:s16] =	ssyncadd.s32 $0xFFFFD800  }
0x34: {  	[tilespmem:s17], [sflag:$0x9] =	stream.linear.gather [hbm4b:s7+s2], $0x2800, $0x38;
	[tilespmem:$0x9D00] =	vst v63  }
0x35: {  	_ =	swait.ge [sflag:s16], $0x2800  }
0x36: {  	[sflag:s16] =	ssyncset.done $0x0  }
0x37: {  	[sflag:s16] =	ssyncadd.s32 $0xFFFFD800  }
0x38: {  	[tilespmem:$0x7000] =	vst v0  }
0x39: {  	[tilespmem:$0x7010] =	vst v0  }
0x3a: {  	[tilespmem:$0x7020] =	vst v0  }
0x3b: {  	[tilespmem:$0x7030] =	vst v0  }
0x3c: {  	[tilespmem:$0x7040] =	vst v0  }
0x3d: {  	[tilespmem:$0x7050] =	vst v0  }
0x3e: {  	[tilespmem:$0x7060] =	vst v0  }
0x3f: {  	[tilespmem:$0x7070] =	vst v0  }
0x40: {  	[tilespmem:$0x7080] =	vst v0  }
0x41: {  	[tilespmem:$0x7090] =	vst v0  }
0x42: {  	[tilespmem:$0x70A0] =	vst v0  }
0x43: {  	[tilespmem:$0x70B0] =	vst v0  }
0x44: {  	[tilespmem:$0x70C0] =	vst v0  }
0x45: {  	[tilespmem:$0x70D0] =	vst v0  }
0x46: {  	[tilespmem:$0x70E0] =	vst v0  }
0x47: {  	[tilespmem:$0x70F0] =	vst v0  }
0x48: {  	[tilespmem:$0x7100] =	vst v0  }
0x49: {  	[tilespmem:$0x7110] =	vst v0  }
0x4a: {  	[tilespmem:$0x7120] =	vst v0  }
0x4b: {  	[tilespmem:$0x7130] =	vst v0  }
0x4c: {  	[tilespmem:$0x7140] =	vst v0  }
0x4d: {  	[tilespmem:$0x7150] =	vst v0  }
0x4e: {  	[tilespmem:$0x7160] =	vst v0  }
0x4f: {  	[tilespmem:$0x7170] =	vst v0  }
0x50: {  	[tilespmem:$0x7180] =	vst v0  }
0x51: {  	[tilespmem:$0x7190] =	vst v0  }
0x52: {  	[tilespmem:$0x71A0] =	vst v0  }
0x53: {  	[tilespmem:$0x71B0] =	vst v0  }
0x54: {  	[tilespmem:$0x71C0] =	vst v0  }
0x55: {  	[tilespmem:$0x71D0] =	vst v0  }
0x56: {  	[tilespmem:$0x71E0] =	vst v0  }
0x57: {  	[tilespmem:$0x71F0] =	vst v0  }
0x58: {  	[tilespmem:$0x7200] =	vst v0  }
0x59: {  	[tilespmem:$0x7210] =	vst v0  }
0x5a: {  	[tilespmem:$0x7220] =	vst v0  }
0x5b: {  	[tilespmem:$0x7230] =	vst v0  }
0x5c: {  	[tilespmem:$0x7240] =	vst v0  }
0x5d: {  	[tilespmem:$0x7250] =	vst v0  }
0x5e: {  	[tilespmem:$0x7260] =	vst v0  }
0x5f: {  	[tilespmem:$0x7270] =	vst v0  }
0x60: {  	[tilespmem:$0x7280] =	vst v0  }
0x61: {  	[tilespmem:$0x7290] =	vst v0  }
0x62: {  	[tilespmem:$0x72A0] =	vst v0  }
0x63: {  	[tilespmem:$0x72B0] =	vst v0  }
0x64: {  	[tilespmem:$0x72C0] =	vst v0  }
0x65: {  	[tilespmem:$0x72D0] =	vst v0  }
0x66: {  	[tilespmem:$0x72E0] =	vst v0  }
0x67: {  	[tilespmem:$0x72F0] =	vst v0  }
0x68: {  	[tilespmem:$0x7300] =	vst v0  }
0x69: {  	[tilespmem:$0x7310] =	vst v0  }
0x6a: {  	[tilespmem:$0x7320] =	vst v0  }
0x6b: {  	[tilespmem:$0x7330] =	vst v0  }
0x6c: {  	[tilespmem:$0x7340] =	vst v0  }
0x6d: {  	[tilespmem:$0x7350] =	vst v0  }
0x6e: {  	[tilespmem:$0x7360] =	vst v0  }
0x6f: {  	[tilespmem:$0x7370] =	vst v0  }
0x70: {  	[tilespmem:$0x7380] =	vst v0  }
0x71: {  	[tilespmem:$0x7390] =	vst v0  }
0x72: {  	[tilespmem:$0x73A0] =	vst v0  }
0x73: {  	[tilespmem:$0x73B0] =	vst v0  }
0x74: {  	[tilespmem:$0x73C0] =	vst v0  }
0x75: {  	[tilespmem:$0x73D0] =	vst v0  }
0x76: {  	[tilespmem:$0x73E0] =	vst v0  }
0x77: {  	[tilespmem:$0x73F0] =	vst v0  }
0x78: {  	[tilespmem:$0x7400] =	vst v0  }
0x79: {  	[tilespmem:$0x7410] =	vst v0  }
0x7a: {  	[tilespmem:$0x7420] =	vst v0  }
0x7b: {  	[tilespmem:$0x7430] =	vst v0  }
0x7c: {  	[tilespmem:$0x7440] =	vst v0  }
0x7d: {  	[tilespmem:$0x7450] =	vst v0  }
0x7e: {  	[tilespmem:$0x7460] =	vst v0  }
0x7f: {  	[tilespmem:$0x7470] =	vst v0  }
0x80: {  	[tilespmem:$0x7480] =	vst v0  }
0x81: {  	[tilespmem:$0x7490] =	vst v0  }
0x82: {  	[tilespmem:$0x74A0] =	vst v0  }
0x83: {  	[tilespmem:$0x74B0] =	vst v0  }
0x84: {  	[tilespmem:$0x74C0] =	vst v0  }
0x85: {  	[tilespmem:$0x74D0] =	vst v0  }
0x86: {  	[tilespmem:$0x74E0] =	vst v0  }
0x87: {  	[tilespmem:$0x74F0] =	vst v0  }
0x88: {  	[spmem:s6] =	stream.linear.scatter [tilespmem:s18], [sflag:$0x9], $0x500, $0x38;
	[tilespmem:$0x9D00] =	vst v63  }
0x89: {  	_ =	swait.ge [sflag:s16], $0x500  }
0x8a: {  	[sflag:s16] =	ssyncset.done $0x0  }
0x8b: {  	s8 =	rddreg [dreg:$0x5];
	[sflag:s16] =	ssyncadd.s32 $0xFFFFFB00  }
0x8c: {  	[spmem:s8] =	stream.linear.scatter [tilespmem:s18], [sflag:$0x9], $0x500, $0x38;
	[tilespmem:$0x9D00] =	vst v63  }
0x8d: {  	_ =	swait.ge [sflag:s16], $0x500  }
0x8e: {  	[sflag:s16] =	ssyncset.done $0x0  }
0x8f: {  	s9 =	rddreg [dreg:$0x6];
	[sflag:s16] =	ssyncadd.s32 $0xFFFFFB00  }
0x90: {  	[spmem:s9] =	stream.linear.scatter [tilespmem:s18], [sflag:$0x9], $0x500, $0x38;
	[tilespmem:$0x9D00] =	vst v63  }
0x91: {  	_ =	swait.ge [sflag:s16], $0x500  }
0x92: {  	[sflag:s16] =	ssyncset.done $0x0  }
0x93: {  	s10 =	rddreg [dreg:$0x7];
	[sflag:s16] =	ssyncadd.s32 $0xFFFFFB00  }
0x94: {  	[spmem:s10] =	stream.linear.scatter [tilespmem:s18], [sflag:$0x9], $0x500, $0x38;
	[tilespmem:$0x9D00] =	vst v63  }
0x95: {  	_ =	swait.ge [sflag:s16], $0x500  }
0x96: {  	[sflag:s16] =	ssyncset.done $0x0  }
0x97: {  	s11 =	rddreg [dreg:$0x8];
	[sflag:s16] =	ssyncadd.s32 $0xFFFFFB00  }
0x98: {  	[spmem:s11] =	stream.linear.scatter [tilespmem:s18], [sflag:$0x9], $0x500, $0x38;
	[tilespmem:$0x9D00] =	vst v63  }
0x99: {  	_ =	swait.ge [sflag:s16], $0x500  }
0x9a: {  	[sflag:s16] =	ssyncset.done $0x0  }
0x9b: {  	s7 =	rddreg [dreg:$0x9];
	[sflag:s16] =	ssyncadd.s32 $0xFFFFFB00  }
0x9c: {  	[spmem:s7] =	stream.linear.scatter [tilespmem:s18], [sflag:$0x9], $0x500, $0x38;
	[tilespmem:$0x9D00] =	vst v63  }
0x9d: {  	_ =	swait.ge [sflag:s16], $0x500  }
0x9e: {  	[sflag:s16] =	ssyncset.done $0x0  }
0x9f: {  	[sflag:s16] =	ssyncadd.s32 $0xFFFFFB00  }
0xa0: {  	[spmem:s12] =	stream.linear.scatter [tilespmem:s18], [sflag:$0x9], $0x500, $0x38;
	[tilespmem:$0x9D00] =	vst v63  }
0xa1: {  	_ =	swait.ge [sflag:s16], $0x500  }
0xa2: {  	[sflag:s16] =	ssyncset.done $0x0  }
0xa3: {  	[sflag:s16] =	ssyncadd.s32 $0xFFFFFB00  }
0xa4: {  	[spmem:s13] =	stream.linear.scatter [tilespmem:s18], [sflag:$0x9], $0x500, $0x38;
	[tilespmem:$0x9D00] =	vst v63  }
0xa5: {  	_ =	swait.ge [sflag:s16], $0x500  }
0xa6: {  	[sflag:s16] =	ssyncset.done $0x0  }
0xa7: {  	[sflag:s16] =	ssyncadd.s32 $0xFFFFFB00  }
0xa8: {  	[bflag:$0x0] =	sbarrier.arrive $0xFFFF  }
0xa9: {  	[tilespmem:s20], [sflag:$0x1] =	stream.indirect.gather [hbm4b:s3+s19], $0x10, s2, s19, $0xb8;
	[tilespmem:$0x9D00] =	vst v63  }
0xaa: {  	_ = 	snop  }
0xab: {  	[tilespmem:s21], [sflag:$0x2] =	stream.indirect.gather [hbm4b:s3+s19], $0x10, s19, s19, $0xb8;
	[tilespmem:$0x9D00] =	vst v63  }
0xac: {  	s8 =	simm.s32 $0x100  }
0xad: {  	[tilespmem:s23], [sflag:$0x3] =	stream.indirect.gather [hbm4b:s3+s19], $0x10, s8, s19, $0xb8;
	[tilespmem:$0x9D00] =	vst v63  }
0xae: {  	s9 =	simm.s32 $0x180  }
0xaf: {  	[tilespmem:s25], [sflag:$0x4] =	stream.indirect.gather [hbm4b:s3+s19], $0x10, s9, s19, $0xb8;
	[tilespmem:$0x9D00] =	vst v63  }
0xb0: {  	_ =	swait.ge [sflag:s26], $0x800  }
0xb1: {  	[sflag:s26] =	ssyncset.done $0x0  }
0xb2: {  	[sflag:s26] =	ssyncadd.s32 $0xFFFFF800  }
0xb3: {  	[spmem:s1] =	stream.indirect.scatter.add.f32 [tilespmem:s20], [sflag:$0x5], $0x10, s17, s19, $0xb8;
	[tilespmem:$0x9D00] =	vst v63  }
0xb4: {  	s10 =	simm.s32 $0x200  }
0xb5: {  	[tilespmem:s20], [sflag:$0x1] =	stream.indirect.gather [hbm4b:s3+s19], $0x10, s10, s19, $0xb8;
	[tilespmem:$0x9D00] =	vst v63  }
0xb6: {  	_ =	swait.ge [sflag:s29], $0x800  }
0xb7: {  	[sflag:s29] =	ssyncset.done $0x0  }
0xb8: {  	s11 =	simm.s32 $0x2880;
	[sflag:s29] =	ssyncadd.s32 $0xFFFFF800  }
0xb9: {  	[spmem:s1] =	stream.indirect.scatter.add.f32 [tilespmem:s21], [sflag:$0x6], $0x10, s11, s19, $0xb8;
	[tilespmem:$0x9D00] =	vst v63  }
0xba: {  	s7 =	simm.s32 $0x280  }
0xbb: {  	[tilespmem:s21], [sflag:$0x2] =	stream.indirect.gather [hbm4b:s3+s19], $0x10, s7, s19, $0xb8;
	[tilespmem:$0x9D00] =	vst v63  }
0xbc: {  	_ =	swait.ge [sflag:s0], $0x800  }
0xbd: {  	[sflag:s0] =	ssyncset.done $0x0  }
0xbe: {  	s8 =	simm.s32 $0x2900;
	[sflag:s0] =	ssyncadd.s32 $0xFFFFF800  }
0xbf: {  	[spmem:s1] =	stream.indirect.scatter.add.f32 [tilespmem:s23], [sflag:$0x7], $0x10, s8, s19, $0xb8;
	[tilespmem:$0x9D00] =	vst v63  }
0xc0: {  	s9 =	simm.s32 $0x300  }
0xc1: {  	[tilespmem:s23], [sflag:$0x3] =	stream.indirect.gather [hbm4b:s3+s19], $0x10, s9, s19, $0xb8;
	[tilespmem:$0x9D00] =	vst v63  }
0xc2: {  	_ =	swait.ge [sflag:s28], $0x800  }
0xc3: {  	[sflag:s28] =	ssyncset.done $0x0  }
0xc4: {  	s10 =	simm.s32 $0x2980;
	[sflag:s28] =	ssyncadd.s32 $0xFFFFF800  }
0xc5: {  	[spmem:s1] =	stream.indirect.scatter.add.f32 [tilespmem:s25], [sflag:$0x8], $0x10, s10, s19, $0xb8;
	[tilespmem:$0x9D00] =	vst v63  }
0xc6: {  	s5 =	simm.s32 $0x0;
	s11 =	simm.s32 $0x380  }
0xc7: {  	[tilespmem:s25], [sflag:$0x4] =	stream.indirect.gather [hbm4b:s3+s19], $0x10, s11, s19, $0xb8;
	[tilespmem:$0x9D00] =	vst v63  }
.LBB2_2:
0xc8: {  	_ =	swait.ge [sflag:s26], $0x800  }
0xc9: {  	[sflag:s26] =	ssyncset.done $0x0  }
0xca: {  	[sflag:s26] =	ssyncadd.s32 $0xFFFFF800  }
0xcb: {  	_ =	swait.ge [sflag:s22], $0x800  }
0xcc: {  	s7 =	sshra.s32 s5, $0x2;
	[sflag:s22] =	ssyncset.done $0x0  }
0xcd: {  	p1 =	seq.s32 s5, $0x9000;
	s8 =	sadd.s32 $0x2A00, s7;
	[sflag:s22] =	ssyncadd.s32 $0xFFFFF800  }
0xce: {  	[spmem:s1] =	stream.indirect.scatter.add.f32 [tilespmem:s20], [sflag:$0x5], $0x10, s8, s19, $0xb8;
	[tilespmem:$0x9D00] =	vst v63  }
0xcf: {  	s8 =	simm.s32 @p1 $0x2  }
0xd0: {  	_ =	swait.ge @p1 [sflag:s8], $0x800  }
0xd1: {  	[sflag:s8] =	ssyncset.done @p1 $0x0  }
0xd2: {  	[sflag:s8] =	ssyncadd.s32 @p1 $0xFFFFF800;
	s8 =	simm.s32 @p1 $0x6  }
0xd3: {  	_ =	swait.ge @p1 [sflag:s8], $0x800  }
0xd4: {  	[sflag:s8] =	ssyncset.done @p1 $0x0  }
0xd5: {  	[sflag:s8] =	ssyncadd.s32 @p1 $0xFFFFF800;
	s8 =	sshra.s32 @p1 s5, $0x2  }
0xd6: {  	s9 =	simm.s32 @p1 $0x80;
	s10 =	simm.s32 @p1 $0x5800;
	s8 =	sadd.s32 @p1 $0x2A80, s8  }
0xd7: {  	[spmem:s1] =	stream.indirect.scatter.add.f32 @p1 [tilespmem:s10], [sflag:$0x6], $0x10, s8, s9, $0xb8;
	[tilespmem:$0x9D00] =	vst v63  }
0xd8: {  	s8 =	sshra.s32 @!p1 s5, $0x2  }
0xd9: {  	s11 =	simm.s32 @!p1 $0x5000;
	s10 =	simm.s32 @!p1 $0x80;
	s9 =	sadd.s32 @!p1 $0x400, s8  }
0xda: {  	[tilespmem:s11], [sflag:$0x1] =	stream.indirect.gather @!p1 [hbm4b:s3+s10], $0x10, s9, s10, $0xb8;
	[tilespmem:$0x9D00] =	vst v63  }
0xdb: {  	s9 =	simm.s32 @!p1 $0x2  }
0xdc: {  	_ =	swait.ge @!p1 [sflag:s9], $0x800  }
0xdd: {  	[sflag:s9] =	ssyncset.done @!p1 $0x0  }
0xde: {  	[sflag:s9] =	ssyncadd.s32 @!p1 $0xFFFFF800;
	s9 =	simm.s32 @!p1 $0x6  }
0xdf: {  	_ =	swait.ge @!p1 [sflag:s9], $0x800  }
0xe0: {  	[sflag:s9] =	ssyncset.done @!p1 $0x0  }
0xe1: {  	s11 =	simm.s32 @!p1 $0x5800;
	[sflag:s9] =	ssyncadd.s32 @!p1 $0xFFFFF800;
	s9 =	sadd.s32 @!p1 $0x2A80, s8  }
0xe2: {  	[spmem:s1] =	stream.indirect.scatter.add.f32 @!p1 [tilespmem:s11], [sflag:$0x6], $0x10, s9, s10, $0xb8;
	[tilespmem:$0x9D00] =	vst v63  }
0xe3: {  	s8 =	sadd.s32 @!p1 $0x480, s8  }
0xe4: {  	[tilespmem:s11], [sflag:$0x2] =	stream.indirect.gather @!p1 [hbm4b:s3+s10], $0x10, s8, s10, $0xb8;
	[tilespmem:$0x9D00] =	vst v63  }
0xe5: {  	_ =	swait.ge [sflag:s0], $0x800  }
0xe6: {  	[sflag:s0] =	ssyncset.done $0x0  }
.Ltmp2:
0xe7: {  	[sflag:s0] =	ssyncadd.s32 $0xFFFFF800;
	(pc) =	sbr.rel @p1 .LBB2_4-.Ltmp2, $4  }
0xe8: {  	_ =	swait.ge [sflag:s24], $0x800  }
0xe9: {  	[sflag:s24] =	ssyncset.done $0x0  }
0xea: {  	s11 =	sadd.s32 $0x2B00, s7;
	[sflag:s24] =	ssyncadd.s32 $0xFFFFF800  }
0xeb: {  	[spmem:s1] =	stream.indirect.scatter.add.f32 [tilespmem:s23], [sflag:$0x7], $0x10, s11, s19, $0xb8;
	[tilespmem:$0x9D00] =	vst v63  }
0xec: {  	s8 =	sadd.s32 $0x500, s7  }
0xed: {  	[tilespmem:s23], [sflag:$0x3] =	stream.indirect.gather [hbm4b:s3+s19], $0x10, s8, s19, $0xb8;
	[tilespmem:$0x9D00] =	vst v63  }
0xee: {  	_ =	swait.ge [sflag:s28], $0x800  }
0xef: {  	[sflag:s28] =	ssyncset.done $0x0  }
0xf0: {  	[sflag:s28] =	ssyncadd.s32 $0xFFFFF800  }
0xf1: {  	_ =	swait.ge [sflag:s30], $0x800  }
.Ltmp3:
0xf2: {  	[sflag:s30] =	ssyncset.done $0x0;
	(pc) =	sbr.rel .LBB2_2-.Ltmp3, $4  }
0xf3: {  	s10 =	sadd.s32 $0x2B80, s7;
	[sflag:s30] =	ssyncadd.s32 $0xFFFFF800  }
0xf4: {  	[spmem:s1] =	stream.indirect.scatter.add.f32 [tilespmem:s25], [sflag:$0x8], $0x10, s10, s19, $0xb8;
	[tilespmem:$0x9D00] =	vst v63  }
0xf5: {  	s11 =	sadd.s32 $0x580, s7;
	s5 =	sadd.s32 $0x800, s5  }
0xf6: {  	[tilespmem:s25], [sflag:$0x4] =	stream.indirect.gather [hbm4b:s3+s19], $0x10, s11, s19, $0xb8;
	[tilespmem:$0x9D00] =	vst v63  }
.LBB2_5:
0xf7: {  	_ =	sfence.sel $0x180000  }
0xf8: {  	[bflag:$0x0] =	sbarrier.arrive $0xFFFF  }
0xf9: {  	_ =	strace $0x9000004D  }
0xfa: {  	[bflag:$0x2] =	sbarrier.arrive $0xFFFF  }
0xfb: {  	s0 =	rddreg [dreg:$0x2]  }
0xfc: {  	s0 =	sadd.s32 @!p0 $0x100000, s0  }
0xfd: {  	[sflag:s0] =	ssyncadd.tile.s32 @!p0 $0x1;
	_ =	shalt  }
.Lfunc_end2:
_tile_overlayer_lowered:
.L_overlay_start_2:
0xfe: {  	(tag) =	ssettag $0x2  }
0xff: {  	s0 =	rddreg [dreg:$0x0];
	s2 =	stileid.u32  }
0x100: {  	s1 =	rddreg [dreg:$0x1];
	p0 =	sne.s32 s2, $0x0  }
0x101: {  	s3 =	rddreg [dreg:$0x2];
	[bflag:$0x3] =	sbarrier.arrive $0xFFFF;
	s2 =	simm.s32 @!p0 $0x1C09  }
0x102: {  	[timem:s3], [sflag:s2] =	dma.local @!p0 [hbm:s0], s1  }
0x103: {  	s0 =	simm.s32 @!p0 $0x9  }
0x104: {  	_ =	swait.ge @!p0 [sflag:s0], s1  }
0x105: {  	s1 =	ssub.s32 @!p0 $0x0, s1;
	[sflag:s0] =	ssyncset.done @!p0 $0x0  }
0x106: {  	[sflag:s0] =	ssyncadd.s32 @!p0 s1  }
0x107: {  	[bflag:$0x3] =	sbarrier.arrive $0xFFFF  }
0x108: {  	_ =	shalt  }

// kernel: kernel.8.cloned.1.call-start
scs
__scs_entry_jumppad:
0x0: {  	(pc) =	sbr.rel $0x88, $3  }
0x1: {  	(tag) =	ssettag $0x0;
	lr =	simm.s32 $0x1  }
0x2: {  	[smem:$0x3F9B] =	sst lr;
	_ =	strace $0xD0000000  }
0x3: {  	_ = 	snop  }
0x4: {  	_ = 	snop  }
0x5: {  	_ = 	snop  }
0x6: {  	_ = 	snop  }
0x7: {  	_ = 	snop  }
__scs_overlays_trampoline_lowered:
0x8: {  	[smem:$0x3FAA] =	sst s0  }
0x9: {  	[smem:$0x3FAB] =	sst s1  }
0xa: {  	[smem:$0x3FAC] =	sst s2  }
0xb: {  	[smem:$0x3FAD] =	sst s3  }
0xc: {  	[smem:$0x3FAE] =	sst s4  }
0xd: {  	[smem:$0x3FAF] =	sst s5  }
0xe: {  	[smem:$0x3FB0] =	sst s6  }
0xf: {  	[smem:$0x3FB1] =	sst s7  }
0x10: {  	[smem:$0x3FB2] =	sst s8  }
0x11: {  	[smem:$0x3FB3] =	sst s9;
	s0 =	simm.s32 @!p0 $0x0  }
0x12: {  	s1 =	sld [smem:$0x3F99];
	s0 =	simm.s32 @p0 $0x1  }
0x13: {  	[smem:$0x3FB4] =	sst s0;
	s0 =	simm.s32 @!p1 $0x0  }
0x14: {  	s2 =	sld [smem:$0x3F98];
	s0 =	simm.s32 @p1 $0x1  }
0x15: {  	[smem:$0x3FB5] =	sst s0;
	s0 =	simm.s32 @!p2 $0x0  }
0x16: {  	s3 =	sld [smem:$0x3FDB];
	s0 =	simm.s32 @p2 $0x1  }
0x17: {  	s4 =	simm.s32 $0x1BF5;
	[smem:$0x3FB7] =	sst s0  }
0x18: {  	s0 =	sld [smem:$0x3F9A];
	_ =	swait.ge [sflag:s4], $0x0  }
0x19: {  	s7 =	sld [smem:$0x3F9B]  }
0x1a: {  	s8 =	sadd.s32 $0xFFFFE003, lr  }
0x1b: {  	s9 =	sadd.s32 $0xFFFFFEF7, lr;
	s5 =	simm.s32 $0xFFFFFFFF;
	p2 =	slt.u32 s8, $0xFFFFF086  }
0x1c: {  	p1 =	slt.u32 s9, $0xF7A;
	s5 =	simm.s32 @!p2 $0x0  }
0x1d: {  	s5 =	simm.s32 @p1 $0x1;
	p0 =	seq.s32 s7, s2  }
0x1e: {  	s7 =	smul.u32 @!p0 $0xF7A, s2;
	p2 =	seq.s32 @!p0 s5, $0x0  }
0x1f: {  	s9 =	smul.u32 $0xF7A, s1;
	s8 =	simm.s32 @!p0 $0x1BF5;
	p2 =	por !p2, p0  }
0x20: {  	[sflag:s8] =	ssyncset.s32 @!p0 $0xFFFFF086;
	s6 =	sadd.s32 @!p0 s3, s7;
	s7 =	simm.s32 @!p0 $0x108  }
0x21: {  	s3 =	sadd.s32 s3, s9;
	s6 =	sadd.s32 @!p0 $0x88, s6;
	s7 =	simm.s32 @p2 $0x1082  }
0x22: {  	[simem:s7], [sflag:s8] =	dma.local @!p0 [hbm:s6], $0xF7A  }
0x23: {  	s9 =	sor.u32 $0xD0000000, s2;
	s6 =	simm.s32 $0x108;
	_ =	swait.ge @!p0 [sflag:s8], $0x0  }
0x24: {  	s3 =	sadd.s32 $0x88, s3;
	s6 =	simm.s32 @!p1 $0x1082;
	[sflag:s4] =	ssyncset.s32 $0xFFFFF086  }
0x25: {  	[simem:s6], [sflag:s4] =	dma.local [hbm:s3], $0xF7A  }
0x26: {  	[smem:$0x3F9B] =	sst s1;
	(tag) =	ssettag s2;
	_ =	strace s9  }
0x27: {  	s1 =	sld [smem:$0x3FAB]  }
0x28: {  	s2 =	sld [smem:$0x3FAC]  }
0x29: {  	s4 =	sld [smem:$0x3FAE]  }
0x2a: {  	p0 =	seq.s32 s5, $0x0;
	s5 =	sld [smem:$0x3FAF]  }
0x2b: {  	s6 =	sld [smem:$0x3FB0]  }
0x2c: {  	s7 =	sld [smem:$0x3FB1]  }
0x2d: {  	s3 =	simm.s32 $0x108;
	s8 =	sld [smem:$0x3FB2]  }
0x2e: {  	s3 =	simm.s32 @!p0 $0x1082;
	s9 =	sld [smem:$0x3FB3]  }
0x2f: {  	lr =	sadd.s32 s0, s3;
	s0 =	sld [smem:$0x3FAA]  }
0x30: {  	s3 =	sld [smem:$0x3FAD]  }
0x31: {  	[smem:$0x3FB6] =	sst s10  }
0x32: {  	s10 =	sld [smem:$0x3FB4];
	_ =	sdelay $0x3  }
0x33: {  	p0 =	seq.s32 s10, $0x1;
	s10 =	sld [smem:$0x3FB6];
	_ =	sdelay $0x3  }
0x34: {  	[smem:$0x3FB6] =	sst s10  }
0x35: {  	s10 =	sld [smem:$0x3FB5];
	_ =	sdelay $0x3  }
0x36: {  	p1 =	seq.s32 s10, $0x1;
	s10 =	sld [smem:$0x3FB6];
	_ =	sdelay $0x3  }
0x37: {  	[smem:$0x3FB6] =	sst s10  }
0x38: {  	s10 =	sld [smem:$0x3FB7]  }
0x39: {  	_ = 	snop;
	(pc) =	sbr.ind lr, $3  }
0x3a: {  	_ = 	snop  }
0x3b: {  	_ = 	snop  }
0x3c: {  	p2 =	seq.s32 s10, $0x1;
	s10 =	sld [smem:$0x3FB6]  }
0x3d: {  	_ =	shalt  }
0x3e: {  	_ =	shalt  }
0x3f: {  	_ =	shalt  }
0x40: {  	_ =	shalt  }
0x41: {  	_ =	shalt  }
0x42: {  	_ =	shalt  }
0x43: {  	_ =	shalt  }
0x44: {  	_ =	shalt  }
0x45: {  	_ =	shalt  }
0x46: {  	_ =	shalt  }
0x47: {  	_ =	shalt  }
0x48: {  	_ =	shalt  }
0x49: {  	_ =	shalt  }
0x4a: {  	_ =	shalt  }
0x4b: {  	_ =	shalt  }
0x4c: {  	_ =	shalt  }
0x4d: {  	_ =	shalt  }
0x4e: {  	_ =	shalt  }
0x4f: {  	_ =	shalt  }
0x50: {  	_ =	shalt  }
0x51: {  	_ =	shalt  }
0x52: {  	_ =	shalt  }
0x53: {  	_ =	shalt  }
0x54: {  	_ =	shalt  }
0x55: {  	_ =	shalt  }
0x56: {  	_ =	shalt  }
0x57: {  	_ =	shalt  }
0x58: {  	_ =	shalt  }
0x59: {  	_ =	shalt  }
0x5a: {  	_ =	shalt  }
0x5b: {  	_ =	shalt  }
0x5c: {  	_ =	shalt  }
0x5d: {  	_ =	shalt  }
0x5e: {  	_ =	shalt  }
0x5f: {  	_ =	shalt  }
0x60: {  	_ =	shalt  }
0x61: {  	_ =	shalt  }
0x62: {  	_ =	shalt  }
0x63: {  	_ =	shalt  }
0x64: {  	_ =	shalt  }
0x65: {  	_ =	shalt  }
0x66: {  	_ =	shalt  }
0x67: {  	_ =	shalt  }
0x68: {  	_ =	shalt  }
0x69: {  	_ =	shalt  }
0x6a: {  	_ =	shalt  }
0x6b: {  	_ =	shalt  }
0x6c: {  	_ =	shalt  }
0x6d: {  	_ =	shalt  }
0x6e: {  	_ =	shalt  }
0x6f: {  	_ =	shalt  }
0x70: {  	_ =	shalt  }
0x71: {  	_ =	shalt  }
0x72: {  	_ =	shalt  }
0x73: {  	_ =	shalt  }
0x74: {  	_ =	shalt  }
0x75: {  	_ =	shalt  }
0x76: {  	_ =	shalt  }
0x77: {  	_ =	shalt  }
0x78: {  	_ =	shalt  }
0x79: {  	_ =	shalt  }
0x7a: {  	_ =	shalt  }
0x7b: {  	_ =	shalt  }
0x7c: {  	_ =	shalt  }
0x7d: {  	_ =	shalt  }
0x7e: {  	_ =	shalt  }
0x7f: {  	_ =	shalt  }
0x80: {  	_ =	shalt  }
0x81: {  	_ =	shalt  }
0x82: {  	_ =	shalt  }
0x83: {  	_ =	shalt  }
0x84: {  	_ =	shalt  }
0x85: {  	_ =	shalt  }
0x86: {  	_ =	shalt  }
0x87: {  	_ =	shalt  }
.Lfunc_end0:
.L_simem_size_0:
called_computation_lowered:
.L_overlay_start_0:
0x88: {  	s2 =	sld [smem:$0x3FD9]  }
0x89: {  	s3 =	sld [smem:$0x3FFE];
	_ =	sdelay $0x1  }
0x8a: {  	s1 =	srdreg.scid  }
0x8b: {  	s0 =	sand.u32 $0x1, s1  }
0x8c: {  	s17 =	sshll.u32 s0, $0xA;
	s2 =	sadd.s32 s3, s2  }
0x8d: {  	s2 =	sadd.s32 s2, s17  }
0x8e: {  	[smem:$0x3FC2] =	sst s2  }
0x8f: {  	_ = 	snop  }
0x90: {  	s2 =	sld [smem:$0x3FD0];
	(tm) =	ssettm $0x1  }
0x91: {  	s18 =	sld [smem:$0x3FFB];
	_ =	sdelay $0x3  }
0x92: {  	_ =	strace s18  }
0x93: {  	s3 =	sld [smem:$0x3FFC];
	_ =	sdelay $0x3  }
0x94: {  	_ =	strace s3  }
0x95: {  	s3 =	sld [smem:$0x3FFD];
	_ =	sdelay $0x3  }
0x96: {  	_ =	strace s3  }
0x97: {  	_ =	strace $0x8FFFFFFF  }
0x98: {  	s19 =	sld [smem:$0x3FDB];
	_ =	sdelay $0x1  }
0x99: {  	s4 =	simm.s32 $_scs_section_size  }
0x9a: {  	s5 =	simm.s32 $_size__tile_overlayer_lowered;
	s6 =	simm.s32 $_tile_overlayer_lowered  }
0x9b: {  	s22 =	simm.s32 $0x1BFF;
	s21 =	sshll.u32 s6, $0x1;
	s3 =	sadd.s32 s4, s19  }
0x9c: {  	s7 =	simm.s32 $0x0;
	s20 =	sshll.u32 s5, $0x1;
	s5 =	sadd.s32 s21, s3  }
0x9d: {  	[timem:s7], [sflag:s22] =	dma.local [hbm:s5], s20  }
0x9e: {  	_ =	swait.ge [sflag:s22], s20  }
0x9f: {  	s4 =	ssub.s32 $0x0, s20;
	[sflag:s22] =	ssyncset.done $0x0  }
0xa0: {  	[sflag:s22] =	ssyncadd.s32 s4;
	_ =	sdelay $0x1  }
0xa1: {  	s23 =	simm.s32 $0x1B8B  }
0xa2: {  	_ =	swait.ge [sflag:s23], $0x1  }
0xa3: {  	[sflag:s23] =	ssyncset.done $0x0  }
0xa4: {  	s25 =	simm.s32 $0x1B8E;
	s24 =	sld [smem:$0x3FFE];
	[sflag:s23] =	ssyncadd.s32 $0xFFFFFFFF  }
0xa5: {  	s26 =	simm.s32 $execute0_lowered;
	[smem:$0x3FD2] =	sst s25  }
0xa6: {  	s5 =	sshll.u32 s26, $0x1;
	_ =	strace $0x80000046;
	[dreg:$0x1] =	wrdreg $0xFFFFFFFF  }
0xa7: {  	s28 =	simm.s32 $_size_execute0_lowered;
	s3 =	sadd.s32 s3, s5;
	[dreg:$0x0] =	wrdreg $0x0  }
0xa8: {  	s5 =	sshll.u32 s28, $0x1;
	[dreg:$0x2] =	wrdreg s3  }
0xa9: {  	[dreg:$0x3] =	wrdreg s5  }
0xaa: {  	[dreg:$0x4] =	wrdreg $0xC0  }
0xab: {  	_ =	task [dreg:s7], $0x5FFFF  }
0xac: {  	[dreg:$0x1] =	wrdreg $0xFFFFFFFF  }
0xad: {  	[dreg:$0x0] =	wrdreg $0x60  }
0xae: {  	[dreg:$0x2] =	wrdreg s24  }
0xaf: {  	[dreg:$0x3] =	wrdreg s2  }
0xb0: {  	[dreg:$0x4] =	wrdreg $0x2B000  }
0xb1: {  	[dreg:$0x5] =	wrdreg $0x9  }
0xb2: {  	_ =	task.clear_ibuf [dreg:s7], $0x6FFFF;
	_ =	strace $0x90000046  }
0xb3: {  	s29 =	simm.s32 $0x9;
	_ =	strace $0x80000048  }
0xb4: {  	_ =	swait.ge [sflag:s29], $0x1  }
0xb5: {  	[sflag:s29] =	ssyncadd.s32 $0xFFFFFFFF  }
0xb6: {  	_ =	strace $0x90000048  }
0xb7: {  	_ =	sfence  }
0xb8: {  	s30 =	sld [smem:$0x0];
	_ =	sdelay $0x2  }
0xb9: {  	s31 =	sshll.u32 s1, $0xD;
	s1 =	sshrl.u32 s1, $0x2  }
0xba: {  	s3 =	sand.u32 $0x4000, s31;
	s1 =	sadd.s32 s1, s30  }
0xbb: {  	s0 =	sor.u32 s3, s0;
	s1 =	sshll.u32 s1, $0x11  }
0xbc: {  	s0 =	sor.u32 s1, s0  }
0xbd: {  	s0 =	sadd.s32 $0x8F2B, s0  }
0xbe: {  	[sflag:s0] =	ssyncadd.remote.s32 $0x1  }
0xbf: {  	_ =	sfence.sel $0xFFFF  }
0xc0: {  	[dreg:$0x0] =	wrdreg $0xFFFFFFFF;
	(pc) =	sbr.abs _section_cstart, $3  }
0xc1: {  	[dreg:$0x1] =	wrdreg $0xFFFFFFFF  }
0xc2: {  	_ =	task.clear_ibuf [dreg:s7], $0x2FFFF;
	_ =	strace $0x9FFFFFFF  }
0xc3: {  	(tm) =	ssettm $0x7FFFFFFF  }
tec
execute0_lowered:
.L_overlay_start_1:
0x0: {  	(tag) =	ssettag $0x1  }
0x1: {  	s3 =	rddreg [dreg:$0x0]  }
0x2: {  	s0 =	srdreg.scid;
	s5 =	rddreg [dreg:$0x1]  }
0x3: {  	s11 =	stileid.u32;
	s1 =	rddreg [dreg:$0x2]  }
0x4: {  	s2 =	simm.s32 $0x0;
	s9 =	simm.s32 $0x80;
	s10 =	simm.s32 $0x2800  }
0x5: {  	s13 =	simm.s32 $0x0;
	s4 =	sand.u32 $0x1, s0;
	s0 =	rddreg [dreg:$0x3]  }
0x6: {  	s28 =	sshll.u32 s11, $0x1;
	[smem:$0x7FF] =	sst s2;
	s8 =	smul.u32 $0xA00, s11  }
0x7: {  	p0 =	sne.s32 s11, $0x0;
	s11 =	simm.s32 $0x1;
	s6 =	sor.u32 s4, s28  }
0x8: {  	s7 =	ssub.s32 $0x2, s4;
	_ =	strace $0x80000047;
	s31 =	sshll.u32 s4, $0x4  }
0x9: {  	s12 =	sshrl.u32 @!p0 s1, $0x3;
	s6 =	smul.u32 $0x500, s6;
	s29 =	sshrl.u32 s7, $0x1  }
0xa: {  	s30 =	sshrl.u32 s8, $0x2;
	s5 =	sadd.s32 s5, s31;
	s8 =	simm.s32 $0x2880  }
0xb: {  	s4 =	sadd.s32 s30, s1;
	s3 =	sadd.s32 s6, s3;
	s6 =	ssub.s32 s7, s29  }
0xc: {  	v0 =	vimm.f32 $1.000000000e+00;
	v1 =	vimm.f32 $0.0e+00;
	s7 =	simm.s32 $0x2;
	s3 =	sadd.s32 $0x1000, s3;
	s6 =	smax.u32 s6, $0x1  }
.LBB2_1:
0xd: {  	[tilespmem:s2], [sflag:$0x2] =	stream.linear.gather [hbm4b:s3+s2], $0x2800, $0x38;
	[tilespmem:$0x2D80] =	vst v63  }
0xe: {  	_ =	swait.ge [sflag:s7], $0x2800  }
0xf: {  	[sflag:s7] =	ssyncset.done $0x0  }
0x10: {  	[sflag:s7] =	ssyncadd.s32 $0xFFFFD800  }
0x11: {  	[tilespmem:$0x2800] =	vst v0  }
0x12: {  	[tilespmem:$0x2810] =	vst v0  }
0x13: {  	[tilespmem:$0x2820] =	vst v0  }
0x14: {  	[tilespmem:$0x2830] =	vst v0  }
0x15: {  	[tilespmem:$0x2840] =	vst v0  }
0x16: {  	[tilespmem:$0x2850] =	vst v0  }
0x17: {  	[tilespmem:$0x2860] =	vst v0  }
0x18: {  	[tilespmem:$0x2870] =	vst v0  }
0x19: {  	[tilespmem:$0x2880] =	vst v1  }
0x1a: {  	[tilespmem:$0x2890] =	vst v1  }
0x1b: {  	[tilespmem:$0x28A0] =	vst v1  }
0x1c: {  	[tilespmem:$0x28B0] =	vst v1  }
0x1d: {  	[tilespmem:$0x28C0] =	vst v1  }
0x1e: {  	[tilespmem:$0x28D0] =	vst v1  }
0x1f: {  	[tilespmem:$0x28E0] =	vst v1  }
0x20: {  	[tilespmem:$0x28F0] =	vst v1  }
0x21: {  	[tilespmem:$0x2900] =	vst v1  }
0x22: {  	[tilespmem:$0x2910] =	vst v1  }
0x23: {  	[tilespmem:$0x2920] =	vst v1  }
0x24: {  	[tilespmem:$0x2930] =	vst v1  }
0x25: {  	[tilespmem:$0x2940] =	vst v1  }
0x26: {  	[tilespmem:$0x2950] =	vst v1  }
0x27: {  	[tilespmem:$0x2960] =	vst v1  }
0x28: {  	[tilespmem:$0x2970] =	vst v1  }
0x29: {  	[tilespmem:$0x2980] =	vst v1  }
0x2a: {  	[tilespmem:$0x2990] =	vst v1  }
0x2b: {  	[tilespmem:$0x29A0] =	vst v1  }
0x2c: {  	[tilespmem:$0x29B0] =	vst v1  }
0x2d: {  	[tilespmem:$0x29C0] =	vst v1  }
0x2e: {  	[tilespmem:$0x29D0] =	vst v1  }
0x2f: {  	[tilespmem:$0x29E0] =	vst v1  }
0x30: {  	[tilespmem:$0x29F0] =	vst v1  }
0x31: {  	[tilespmem:$0x2A00] =	vst v1  }
0x32: {  	[tilespmem:$0x2A10] =	vst v1  }
0x33: {  	[tilespmem:$0x2A20] =	vst v1  }
0x34: {  	[tilespmem:$0x2A30] =	vst v1  }
0x35: {  	[tilespmem:$0x2A40] =	vst v1  }
0x36: {  	[tilespmem:$0x2A50] =	vst v1  }
0x37: {  	[tilespmem:$0x2A60] =	vst v1  }
0x38: {  	[tilespmem:$0x2A70] =	vst v1  }
0x39: {  	[tilespmem:$0x2A80] =	vst v1  }
0x3a: {  	[tilespmem:$0x2A90] =	vst v1  }
0x3b: {  	[tilespmem:$0x2AA0] =	vst v1  }
0x3c: {  	[tilespmem:$0x2AB0] =	vst v1  }
0x3d: {  	[tilespmem:$0x2AC0] =	vst v1  }
0x3e: {  	[tilespmem:$0x2AD0] =	vst v1  }
0x3f: {  	[tilespmem:$0x2AE0] =	vst v1  }
0x40: {  	[tilespmem:$0x2AF0] =	vst v1  }
0x41: {  	[spmem:s4] =	stream.linear.scatter [tilespmem:s8], [sflag:$0x2], $0x280, $0x38;
	[tilespmem:$0x2D80] =	vst v63  }
0x42: {  	_ =	swait.ge [sflag:s7], $0x280  }
0x43: {  	[sflag:s7] =	ssyncset.done $0x0  }
0x44: {  	[sflag:s7] =	ssyncadd.s32 $0xFFFFFD80  }
0x45: {  	s14 =	simm.s32 $0x0;
	[bflag:$0x0] =	sbarrier.arrive $0xFFFF  }
.LBB2_2:
0x46: {  	p1 =	sne.s32 s14, $0x9E00  }
.Ltmp0:
0x47: {  	_ = 	snop;
	(pc) =	sbr.rel @p1 .LBB2_2-.Ltmp0, $3  }
0x48: {  	_ =	sdelay $0x1  }
0x49: {  	s15 =	sshra.s32 s14, $0x2;
	s14 =	sadd.s32 $0x200, s14  }
0x4a: {  	[spmem:s1] =	stream.indirect.scatter.add.f32 [tilespmem:s10], [sflag:$0x1], $0x1, s15, s9, $0xb8;
	[tilespmem:$0x2D80] =	vst v63  }
0x4b: {  	_ =	swait.ge [sflag:s11], $0x80  }
0x4c: {  	s14 =	simm.s32 $0x4F;
	[sflag:s11] =	ssyncset.done $0x0  }
.LBB2_4:
0x4d: {  	p1 =	sne.s32 s14, $0x1;
	s14 =	sadd.s32 $0xFFFFFFFF, s14;
	[sflag:s11] =	ssyncadd.s32 $0xFFFFFF80  }
.Ltmp1:
0x4e: {  	(pc) =	sbr.rel @p1 .LBB2_4-.Ltmp1, $3  }
0x4f: {  	_ =	sdelay $0x1  }
0x50: {  	_ =	swait.ge [sflag:s11], $0x80  }
0x51: {  	[sflag:s11] =	ssyncset.done $0x0  }
0x52: {  	[sflag:s11] =	ssyncadd.s32 $0xFFFFFF80;
	s14 =	simm.s32 @!p0 $0x1  }
0x53: {  	s15 =	simm.s32 @!p0 $0x20;
	s16 =	simm.s32 @!p0 $0x10;
	s13 =	sadd.s32 $0x1, s13  }
0x54: {  	s17 =	simm.s32 @!p0 $0x1C02;
	[bflag:$0x0] =	sbarrier.arrive $0xFFFF;
	p1 =	sne.s32 s13, s6  }
0x55: {  	[hbm:s5@s15], [sflag:s17] =	dma.strided @!p0 [spmem:s12@s16], $0x500, s14, $0x10   }
.Ltmp2:
0x56: {  	_ = 	snop;
	(pc) =	sbr.rel @p1 .LBB2_1-.Ltmp2, $4  }
0x57: {  	s14 =	simm.s32 @!p0 $0x2  }
0x58: {  	_ =	swait.ge @!p0 [sflag:s14], $0x500  }
0x59: {  	[sflag:s14] =	ssyncset.done @!p0 $0x0  }
0x5a: {  	[sflag:s14] =	ssyncadd.s32 @!p0 $0xFFFFFB00  }
0x5b: {  	_ =	sfence.sel $0x180000  }
0x5c: {  	[bflag:$0x0] =	sbarrier.arrive $0xFFFF  }
0x5d: {  	_ =	strace $0x90000047  }
0x5e: {  	s0 =	sadd.s32 @!p0 $0x100000, s0;
	[bflag:$0x2] =	sbarrier.arrive $0xFFFF  }
0x5f: {  	[sflag:s0] =	ssyncadd.tile.s32 @!p0 $0x1;
	_ =	shalt  }
.Lfunc_end2:
_tile_overlayer_lowered:
.L_overlay_start_2:
0x60: {  	(tag) =	ssettag $0x2  }
0x61: {  	s0 =	rddreg [dreg:$0x0];
	s2 =	stileid.u32  }
0x62: {  	s1 =	rddreg [dreg:$0x1];
	p0 =	sne.s32 s2, $0x0  }
0x63: {  	s3 =	rddreg [dreg:$0x2];
	[bflag:$0x3] =	sbarrier.arrive $0xFFFF;
	s2 =	simm.s32 @!p0 $0x1C02  }
0x64: {  	[timem:s3], [sflag:s2] =	dma.local @!p0 [hbm:s0], s1  }
0x65: {  	s0 =	simm.s32 @!p0 $0x2  }
0x66: {  	_ =	swait.ge @!p0 [sflag:s0], s1  }
0x67: {  	s1 =	ssub.s32 @!p0 $0x0, s1;
	[sflag:s0] =	ssyncset.done @!p0 $0x0  }
0x68: {  	[sflag:s0] =	ssyncadd.s32 @!p0 s1  }
0x69: {  	[bflag:$0x3] =	sbarrier.arrive $0xFFFF  }
0x6a: {  	_ =	shalt  }

</sc_bundles>
